<compile_context>
chip_gen: v7x
topology: tpu7x:2x2x1
jax: 0.10.2.dev20260603
libtpu: 0.0.44.dev20260713+nightly
codegen_flags: <defaults>
</compile_context>

<pallas_src>
import functools

import jax
import jax.numpy as jnp
from jax import lax
from jax.experimental import pallas as pl
from jax.experimental.pallas import tpu as pltpu
from jax.experimental.pallas import tpu_sc as plsc

_RADIUS = 0.2
_K = 32
_EPS = 1e-5

_B, _N, _M = 2, 8192, 2048
_W = 32
_NW = 32
_MPW = _M // _NW
_ROWS = _B * _M * _K
_HIGHEST = lax.Precision.HIGHEST
_DEFAULT = lax.Precision.DEFAULT



def _make_ball_query():
  mesh = plsc.VectorSubcoreMesh(core_axis_name="c", subcore_axis_name="s")

  gch = 128
  ngch = _MPW * _K // gch

  @functools.partial(
      pl.kernel,
      mesh=mesh,
      compiler_params=pltpu.CompilerParams(
          needs_layout_passes=False, use_tc_tiling_on_sc=False),
      out_type=(
          jax.ShapeDtypeStruct((_ROWS, _W), jnp.float32),
          jax.ShapeDtypeStruct((_B * _M,), jnp.int32),
      ),
      scratch_types=[
          pltpu.VMEM((_N,), jnp.float32),
          pltpu.VMEM((_N,), jnp.float32),
          pltpu.VMEM((_N,), jnp.float32),
          pltpu.VMEM((_MPW,), jnp.float32),
          pltpu.VMEM((_MPW,), jnp.float32),
          pltpu.VMEM((_MPW,), jnp.float32),
          pltpu.VMEM((192,), jnp.int32),
          pltpu.VMEM((_MPW * _K,), jnp.int32),
          pltpu.VMEM((_MPW,), jnp.int32),
          pltpu.VMEM((2, 128, _W), jnp.float32),
          pltpu.SemaphoreType.DMA,
      ],
  )
  def ball_query_kernel(xyzf_hbm, newf_hbm, tab_hbm, xr_hbm, cnt_hbm,
                        x_v, y_v, z_v, cx_v, cy_v, cz_v,
                        list_v, oidx_v, ocnt_v, rows_v, gsem):
    wid = lax.axis_index("s") * 2 + lax.axis_index("c")
    iota = lax.iota(jnp.int32, 16)
    zeros16 = jnp.zeros((16,), jnp.int32)
    r2 = jnp.float32(_RADIUS * _RADIUS)
    for b in range(_B):
      pltpu.sync_copy(xyzf_hbm.at[pl.ds((b * 3 + 0) * _N, _N)], x_v)
      pltpu.sync_copy(xyzf_hbm.at[pl.ds((b * 3 + 1) * _N, _N)], y_v)
      pltpu.sync_copy(xyzf_hbm.at[pl.ds((b * 3 + 2) * _N, _N)], z_v)
      m0 = wid * _MPW
      pltpu.sync_copy(newf_hbm.at[pl.ds((b * 3 + 0) * _M + m0, _MPW)], cx_v)
      pltpu.sync_copy(newf_hbm.at[pl.ds((b * 3 + 1) * _M + m0, _MPW)], cy_v)
      pltpu.sync_copy(newf_hbm.at[pl.ds((b * 3 + 2) * _M + m0, _MPW)], cz_v)

      def per_centroid(i, carry):
        list_v[pl.ds(0, 16)] = zeros16
        ci = lax.broadcast(i, (16,))
        cx = plsc.load_gather(cx_v, [ci])
        cy = plsc.load_gather(cy_v, [ci])
        cz = plsc.load_gather(cz_v, [ci])

        def cond(c):
          n, cs, _ = c
          return jnp.logical_and(n < _N, cs < _K)

        def body(c):
          n, cs, cv = c
          for u in range(8):
            nv = lax.broadcast(n + u * 16, (16,)) + iota
            xv = plsc.load_gather(x_v, [nv])
            yv = plsc.load_gather(y_v, [nv])
            zv = plsc.load_gather(z_v, [nv])
            dx = xv - cx
            dy = yv - cy
            dz = zv - cz
            d2 = dx * dx + dy * dy + dz * dz
            msk = d2 < r2
            pos = cv + plsc.cumsum(msk.astype(jnp.int32)) - 1
            plsc.store_scatter(list_v, [pos], nv, mask=msk)
            cv = cv + plsc.all_reduce_population_count(msk)
          return (n + 128, jnp.max(cv), cv)

        _, cs, _ = lax.while_loop(
            cond, body, (jnp.int32(0), jnp.int32(0), zeros16))
        cnt = jnp.minimum(cs, _K)
        cntv = lax.broadcast(cnt, (16,))
        first = plsc.load_gather(list_v, [zeros16])
        for h in range(2):
          slots = iota + (h * 16)
          vals = list_v[pl.ds(h * 16, 16)]
          vals = jnp.where(slots < cntv, vals, first) + (b * _N)
          plsc.store_scatter(
              oidx_v, [lax.broadcast(i * _K + h * 16, (16,)) + iota], vals)
        plsc.store_scatter(ocnt_v, [ci], cntv, mask=(iota == 0))
        return carry

      lax.fori_loop(0, _MPW, per_centroid, 0)
      g0 = b * _M + wid * _MPW
      pltpu.sync_copy(ocnt_v, cnt_hbm.at[pl.ds(g0, _MPW)])
      copies = []
      for c in range(ngch):
        copies.append(pltpu.async_copy(
            tab_hbm.at[oidx_v.at[pl.ds(c * gch, gch)]],
            rows_v.at[c % 2], gsem))
        if c > 0:
          copies[c - 1].wait()
          pltpu.sync_copy(
              rows_v.at[(c - 1) % 2],
              xr_hbm.at[pl.ds(g0 * _K + (c - 1) * gch, gch)])
      copies[ngch - 1].wait()
      pltpu.sync_copy(
          rows_v.at[(ngch - 1) % 2],
          xr_hbm.at[pl.ds(g0 * _K + (ngch - 1) * gch, gch)])

  return ball_query_kernel



_P = 8
_PW = _P * _W
_PROWS = _ROWS // _P
_CHP = 4096
_NCH = _PROWS // _CHP
_MTC = _CHP * _P // _K


def _true_stats(gp, sp, width=_W):
  g = jnp.zeros((width, width), jnp.float32)
  s = jnp.zeros((1, width), jnp.float32)
  for d in range(_P):
    g = g + lax.slice(gp, (d * width, d * width),
                      ((d + 1) * width, (d + 1) * width))
    s = s + lax.slice(sp, (0, d * width), (1, (d + 1) * width))
  return g, s


def _bn_affine(g_mat, s_vec, w_mat, gamma, beta):
  mean = jnp.dot(s_vec, w_mat, precision=_HIGHEST) / _ROWS
  m2 = jnp.sum(w_mat * jnp.dot(g_mat, w_mat, precision=_HIGHEST),
               axis=0, keepdims=True) / _ROWS
  var = m2 - mean * mean
  scale = gamma * lax.rsqrt(var + _EPS)
  shift = beta - mean * scale
  return scale, shift


def _bn_packed(gp_ref, sp_ref, w_ref, gamma_ref, beta_ref, wpad=None):
  g, s = _true_stats(gp_ref[...], sp_ref[...])
  w = w_ref[...] if wpad is None else w_ref[...][:_W - wpad, :]
  sc, sh = _bn_affine(g, s, w, gamma_ref[...], beta_ref[...])
  return (jnp.concatenate([sc] * _P, axis=1),
          jnp.concatenate([sh] * _P, axis=1))


def _xcp(xr_ref, c_ref):
  x = xr_ref[...]
  cw = c_ref[...]
  cexp = jnp.broadcast_to(
      cw[:, None, :], (_MTC, _K // _P, _PW)).reshape(_CHP, _PW)
  return x - cexp


def _accum(i, g_ref, s_ref, h):
  @pl.when(i == 0)
  def _():
    g_ref[...] = jnp.zeros_like(g_ref)
    s_ref[...] = jnp.zeros_like(s_ref)
  g_ref[...] += lax.dot_general(h, h, (((0,), (0,)), ((), ())),
                                precision=_DEFAULT)
  s_ref[...] += jnp.sum(h, axis=0, keepdims=True)


def _full(shape):
  return pl.BlockSpec(shape, lambda i: tuple(0 for _ in shape))


_XRP_SPEC = pl.BlockSpec((_CHP, _PW), lambda i: (i, 0))
_CP_SPEC = pl.BlockSpec((_MTC, _PW), lambda i: (i, 0))
_GP_OUT = [_full((_PW, _PW)), _full((1, _PW))]
_GP_SHAPE = [jax.ShapeDtypeStruct((_PW, _PW), jnp.float32),
             jax.ShapeDtypeStruct((1, _PW), jnp.float32)]


def _p1(xrp, cp):
  def body(xr_ref, c_ref, g_ref, s_ref):
    _accum(pl.program_id(0), g_ref, s_ref, _xcp(xr_ref, c_ref))

  return pl.pallas_call(
      body, grid=(_NCH,),
      in_specs=[_XRP_SPEC, _CP_SPEC],
      out_specs=_GP_OUT, out_shape=_GP_SHAPE,
  )(xrp, cp)


def _p2(xrp, cp, wd1, w1, g1, b1, gx, sx):
  def body(xr_ref, c_ref, wd1_ref, w1_ref, g1_ref, b1_ref, gx_ref, sx_ref,
           g_ref, s_ref, bn_s):
    i = pl.program_id(0)

    @pl.when(i == 0)
    def _():
      sc, sh = _bn_packed(gx_ref, sx_ref, w1_ref, g1_ref, b1_ref)
      bn_s[0:1, :] = sc
      bn_s[1:2, :] = sh

    h1 = jnp.maximum(
        jnp.dot(_xcp(xr_ref, c_ref), wd1_ref[...],
                precision=_DEFAULT) * bn_s[0:1, :] + bn_s[1:2, :], 0.0)
    _accum(i, g_ref, s_ref, h1)

  return pl.pallas_call(
      body, grid=(_NCH,),
      in_specs=[_XRP_SPEC, _CP_SPEC, _full((_PW, _PW)), _full((_W, 32)),
                _full((1, 32)), _full((1, 32)), _full((_PW, _PW)),
                _full((1, _PW))],
      out_specs=_GP_OUT, out_shape=_GP_SHAPE,
      scratch_shapes=[pltpu.VMEM((2, _PW), jnp.float32)],
  )(xrp, cp, wd1, w1, g1, b1, gx, sx)


def _p3(xrp, cp, wd1, w1, g1, b1, wd2, w2, g2, b2, gx, sx, gh1, sh1):
  def body(xr_ref, c_ref, wd1_ref, w1_ref, g1_ref, b1_ref,
           wd2_ref, w2_ref, g2_ref, b2_ref,
           gx_ref, sx_ref, gh1_ref, sh1_ref, g_ref, s_ref, bn_s):
    i = pl.program_id(0)

    @pl.when(i == 0)
    def _():
      sc1, sh1_ = _bn_packed(gx_ref, sx_ref, w1_ref, g1_ref, b1_ref)
      sc2, sh2_ = _bn_packed(gh1_ref, sh1_ref, w2_ref, g2_ref, b2_ref)
      bn_s[0:1, :] = sc1
      bn_s[1:2, :] = sh1_
      bn_s[2:3, :] = sc2
      bn_s[3:4, :] = sh2_

    h1 = jnp.maximum(
        jnp.dot(_xcp(xr_ref, c_ref), wd1_ref[...],
                precision=_DEFAULT) * bn_s[0:1, :] + bn_s[1:2, :], 0.0)
    h2 = jnp.maximum(
        jnp.dot(h1, wd2_ref[...],
                precision=_DEFAULT) * bn_s[2:3, :] + bn_s[3:4, :], 0.0)
    _accum(i, g_ref, s_ref, h2)

  return pl.pallas_call(
      body, grid=(_NCH,),
      in_specs=[_XRP_SPEC, _CP_SPEC, _full((_PW, _PW)), _full((_W, 32)),
                _full((1, 32)), _full((1, 32)), _full((_PW, _PW)),
                _full((32, 32)), _full((1, 32)), _full((1, 32)),
                _full((_PW, _PW)), _full((1, _PW)),
                _full((_PW, _PW)), _full((1, _PW))],
      out_specs=_GP_OUT, out_shape=_GP_SHAPE,
      scratch_shapes=[pltpu.VMEM((4, _PW), jnp.float32)],
  )(xrp, cp, wd1, w1, g1, b1, wd2, w2, g2, b2, gx, sx, gh1, sh1)


def _p4(xrp, cp, wd1, w1, g1, b1, wd2, w2, g2, b2, wd3, w3, g3, b3,
        gx, sx, gh1, sh1, gh2, sh2, cnt2):
  pw3 = _P * 64

  def body(xr_ref, c_ref, wd1_ref, w1_ref, g1_ref, b1_ref,
           wd2_ref, w2_ref, g2_ref, b2_ref, wd3_ref, w3_ref, g3_ref, b3_ref,
           gx_ref, sx_ref, gh1_ref, sh1_ref, gh2_ref, sh2_ref,
           cnt_ref, o_ref, bn_s, bn3_s):
    i = pl.program_id(0)

    @pl.when(i == 0)
    def _():
      sc1, sh1_ = _bn_packed(gx_ref, sx_ref, w1_ref, g1_ref, b1_ref)
      sc2, sh2_ = _bn_packed(gh1_ref, sh1_ref, w2_ref, g2_ref, b2_ref)
      g3t, s3t = _true_stats(gh2_ref[...], sh2_ref[...])
      sc3, sh3_ = _bn_affine(g3t, s3t, w3_ref[...], g3_ref[...], b3_ref[...])
      bn_s[0:1, :] = sc1
      bn_s[1:2, :] = sh1_
      bn_s[2:3, :] = sc2
      bn_s[3:4, :] = sh2_
      bn3_s[0:1, :] = jnp.concatenate([sc3] * _P, axis=1)
      bn3_s[1:2, :] = jnp.concatenate([sh3_] * _P, axis=1)

    h1 = jnp.maximum(
        jnp.dot(_xcp(xr_ref, c_ref), wd1_ref[...],
                precision=_DEFAULT) * bn_s[0:1, :] + bn_s[1:2, :], 0.0)
    h2 = jnp.maximum(
        jnp.dot(h1, wd2_ref[...],
                precision=_DEFAULT) * bn_s[2:3, :] + bn_s[3:4, :], 0.0)
    h3 = jnp.maximum(
        jnp.dot(h2, wd3_ref[...],
                precision=_DEFAULT) * bn3_s[0:1, :] + bn3_s[1:2, :], 0.0)
    m = h3[:, 0:64]
    for d in range(1, _P):
      m = jnp.maximum(m, h3[:, d * 64:(d + 1) * 64])
    mr = m.reshape(_MTC, _K // _P, 64)
    ne = (cnt_ref[...] > 0).astype(jnp.float32)
    o_ref[...] = jnp.max(mr, axis=1) * ne

  return pl.pallas_call(
      body, grid=(_NCH,),
      in_specs=[_XRP_SPEC, _CP_SPEC, _full((_PW, _PW)), _full((_W, 32)),
                _full((1, 32)), _full((1, 32)), _full((_PW, _PW)),
                _full((32, 32)), _full((1, 32)), _full((1, 32)),
                _full((_PW, _P * 64)), _full((32, 64)), _full((1, 64)),
                _full((1, 64)), _full((_PW, _PW)), _full((1, _PW)),
                _full((_PW, _PW)), _full((1, _PW)),
                _full((_PW, _PW)), _full((1, _PW)),
                pl.BlockSpec((_MTC, 1), lambda i: (i, 0))],
      out_specs=pl.BlockSpec((_MTC, 64), lambda i: (i, 0)),
      out_shape=jax.ShapeDtypeStruct((_B * _M, 64), jnp.float32),
      scratch_shapes=[pltpu.VMEM((4, _PW), jnp.float32),
                      pltpu.VMEM((2, pw3), jnp.float32)],
  )(xrp, cp, wd1, w1, g1, b1, wd2, w2, g2, b2, wd3, w3, g3, b3,
    gx, sx, gh1, sh1, gh2, sh2, cnt2)



def kernel(xyz, new_xyz, feats, W1, g1, b1, W2, g2, b2, W3, g3, b3):
  xyzf = jnp.transpose(xyz, (0, 2, 1)).reshape(-1)
  newf = jnp.transpose(new_xyz, (0, 2, 1)).reshape(-1)
  ci = feats.shape[-1]
  tab = jnp.concatenate(
      [xyz, feats, jnp.zeros((_B, _N, _W - 3 - ci), jnp.float32)],
      axis=-1).reshape(_B * _N, _W)
  xr, cnt = _make_ball_query()(xyzf, newf, tab)

  cpad = jnp.concatenate(
      [new_xyz.reshape(_B * _M, 3),
       jnp.zeros((_B * _M, _W - 3), jnp.float32)], axis=1)
  cp = jnp.tile(cpad, (1, _P))
  w1p = jnp.concatenate(
      [W1, jnp.zeros((_W - W1.shape[0], W1.shape[1]), jnp.float32)], axis=0)
  eye = jnp.eye(_P, dtype=jnp.float32)
  wd1 = jnp.kron(eye, w1p)
  wd2 = jnp.kron(eye, W2)
  wd3 = jnp.kron(eye, W3)
  g1r, b1r = g1.reshape(1, -1), b1.reshape(1, -1)
  g2r, b2r = g2.reshape(1, -1), b2.reshape(1, -1)
  g3r, b3r = g3.reshape(1, -1), b3.reshape(1, -1)

  xrp = xr.reshape(_PROWS, _PW)
  gx, sx = _p1(xrp, cp)
  gh1, sh1 = _p2(xrp, cp, wd1, w1p, g1r, b1r, gx, sx)
  gh2, sh2 = _p3(xrp, cp, wd1, w1p, g1r, b1r, wd2, W2, g2r, b2r,
                 gx, sx, gh1, sh1)
  out = _p4(xrp, cp, wd1, w1p, g1r, b1r, wd2, W2, g2r, b2r, wd3, W3, g3r,
            b3r, gx, sx, gh1, sh1, gh2, sh2, cnt.reshape(_B * _M, 1))
  return out.reshape(_B, _M, 64)

# --- scband reference (transcript-rebuilt; emitter-appended) ---
"""Pipeline reference for scband-ball-query-point-grouping-6150393168282 (READ-ONLY COPY).

The authoritative reference and input builder live on the scoring server;
editing this copy changes nothing except your own understanding.
"""

import jax, jax.numpy as jnp
import numpy as np

RADIUS = 0.2
K = 32
EPS = 1e-5


def ball_query(xyz, new_xyz, radius, k):
    # xyz: [B, N, 3], new_xyz: [B, M, 3]
    d2 = jnp.sum((new_xyz[:, :, None, :] - xyz[:, None, :, :]) ** 2, axis=-1)  # [B, M, N]
    mask = d2 < radius * radius
    cnt = jnp.sum(mask.astype(jnp.int32), axis=-1)  # [B, M]
    # stable argsort puts in-radius point indices first, in ascending index order
    order = jnp.argsort(jnp.where(mask, 0, 1), axis=-1, stable=True)  # [B, M, N]
    idx = order[..., :k]  # [B, M, K]
    first = idx[..., :1]
    valid = jnp.arange(k)[None, None, :] < cnt[..., None]
    idx = jnp.where(valid, idx, first)  # pad empty slots with first neighbour
    return jnp.minimum(cnt, k), idx


def bn_relu(x, g, b):
    # training-mode BatchNorm1d over flattened point dim
    mu = jnp.mean(x, axis=0)
    var = jnp.var(x, axis=0)
    return jax.nn.relu((x - mu) / jnp.sqrt(var + EPS) * g + b)


def setup_inputs(seed: int = 0) -> dict:
    key = jax.random.key(seed)
    ks = jax.random.split(key, 12)
    B, N, M, Ci = 2, 8192, 2048, 16
    c_in = Ci + 3  # use_xyz=True concatenates relative coords
    xyz = jax.random.uniform(ks[0], (B, N, 3), dtype=jnp.float32)
    new_xyz = jax.random.uniform(ks[1], (B, M, 3), dtype=jnp.float32)
    feats = jax.random.normal(ks[2], (B, N, Ci), dtype=jnp.float32)
    W1 = jax.random.normal(ks[3], (c_in, 32), dtype=jnp.float32) / np.sqrt(c_in)
    W2 = jax.random.normal(ks[4], (32, 32), dtype=jnp.float32) / np.sqrt(32)
    W3 = jax.random.normal(ks[5], (32, 64), dtype=jnp.float32) / np.sqrt(32)
    g1 = jnp.ones((32,), jnp.float32); b1 = jnp.zeros((32,), jnp.float32)
    g2 = jnp.ones((32,), jnp.float32); b2 = jnp.zeros((32,), jnp.float32)
    g3 = jnp.ones((64,), jnp.float32); b3 = jnp.zeros((64,), jnp.float32)
    return {"xyz": xyz, "new_xyz": new_xyz, "feats": feats,
            "W1": W1, "g1": g1, "b1": b1,
            "W2": W2, "g2": g2, "b2": b2,
            "W3": W3, "g3": g3, "b3": b3}


def reference(xyz, new_xyz, feats, W1, g1, b1, W2, g2, b2, W3, g3, b3):
    cnt, idx = ball_query(xyz, new_xyz, RADIUS, K)
    empty_mask = (cnt > 0).astype(feats.dtype)  # [B, M]
    gather = jax.vmap(lambda pts, i: pts[i])
    grouped_xyz = gather(xyz, idx) - new_xyz[:, :, None, :]  # [B, M, K, 3]
    grouped_feats = gather(feats, idx)  # [B, M, K, Ci]
    new_feats = jnp.concatenate([grouped_xyz, grouped_feats], axis=-1)  # [B, M, K, 3+Ci]
    B, M, Kk, C = new_feats.shape
    h = new_feats.reshape(B * M * Kk, C)
    h = bn_relu(h @ W1, g1, b1)
    h = bn_relu(h @ W2, g2, b2)
    h = bn_relu(h @ W3, g3, b3)
    h = h.reshape(B, M, Kk, -1) * empty_mask[..., None, None]
    new_feats_out = jnp.max(h, axis=2)  # [B, M, Co]
    return new_feats_out

if __name__ == "__main__":
    import jax
    _d = setup_inputs()
    print(jax.jit(kernel)(*tuple(_d.values())))

</pallas_src>

<mosaic_0001>
#map = affine_map<(d0, d1) -> (0)>
#map1 = affine_map<(d0, d1) -> (0, 0)>
module attributes {stable_mosaic.version = 14 : i64} {
  func.func @ball_query_kernel(%arg0: i32, %arg1: i32, %arg2: memref<49152xf32, #tpu.memory_space<hbm>>, %arg3: memref<12288xf32, #tpu.memory_space<hbm>>, %arg4: memref<16384x32xf32, #tpu.memory_space<hbm>>, %arg5: memref<131072x32xf32, #tpu.memory_space<hbm>>, %arg6: memref<4096xi32, #tpu.memory_space<hbm>>, %arg7: memref<8192xf32, #tpu.memory_space<vmem>>, %arg8: memref<8192xf32, #tpu.memory_space<vmem>>, %arg9: memref<8192xf32, #tpu.memory_space<vmem>>, %arg10: memref<64xf32, #tpu.memory_space<vmem>>, %arg11: memref<64xf32, #tpu.memory_space<vmem>>, %arg12: memref<64xf32, #tpu.memory_space<vmem>>, %arg13: memref<192xi32, #tpu.memory_space<vmem>>, %arg14: memref<2048xi32, #tpu.memory_space<vmem>>, %arg15: memref<64xi32, #tpu.memory_space<vmem>>, %arg16: memref<2x128x32xf32, #tpu.memory_space<vmem>>, %arg17: memref<!tpu.dma_semaphore, #tpu.memory_space<semaphore_mem>>) attributes {dimension_semantics = [#tpu.dimension_semantics<core_parallel>, #tpu.dimension_semantics<subcore_parallel>], iteration_bounds = array<i64: 2, 16>, scalar_prefetch = 0 : i64, scratch_operands = 11 : i64, tpu.core_type = #tpu.core_type<sc_vector_subcore>, window_params = [{transform_indices = #map}, {transform_indices = #map}, {transform_indices = #map1}, {transform_indices = #map1}, {transform_indices = #map}]} {
    %mul3A = arith.constant 2 : i32
    %mul3A_0 = arith.muli %arg1, %mul3A : i32
    %add3A = arith.addi %mul3A_0, %arg0 : i32
    %iota3A = tpu.iota {dimensions = array<i32: 0>} : vector<16xi32>
    %broadcast_in_dim3A = arith.constant 0 : i32
    %broadcast_in_dim3A_1 = vector.broadcast %broadcast_in_dim3A : i32 to vector<16xi32>
    "tpu.region"() ({
      %run_scoped3A_836 = tpu.sem_alloc : memref<!tpu.dma_semaphore, #tpu.memory_space<semaphore_mem>>
      %dma_start3A_837 = arith.constant 0 : i32
      %dma_start3A_838 = tpu.memref_slice %arg2[%dma_start3A_837] : memref<49152xf32, #tpu.memory_space<hbm>> -> memref<8192xf32, #tpu.memory_space<hbm>>
      %dma_start3A_839 = arith.constant 0 : i32
      %dma_start3A_840 = tpu.memref_slice %arg2[%dma_start3A_839] : memref<49152xf32, #tpu.memory_space<hbm>> -> memref<8192xf32, #tpu.memory_space<hbm>>
      tpu.enqueue_dma source(%dma_start3A_840 : memref<8192xf32, #tpu.memory_space<hbm>>) target(%arg7 : memref<8192xf32, #tpu.memory_space<vmem>>) target_semaphore(%run_scoped3A_836 : memref<!tpu.dma_semaphore, #tpu.memory_space<semaphore_mem>>)
      %dma_wait3A_841 = arith.constant 0 : i32
      %dma_wait3A_842 = tpu.memref_slice %arg2[%dma_wait3A_841] : memref<49152xf32, #tpu.memory_space<hbm>> -> memref<8192xf32, #tpu.memory_space<hbm>>
      %dma_wait3A_843 = arith.constant 0 : i32
      %dma_wait3A_844 = tpu.memref_slice %arg2[%dma_wait3A_843] : memref<49152xf32, #tpu.memory_space<hbm>> -> memref<8192xf32, #tpu.memory_space<hbm>>
      tpu.wait_dma2 semaphore(%run_scoped3A_836 : memref<!tpu.dma_semaphore, #tpu.memory_space<semaphore_mem>>) src(%dma_wait3A_844 : memref<8192xf32, #tpu.memory_space<hbm>>) dst(%arg7 : memref<8192xf32, #tpu.memory_space<vmem>>)
      tpu.yield
    }) : () -> ()
    "tpu.region"() ({
      %run_scoped3A_836 = tpu.sem_alloc : memref<!tpu.dma_semaphore, #tpu.memory_space<semaphore_mem>>
      %dma_start3A_837 = arith.constant 8192 : i32
      %dma_start3A_838 = tpu.memref_slice %arg2[%dma_start3A_837] : memref<49152xf32, #tpu.memory_space<hbm>> -> memref<8192xf32, #tpu.memory_space<hbm>>
      %dma_start3A_839 = arith.constant 8192 : i32
      %dma_start3A_840 = tpu.memref_slice %arg2[%dma_start3A_839] : memref<49152xf32, #tpu.memory_space<hbm>> -> memref<8192xf32, #tpu.memory_space<hbm>>
      tpu.enqueue_dma source(%dma_start3A_840 : memref<8192xf32, #tpu.memory_space<hbm>>) target(%arg8 : memref<8192xf32, #tpu.memory_space<vmem>>) target_semaphore(%run_scoped3A_836 : memref<!tpu.dma_semaphore, #tpu.memory_space<semaphore_mem>>)
      %dma_wait3A_841 = arith.constant 8192 : i32
      %dma_wait3A_842 = tpu.memref_slice %arg2[%dma_wait3A_841] : memref<49152xf32, #tpu.memory_space<hbm>> -> memref<8192xf32, #tpu.memory_space<hbm>>
      %dma_wait3A_843 = arith.constant 8192 : i32
      %dma_wait3A_844 = tpu.memref_slice %arg2[%dma_wait3A_843] : memref<49152xf32, #tpu.memory_space<hbm>> -> memref<8192xf32, #tpu.memory_space<hbm>>
      tpu.wait_dma2 semaphore(%run_scoped3A_836 : memref<!tpu.dma_semaphore, #tpu.memory_space<semaphore_mem>>) src(%dma_wait3A_844 : memref<8192xf32, #tpu.memory_space<hbm>>) dst(%arg8 : memref<8192xf32, #tpu.memory_space<vmem>>)
      tpu.yield
    }) : () -> ()
    "tpu.region"() ({
      %run_scoped3A_836 = tpu.sem_alloc : memref<!tpu.dma_semaphore, #tpu.memory_space<semaphore_mem>>
      %dma_start3A_837 = arith.constant 16384 : i32
      %dma_start3A_838 = tpu.memref_slice %arg2[%dma_start3A_837] : memref<49152xf32, #tpu.memory_space<hbm>> -> memref<8192xf32, #tpu.memory_space<hbm>>
      %dma_start3A_839 = arith.constant 16384 : i32
      %dma_start3A_840 = tpu.memref_slice %arg2[%dma_start3A_839] : memref<49152xf32, #tpu.memory_space<hbm>> -> memref<8192xf32, #tpu.memory_space<hbm>>
      tpu.enqueue_dma source(%dma_start3A_840 : memref<8192xf32, #tpu.memory_space<hbm>>) target(%arg9 : memref<8192xf32, #tpu.memory_space<vmem>>) target_semaphore(%run_scoped3A_836 : memref<!tpu.dma_semaphore, #tpu.memory_space<semaphore_mem>>)
      %dma_wait3A_841 = arith.constant 16384 : i32
      %dma_wait3A_842 = tpu.memref_slice %arg2[%dma_wait3A_841] : memref<49152xf32, #tpu.memory_space<hbm>> -> memref<8192xf32, #tpu.memory_space<hbm>>
      %dma_wait3A_843 = arith.constant 16384 : i32
      %dma_wait3A_844 = tpu.memref_slice %arg2[%dma_wait3A_843] : memref<49152xf32, #tpu.memory_space<hbm>> -> memref<8192xf32, #tpu.memory_space<hbm>>
      tpu.wait_dma2 semaphore(%run_scoped3A_836 : memref<!tpu.dma_semaphore, #tpu.memory_space<semaphore_mem>>) src(%dma_wait3A_844 : memref<8192xf32, #tpu.memory_space<hbm>>) dst(%arg9 : memref<8192xf32, #tpu.memory_space<vmem>>)
      tpu.yield
    }) : () -> ()
    %mul3A_2 = arith.constant 64 : i32
    %mul3A_3 = arith.muli %add3A, %mul3A_2 : i32
    %add3A_4 = arith.constant 0 : i32
    %add3A_5 = arith.addi %add3A_4, %mul3A_3 : i32
    "tpu.region"() ({
      %run_scoped3A_836 = tpu.sem_alloc : memref<!tpu.dma_semaphore, #tpu.memory_space<semaphore_mem>>
      %dma_start3A_837 = tpu.memref_slice %arg3[%add3A_5] : memref<12288xf32, #tpu.memory_space<hbm>> -> memref<64xf32, #tpu.memory_space<hbm>>
      %dma_start3A_838 = tpu.memref_slice %arg3[%add3A_5] : memref<12288xf32, #tpu.memory_space<hbm>> -> memref<64xf32, #tpu.memory_space<hbm>>
      tpu.enqueue_dma source(%dma_start3A_838 : memref<64xf32, #tpu.memory_space<hbm>>) target(%arg10 : memref<64xf32, #tpu.memory_space<vmem>>) target_semaphore(%run_scoped3A_836 : memref<!tpu.dma_semaphore, #tpu.memory_space<semaphore_mem>>)
      %dma_wait3A_839 = tpu.memref_slice %arg3[%add3A_5] : memref<12288xf32, #tpu.memory_space<hbm>> -> memref<64xf32, #tpu.memory_space<hbm>>
      %dma_wait3A_840 = tpu.memref_slice %arg3[%add3A_5] : memref<12288xf32, #tpu.memory_space<hbm>> -> memref<64xf32, #tpu.memory_space<hbm>>
      tpu.wait_dma2 semaphore(%run_scoped3A_836 : memref<!tpu.dma_semaphore, #tpu.memory_space<semaphore_mem>>) src(%dma_wait3A_840 : memref<64xf32, #tpu.memory_space<hbm>>) dst(%arg10 : memref<64xf32, #tpu.memory_space<vmem>>)
      tpu.yield
    }) : () -> ()
    %add3A_6 = arith.constant 2048 : i32
    %add3A_7 = arith.addi %add3A_6, %mul3A_3 : i32
    "tpu.region"() ({
      %run_scoped3A_836 = tpu.sem_alloc : memref<!tpu.dma_semaphore, #tpu.memory_space<semaphore_mem>>
      %dma_start3A_837 = tpu.memref_slice %arg3[%add3A_7] : memref<12288xf32, #tpu.memory_space<hbm>> -> memref<64xf32, #tpu.memory_space<hbm>>
      %dma_start3A_838 = tpu.memref_slice %arg3[%add3A_7] : memref<12288xf32, #tpu.memory_space<hbm>> -> memref<64xf32, #tpu.memory_space<hbm>>
      tpu.enqueue_dma source(%dma_start3A_838 : memref<64xf32, #tpu.memory_space<hbm>>) target(%arg11 : memref<64xf32, #tpu.memory_space<vmem>>) target_semaphore(%run_scoped3A_836 : memref<!tpu.dma_semaphore, #tpu.memory_space<semaphore_mem>>)
      %dma_wait3A_839 = tpu.memref_slice %arg3[%add3A_7] : memref<12288xf32, #tpu.memory_space<hbm>> -> memref<64xf32, #tpu.memory_space<hbm>>
      %dma_wait3A_840 = tpu.memref_slice %arg3[%add3A_7] : memref<12288xf32, #tpu.memory_space<hbm>> -> memref<64xf32, #tpu.memory_space<hbm>>
      tpu.wait_dma2 semaphore(%run_scoped3A_836 : memref<!tpu.dma_semaphore, #tpu.memory_space<semaphore_mem>>) src(%dma_wait3A_840 : memref<64xf32, #tpu.memory_space<hbm>>) dst(%arg11 : memref<64xf32, #tpu.memory_space<vmem>>)
      tpu.yield
    }) : () -> ()
    %add3A_8 = arith.constant 4096 : i32
    %add3A_9 = arith.addi %add3A_8, %mul3A_3 : i32
    "tpu.region"() ({
      %run_scoped3A_836 = tpu.sem_alloc : memref<!tpu.dma_semaphore, #tpu.memory_space<semaphore_mem>>
      %dma_start3A_837 = tpu.memref_slice %arg3[%add3A_9] : memref<12288xf32, #tpu.memory_space<hbm>> -> memref<64xf32, #tpu.memory_space<hbm>>
      %dma_start3A_838 = tpu.memref_slice %arg3[%add3A_9] : memref<12288xf32, #tpu.memory_space<hbm>> -> memref<64xf32, #tpu.memory_space<hbm>>
      tpu.enqueue_dma source(%dma_start3A_838 : memref<64xf32, #tpu.memory_space<hbm>>) target(%arg12 : memref<64xf32, #tpu.memory_space<vmem>>) target_semaphore(%run_scoped3A_836 : memref<!tpu.dma_semaphore, #tpu.memory_space<semaphore_mem>>)
      %dma_wait3A_839 = tpu.memref_slice %arg3[%add3A_9] : memref<12288xf32, #tpu.memory_space<hbm>> -> memref<64xf32, #tpu.memory_space<hbm>>
      %dma_wait3A_840 = tpu.memref_slice %arg3[%add3A_9] : memref<12288xf32, #tpu.memory_space<hbm>> -> memref<64xf32, #tpu.memory_space<hbm>>
      tpu.wait_dma2 semaphore(%run_scoped3A_836 : memref<!tpu.dma_semaphore, #tpu.memory_space<semaphore_mem>>) src(%dma_wait3A_840 : memref<64xf32, #tpu.memory_space<hbm>>) dst(%arg12 : memref<64xf32, #tpu.memory_space<vmem>>)
      tpu.yield
    }) : () -> ()
    %scan3A = arith.constant 0 : i32
    %scan3A_10 = arith.constant 4.000000e-02 : f32
    %scan3A_11 = arith.constant 0 : i32
    %scan3A_12 = arith.constant 64 : i32
    %scan3A_13 = arith.addi %scan3A_11, %scan3A_12 : i32
    %scan3A_14 = arith.constant 1 : i32
    scf.for %scan3A_836 = %scan3A_11 to %scan3A_13 step %scan3A_14  : i32 {
      %swap3A = arith.constant 0 : index
      %swap3A_837 = tpu.vector_load %arg13[%swap3A] {strides = array<i32>} : memref<192xi32, #tpu.memory_space<vmem>>, vector<16xi32>,
      tpu.vector_store %arg13[%swap3A], %broadcast_in_dim3A_1 {strides = array<i32>} : memref<192xi32, #tpu.memory_space<vmem>>, vector<16xi32>,
      %broadcast_in_dim3A_838 = vector.broadcast %scan3A_836 : i32 to vector<16xi32>
      %gather3A = tpu.vector_load_idx %arg10[%broadcast_in_dim3A_838] : memref<64xf32, #tpu.memory_space<vmem>>[vector<16xi32>], vector<16xf32>,
      %gather3A_839 = tpu.vector_load_idx %arg11[%broadcast_in_dim3A_838] : memref<64xf32, #tpu.memory_space<vmem>>[vector<16xi32>], vector<16xf32>,
      %gather3A_840 = tpu.vector_load_idx %arg12[%broadcast_in_dim3A_838] : memref<64xf32, #tpu.memory_space<vmem>>[vector<16xi32>], vector<16xf32>,
      %while3A = arith.constant 0 : i32
      %while3A_841 = arith.constant 0 : i32
      %while3A_842:3 = scf.while (%while3A_877 = %while3A, %while3A_878 = %while3A_841, %while3A_879 = %broadcast_in_dim3A_1) : (i32, i32, vector<16xi32>) -> (i32, i32, vector<16xi32>) {
        %lt3A_880 = arith.constant 8192 : i32
        %lt3A_881 = arith.cmpi slt, %while3A_877, %lt3A_880 : i32
        %lt3A_882 = arith.constant 32 : i32
        %lt3A_883 = arith.cmpi slt, %while3A_878, %lt3A_882 : i32
        %and3A = arith.andi %lt3A_881, %lt3A_883 : i1
        scf.condition(%and3A) %while3A_877, %while3A_878, %while3A_879 : i32, i32, vector<16xi32>
      } do {
      ^bb0(%while3A_877: i32, %while3A_878: i32, %while3A_879: vector<16xi32>):
        %add3A_880 = arith.constant 0 : i32
        %add3A_881 = arith.addi %while3A_877, %add3A_880 : i32
        %broadcast_in_dim3A_882 = vector.broadcast %add3A_881 : i32 to vector<16xi32>
        %add3A_883 = arith.addi %broadcast_in_dim3A_882, %iota3A : vector<16xi32>
        %gather3A_884 = tpu.vector_load_idx %arg7[%add3A_883] : memref<8192xf32, #tpu.memory_space<vmem>>[vector<16xi32>], vector<16xf32>,
        %gather3A_885 = tpu.vector_load_idx %arg8[%add3A_883] : memref<8192xf32, #tpu.memory_space<vmem>>[vector<16xi32>], vector<16xf32>,
        %gather3A_886 = tpu.vector_load_idx %arg9[%add3A_883] : memref<8192xf32, #tpu.memory_space<vmem>>[vector<16xi32>], vector<16xf32>,
        %sub3A = arith.subf %gather3A_884, %gather3A : vector<16xf32>
        %sub3A_887 = arith.subf %gather3A_885, %gather3A_839 : vector<16xf32>
        %sub3A_888 = arith.subf %gather3A_886, %gather3A_840 : vector<16xf32>
        %mul3A_889 = arith.mulf %sub3A, %sub3A : vector<16xf32>
        %mul3A_890 = arith.mulf %sub3A_887, %sub3A_887 : vector<16xf32>
        %add3A_891 = arith.addf %mul3A_889, %mul3A_890 : vector<16xf32>
        %mul3A_892 = arith.mulf %sub3A_888, %sub3A_888 : vector<16xf32>
        %add3A_893 = arith.addf %add3A_891, %mul3A_892 : vector<16xf32>
        %lt3A_894 = vector.broadcast %scan3A_10 : f32 to vector<16xf32>
        %lt3A_895 = arith.cmpf olt, %add3A_893, %lt3A_894 : vector<16xf32>
        %convert_element_type3A = arith.extui %lt3A_895 : vector<16xi1> to vector<16xi32>
        %broadcast_in_dim3A_896 = arith.constant true
        %broadcast_in_dim3A_897 = vector.broadcast %broadcast_in_dim3A_896 : i1 to vector<16xi1>
        %masked_cumsum3A = tpu.scan <sum>, %convert_element_type3A masked %broadcast_in_dim3A_897 : vector<16xi32>, vector<16xi1> -> vector<16xi32>
        %add3A_898 = arith.addi %while3A_879, %masked_cumsum3A : vector<16xi32>
        %sub3A_899 = arith.constant 1 : i32
        %sub3A_900 = vector.broadcast %sub3A_899 : i32 to vector<16xi32>
        %sub3A_901 = arith.subi %add3A_898, %sub3A_900 : vector<16xi32>
        tpu.vector_store_idx %arg13[%sub3A_901], %add3A_883 masked %lt3A_895 : memref<192xi32, #tpu.memory_space<vmem>>[vector<16xi32>], vector<16xi32>, vector<16xi1>
        %all_reduce_population_count3A = tpu.all_reduce %lt3A_895 {dim = 0 : i64, kind = #tpu.reduction_kind<sum>} : vector<16xi1> -> vector<16xi32>
        %add3A_902 = arith.addi %while3A_879, %all_reduce_population_count3A : vector<16xi32>
        %add3A_903 = arith.constant 16 : i32
        %add3A_904 = arith.addi %while3A_877, %add3A_903 : i32
        %broadcast_in_dim3A_905 = vector.broadcast %add3A_904 : i32 to vector<16xi32>
        %add3A_906 = arith.addi %broadcast_in_dim3A_905, %iota3A : vector<16xi32>
        %gather3A_907 = tpu.vector_load_idx %arg7[%add3A_906] : memref<8192xf32, #tpu.memory_space<vmem>>[vector<16xi32>], vector<16xf32>,
        %gather3A_908 = tpu.vector_load_idx %arg8[%add3A_906] : memref<8192xf32, #tpu.memory_space<vmem>>[vector<16xi32>], vector<16xf32>,
        %gather3A_909 = tpu.vector_load_idx %arg9[%add3A_906] : memref<8192xf32, #tpu.memory_space<vmem>>[vector<16xi32>], vector<16xf32>,
        %sub3A_910 = arith.subf %gather3A_907, %gather3A : vector<16xf32>
        %sub3A_911 = arith.subf %gather3A_908, %gather3A_839 : vector<16xf32>
        %sub3A_912 = arith.subf %gather3A_909, %gather3A_840 : vector<16xf32>
        %mul3A_913 = arith.mulf %sub3A_910, %sub3A_910 : vector<16xf32>
        %mul3A_914 = arith.mulf %sub3A_911, %sub3A_911 : vector<16xf32>
        %add3A_915 = arith.addf %mul3A_913, %mul3A_914 : vector<16xf32>
        %mul3A_916 = arith.mulf %sub3A_912, %sub3A_912 : vector<16xf32>
        %add3A_917 = arith.addf %add3A_915, %mul3A_916 : vector<16xf32>
        %lt3A_918 = vector.broadcast %scan3A_10 : f32 to vector<16xf32>
        %lt3A_919 = arith.cmpf olt, %add3A_917, %lt3A_918 : vector<16xf32>
        %convert_element_type3A_920 = arith.extui %lt3A_919 : vector<16xi1> to vector<16xi32>
        %broadcast_in_dim3A_921 = arith.constant true
        %broadcast_in_dim3A_922 = vector.broadcast %broadcast_in_dim3A_921 : i1 to vector<16xi1>
        %masked_cumsum3A_923 = tpu.scan <sum>, %convert_element_type3A_920 masked %broadcast_in_dim3A_922 : vector<16xi32>, vector<16xi1> -> vector<16xi32>
        %add3A_924 = arith.addi %add3A_902, %masked_cumsum3A_923 : vector<16xi32>
        %sub3A_925 = arith.constant 1 : i32
        %sub3A_926 = vector.broadcast %sub3A_925 : i32 to vector<16xi32>
        %sub3A_927 = arith.subi %add3A_924, %sub3A_926 : vector<16xi32>
        tpu.vector_store_idx %arg13[%sub3A_927], %add3A_906 masked %lt3A_919 : memref<192xi32, #tpu.memory_space<vmem>>[vector<16xi32>], vector<16xi32>, vector<16xi1>
        %all_reduce_population_count3A_928 = tpu.all_reduce %lt3A_919 {dim = 0 : i64, kind = #tpu.reduction_kind<sum>} : vector<16xi1> -> vector<16xi32>
        %add3A_929 = arith.addi %add3A_902, %all_reduce_population_count3A_928 : vector<16xi32>
        %add3A_930 = arith.constant 32 : i32
        %add3A_931 = arith.addi %while3A_877, %add3A_930 : i32
        %broadcast_in_dim3A_932 = vector.broadcast %add3A_931 : i32 to vector<16xi32>
        %add3A_933 = arith.addi %broadcast_in_dim3A_932, %iota3A : vector<16xi32>
        %gather3A_934 = tpu.vector_load_idx %arg7[%add3A_933] : memref<8192xf32, #tpu.memory_space<vmem>>[vector<16xi32>], vector<16xf32>,
        %gather3A_935 = tpu.vector_load_idx %arg8[%add3A_933] : memref<8192xf32, #tpu.memory_space<vmem>>[vector<16xi32>], vector<16xf32>,
        %gather3A_936 = tpu.vector_load_idx %arg9[%add3A_933] : memref<8192xf32, #tpu.memory_space<vmem>>[vector<16xi32>], vector<16xf32>,
        %sub3A_937 = arith.subf %gather3A_934, %gather3A : vector<16xf32>
        %sub3A_938 = arith.subf %gather3A_935, %gather3A_839 : vector<16xf32>
        %sub3A_939 = arith.subf %gather3A_936, %gather3A_840 : vector<16xf32>
        %mul3A_940 = arith.mulf %sub3A_937, %sub3A_937 : vector<16xf32>
        %mul3A_941 = arith.mulf %sub3A_938, %sub3A_938 : vector<16xf32>
        %add3A_942 = arith.addf %mul3A_940, %mul3A_941 : vector<16xf32>
        %mul3A_943 = arith.mulf %sub3A_939, %sub3A_939 : vector<16xf32>
        %add3A_944 = arith.addf %add3A_942, %mul3A_943 : vector<16xf32>
        %lt3A_945 = vector.broadcast %scan3A_10 : f32 to vector<16xf32>
        %lt3A_946 = arith.cmpf olt, %add3A_944, %lt3A_945 : vector<16xf32>
        %convert_element_type3A_947 = arith.extui %lt3A_946 : vector<16xi1> to vector<16xi32>
        %broadcast_in_dim3A_948 = arith.constant true
        %broadcast_in_dim3A_949 = vector.broadcast %broadcast_in_dim3A_948 : i1 to vector<16xi1>
        %masked_cumsum3A_950 = tpu.scan <sum>, %convert_element_type3A_947 masked %broadcast_in_dim3A_949 : vector<16xi32>, vector<16xi1> -> vector<16xi32>
        %add3A_951 = arith.addi %add3A_929, %masked_cumsum3A_950 : vector<16xi32>
        %sub3A_952 = arith.constant 1 : i32
        %sub3A_953 = vector.broadcast %sub3A_952 : i32 to vector<16xi32>
        %sub3A_954 = arith.subi %add3A_951, %sub3A_953 : vector<16xi32>
        tpu.vector_store_idx %arg13[%sub3A_954], %add3A_933 masked %lt3A_946 : memref<192xi32, #tpu.memory_space<vmem>>[vector<16xi32>], vector<16xi32>, vector<16xi1>
        %all_reduce_population_count3A_955 = tpu.all_reduce %lt3A_946 {dim = 0 : i64, kind = #tpu.reduction_kind<sum>} : vector<16xi1> -> vector<16xi32>
        %add3A_956 = arith.addi %add3A_929, %all_reduce_population_count3A_955 : vector<16xi32>
        %add3A_957 = arith.constant 48 : i32
        %add3A_958 = arith.addi %while3A_877, %add3A_957 : i32
        %broadcast_in_dim3A_959 = vector.broadcast %add3A_958 : i32 to vector<16xi32>
        %add3A_960 = arith.addi %broadcast_in_dim3A_959, %iota3A : vector<16xi32>
        %gather3A_961 = tpu.vector_load_idx %arg7[%add3A_960] : memref<8192xf32, #tpu.memory_space<vmem>>[vector<16xi32>], vector<16xf32>,
        %gather3A_962 = tpu.vector_load_idx %arg8[%add3A_960] : memref<8192xf32, #tpu.memory_space<vmem>>[vector<16xi32>], vector<16xf32>,
        %gather3A_963 = tpu.vector_load_idx %arg9[%add3A_960] : memref<8192xf32, #tpu.memory_space<vmem>>[vector<16xi32>], vector<16xf32>,
        %sub3A_964 = arith.subf %gather3A_961, %gather3A : vector<16xf32>
        %sub3A_965 = arith.subf %gather3A_962, %gather3A_839 : vector<16xf32>
        %sub3A_966 = arith.subf %gather3A_963, %gather3A_840 : vector<16xf32>
        %mul3A_967 = arith.mulf %sub3A_964, %sub3A_964 : vector<16xf32>
        %mul3A_968 = arith.mulf %sub3A_965, %sub3A_965 : vector<16xf32>
        %add3A_969 = arith.addf %mul3A_967, %mul3A_968 : vector<16xf32>
        %mul3A_970 = arith.mulf %sub3A_966, %sub3A_966 : vector<16xf32>
        %add3A_971 = arith.addf %add3A_969, %mul3A_970 : vector<16xf32>
        %lt3A_972 = vector.broadcast %scan3A_10 : f32 to vector<16xf32>
        %lt3A_973 = arith.cmpf olt, %add3A_971, %lt3A_972 : vector<16xf32>
        %convert_element_type3A_974 = arith.extui %lt3A_973 : vector<16xi1> to vector<16xi32>
        %broadcast_in_dim3A_975 = arith.constant true
        %broadcast_in_dim3A_976 = vector.broadcast %broadcast_in_dim3A_975 : i1 to vector<16xi1>
        %masked_cumsum3A_977 = tpu.scan <sum>, %convert_element_type3A_974 masked %broadcast_in_dim3A_976 : vector<16xi32>, vector<16xi1> -> vector<16xi32>
        %add3A_978 = arith.addi %add3A_956, %masked_cumsum3A_977 : vector<16xi32>
        %sub3A_979 = arith.constant 1 : i32
        %sub3A_980 = vector.broadcast %sub3A_979 : i32 to vector<16xi32>
        %sub3A_981 = arith.subi %add3A_978, %sub3A_980 : vector<16xi32>
        tpu.vector_store_idx %arg13[%sub3A_981], %add3A_960 masked %lt3A_973 : memref<192xi32, #tpu.memory_space<vmem>>[vector<16xi32>], vector<16xi32>, vector<16xi1>
        %all_reduce_population_count3A_982 = tpu.all_reduce %lt3A_973 {dim = 0 : i64, kind = #tpu.reduction_kind<sum>} : vector<16xi1> -> vector<16xi32>
        %add3A_983 = arith.addi %add3A_956, %all_reduce_population_count3A_982 : vector<16xi32>
        %add3A_984 = arith.constant 64 : i32
        %add3A_985 = arith.addi %while3A_877, %add3A_984 : i32
        %broadcast_in_dim3A_986 = vector.broadcast %add3A_985 : i32 to vector<16xi32>
        %add3A_987 = arith.addi %broadcast_in_dim3A_986, %iota3A : vector<16xi32>
        %gather3A_988 = tpu.vector_load_idx %arg7[%add3A_987] : memref<8192xf32, #tpu.memory_space<vmem>>[vector<16xi32>], vector<16xf32>,
        %gather3A_989 = tpu.vector_load_idx %arg8[%add3A_987] : memref<8192xf32, #tpu.memory_space<vmem>>[vector<16xi32>], vector<16xf32>,
        %gather3A_990 = tpu.vector_load_idx %arg9[%add3A_987] : memref<8192xf32, #tpu.memory_space<vmem>>[vector<16xi32>], vector<16xf32>,
        %sub3A_991 = arith.subf %gather3A_988, %gather3A : vector<16xf32>
        %sub3A_992 = arith.subf %gather3A_989, %gather3A_839 : vector<16xf32>
        %sub3A_993 = arith.subf %gather3A_990, %gather3A_840 : vector<16xf32>
        %mul3A_994 = arith.mulf %sub3A_991, %sub3A_991 : vector<16xf32>
        %mul3A_995 = arith.mulf %sub3A_992, %sub3A_992 : vector<16xf32>
        %add3A_996 = arith.addf %mul3A_994, %mul3A_995 : vector<16xf32>
        %mul3A_997 = arith.mulf %sub3A_993, %sub3A_993 : vector<16xf32>
        %add3A_998 = arith.addf %add3A_996, %mul3A_997 : vector<16xf32>
        %lt3A_999 = vector.broadcast %scan3A_10 : f32 to vector<16xf32>
        %lt3A_1000 = arith.cmpf olt, %add3A_998, %lt3A_999 : vector<16xf32>
        %convert_element_type3A_1001 = arith.extui %lt3A_1000 : vector<16xi1> to vector<16xi32>
        %broadcast_in_dim3A_1002 = arith.constant true
        %broadcast_in_dim3A_1003 = vector.broadcast %broadcast_in_dim3A_1002 : i1 to vector<16xi1>
        %masked_cumsum3A_1004 = tpu.scan <sum>, %convert_element_type3A_1001 masked %broadcast_in_dim3A_1003 : vector<16xi32>, vector<16xi1> -> vector<16xi32>
        %add3A_1005 = arith.addi %add3A_983, %masked_cumsum3A_1004 : vector<16xi32>
        %sub3A_1006 = arith.constant 1 : i32
        %sub3A_1007 = vector.broadcast %sub3A_1006 : i32 to vector<16xi32>
        %sub3A_1008 = arith.subi %add3A_1005, %sub3A_1007 : vector<16xi32>
        tpu.vector_store_idx %arg13[%sub3A_1008], %add3A_987 masked %lt3A_1000 : memref<192xi32, #tpu.memory_space<vmem>>[vector<16xi32>], vector<16xi32>, vector<16xi1>
        %all_reduce_population_count3A_1009 = tpu.all_reduce %lt3A_1000 {dim = 0 : i64, kind = #tpu.reduction_kind<sum>} : vector<16xi1> -> vector<16xi32>
        %add3A_1010 = arith.addi %add3A_983, %all_reduce_population_count3A_1009 : vector<16xi32>
        %add3A_1011 = arith.constant 80 : i32
        %add3A_1012 = arith.addi %while3A_877, %add3A_1011 : i32
        %broadcast_in_dim3A_1013 = vector.broadcast %add3A_1012 : i32 to vector<16xi32>
        %add3A_1014 = arith.addi %broadcast_in_dim3A_1013, %iota3A : vector<16xi32>
        %gather3A_1015 = tpu.vector_load_idx %arg7[%add3A_1014] : memref<8192xf32, #tpu.memory_space<vmem>>[vector<16xi32>], vector<16xf32>,
        %gather3A_1016 = tpu.vector_load_idx %arg8[%add3A_1014] : memref<8192xf32, #tpu.memory_space<vmem>>[vector<16xi32>], vector<16xf32>,
        %gather3A_1017 = tpu.vector_load_idx %arg9[%add3A_1014] : memref<8192xf32, #tpu.memory_space<vmem>>[vector<16xi32>], vector<16xf32>,
        %sub3A_1018 = arith.subf %gather3A_1015, %gather3A : vector<16xf32>
        %sub3A_1019 = arith.subf %gather3A_1016, %gather3A_839 : vector<16xf32>
        %sub3A_1020 = arith.subf %gather3A_1017, %gather3A_840 : vector<16xf32>
        %mul3A_1021 = arith.mulf %sub3A_1018, %sub3A_1018 : vector<16xf32>
        %mul3A_1022 = arith.mulf %sub3A_1019, %sub3A_1019 : vector<16xf32>
        %add3A_1023 = arith.addf %mul3A_1021, %mul3A_1022 : vector<16xf32>
        %mul3A_1024 = arith.mulf %sub3A_1020, %sub3A_1020 : vector<16xf32>
        %add3A_1025 = arith.addf %add3A_1023, %mul3A_1024 : vector<16xf32>
        %lt3A_1026 = vector.broadcast %scan3A_10 : f32 to vector<16xf32>
        %lt3A_1027 = arith.cmpf olt, %add3A_1025, %lt3A_1026 : vector<16xf32>
        %convert_element_type3A_1028 = arith.extui %lt3A_1027 : vector<16xi1> to vector<16xi32>
        %broadcast_in_dim3A_1029 = arith.constant true
        %broadcast_in_dim3A_1030 = vector.broadcast %broadcast_in_dim3A_1029 : i1 to vector<16xi1>
        %masked_cumsum3A_1031 = tpu.scan <sum>, %convert_element_type3A_1028 masked %broadcast_in_dim3A_1030 : vector<16xi32>, vector<16xi1> -> vector<16xi32>
        %add3A_1032 = arith.addi %add3A_1010, %masked_cumsum3A_1031 : vector<16xi32>
        %sub3A_1033 = arith.constant 1 : i32
        %sub3A_1034 = vector.broadcast %sub3A_1033 : i32 to vector<16xi32>
        %sub3A_1035 = arith.subi %add3A_1032, %sub3A_1034 : vector<16xi32>
        tpu.vector_store_idx %arg13[%sub3A_1035], %add3A_1014 masked %lt3A_1027 : memref<192xi32, #tpu.memory_space<vmem>>[vector<16xi32>], vector<16xi32>, vector<16xi1>
        %all_reduce_population_count3A_1036 = tpu.all_reduce %lt3A_1027 {dim = 0 : i64, kind = #tpu.reduction_kind<sum>} : vector<16xi1> -> vector<16xi32>
        %add3A_1037 = arith.addi %add3A_1010, %all_reduce_population_count3A_1036 : vector<16xi32>
        %add3A_1038 = arith.constant 96 : i32
        %add3A_1039 = arith.addi %while3A_877, %add3A_1038 : i32
        %broadcast_in_dim3A_1040 = vector.broadcast %add3A_1039 : i32 to vector<16xi32>
        %add3A_1041 = arith.addi %broadcast_in_dim3A_1040, %iota3A : vector<16xi32>
        %gather3A_1042 = tpu.vector_load_idx %arg7[%add3A_1041] : memref<8192xf32, #tpu.memory_space<vmem>>[vector<16xi32>], vector<16xf32>,
        %gather3A_1043 = tpu.vector_load_idx %arg8[%add3A_1041] : memref<8192xf32, #tpu.memory_space<vmem>>[vector<16xi32>], vector<16xf32>,
        %gather3A_1044 = tpu.vector_load_idx %arg9[%add3A_1041] : memref<8192xf32, #tpu.memory_space<vmem>>[vector<16xi32>], vector<16xf32>,
        %sub3A_1045 = arith.subf %gather3A_1042, %gather3A : vector<16xf32>
        %sub3A_1046 = arith.subf %gather3A_1043, %gather3A_839 : vector<16xf32>
        %sub3A_1047 = arith.subf %gather3A_1044, %gather3A_840 : vector<16xf32>
        %mul3A_1048 = arith.mulf %sub3A_1045, %sub3A_1045 : vector<16xf32>
        %mul3A_1049 = arith.mulf %sub3A_1046, %sub3A_1046 : vector<16xf32>
        %add3A_1050 = arith.addf %mul3A_1048, %mul3A_1049 : vector<16xf32>
        %mul3A_1051 = arith.mulf %sub3A_1047, %sub3A_1047 : vector<16xf32>
        %add3A_1052 = arith.addf %add3A_1050, %mul3A_1051 : vector<16xf32>
        %lt3A_1053 = vector.broadcast %scan3A_10 : f32 to vector<16xf32>
        %lt3A_1054 = arith.cmpf olt, %add3A_1052, %lt3A_1053 : vector<16xf32>
        %convert_element_type3A_1055 = arith.extui %lt3A_1054 : vector<16xi1> to vector<16xi32>
        %broadcast_in_dim3A_1056 = arith.constant true
        %broadcast_in_dim3A_1057 = vector.broadcast %broadcast_in_dim3A_1056 : i1 to vector<16xi1>
        %masked_cumsum3A_1058 = tpu.scan <sum>, %convert_element_type3A_1055 masked %broadcast_in_dim3A_1057 : vector<16xi32>, vector<16xi1> -> vector<16xi32>
        %add3A_1059 = arith.addi %add3A_1037, %masked_cumsum3A_1058 : vector<16xi32>
        %sub3A_1060 = arith.constant 1 : i32
        %sub3A_1061 = vector.broadcast %sub3A_1060 : i32 to vector<16xi32>
        %sub3A_1062 = arith.subi %add3A_1059, %sub3A_1061 : vector<16xi32>
        tpu.vector_store_idx %arg13[%sub3A_1062], %add3A_1041 masked %lt3A_1054 : memref<192xi32, #tpu.memory_space<vmem>>[vector<16xi32>], vector<16xi32>, vector<16xi1>
        %all_reduce_population_count3A_1063 = tpu.all_reduce %lt3A_1054 {dim = 0 : i64, kind = #tpu.reduction_kind<sum>} : vector<16xi1> -> vector<16xi32>
        %add3A_1064 = arith.addi %add3A_1037, %all_reduce_population_count3A_1063 : vector<16xi32>
        %add3A_1065 = arith.constant 112 : i32
        %add3A_1066 = arith.addi %while3A_877, %add3A_1065 : i32
        %broadcast_in_dim3A_1067 = vector.broadcast %add3A_1066 : i32 to vector<16xi32>
        %add3A_1068 = arith.addi %broadcast_in_dim3A_1067, %iota3A : vector<16xi32>
        %gather3A_1069 = tpu.vector_load_idx %arg7[%add3A_1068] : memref<8192xf32, #tpu.memory_space<vmem>>[vector<16xi32>], vector<16xf32>,
        %gather3A_1070 = tpu.vector_load_idx %arg8[%add3A_1068] : memref<8192xf32, #tpu.memory_space<vmem>>[vector<16xi32>], vector<16xf32>,
        %gather3A_1071 = tpu.vector_load_idx %arg9[%add3A_1068] : memref<8192xf32, #tpu.memory_space<vmem>>[vector<16xi32>], vector<16xf32>,
        %sub3A_1072 = arith.subf %gather3A_1069, %gather3A : vector<16xf32>
        %sub3A_1073 = arith.subf %gather3A_1070, %gather3A_839 : vector<16xf32>
        %sub3A_1074 = arith.subf %gather3A_1071, %gather3A_840 : vector<16xf32>
        %mul3A_1075 = arith.mulf %sub3A_1072, %sub3A_1072 : vector<16xf32>
        %mul3A_1076 = arith.mulf %sub3A_1073, %sub3A_1073 : vector<16xf32>
        %add3A_1077 = arith.addf %mul3A_1075, %mul3A_1076 : vector<16xf32>
        %mul3A_1078 = arith.mulf %sub3A_1074, %sub3A_1074 : vector<16xf32>
        %add3A_1079 = arith.addf %add3A_1077, %mul3A_1078 : vector<16xf32>
        %lt3A_1080 = vector.broadcast %scan3A_10 : f32 to vector<16xf32>
        %lt3A_1081 = arith.cmpf olt, %add3A_1079, %lt3A_1080 : vector<16xf32>
        %convert_element_type3A_1082 = arith.extui %lt3A_1081 : vector<16xi1> to vector<16xi32>
        %broadcast_in_dim3A_1083 = arith.constant true
        %broadcast_in_dim3A_1084 = vector.broadcast %broadcast_in_dim3A_1083 : i1 to vector<16xi1>
        %masked_cumsum3A_1085 = tpu.scan <sum>, %convert_element_type3A_1082 masked %broadcast_in_dim3A_1084 : vector<16xi32>, vector<16xi1> -> vector<16xi32>
        %add3A_1086 = arith.addi %add3A_1064, %masked_cumsum3A_1085 : vector<16xi32>
        %sub3A_1087 = arith.constant 1 : i32
        %sub3A_1088 = vector.broadcast %sub3A_1087 : i32 to vector<16xi32>
        %sub3A_1089 = arith.subi %add3A_1086, %sub3A_1088 : vector<16xi32>
        tpu.vector_store_idx %arg13[%sub3A_1089], %add3A_1068 masked %lt3A_1081 : memref<192xi32, #tpu.memory_space<vmem>>[vector<16xi32>], vector<16xi32>, vector<16xi1>
        %all_reduce_population_count3A_1090 = tpu.all_reduce %lt3A_1081 {dim = 0 : i64, kind = #tpu.reduction_kind<sum>} : vector<16xi1> -> vector<16xi32>
        %add3A_1091 = arith.addi %add3A_1064, %all_reduce_population_count3A_1090 : vector<16xi32>
        %add3A_1092 = arith.constant 128 : i32
        %add3A_1093 = arith.addi %while3A_877, %add3A_1092 : i32
        %reduce_max3A = arith.constant true
        %reduce_max3A_1094 = vector.broadcast %reduce_max3A : i1 to vector<16xi1>
        %reduce_max3A_1095 = arith.constant -2147483648 : i32
        %reduce_max3A_1096 = vector.broadcast %reduce_max3A_1095 : i32 to vector<16xi32>
        %reduce_max3A_1097 = arith.xori %add3A_1091, %reduce_max3A_1096 : vector<16xi32>
        %reduce_max3A_1098 = tpu.scan <max>, %reduce_max3A_1097 masked %reduce_max3A_1094 : vector<16xi32>, vector<16xi1> -> vector<16xi32>
        %reduce_max3A_1099 = arith.xori %reduce_max3A_1098, %reduce_max3A_1096 : vector<16xi32>
        %reduce_max3A_1100 = vector.extract %reduce_max3A_1099[15] : i32 from vector<16xi32>
        scf.yield %add3A_1093, %reduce_max3A_1100, %add3A_1091 : i32, i32, vector<16xi32>
      }
      %min3A = arith.constant 32 : i32
      %min3A_843 = arith.minsi %while3A_842#1, %min3A : i32
      %broadcast_in_dim3A_844 = vector.broadcast %min3A_843 : i32 to vector<16xi32>
      %gather3A_845 = tpu.vector_load_idx %arg13[%broadcast_in_dim3A_1] : memref<192xi32, #tpu.memory_space<vmem>>[vector<16xi32>], vector<16xi32>,
      %add3A_846 = arith.constant 0 : i32
      %add3A_847 = vector.broadcast %add3A_846 : i32 to vector<16xi32>
      %add3A_848 = arith.addi %iota3A, %add3A_847 : vector<16xi32>
      %get3A = arith.constant 0 : index
      %get3A_849 = tpu.vector_load %arg13[%get3A] {strides = array<i32>} : memref<192xi32, #tpu.memory_space<vmem>>, vector<16xi32>,
      %lt3A = arith.cmpi slt, %add3A_848, %broadcast_in_dim3A_844 : vector<16xi32>
      %select_n3A = arith.select %lt3A, %get3A_849, %gather3A_845 : vector<16xi1>, vector<16xi32>
      %add3A_850 = arith.constant 0 : i32
      %add3A_851 = vector.broadcast %add3A_850 : i32 to vector<16xi32>
      %add3A_852 = arith.addi %select_n3A, %add3A_851 : vector<16xi32>
      %mul3A_853 = arith.constant 32 : i32
      %mul3A_854 = arith.muli %scan3A_836, %mul3A_853 : i32
      %add3A_855 = arith.constant 0 : i32
      %add3A_856 = arith.addi %mul3A_854, %add3A_855 : i32
      %broadcast_in_dim3A_857 = vector.broadcast %add3A_856 : i32 to vector<16xi32>
      %add3A_858 = arith.addi %broadcast_in_dim3A_857, %iota3A : vector<16xi32>
      tpu.vector_store_idx %arg14[%add3A_858], %add3A_852 : memref<2048xi32, #tpu.memory_space<vmem>>[vector<16xi32>], vector<16xi32>,
      %add3A_859 = arith.constant 16 : i32
      %add3A_860 = vector.broadcast %add3A_859 : i32 to vector<16xi32>
      %add3A_861 = arith.addi %iota3A, %add3A_860 : vector<16xi32>
      %get3A_862 = arith.constant 16 : index
      %get3A_863 = tpu.vector_load %arg13[%get3A_862] {strides = array<i32>} : memref<192xi32, #tpu.memory_space<vmem>>, vector<16xi32>,
      %lt3A_864 = arith.cmpi slt, %add3A_861, %broadcast_in_dim3A_844 : vector<16xi32>
      %select_n3A_865 = arith.select %lt3A_864, %get3A_863, %gather3A_845 : vector<16xi1>, vector<16xi32>
      %add3A_866 = arith.constant 0 : i32
      %add3A_867 = vector.broadcast %add3A_866 : i32 to vector<16xi32>
      %add3A_868 = arith.addi %select_n3A_865, %add3A_867 : vector<16xi32>
      %mul3A_869 = arith.constant 32 : i32
      %mul3A_870 = arith.muli %scan3A_836, %mul3A_869 : i32
      %add3A_871 = arith.constant 16 : i32
      %add3A_872 = arith.addi %mul3A_870, %add3A_871 : i32
      %broadcast_in_dim3A_873 = vector.broadcast %add3A_872 : i32 to vector<16xi32>
      %add3A_874 = arith.addi %broadcast_in_dim3A_873, %iota3A : vector<16xi32>
      tpu.vector_store_idx %arg14[%add3A_874], %add3A_868 : memref<2048xi32, #tpu.memory_space<vmem>>[vector<16xi32>], vector<16xi32>,
      %eq3A = arith.constant 0 : i32
      %eq3A_875 = vector.broadcast %eq3A : i32 to vector<16xi32>
      %eq3A_876 = arith.cmpi eq, %iota3A, %eq3A_875 : vector<16xi32>
      tpu.vector_store_idx %arg15[%broadcast_in_dim3A_838], %broadcast_in_dim3A_844 masked %eq3A_876 : memref<64xi32, #tpu.memory_space<vmem>>[vector<16xi32>], vector<16xi32>, vector<16xi1>
    }
    %scan3A_15 = arith.constant 64 : i32
    %mul3A_16 = arith.constant 64 : i32
    %mul3A_17 = arith.muli %add3A, %mul3A_16 : i32
    %add3A_18 = arith.constant 0 : i32
    %add3A_19 = arith.addi %add3A_18, %mul3A_17 : i32
    "tpu.region"() ({
      %run_scoped3A_836 = tpu.sem_alloc : memref<!tpu.dma_semaphore, #tpu.memory_space<semaphore_mem>>
      %dma_start3A_837 = tpu.memref_slice %arg6[%add3A_19] : memref<4096xi32, #tpu.memory_space<hbm>> -> memref<64xi32, #tpu.memory_space<hbm>>
      %dma_start3A_838 = tpu.memref_slice %arg6[%add3A_19] : memref<4096xi32, #tpu.memory_space<hbm>> -> memref<64xi32, #tpu.memory_space<hbm>>
      tpu.enqueue_dma source(%arg15 : memref<64xi32, #tpu.memory_space<vmem>>) target(%dma_start3A_838 : memref<64xi32, #tpu.memory_space<hbm>>) target_semaphore(%run_scoped3A_836 : memref<!tpu.dma_semaphore, #tpu.memory_space<semaphore_mem>>)
      %dma_wait3A_839 = tpu.memref_slice %arg6[%add3A_19] : memref<4096xi32, #tpu.memory_space<hbm>> -> memref<64xi32, #tpu.memory_space<hbm>>
      %dma_wait3A_840 = tpu.memref_slice %arg6[%add3A_19] : memref<4096xi32, #tpu.memory_space<hbm>> -> memref<64xi32, #tpu.memory_space<hbm>>
      tpu.wait_dma2 semaphore(%run_scoped3A_836 : memref<!tpu.dma_semaphore, #tpu.memory_space<semaphore_mem>>) src(%arg15 : memref<64xi32, #tpu.memory_space<vmem>>) dst(%dma_wait3A_840 : memref<64xi32, #tpu.memory_space<hbm>>)
      tpu.yield
    }) : () -> ()
    %dma_start3A = arith.constant 0 : i32
    %dma_start3A_20 = arith.constant 0 : i32
    %dma_start3A_21 = arith.constant 0 : i32
    %dma_start3A_22 = tpu.memref_slice %arg16[%dma_start3A, %dma_start3A_20, %dma_start3A_21] : memref<2x128x32xf32, #tpu.memory_space<vmem>> -> memref<1x128x32xf32, #tpu.memory_space<vmem>>
    %dma_start3A_23 = tpu.memref_squeeze %dma_start3A_22 : memref<1x128x32xf32, #tpu.memory_space<vmem>> -> memref<128x32xf32, #tpu.memory_space<vmem>>
    %dma_start3A_24 = arith.constant 0 : i32
    %dma_start3A_25 = tpu.memref_slice %arg14[%dma_start3A_24] : memref<2048xi32, #tpu.memory_space<vmem>> -> memref<128xi32, #tpu.memory_space<vmem>>
    %dma_start3A_26 = arith.constant 0 : i32
    %dma_start3A_27 = arith.constant 0 : i32
    %dma_start3A_28 = tpu.memref_slice %arg4[%dma_start3A_26, %dma_start3A_27] : memref<16384x32xf32, #tpu.memory_space<hbm>> -> memref<16384x32xf32, #tpu.memory_space<hbm>>
    tpu.enqueue_indirect_dma source(%dma_start3A_28 : memref<16384x32xf32, #tpu.memory_space<hbm>>) target(%dma_start3A_23 : memref<128x32xf32, #tpu.memory_space<vmem>>) offsets(%dma_start3A_25 : memref<128xi32, #tpu.memory_space<vmem>>) semaphore(%arg17 : memref<!tpu.dma_semaphore, #tpu.memory_space<semaphore_mem>>)
    %dma_start3A_29 = arith.constant 1 : i32
    %dma_start3A_30 = arith.constant 0 : i32
    %dma_start3A_31 = arith.constant 0 : i32
    %dma_start3A_32 = tpu.memref_slice %arg16[%dma_start3A_29, %dma_start3A_30, %dma_start3A_31] : memref<2x128x32xf32, #tpu.memory_space<vmem>> -> memref<1x128x32xf32, #tpu.memory_space<vmem>>
    %dma_start3A_33 = tpu.memref_squeeze %dma_start3A_32 : memref<1x128x32xf32, #tpu.memory_space<vmem>> -> memref<128x32xf32, #tpu.memory_space<vmem>>
    %dma_start3A_34 = arith.constant 128 : i32
    %dma_start3A_35 = tpu.memref_slice %arg14[%dma_start3A_34] : memref<2048xi32, #tpu.memory_space<vmem>> -> memref<128xi32, #tpu.memory_space<vmem>>
    %dma_start3A_36 = arith.constant 0 : i32
    %dma_start3A_37 = arith.constant 0 : i32
    %dma_start3A_38 = tpu.memref_slice %arg4[%dma_start3A_36, %dma_start3A_37] : memref<16384x32xf32, #tpu.memory_space<hbm>> -> memref<16384x32xf32, #tpu.memory_space<hbm>>
    tpu.enqueue_indirect_dma source(%dma_start3A_38 : memref<16384x32xf32, #tpu.memory_space<hbm>>) target(%dma_start3A_33 : memref<128x32xf32, #tpu.memory_space<vmem>>) offsets(%dma_start3A_35 : memref<128xi32, #tpu.memory_space<vmem>>) semaphore(%arg17 : memref<!tpu.dma_semaphore, #tpu.memory_space<semaphore_mem>>)
    %dma_wait3A = arith.constant 0 : i32
    %dma_wait3A_39 = arith.constant 0 : i32
    %dma_wait3A_40 = arith.constant 0 : i32
    %dma_wait3A_41 = tpu.memref_slice %arg16[%dma_wait3A, %dma_wait3A_39, %dma_wait3A_40] : memref<2x128x32xf32, #tpu.memory_space<vmem>> -> memref<1x128x32xf32, #tpu.memory_space<vmem>>
    %dma_wait3A_42 = tpu.memref_squeeze %dma_wait3A_41 : memref<1x128x32xf32, #tpu.memory_space<vmem>> -> memref<128x32xf32, #tpu.memory_space<vmem>>
    %dma_wait3A_43 = arith.constant 0 : i32
    %dma_wait3A_44 = tpu.memref_slice %arg14[%dma_wait3A_43] : memref<2048xi32, #tpu.memory_space<vmem>> -> memref<128xi32, #tpu.memory_space<vmem>>
    %dma_wait3A_45 = arith.constant 0 : i32
    %dma_wait3A_46 = arith.constant 0 : i32
    %dma_wait3A_47 = tpu.memref_slice %arg4[%dma_wait3A_45, %dma_wait3A_46] : memref<16384x32xf32, #tpu.memory_space<hbm>> -> memref<16384x32xf32, #tpu.memory_space<hbm>>
    tpu.wait_indirect_dma semaphore(%arg17 : memref<!tpu.dma_semaphore, #tpu.memory_space<semaphore_mem>>) src(%dma_wait3A_47 : memref<16384x32xf32, #tpu.memory_space<hbm>>) dst(%dma_wait3A_42 : memref<128x32xf32, #tpu.memory_space<vmem>>)
    %mul3A_48 = arith.constant 32 : i32
    %mul3A_49 = arith.muli %add3A_19, %mul3A_48 : i32
    %add3A_50 = arith.constant 0 : i32
    %add3A_51 = arith.addi %mul3A_49, %add3A_50 : i32
    %run_scoped3A = arith.constant 0 : i32
    "tpu.region"() ({
      %run_scoped3A_836 = tpu.sem_alloc : memref<!tpu.dma_semaphore, #tpu.memory_space<semaphore_mem>>
      %dma_start3A_837 = arith.constant 0 : i32
      %dma_start3A_838 = arith.constant 0 : i32
      %dma_start3A_839 = tpu.memref_slice %arg16[%run_scoped3A, %dma_start3A_837, %dma_start3A_838] : memref<2x128x32xf32, #tpu.memory_space<vmem>> -> memref<1x128x32xf32, #tpu.memory_space<vmem>>
      %dma_start3A_840 = tpu.memref_squeeze %dma_start3A_839 : memref<1x128x32xf32, #tpu.memory_space<vmem>> -> memref<128x32xf32, #tpu.memory_space<vmem>>
      %dma_start3A_841 = arith.constant 0 : i32
      %dma_start3A_842 = tpu.memref_slice %arg5[%add3A_51, %dma_start3A_841] : memref<131072x32xf32, #tpu.memory_space<hbm>> -> memref<128x32xf32, #tpu.memory_space<hbm>>
      %dma_start3A_843 = arith.constant 0 : i32
      %dma_start3A_844 = tpu.memref_slice %arg5[%add3A_51, %dma_start3A_843] : memref<131072x32xf32, #tpu.memory_space<hbm>> -> memref<128x32xf32, #tpu.memory_space<hbm>>
      %dma_start3A_845 = arith.constant 0 : i32
      %dma_start3A_846 = arith.constant 0 : i32
      %dma_start3A_847 = tpu.memref_slice %arg16[%run_scoped3A, %dma_start3A_845, %dma_start3A_846] : memref<2x128x32xf32, #tpu.memory_space<vmem>> -> memref<1x128x32xf32, #tpu.memory_space<vmem>>
      %dma_start3A_848 = tpu.memref_squeeze %dma_start3A_847 : memref<1x128x32xf32, #tpu.memory_space<vmem>> -> memref<128x32xf32, #tpu.memory_space<vmem>>
      tpu.enqueue_dma source(%dma_start3A_848 : memref<128x32xf32, #tpu.memory_space<vmem>>) target(%dma_start3A_844 : memref<128x32xf32, #tpu.memory_space<hbm>>) target_semaphore(%run_scoped3A_836 : memref<!tpu.dma_semaphore, #tpu.memory_space<semaphore_mem>>)
      %dma_wait3A_849 = arith.constant 0 : i32
      %dma_wait3A_850 = arith.constant 0 : i32
      %dma_wait3A_851 = tpu.memref_slice %arg16[%run_scoped3A, %dma_wait3A_849, %dma_wait3A_850] : memref<2x128x32xf32, #tpu.memory_space<vmem>> -> memref<1x128x32xf32, #tpu.memory_space<vmem>>
      %dma_wait3A_852 = tpu.memref_squeeze %dma_wait3A_851 : memref<1x128x32xf32, #tpu.memory_space<vmem>> -> memref<128x32xf32, #tpu.memory_space<vmem>>
      %dma_wait3A_853 = arith.constant 0 : i32
      %dma_wait3A_854 = tpu.memref_slice %arg5[%add3A_51, %dma_wait3A_853] : memref<131072x32xf32, #tpu.memory_space<hbm>> -> memref<128x32xf32, #tpu.memory_space<hbm>>
      %dma_wait3A_855 = arith.constant 0 : i32
      %dma_wait3A_856 = tpu.memref_slice %arg5[%add3A_51, %dma_wait3A_855] : memref<131072x32xf32, #tpu.memory_space<hbm>> -> memref<128x32xf32, #tpu.memory_space<hbm>>
      %dma_wait3A_857 = arith.constant 0 : i32
      %dma_wait3A_858 = arith.constant 0 : i32
      %dma_wait3A_859 = tpu.memref_slice %arg16[%run_scoped3A, %dma_wait3A_857, %dma_wait3A_858] : memref<2x128x32xf32, #tpu.memory_space<vmem>> -> memref<1x128x32xf32, #tpu.memory_space<vmem>>
      %dma_wait3A_860 = tpu.memref_squeeze %dma_wait3A_859 : memref<1x128x32xf32, #tpu.memory_space<vmem>> -> memref<128x32xf32, #tpu.memory_space<vmem>>
      tpu.wait_dma2 semaphore(%run_scoped3A_836 : memref<!tpu.dma_semaphore, #tpu.memory_space<semaphore_mem>>) src(%dma_wait3A_860 : memref<128x32xf32, #tpu.memory_space<vmem>>) dst(%dma_wait3A_856 : memref<128x32xf32, #tpu.memory_space<hbm>>)
      tpu.yield
    }) : () -> ()
    %dma_start3A_52 = arith.constant 0 : i32
    %dma_start3A_53 = arith.constant 0 : i32
    %dma_start3A_54 = arith.constant 0 : i32
    %dma_start3A_55 = tpu.memref_slice %arg16[%dma_start3A_52, %dma_start3A_53, %dma_start3A_54] : memref<2x128x32xf32, #tpu.memory_space<vmem>> -> memref<1x128x32xf32, #tpu.memory_space<vmem>>
    %dma_start3A_56 = tpu.memref_squeeze %dma_start3A_55 : memref<1x128x32xf32, #tpu.memory_space<vmem>> -> memref<128x32xf32, #tpu.memory_space<vmem>>
    %dma_start3A_57 = arith.constant 256 : i32
    %dma_start3A_58 = tpu.memref_slice %arg14[%dma_start3A_57] : memref<2048xi32, #tpu.memory_space<vmem>> -> memref<128xi32, #tpu.memory_space<vmem>>
    %dma_start3A_59 = arith.constant 0 : i32
    %dma_start3A_60 = arith.constant 0 : i32
    %dma_start3A_61 = tpu.memref_slice %arg4[%dma_start3A_59, %dma_start3A_60] : memref<16384x32xf32, #tpu.memory_space<hbm>> -> memref<16384x32xf32, #tpu.memory_space<hbm>>
    tpu.enqueue_indirect_dma source(%dma_start3A_61 : memref<16384x32xf32, #tpu.memory_space<hbm>>) target(%dma_start3A_56 : memref<128x32xf32, #tpu.memory_space<vmem>>) offsets(%dma_start3A_58 : memref<128xi32, #tpu.memory_space<vmem>>) semaphore(%arg17 : memref<!tpu.dma_semaphore, #tpu.memory_space<semaphore_mem>>)
    %dma_wait3A_62 = arith.constant 1 : i32
    %dma_wait3A_63 = arith.constant 0 : i32
    %dma_wait3A_64 = arith.constant 0 : i32
    %dma_wait3A_65 = tpu.memref_slice %arg16[%dma_wait3A_62, %dma_wait3A_63, %dma_wait3A_64] : memref<2x128x32xf32, #tpu.memory_space<vmem>> -> memref<1x128x32xf32, #tpu.memory_space<vmem>>
    %dma_wait3A_66 = tpu.memref_squeeze %dma_wait3A_65 : memref<1x128x32xf32, #tpu.memory_space<vmem>> -> memref<128x32xf32, #tpu.memory_space<vmem>>
    %dma_wait3A_67 = arith.constant 128 : i32
    %dma_wait3A_68 = tpu.memref_slice %arg14[%dma_wait3A_67] : memref<2048xi32, #tpu.memory_space<vmem>> -> memref<128xi32, #tpu.memory_space<vmem>>
    %dma_wait3A_69 = arith.constant 0 : i32
    %dma_wait3A_70 = arith.constant 0 : i32
    %dma_wait3A_71 = tpu.memref_slice %arg4[%dma_wait3A_69, %dma_wait3A_70] : memref<16384x32xf32, #tpu.memory_space<hbm>> -> memref<16384x32xf32, #tpu.memory_space<hbm>>
    tpu.wait_indirect_dma semaphore(%arg17 : memref<!tpu.dma_semaphore, #tpu.memory_space<semaphore_mem>>) src(%dma_wait3A_71 : memref<16384x32xf32, #tpu.memory_space<hbm>>) dst(%dma_wait3A_66 : memref<128x32xf32, #tpu.memory_space<vmem>>)
    %mul3A_72 = arith.constant 32 : i32
    %mul3A_73 = arith.muli %add3A_19, %mul3A_72 : i32
    %add3A_74 = arith.constant 128 : i32
    %add3A_75 = arith.addi %mul3A_73, %add3A_74 : i32
    %run_scoped3A_76 = arith.constant 1 : i32
    "tpu.region"() ({
      %run_scoped3A_836 = tpu.sem_alloc : memref<!tpu.dma_semaphore, #tpu.memory_space<semaphore_mem>>
      %dma_start3A_837 = arith.constant 0 : i32
      %dma_start3A_838 = arith.constant 0 : i32
      %dma_start3A_839 = tpu.memref_slice %arg16[%run_scoped3A_76, %dma_start3A_837, %dma_start3A_838] : memref<2x128x32xf32, #tpu.memory_space<vmem>> -> memref<1x128x32xf32, #tpu.memory_space<vmem>>
      %dma_start3A_840 = tpu.memref_squeeze %dma_start3A_839 : memref<1x128x32xf32, #tpu.memory_space<vmem>> -> memref<128x32xf32, #tpu.memory_space<vmem>>
      %dma_start3A_841 = arith.constant 0 : i32
      %dma_start3A_842 = tpu.memref_slice %arg5[%add3A_75, %dma_start3A_841] : memref<131072x32xf32, #tpu.memory_space<hbm>> -> memref<128x32xf32, #tpu.memory_space<hbm>>
      %dma_start3A_843 = arith.constant 0 : i32
      %dma_start3A_844 = tpu.memref_slice %arg5[%add3A_75, %dma_start3A_843] : memref<131072x32xf32, #tpu.memory_space<hbm>> -> memref<128x32xf32, #tpu.memory_space<hbm>>
      %dma_start3A_845 = arith.constant 0 : i32
      %dma_start3A_846 = arith.constant 0 : i32
      %dma_start3A_847 = tpu.memref_slice %arg16[%run_scoped3A_76, %dma_start3A_845, %dma_start3A_846] : memref<2x128x32xf32, #tpu.memory_space<vmem>> -> memref<1x128x32xf32, #tpu.memory_space<vmem>>
      %dma_start3A_848 = tpu.memref_squeeze %dma_start3A_847 : memref<1x128x32xf32, #tpu.memory_space<vmem>> -> memref<128x32xf32, #tpu.memory_space<vmem>>
      tpu.enqueue_dma source(%dma_start3A_848 : memref<128x32xf32, #tpu.memory_space<vmem>>) target(%dma_start3A_844 : memref<128x32xf32, #tpu.memory_space<hbm>>) target_semaphore(%run_scoped3A_836 : memref<!tpu.dma_semaphore, #tpu.memory_space<semaphore_mem>>)
      %dma_wait3A_849 = arith.constant 0 : i32
      %dma_wait3A_850 = arith.constant 0 : i32
      %dma_wait3A_851 = tpu.memref_slice %arg16[%run_scoped3A_76, %dma_wait3A_849, %dma_wait3A_850] : memref<2x128x32xf32, #tpu.memory_space<vmem>> -> memref<1x128x32xf32, #tpu.memory_space<vmem>>
      %dma_wait3A_852 = tpu.memref_squeeze %dma_wait3A_851 : memref<1x128x32xf32, #tpu.memory_space<vmem>> -> memref<128x32xf32, #tpu.memory_space<vmem>>
      %dma_wait3A_853 = arith.constant 0 : i32
      %dma_wait3A_854 = tpu.memref_slice %arg5[%add3A_75, %dma_wait3A_853] : memref<131072x32xf32, #tpu.memory_space<hbm>> -> memref<128x32xf32, #tpu.memory_space<hbm>>
      %dma_wait3A_855 = arith.constant 0 : i32
      %dma_wait3A_856 = tpu.memref_slice %arg5[%add3A_75, %dma_wait3A_855] : memref<131072x32xf32, #tpu.memory_space<hbm>> -> memref<128x32xf32, #tpu.memory_space<hbm>>
      %dma_wait3A_857 = arith.constant 0 : i32
      %dma_wait3A_858 = arith.constant 0 : i32
      %dma_wait3A_859 = tpu.memref_slice %arg16[%run_scoped3A_76, %dma_wait3A_857, %dma_wait3A_858] : memref<2x128x32xf32, #tpu.memory_space<vmem>> -> memref<1x128x32xf32, #tpu.memory_space<vmem>>
      %dma_wait3A_860 = tpu.memref_squeeze %dma_wait3A_859 : memref<1x128x32xf32, #tpu.memory_space<vmem>> -> memref<128x32xf32, #tpu.memory_space<vmem>>
      tpu.wait_dma2 semaphore(%run_scoped3A_836 : memref<!tpu.dma_semaphore, #tpu.memory_space<semaphore_mem>>) src(%dma_wait3A_860 : memref<128x32xf32, #tpu.memory_space<vmem>>) dst(%dma_wait3A_856 : memref<128x32xf32, #tpu.memory_space<hbm>>)
      tpu.yield
    }) : () -> ()
    %dma_start3A_77 = arith.constant 1 : i32
    %dma_start3A_78 = arith.constant 0 : i32
    %dma_start3A_79 = arith.constant 0 : i32
    %dma_start3A_80 = tpu.memref_slice %arg16[%dma_start3A_77, %dma_start3A_78, %dma_start3A_79] : memref<2x128x32xf32, #tpu.memory_space<vmem>> -> memref<1x128x32xf32, #tpu.memory_space<vmem>>
    %dma_start3A_81 = tpu.memref_squeeze %dma_start3A_80 : memref<1x128x32xf32, #tpu.memory_space<vmem>> -> memref<128x32xf32, #tpu.memory_space<vmem>>
    %dma_start3A_82 = arith.constant 384 : i32
    %dma_start3A_83 = tpu.memref_slice %arg14[%dma_start3A_82] : memref<2048xi32, #tpu.memory_space<vmem>> -> memref<128xi32, #tpu.memory_space<vmem>>
    %dma_start3A_84 = arith.constant 0 : i32
    %dma_start3A_85 = arith.constant 0 : i32
    %dma_start3A_86 = tpu.memref_slice %arg4[%dma_start3A_84, %dma_start3A_85] : memref<16384x32xf32, #tpu.memory_space<hbm>> -> memref<16384x32xf32, #tpu.memory_space<hbm>>
    tpu.enqueue_indirect_dma source(%dma_start3A_86 : memref<16384x32xf32, #tpu.memory_space<hbm>>) target(%dma_start3A_81 : memref<128x32xf32, #tpu.memory_space<vmem>>) offsets(%dma_start3A_83 : memref<128xi32, #tpu.memory_space<vmem>>) semaphore(%arg17 : memref<!tpu.dma_semaphore, #tpu.memory_space<semaphore_mem>>)
    %dma_wait3A_87 = arith.constant 0 : i32
    %dma_wait3A_88 = arith.constant 0 : i32
    %dma_wait3A_89 = arith.constant 0 : i32
    %dma_wait3A_90 = tpu.memref_slice %arg16[%dma_wait3A_87, %dma_wait3A_88, %dma_wait3A_89] : memref<2x128x32xf32, #tpu.memory_space<vmem>> -> memref<1x128x32xf32, #tpu.memory_space<vmem>>
    %dma_wait3A_91 = tpu.memref_squeeze %dma_wait3A_90 : memref<1x128x32xf32, #tpu.memory_space<vmem>> -> memref<128x32xf32, #tpu.memory_space<vmem>>
    %dma_wait3A_92 = arith.constant 256 : i32
    %dma_wait3A_93 = tpu.memref_slice %arg14[%dma_wait3A_92] : memref<2048xi32, #tpu.memory_space<vmem>> -> memref<128xi32, #tpu.memory_space<vmem>>
    %dma_wait3A_94 = arith.constant 0 : i32
    %dma_wait3A_95 = arith.constant 0 : i32
    %dma_wait3A_96 = tpu.memref_slice %arg4[%dma_wait3A_94, %dma_wait3A_95] : memref<16384x32xf32, #tpu.memory_space<hbm>> -> memref<16384x32xf32, #tpu.memory_space<hbm>>
    tpu.wait_indirect_dma semaphore(%arg17 : memref<!tpu.dma_semaphore, #tpu.memory_space<semaphore_mem>>) src(%dma_wait3A_96 : memref<16384x32xf32, #tpu.memory_space<hbm>>) dst(%dma_wait3A_91 : memref<128x32xf32, #tpu.memory_space<vmem>>)
    %mul3A_97 = arith.constant 32 : i32
    %mul3A_98 = arith.muli %add3A_19, %mul3A_97 : i32
    %add3A_99 = arith.constant 256 : i32
    %add3A_100 = arith.addi %mul3A_98, %add3A_99 : i32
    %run_scoped3A_101 = arith.constant 0 : i32
    "tpu.region"() ({
      %run_scoped3A_836 = tpu.sem_alloc : memref<!tpu.dma_semaphore, #tpu.memory_space<semaphore_mem>>
      %dma_start3A_837 = arith.constant 0 : i32
      %dma_start3A_838 = arith.constant 0 : i32
      %dma_start3A_839 = tpu.memref_slice %arg16[%run_scoped3A_101, %dma_start3A_837, %dma_start3A_838] : memref<2x128x32xf32, #tpu.memory_space<vmem>> -> memref<1x128x32xf32, #tpu.memory_space<vmem>>
      %dma_start3A_840 = tpu.memref_squeeze %dma_start3A_839 : memref<1x128x32xf32, #tpu.memory_space<vmem>> -> memref<128x32xf32, #tpu.memory_space<vmem>>
      %dma_start3A_841 = arith.constant 0 : i32
      %dma_start3A_842 = tpu.memref_slice %arg5[%add3A_100, %dma_start3A_841] : memref<131072x32xf32, #tpu.memory_space<hbm>> -> memref<128x32xf32, #tpu.memory_space<hbm>>
      %dma_start3A_843 = arith.constant 0 : i32
      %dma_start3A_844 = tpu.memref_slice %arg5[%add3A_100, %dma_start3A_843] : memref<131072x32xf32, #tpu.memory_space<hbm>> -> memref<128x32xf32, #tpu.memory_space<hbm>>
      %dma_start3A_845 = arith.constant 0 : i32
      %dma_start3A_846 = arith.constant 0 : i32
      %dma_start3A_847 = tpu.memref_slice %arg16[%run_scoped3A_101, %dma_start3A_845, %dma_start3A_846] : memref<2x128x32xf32, #tpu.memory_space<vmem>> -> memref<1x128x32xf32, #tpu.memory_space<vmem>>
      %dma_start3A_848 = tpu.memref_squeeze %dma_start3A_847 : memref<1x128x32xf32, #tpu.memory_space<vmem>> -> memref<128x32xf32, #tpu.memory_space<vmem>>
      tpu.enqueue_dma source(%dma_start3A_848 : memref<128x32xf32, #tpu.memory_space<vmem>>) target(%dma_start3A_844 : memref<128x32xf32, #tpu.memory_space<hbm>>) target_semaphore(%run_scoped3A_836 : memref<!tpu.dma_semaphore, #tpu.memory_space<semaphore_mem>>)
      %dma_wait3A_849 = arith.constant 0 : i32
      %dma_wait3A_850 = arith.constant 0 : i32
      %dma_wait3A_851 = tpu.memref_slice %arg16[%run_scoped3A_101, %dma_wait3A_849, %dma_wait3A_850] : memref<2x128x32xf32, #tpu.memory_space<vmem>> -> memref<1x128x32xf32, #tpu.memory_space<vmem>>
      %dma_wait3A_852 = tpu.memref_squeeze %dma_wait3A_851 : memref<1x128x32xf32, #tpu.memory_space<vmem>> -> memref<128x32xf32, #tpu.memory_space<vmem>>
      %dma_wait3A_853 = arith.constant 0 : i32
      %dma_wait3A_854 = tpu.memref_slice %arg5[%add3A_100, %dma_wait3A_853] : memref<131072x32xf32, #tpu.memory_space<hbm>> -> memref<128x32xf32, #tpu.memory_space<hbm>>
      %dma_wait3A_855 = arith.constant 0 : i32
      %dma_wait3A_856 = tpu.memref_slice %arg5[%add3A_100, %dma_wait3A_855] : memref<131072x32xf32, #tpu.memory_space<hbm>> -> memref<128x32xf32, #tpu.memory_space<hbm>>
      %dma_wait3A_857 = arith.constant 0 : i32
      %dma_wait3A_858 = arith.constant 0 : i32
      %dma_wait3A_859 = tpu.memref_slice %arg16[%run_scoped3A_101, %dma_wait3A_857, %dma_wait3A_858] : memref<2x128x32xf32, #tpu.memory_space<vmem>> -> memref<1x128x32xf32, #tpu.memory_space<vmem>>
      %dma_wait3A_860 = tpu.memref_squeeze %dma_wait3A_859 : memref<1x128x32xf32, #tpu.memory_space<vmem>> -> memref<128x32xf32, #tpu.memory_space<vmem>>
      tpu.wait_dma2 semaphore(%run_scoped3A_836 : memref<!tpu.dma_semaphore, #tpu.memory_space<semaphore_mem>>) src(%dma_wait3A_860 : memref<128x32xf32, #tpu.memory_space<vmem>>) dst(%dma_wait3A_856 : memref<128x32xf32, #tpu.memory_space<hbm>>)
      tpu.yield
    }) : () -> ()
    %dma_start3A_102 = arith.constant 0 : i32
    %dma_start3A_103 = arith.constant 0 : i32
    %dma_start3A_104 = arith.constant 0 : i32
    %dma_start3A_105 = tpu.memref_slice %arg16[%dma_start3A_102, %dma_start3A_103, %dma_start3A_104] : memref<2x128x32xf32, #tpu.memory_space<vmem>> -> memref<1x128x32xf32, #tpu.memory_space<vmem>>
    %dma_start3A_106 = tpu.memref_squeeze %dma_start3A_105 : memref<1x128x32xf32, #tpu.memory_space<vmem>> -> memref<128x32xf32, #tpu.memory_space<vmem>>
    %dma_start3A_107 = arith.constant 512 : i32
    %dma_start3A_108 = tpu.memref_slice %arg14[%dma_start3A_107] : memref<2048xi32, #tpu.memory_space<vmem>> -> memref<128xi32, #tpu.memory_space<vmem>>
    %dma_start3A_109 = arith.constant 0 : i32
    %dma_start3A_110 = arith.constant 0 : i32
    %dma_start3A_111 = tpu.memref_slice %arg4[%dma_start3A_109, %dma_start3A_110] : memref<16384x32xf32, #tpu.memory_space<hbm>> -> memref<16384x32xf32, #tpu.memory_space<hbm>>
    tpu.enqueue_indirect_dma source(%dma_start3A_111 : memref<16384x32xf32, #tpu.memory_space<hbm>>) target(%dma_start3A_106 : memref<128x32xf32, #tpu.memory_space<vmem>>) offsets(%dma_start3A_108 : memref<128xi32, #tpu.memory_space<vmem>>) semaphore(%arg17 : memref<!tpu.dma_semaphore, #tpu.memory_space<semaphore_mem>>)
    %dma_wait3A_112 = arith.constant 1 : i32
    %dma_wait3A_113 = arith.constant 0 : i32
    %dma_wait3A_114 = arith.constant 0 : i32
    %dma_wait3A_115 = tpu.memref_slice %arg16[%dma_wait3A_112, %dma_wait3A_113, %dma_wait3A_114] : memref<2x128x32xf32, #tpu.memory_space<vmem>> -> memref<1x128x32xf32, #tpu.memory_space<vmem>>
    %dma_wait3A_116 = tpu.memref_squeeze %dma_wait3A_115 : memref<1x128x32xf32, #tpu.memory_space<vmem>> -> memref<128x32xf32, #tpu.memory_space<vmem>>
    %dma_wait3A_117 = arith.constant 384 : i32
    %dma_wait3A_118 = tpu.memref_slice %arg14[%dma_wait3A_117] : memref<2048xi32, #tpu.memory_space<vmem>> -> memref<128xi32, #tpu.memory_space<vmem>>
    %dma_wait3A_119 = arith.constant 0 : i32
    %dma_wait3A_120 = arith.constant 0 : i32
    %dma_wait3A_121 = tpu.memref_slice %arg4[%dma_wait3A_119, %dma_wait3A_120] : memref<16384x32xf32, #tpu.memory_space<hbm>> -> memref<16384x32xf32, #tpu.memory_space<hbm>>
    tpu.wait_indirect_dma semaphore(%arg17 : memref<!tpu.dma_semaphore, #tpu.memory_space<semaphore_mem>>) src(%dma_wait3A_121 : memref<16384x32xf32, #tpu.memory_space<hbm>>) dst(%dma_wait3A_116 : memref<128x32xf32, #tpu.memory_space<vmem>>)
    %mul3A_122 = arith.constant 32 : i32
    %mul3A_123 = arith.muli %add3A_19, %mul3A_122 : i32
    %add3A_124 = arith.constant 384 : i32
    %add3A_125 = arith.addi %mul3A_123, %add3A_124 : i32
    %run_scoped3A_126 = arith.constant 1 : i32
    "tpu.region"() ({
      %run_scoped3A_836 = tpu.sem_alloc : memref<!tpu.dma_semaphore, #tpu.memory_space<semaphore_mem>>
      %dma_start3A_837 = arith.constant 0 : i32
      %dma_start3A_838 = arith.constant 0 : i32
      %dma_start3A_839 = tpu.memref_slice %arg16[%run_scoped3A_126, %dma_start3A_837, %dma_start3A_838] : memref<2x128x32xf32, #tpu.memory_space<vmem>> -> memref<1x128x32xf32, #tpu.memory_space<vmem>>
      %dma_start3A_840 = tpu.memref_squeeze %dma_start3A_839 : memref<1x128x32xf32, #tpu.memory_space<vmem>> -> memref<128x32xf32, #tpu.memory_space<vmem>>
      %dma_start3A_841 = arith.constant 0 : i32
      %dma_start3A_842 = tpu.memref_slice %arg5[%add3A_125, %dma_start3A_841] : memref<131072x32xf32, #tpu.memory_space<hbm>> -> memref<128x32xf32, #tpu.memory_space<hbm>>
      %dma_start3A_843 = arith.constant 0 : i32
      %dma_start3A_844 = tpu.memref_slice %arg5[%add3A_125, %dma_start3A_843] : memref<131072x32xf32, #tpu.memory_space<hbm>> -> memref<128x32xf32, #tpu.memory_space<hbm>>
      %dma_start3A_845 = arith.constant 0 : i32
      %dma_start3A_846 = arith.constant 0 : i32
      %dma_start3A_847 = tpu.memref_slice %arg16[%run_scoped3A_126, %dma_start3A_845, %dma_start3A_846] : memref<2x128x32xf32, #tpu.memory_space<vmem>> -> memref<1x128x32xf32, #tpu.memory_space<vmem>>
      %dma_start3A_848 = tpu.memref_squeeze %dma_start3A_847 : memref<1x128x32xf32, #tpu.memory_space<vmem>> -> memref<128x32xf32, #tpu.memory_space<vmem>>
      tpu.enqueue_dma source(%dma_start3A_848 : memref<128x32xf32, #tpu.memory_space<vmem>>) target(%dma_start3A_844 : memref<128x32xf32, #tpu.memory_space<hbm>>) target_semaphore(%run_scoped3A_836 : memref<!tpu.dma_semaphore, #tpu.memory_space<semaphore_mem>>)
      %dma_wait3A_849 = arith.constant 0 : i32
      %dma_wait3A_850 = arith.constant 0 : i32
      %dma_wait3A_851 = tpu.memref_slice %arg16[%run_scoped3A_126, %dma_wait3A_849, %dma_wait3A_850] : memref<2x128x32xf32, #tpu.memory_space<vmem>> -> memref<1x128x32xf32, #tpu.memory_space<vmem>>
      %dma_wait3A_852 = tpu.memref_squeeze %dma_wait3A_851 : memref<1x128x32xf32, #tpu.memory_space<vmem>> -> memref<128x32xf32, #tpu.memory_space<vmem>>
      %dma_wait3A_853 = arith.constant 0 : i32
      %dma_wait3A_854 = tpu.memref_slice %arg5[%add3A_125, %dma_wait3A_853] : memref<131072x32xf32, #tpu.memory_space<hbm>> -> memref<128x32xf32, #tpu.memory_space<hbm>>
      %dma_wait3A_855 = arith.constant 0 : i32
      %dma_wait3A_856 = tpu.memref_slice %arg5[%add3A_125, %dma_wait3A_855] : memref<131072x32xf32, #tpu.memory_space<hbm>> -> memref<128x32xf32, #tpu.memory_space<hbm>>
      %dma_wait3A_857 = arith.constant 0 : i32
      %dma_wait3A_858 = arith.constant 0 : i32
      %dma_wait3A_859 = tpu.memref_slice %arg16[%run_scoped3A_126, %dma_wait3A_857, %dma_wait3A_858] : memref<2x128x32xf32, #tpu.memory_space<vmem>> -> memref<1x128x32xf32, #tpu.memory_space<vmem>>
      %dma_wait3A_860 = tpu.memref_squeeze %dma_wait3A_859 : memref<1x128x32xf32, #tpu.memory_space<vmem>> -> memref<128x32xf32, #tpu.memory_space<vmem>>
      tpu.wait_dma2 semaphore(%run_scoped3A_836 : memref<!tpu.dma_semaphore, #tpu.memory_space<semaphore_mem>>) src(%dma_wait3A_860 : memref<128x32xf32, #tpu.memory_space<vmem>>) dst(%dma_wait3A_856 : memref<128x32xf32, #tpu.memory_space<hbm>>)
      tpu.yield
    }) : () -> ()
    %dma_start3A_127 = arith.constant 1 : i32
    %dma_start3A_128 = arith.constant 0 : i32
    %dma_start3A_129 = arith.constant 0 : i32
    %dma_start3A_130 = tpu.memref_slice %arg16[%dma_start3A_127, %dma_start3A_128, %dma_start3A_129] : memref<2x128x32xf32, #tpu.memory_space<vmem>> -> memref<1x128x32xf32, #tpu.memory_space<vmem>>
    %dma_start3A_131 = tpu.memref_squeeze %dma_start3A_130 : memref<1x128x32xf32, #tpu.memory_space<vmem>> -> memref<128x32xf32, #tpu.memory_space<vmem>>
    %dma_start3A_132 = arith.constant 640 : i32
    %dma_start3A_133 = tpu.memref_slice %arg14[%dma_start3A_132] : memref<2048xi32, #tpu.memory_space<vmem>> -> memref<128xi32, #tpu.memory_space<vmem>>
    %dma_start3A_134 = arith.constant 0 : i32
    %dma_start3A_135 = arith.constant 0 : i32
    %dma_start3A_136 = tpu.memref_slice %arg4[%dma_start3A_134, %dma_start3A_135] : memref<16384x32xf32, #tpu.memory_space<hbm>> -> memref<16384x32xf32, #tpu.memory_space<hbm>>
    tpu.enqueue_indirect_dma source(%dma_start3A_136 : memref<16384x32xf32, #tpu.memory_space<hbm>>) target(%dma_start3A_131 : memref<128x32xf32, #tpu.memory_space<vmem>>) offsets(%dma_start3A_133 : memref<128xi32, #tpu.memory_space<vmem>>) semaphore(%arg17 : memref<!tpu.dma_semaphore, #tpu.memory_space<semaphore_mem>>)
    %dma_wait3A_137 = arith.constant 0 : i32
    %dma_wait3A_138 = arith.constant 0 : i32
    %dma_wait3A_139 = arith.constant 0 : i32
    %dma_wait3A_140 = tpu.memref_slice %arg16[%dma_wait3A_137, %dma_wait3A_138, %dma_wait3A_139] : memref<2x128x32xf32, #tpu.memory_space<vmem>> -> memref<1x128x32xf32, #tpu.memory_space<vmem>>
    %dma_wait3A_141 = tpu.memref_squeeze %dma_wait3A_140 : memref<1x128x32xf32, #tpu.memory_space<vmem>> -> memref<128x32xf32, #tpu.memory_space<vmem>>
    %dma_wait3A_142 = arith.constant 512 : i32
    %dma_wait3A_143 = tpu.memref_slice %arg14[%dma_wait3A_142] : memref<2048xi32, #tpu.memory_space<vmem>> -> memref<128xi32, #tpu.memory_space<vmem>>
    %dma_wait3A_144 = arith.constant 0 : i32
    %dma_wait3A_145 = arith.constant 0 : i32
    %dma_wait3A_146 = tpu.memref_slice %arg4[%dma_wait3A_144, %dma_wait3A_145] : memref<16384x32xf32, #tpu.memory_space<hbm>> -> memref<16384x32xf32, #tpu.memory_space<hbm>>
    tpu.wait_indirect_dma semaphore(%arg17 : memref<!tpu.dma_semaphore, #tpu.memory_space<semaphore_mem>>) src(%dma_wait3A_146 : memref<16384x32xf32, #tpu.memory_space<hbm>>) dst(%dma_wait3A_141 : memref<128x32xf32, #tpu.memory_space<vmem>>)
    %mul3A_147 = arith.constant 32 : i32
    %mul3A_148 = arith.muli %add3A_19, %mul3A_147 : i32
    %add3A_149 = arith.constant 512 : i32
    %add3A_150 = arith.addi %mul3A_148, %add3A_149 : i32
    %run_scoped3A_151 = arith.constant 0 : i32
    "tpu.region"() ({
      %run_scoped3A_836 = tpu.sem_alloc : memref<!tpu.dma_semaphore, #tpu.memory_space<semaphore_mem>>
      %dma_start3A_837 = arith.constant 0 : i32
      %dma_start3A_838 = arith.constant 0 : i32
      %dma_start3A_839 = tpu.memref_slice %arg16[%run_scoped3A_151, %dma_start3A_837, %dma_start3A_838] : memref<2x128x32xf32, #tpu.memory_space<vmem>> -> memref<1x128x32xf32, #tpu.memory_space<vmem>>
      %dma_start3A_840 = tpu.memref_squeeze %dma_start3A_839 : memref<1x128x32xf32, #tpu.memory_space<vmem>> -> memref<128x32xf32, #tpu.memory_space<vmem>>
      %dma_start3A_841 = arith.constant 0 : i32
      %dma_start3A_842 = tpu.memref_slice %arg5[%add3A_150, %dma_start3A_841] : memref<131072x32xf32, #tpu.memory_space<hbm>> -> memref<128x32xf32, #tpu.memory_space<hbm>>
      %dma_start3A_843 = arith.constant 0 : i32
      %dma_start3A_844 = tpu.memref_slice %arg5[%add3A_150, %dma_start3A_843] : memref<131072x32xf32, #tpu.memory_space<hbm>> -> memref<128x32xf32, #tpu.memory_space<hbm>>
      %dma_start3A_845 = arith.constant 0 : i32
      %dma_start3A_846 = arith.constant 0 : i32
      %dma_start3A_847 = tpu.memref_slice %arg16[%run_scoped3A_151, %dma_start3A_845, %dma_start3A_846] : memref<2x128x32xf32, #tpu.memory_space<vmem>> -> memref<1x128x32xf32, #tpu.memory_space<vmem>>
      %dma_start3A_848 = tpu.memref_squeeze %dma_start3A_847 : memref<1x128x32xf32, #tpu.memory_space<vmem>> -> memref<128x32xf32, #tpu.memory_space<vmem>>
      tpu.enqueue_dma source(%dma_start3A_848 : memref<128x32xf32, #tpu.memory_space<vmem>>) target(%dma_start3A_844 : memref<128x32xf32, #tpu.memory_space<hbm>>) target_semaphore(%run_scoped3A_836 : memref<!tpu.dma_semaphore, #tpu.memory_space<semaphore_mem>>)
      %dma_wait3A_849 = arith.constant 0 : i32
      %dma_wait3A_850 = arith.constant 0 : i32
      %dma_wait3A_851 = tpu.memref_slice %arg16[%run_scoped3A_151, %dma_wait3A_849, %dma_wait3A_850] : memref<2x128x32xf32, #tpu.memory_space<vmem>> -> memref<1x128x32xf32, #tpu.memory_space<vmem>>
      %dma_wait3A_852 = tpu.memref_squeeze %dma_wait3A_851 : memref<1x128x32xf32, #tpu.memory_space<vmem>> -> memref<128x32xf32, #tpu.memory_space<vmem>>
      %dma_wait3A_853 = arith.constant 0 : i32
      %dma_wait3A_854 = tpu.memref_slice %arg5[%add3A_150, %dma_wait3A_853] : memref<131072x32xf32, #tpu.memory_space<hbm>> -> memref<128x32xf32, #tpu.memory_space<hbm>>
      %dma_wait3A_855 = arith.constant 0 : i32
      %dma_wait3A_856 = tpu.memref_slice %arg5[%add3A_150, %dma_wait3A_855] : memref<131072x32xf32, #tpu.memory_space<hbm>> -> memref<128x32xf32, #tpu.memory_space<hbm>>
      %dma_wait3A_857 = arith.constant 0 : i32
      %dma_wait3A_858 = arith.constant 0 : i32
      %dma_wait3A_859 = tpu.memref_slice %arg16[%run_scoped3A_151, %dma_wait3A_857, %dma_wait3A_858] : memref<2x128x32xf32, #tpu.memory_space<vmem>> -> memref<1x128x32xf32, #tpu.memory_space<vmem>>
      %dma_wait3A_860 = tpu.memref_squeeze %dma_wait3A_859 : memref<1x128x32xf32, #tpu.memory_space<vmem>> -> memref<128x32xf32, #tpu.memory_space<vmem>>
      tpu.wait_dma2 semaphore(%run_scoped3A_836 : memref<!tpu.dma_semaphore, #tpu.memory_space<semaphore_mem>>) src(%dma_wait3A_860 : memref<128x32xf32, #tpu.memory_space<vmem>>) dst(%dma_wait3A_856 : memref<128x32xf32, #tpu.memory_space<hbm>>)
      tpu.yield
    }) : () -> ()
    %dma_start3A_152 = arith.constant 0 : i32
    %dma_start3A_153 = arith.constant 0 : i32
    %dma_start3A_154 = arith.constant 0 : i32
    %dma_start3A_155 = tpu.memref_slice %arg16[%dma_start3A_152, %dma_start3A_153, %dma_start3A_154] : memref<2x128x32xf32, #tpu.memory_space<vmem>> -> memref<1x128x32xf32, #tpu.memory_space<vmem>>
    %dma_start3A_156 = tpu.memref_squeeze %dma_start3A_155 : memref<1x128x32xf32, #tpu.memory_space<vmem>> -> memref<128x32xf32, #tpu.memory_space<vmem>>
    %dma_start3A_157 = arith.constant 768 : i32
    %dma_start3A_158 = tpu.memref_slice %arg14[%dma_start3A_157] : memref<2048xi32, #tpu.memory_space<vmem>> -> memref<128xi32, #tpu.memory_space<vmem>>
    %dma_start3A_159 = arith.constant 0 : i32
    %dma_start3A_160 = arith.constant 0 : i32
    %dma_start3A_161 = tpu.memref_slice %arg4[%dma_start3A_159, %dma_start3A_160] : memref<16384x32xf32, #tpu.memory_space<hbm>> -> memref<16384x32xf32, #tpu.memory_space<hbm>>
    tpu.enqueue_indirect_dma source(%dma_start3A_161 : memref<16384x32xf32, #tpu.memory_space<hbm>>) target(%dma_start3A_156 : memref<128x32xf32, #tpu.memory_space<vmem>>) offsets(%dma_start3A_158 : memref<128xi32, #tpu.memory_space<vmem>>) semaphore(%arg17 : memref<!tpu.dma_semaphore, #tpu.memory_space<semaphore_mem>>)
    %dma_wait3A_162 = arith.constant 1 : i32
    %dma_wait3A_163 = arith.constant 0 : i32
    %dma_wait3A_164 = arith.constant 0 : i32
    %dma_wait3A_165 = tpu.memref_slice %arg16[%dma_wait3A_162, %dma_wait3A_163, %dma_wait3A_164] : memref<2x128x32xf32, #tpu.memory_space<vmem>> -> memref<1x128x32xf32, #tpu.memory_space<vmem>>
    %dma_wait3A_166 = tpu.memref_squeeze %dma_wait3A_165 : memref<1x128x32xf32, #tpu.memory_space<vmem>> -> memref<128x32xf32, #tpu.memory_space<vmem>>
    %dma_wait3A_167 = arith.constant 640 : i32
    %dma_wait3A_168 = tpu.memref_slice %arg14[%dma_wait3A_167] : memref<2048xi32, #tpu.memory_space<vmem>> -> memref<128xi32, #tpu.memory_space<vmem>>
    %dma_wait3A_169 = arith.constant 0 : i32
    %dma_wait3A_170 = arith.constant 0 : i32
    %dma_wait3A_171 = tpu.memref_slice %arg4[%dma_wait3A_169, %dma_wait3A_170] : memref<16384x32xf32, #tpu.memory_space<hbm>> -> memref<16384x32xf32, #tpu.memory_space<hbm>>
    tpu.wait_indirect_dma semaphore(%arg17 : memref<!tpu.dma_semaphore, #tpu.memory_space<semaphore_mem>>) src(%dma_wait3A_171 : memref<16384x32xf32, #tpu.memory_space<hbm>>) dst(%dma_wait3A_166 : memref<128x32xf32, #tpu.memory_space<vmem>>)
    %mul3A_172 = arith.constant 32 : i32
    %mul3A_173 = arith.muli %add3A_19, %mul3A_172 : i32
    %add3A_174 = arith.constant 640 : i32
    %add3A_175 = arith.addi %mul3A_173, %add3A_174 : i32
    %run_scoped3A_176 = arith.constant 1 : i32
    "tpu.region"() ({
      %run_scoped3A_836 = tpu.sem_alloc : memref<!tpu.dma_semaphore, #tpu.memory_space<semaphore_mem>>
      %dma_start3A_837 = arith.constant 0 : i32
      %dma_start3A_838 = arith.constant 0 : i32
      %dma_start3A_839 = tpu.memref_slice %arg16[%run_scoped3A_176, %dma_start3A_837, %dma_start3A_838] : memref<2x128x32xf32, #tpu.memory_space<vmem>> -> memref<1x128x32xf32, #tpu.memory_space<vmem>>
      %dma_start3A_840 = tpu.memref_squeeze %dma_start3A_839 : memref<1x128x32xf32, #tpu.memory_space<vmem>> -> memref<128x32xf32, #tpu.memory_space<vmem>>
      %dma_start3A_841 = arith.constant 0 : i32
      %dma_start3A_842 = tpu.memref_slice %arg5[%add3A_175, %dma_start3A_841] : memref<131072x32xf32, #tpu.memory_space<hbm>> -> memref<128x32xf32, #tpu.memory_space<hbm>>
      %dma_start3A_843 = arith.constant 0 : i32
      %dma_start3A_844 = tpu.memref_slice %arg5[%add3A_175, %dma_start3A_843] : memref<131072x32xf32, #tpu.memory_space<hbm>> -> memref<128x32xf32, #tpu.memory_space<hbm>>
      %dma_start3A_845 = arith.constant 0 : i32
      %dma_start3A_846 = arith.constant 0 : i32
      %dma_start3A_847 = tpu.memref_slice %arg16[%run_scoped3A_176, %dma_start3A_845, %dma_start3A_846] : memref<2x128x32xf32, #tpu.memory_space<vmem>> -> memref<1x128x32xf32, #tpu.memory_space<vmem>>
      %dma_start3A_848 = tpu.memref_squeeze %dma_start3A_847 : memref<1x128x32xf32, #tpu.memory_space<vmem>> -> memref<128x32xf32, #tpu.memory_space<vmem>>
      tpu.enqueue_dma source(%dma_start3A_848 : memref<128x32xf32, #tpu.memory_space<vmem>>) target(%dma_start3A_844 : memref<128x32xf32, #tpu.memory_space<hbm>>) target_semaphore(%run_scoped3A_836 : memref<!tpu.dma_semaphore, #tpu.memory_space<semaphore_mem>>)
      %dma_wait3A_849 = arith.constant 0 : i32
      %dma_wait3A_850 = arith.constant 0 : i32
      %dma_wait3A_851 = tpu.memref_slice %arg16[%run_scoped3A_176, %dma_wait3A_849, %dma_wait3A_850] : memref<2x128x32xf32, #tpu.memory_space<vmem>> -> memref<1x128x32xf32, #tpu.memory_space<vmem>>
      %dma_wait3A_852 = tpu.memref_squeeze %dma_wait3A_851 : memref<1x128x32xf32, #tpu.memory_space<vmem>> -> memref<128x32xf32, #tpu.memory_space<vmem>>
      %dma_wait3A_853 = arith.constant 0 : i32
      %dma_wait3A_854 = tpu.memref_slice %arg5[%add3A_175, %dma_wait3A_853] : memref<131072x32xf32, #tpu.memory_space<hbm>> -> memref<128x32xf32, #tpu.memory_space<hbm>>
      %dma_wait3A_855 = arith.constant 0 : i32
      %dma_wait3A_856 = tpu.memref_slice %arg5[%add3A_175, %dma_wait3A_855] : memref<131072x32xf32, #tpu.memory_space<hbm>> -> memref<128x32xf32, #tpu.memory_space<hbm>>
      %dma_wait3A_857 = arith.constant 0 : i32
      %dma_wait3A_858 = arith.constant 0 : i32
      %dma_wait3A_859 = tpu.memref_slice %arg16[%run_scoped3A_176, %dma_wait3A_857, %dma_wait3A_858] : memref<2x128x32xf32, #tpu.memory_space<vmem>> -> memref<1x128x32xf32, #tpu.memory_space<vmem>>
      %dma_wait3A_860 = tpu.memref_squeeze %dma_wait3A_859 : memref<1x128x32xf32, #tpu.memory_space<vmem>> -> memref<128x32xf32, #tpu.memory_space<vmem>>
      tpu.wait_dma2 semaphore(%run_scoped3A_836 : memref<!tpu.dma_semaphore, #tpu.memory_space<semaphore_mem>>) src(%dma_wait3A_860 : memref<128x32xf32, #tpu.memory_space<vmem>>) dst(%dma_wait3A_856 : memref<128x32xf32, #tpu.memory_space<hbm>>)
      tpu.yield
    }) : () -> ()
    %dma_start3A_177 = arith.constant 1 : i32
    %dma_start3A_178 = arith.constant 0 : i32
    %dma_start3A_179 = arith.constant 0 : i32
    %dma_start3A_180 = tpu.memref_slice %arg16[%dma_start3A_177, %dma_start3A_178, %dma_start3A_179] : memref<2x128x32xf32, #tpu.memory_space<vmem>> -> memref<1x128x32xf32, #tpu.memory_space<vmem>>
    %dma_start3A_181 = tpu.memref_squeeze %dma_start3A_180 : memref<1x128x32xf32, #tpu.memory_space<vmem>> -> memref<128x32xf32, #tpu.memory_space<vmem>>
    %dma_start3A_182 = arith.constant 896 : i32
    %dma_start3A_183 = tpu.memref_slice %arg14[%dma_start3A_182] : memref<2048xi32, #tpu.memory_space<vmem>> -> memref<128xi32, #tpu.memory_space<vmem>>
    %dma_start3A_184 = arith.constant 0 : i32
    %dma_start3A_185 = arith.constant 0 : i32
    %dma_start3A_186 = tpu.memref_slice %arg4[%dma_start3A_184, %dma_start3A_185] : memref<16384x32xf32, #tpu.memory_space<hbm>> -> memref<16384x32xf32, #tpu.memory_space<hbm>>
    tpu.enqueue_indirect_dma source(%dma_start3A_186 : memref<16384x32xf32, #tpu.memory_space<hbm>>) target(%dma_start3A_181 : memref<128x32xf32, #tpu.memory_space<vmem>>) offsets(%dma_start3A_183 : memref<128xi32, #tpu.memory_space<vmem>>) semaphore(%arg17 : memref<!tpu.dma_semaphore, #tpu.memory_space<semaphore_mem>>)
    %dma_wait3A_187 = arith.constant 0 : i32
    %dma_wait3A_188 = arith.constant 0 : i32
    %dma_wait3A_189 = arith.constant 0 : i32
    %dma_wait3A_190 = tpu.memref_slice %arg16[%dma_wait3A_187, %dma_wait3A_188, %dma_wait3A_189] : memref<2x128x32xf32, #tpu.memory_space<vmem>> -> memref<1x128x32xf32, #tpu.memory_space<vmem>>
    %dma_wait3A_191 = tpu.memref_squeeze %dma_wait3A_190 : memref<1x128x32xf32, #tpu.memory_space<vmem>> -> memref<128x32xf32, #tpu.memory_space<vmem>>
    %dma_wait3A_192 = arith.constant 768 : i32
    %dma_wait3A_193 = tpu.memref_slice %arg14[%dma_wait3A_192] : memref<2048xi32, #tpu.memory_space<vmem>> -> memref<128xi32, #tpu.memory_space<vmem>>
    %dma_wait3A_194 = arith.constant 0 : i32
    %dma_wait3A_195 = arith.constant 0 : i32
    %dma_wait3A_196 = tpu.memref_slice %arg4[%dma_wait3A_194, %dma_wait3A_195] : memref<16384x32xf32, #tpu.memory_space<hbm>> -> memref<16384x32xf32, #tpu.memory_space<hbm>>
    tpu.wait_indirect_dma semaphore(%arg17 : memref<!tpu.dma_semaphore, #tpu.memory_space<semaphore_mem>>) src(%dma_wait3A_196 : memref<16384x32xf32, #tpu.memory_space<hbm>>) dst(%dma_wait3A_191 : memref<128x32xf32, #tpu.memory_space<vmem>>)
    %mul3A_197 = arith.constant 32 : i32
    %mul3A_198 = arith.muli %add3A_19, %mul3A_197 : i32
    %add3A_199 = arith.constant 768 : i32
    %add3A_200 = arith.addi %mul3A_198, %add3A_199 : i32
    %run_scoped3A_201 = arith.constant 0 : i32
    "tpu.region"() ({
      %run_scoped3A_836 = tpu.sem_alloc : memref<!tpu.dma_semaphore, #tpu.memory_space<semaphore_mem>>
      %dma_start3A_837 = arith.constant 0 : i32
      %dma_start3A_838 = arith.constant 0 : i32
      %dma_start3A_839 = tpu.memref_slice %arg16[%run_scoped3A_201, %dma_start3A_837, %dma_start3A_838] : memref<2x128x32xf32, #tpu.memory_space<vmem>> -> memref<1x128x32xf32, #tpu.memory_space<vmem>>
      %dma_start3A_840 = tpu.memref_squeeze %dma_start3A_839 : memref<1x128x32xf32, #tpu.memory_space<vmem>> -> memref<128x32xf32, #tpu.memory_space<vmem>>
      %dma_start3A_841 = arith.constant 0 : i32
      %dma_start3A_842 = tpu.memref_slice %arg5[%add3A_200, %dma_start3A_841] : memref<131072x32xf32, #tpu.memory_space<hbm>> -> memref<128x32xf32, #tpu.memory_space<hbm>>
      %dma_start3A_843 = arith.constant 0 : i32
      %dma_start3A_844 = tpu.memref_slice %arg5[%add3A_200, %dma_start3A_843] : memref<131072x32xf32, #tpu.memory_space<hbm>> -> memref<128x32xf32, #tpu.memory_space<hbm>>
      %dma_start3A_845 = arith.constant 0 : i32
      %dma_start3A_846 = arith.constant 0 : i32
      %dma_start3A_847 = tpu.memref_slice %arg16[%run_scoped3A_201, %dma_start3A_845, %dma_start3A_846] : memref<2x128x32xf32, #tpu.memory_space<vmem>> -> memref<1x128x32xf32, #tpu.memory_space<vmem>>
      %dma_start3A_848 = tpu.memref_squeeze %dma_start3A_847 : memref<1x128x32xf32, #tpu.memory_space<vmem>> -> memref<128x32xf32, #tpu.memory_space<vmem>>
      tpu.enqueue_dma source(%dma_start3A_848 : memref<128x32xf32, #tpu.memory_space<vmem>>) target(%dma_start3A_844 : memref<128x32xf32, #tpu.memory_space<hbm>>) target_semaphore(%run_scoped3A_836 : memref<!tpu.dma_semaphore, #tpu.memory_space<semaphore_mem>>)
      %dma_wait3A_849 = arith.constant 0 : i32
      %dma_wait3A_850 = arith.constant 0 : i32
      %dma_wait3A_851 = tpu.memref_slice %arg16[%run_scoped3A_201, %dma_wait3A_849, %dma_wait3A_850] : memref<2x128x32xf32, #tpu.memory_space<vmem>> -> memref<1x128x32xf32, #tpu.memory_space<vmem>>
      %dma_wait3A_852 = tpu.memref_squeeze %dma_wait3A_851 : memref<1x128x32xf32, #tpu.memory_space<vmem>> -> memref<128x32xf32, #tpu.memory_space<vmem>>
      %dma_wait3A_853 = arith.constant 0 : i32
      %dma_wait3A_854 = tpu.memref_slice %arg5[%add3A_200, %dma_wait3A_853] : memref<131072x32xf32, #tpu.memory_space<hbm>> -> memref<128x32xf32, #tpu.memory_space<hbm>>
      %dma_wait3A_855 = arith.constant 0 : i32
      %dma_wait3A_856 = tpu.memref_slice %arg5[%add3A_200, %dma_wait3A_855] : memref<131072x32xf32, #tpu.memory_space<hbm>> -> memref<128x32xf32, #tpu.memory_space<hbm>>
      %dma_wait3A_857 = arith.constant 0 : i32
      %dma_wait3A_858 = arith.constant 0 : i32
      %dma_wait3A_859 = tpu.memref_slice %arg16[%run_scoped3A_201, %dma_wait3A_857, %dma_wait3A_858] : memref<2x128x32xf32, #tpu.memory_space<vmem>> -> memref<1x128x32xf32, #tpu.memory_space<vmem>>
      %dma_wait3A_860 = tpu.memref_squeeze %dma_wait3A_859 : memref<1x128x32xf32, #tpu.memory_space<vmem>> -> memref<128x32xf32, #tpu.memory_space<vmem>>
      tpu.wait_dma2 semaphore(%run_scoped3A_836 : memref<!tpu.dma_semaphore, #tpu.memory_space<semaphore_mem>>) src(%dma_wait3A_860 : memref<128x32xf32, #tpu.memory_space<vmem>>) dst(%dma_wait3A_856 : memref<128x32xf32, #tpu.memory_space<hbm>>)
      tpu.yield
    }) : () -> ()
    %dma_start3A_202 = arith.constant 0 : i32
    %dma_start3A_203 = arith.constant 0 : i32
    %dma_start3A_204 = arith.constant 0 : i32
    %dma_start3A_205 = tpu.memref_slice %arg16[%dma_start3A_202, %dma_start3A_203, %dma_start3A_204] : memref<2x128x32xf32, #tpu.memory_space<vmem>> -> memref<1x128x32xf32, #tpu.memory_space<vmem>>
    %dma_start3A_206 = tpu.memref_squeeze %dma_start3A_205 : memref<1x128x32xf32, #tpu.memory_space<vmem>> -> memref<128x32xf32, #tpu.memory_space<vmem>>
    %dma_start3A_207 = arith.constant 1024 : i32
    %dma_start3A_208 = tpu.memref_slice %arg14[%dma_start3A_207] : memref<2048xi32, #tpu.memory_space<vmem>> -> memref<128xi32, #tpu.memory_space<vmem>>
    %dma_start3A_209 = arith.constant 0 : i32
    %dma_start3A_210 = arith.constant 0 : i32
    %dma_start3A_211 = tpu.memref_slice %arg4[%dma_start3A_209, %dma_start3A_210] : memref<16384x32xf32, #tpu.memory_space<hbm>> -> memref<16384x32xf32, #tpu.memory_space<hbm>>
    tpu.enqueue_indirect_dma source(%dma_start3A_211 : memref<16384x32xf32, #tpu.memory_space<hbm>>) target(%dma_start3A_206 : memref<128x32xf32, #tpu.memory_space<vmem>>) offsets(%dma_start3A_208 : memref<128xi32, #tpu.memory_space<vmem>>) semaphore(%arg17 : memref<!tpu.dma_semaphore, #tpu.memory_space<semaphore_mem>>)
    %dma_wait3A_212 = arith.constant 1 : i32
    %dma_wait3A_213 = arith.constant 0 : i32
    %dma_wait3A_214 = arith.constant 0 : i32
    %dma_wait3A_215 = tpu.memref_slice %arg16[%dma_wait3A_212, %dma_wait3A_213, %dma_wait3A_214] : memref<2x128x32xf32, #tpu.memory_space<vmem>> -> memref<1x128x32xf32, #tpu.memory_space<vmem>>
    %dma_wait3A_216 = tpu.memref_squeeze %dma_wait3A_215 : memref<1x128x32xf32, #tpu.memory_space<vmem>> -> memref<128x32xf32, #tpu.memory_space<vmem>>
    %dma_wait3A_217 = arith.constant 896 : i32
    %dma_wait3A_218 = tpu.memref_slice %arg14[%dma_wait3A_217] : memref<2048xi32, #tpu.memory_space<vmem>> -> memref<128xi32, #tpu.memory_space<vmem>>
    %dma_wait3A_219 = arith.constant 0 : i32
    %dma_wait3A_220 = arith.constant 0 : i32
    %dma_wait3A_221 = tpu.memref_slice %arg4[%dma_wait3A_219, %dma_wait3A_220] : memref<16384x32xf32, #tpu.memory_space<hbm>> -> memref<16384x32xf32, #tpu.memory_space<hbm>>
    tpu.wait_indirect_dma semaphore(%arg17 : memref<!tpu.dma_semaphore, #tpu.memory_space<semaphore_mem>>) src(%dma_wait3A_221 : memref<16384x32xf32, #tpu.memory_space<hbm>>) dst(%dma_wait3A_216 : memref<128x32xf32, #tpu.memory_space<vmem>>)
    %mul3A_222 = arith.constant 32 : i32
    %mul3A_223 = arith.muli %add3A_19, %mul3A_222 : i32
    %add3A_224 = arith.constant 896 : i32
    %add3A_225 = arith.addi %mul3A_223, %add3A_224 : i32
    %run_scoped3A_226 = arith.constant 1 : i32
    "tpu.region"() ({
      %run_scoped3A_836 = tpu.sem_alloc : memref<!tpu.dma_semaphore, #tpu.memory_space<semaphore_mem>>
      %dma_start3A_837 = arith.constant 0 : i32
      %dma_start3A_838 = arith.constant 0 : i32
      %dma_start3A_839 = tpu.memref_slice %arg16[%run_scoped3A_226, %dma_start3A_837, %dma_start3A_838] : memref<2x128x32xf32, #tpu.memory_space<vmem>> -> memref<1x128x32xf32, #tpu.memory_space<vmem>>
      %dma_start3A_840 = tpu.memref_squeeze %dma_start3A_839 : memref<1x128x32xf32, #tpu.memory_space<vmem>> -> memref<128x32xf32, #tpu.memory_space<vmem>>
      %dma_start3A_841 = arith.constant 0 : i32
      %dma_start3A_842 = tpu.memref_slice %arg5[%add3A_225, %dma_start3A_841] : memref<131072x32xf32, #tpu.memory_space<hbm>> -> memref<128x32xf32, #tpu.memory_space<hbm>>
      %dma_start3A_843 = arith.constant 0 : i32
      %dma_start3A_844 = tpu.memref_slice %arg5[%add3A_225, %dma_start3A_843] : memref<131072x32xf32, #tpu.memory_space<hbm>> -> memref<128x32xf32, #tpu.memory_space<hbm>>
      %dma_start3A_845 = arith.constant 0 : i32
      %dma_start3A_846 = arith.constant 0 : i32
      %dma_start3A_847 = tpu.memref_slice %arg16[%run_scoped3A_226, %dma_start3A_845, %dma_start3A_846] : memref<2x128x32xf32, #tpu.memory_space<vmem>> -> memref<1x128x32xf32, #tpu.memory_space<vmem>>
      %dma_start3A_848 = tpu.memref_squeeze %dma_start3A_847 : memref<1x128x32xf32, #tpu.memory_space<vmem>> -> memref<128x32xf32, #tpu.memory_space<vmem>>
      tpu.enqueue_dma source(%dma_start3A_848 : memref<128x32xf32, #tpu.memory_space<vmem>>) target(%dma_start3A_844 : memref<128x32xf32, #tpu.memory_space<hbm>>) target_semaphore(%run_scoped3A_836 : memref<!tpu.dma_semaphore, #tpu.memory_space<semaphore_mem>>)
      %dma_wait3A_849 = arith.constant 0 : i32
      %dma_wait3A_850 = arith.constant 0 : i32
      %dma_wait3A_851 = tpu.memref_slice %arg16[%run_scoped3A_226, %dma_wait3A_849, %dma_wait3A_850] : memref<2x128x32xf32, #tpu.memory_space<vmem>> -> memref<1x128x32xf32, #tpu.memory_space<vmem>>
      %dma_wait3A_852 = tpu.memref_squeeze %dma_wait3A_851 : memref<1x128x32xf32, #tpu.memory_space<vmem>> -> memref<128x32xf32, #tpu.memory_space<vmem>>
      %dma_wait3A_853 = arith.constant 0 : i32
      %dma_wait3A_854 = tpu.memref_slice %arg5[%add3A_225, %dma_wait3A_853] : memref<131072x32xf32, #tpu.memory_space<hbm>> -> memref<128x32xf32, #tpu.memory_space<hbm>>
      %dma_wait3A_855 = arith.constant 0 : i32
      %dma_wait3A_856 = tpu.memref_slice %arg5[%add3A_225, %dma_wait3A_855] : memref<131072x32xf32, #tpu.memory_space<hbm>> -> memref<128x32xf32, #tpu.memory_space<hbm>>
      %dma_wait3A_857 = arith.constant 0 : i32
      %dma_wait3A_858 = arith.constant 0 : i32
      %dma_wait3A_859 = tpu.memref_slice %arg16[%run_scoped3A_226, %dma_wait3A_857, %dma_wait3A_858] : memref<2x128x32xf32, #tpu.memory_space<vmem>> -> memref<1x128x32xf32, #tpu.memory_space<vmem>>
      %dma_wait3A_860 = tpu.memref_squeeze %dma_wait3A_859 : memref<1x128x32xf32, #tpu.memory_space<vmem>> -> memref<128x32xf32, #tpu.memory_space<vmem>>
      tpu.wait_dma2 semaphore(%run_scoped3A_836 : memref<!tpu.dma_semaphore, #tpu.memory_space<semaphore_mem>>) src(%dma_wait3A_860 : memref<128x32xf32, #tpu.memory_space<vmem>>) dst(%dma_wait3A_856 : memref<128x32xf32, #tpu.memory_space<hbm>>)
      tpu.yield
    }) : () -> ()
    %dma_start3A_227 = arith.constant 1 : i32
    %dma_start3A_228 = arith.constant 0 : i32
    %dma_start3A_229 = arith.constant 0 : i32
    %dma_start3A_230 = tpu.memref_slice %arg16[%dma_start3A_227, %dma_start3A_228, %dma_start3A_229] : memref<2x128x32xf32, #tpu.memory_space<vmem>> -> memref<1x128x32xf32, #tpu.memory_space<vmem>>
    %dma_start3A_231 = tpu.memref_squeeze %dma_start3A_230 : memref<1x128x32xf32, #tpu.memory_space<vmem>> -> memref<128x32xf32, #tpu.memory_space<vmem>>
    %dma_start3A_232 = arith.constant 1152 : i32
    %dma_start3A_233 = tpu.memref_slice %arg14[%dma_start3A_232] : memref<2048xi32, #tpu.memory_space<vmem>> -> memref<128xi32, #tpu.memory_space<vmem>>
    %dma_start3A_234 = arith.constant 0 : i32
    %dma_start3A_235 = arith.constant 0 : i32
    %dma_start3A_236 = tpu.memref_slice %arg4[%dma_start3A_234, %dma_start3A_235] : memref<16384x32xf32, #tpu.memory_space<hbm>> -> memref<16384x32xf32, #tpu.memory_space<hbm>>
    tpu.enqueue_indirect_dma source(%dma_start3A_236 : memref<16384x32xf32, #tpu.memory_space<hbm>>) target(%dma_start3A_231 : memref<128x32xf32, #tpu.memory_space<vmem>>) offsets(%dma_start3A_233 : memref<128xi32, #tpu.memory_space<vmem>>) semaphore(%arg17 : memref<!tpu.dma_semaphore, #tpu.memory_space<semaphore_mem>>)
    %dma_wait3A_237 = arith.constant 0 : i32
    %dma_wait3A_238 = arith.constant 0 : i32
    %dma_wait3A_239 = arith.constant 0 : i32
    %dma_wait3A_240 = tpu.memref_slice %arg16[%dma_wait3A_237, %dma_wait3A_238, %dma_wait3A_239] : memref<2x128x32xf32, #tpu.memory_space<vmem>> -> memref<1x128x32xf32, #tpu.memory_space<vmem>>
    %dma_wait3A_241 = tpu.memref_squeeze %dma_wait3A_240 : memref<1x128x32xf32, #tpu.memory_space<vmem>> -> memref<128x32xf32, #tpu.memory_space<vmem>>
    %dma_wait3A_242 = arith.constant 1024 : i32
    %dma_wait3A_243 = tpu.memref_slice %arg14[%dma_wait3A_242] : memref<2048xi32, #tpu.memory_space<vmem>> -> memref<128xi32, #tpu.memory_space<vmem>>
    %dma_wait3A_244 = arith.constant 0 : i32
    %dma_wait3A_245 = arith.constant 0 : i32
    %dma_wait3A_246 = tpu.memref_slice %arg4[%dma_wait3A_244, %dma_wait3A_245] : memref<16384x32xf32, #tpu.memory_space<hbm>> -> memref<16384x32xf32, #tpu.memory_space<hbm>>
    tpu.wait_indirect_dma semaphore(%arg17 : memref<!tpu.dma_semaphore, #tpu.memory_space<semaphore_mem>>) src(%dma_wait3A_246 : memref<16384x32xf32, #tpu.memory_space<hbm>>) dst(%dma_wait3A_241 : memref<128x32xf32, #tpu.memory_space<vmem>>)
    %mul3A_247 = arith.constant 32 : i32
    %mul3A_248 = arith.muli %add3A_19, %mul3A_247 : i32
    %add3A_249 = arith.constant 1024 : i32
    %add3A_250 = arith.addi %mul3A_248, %add3A_249 : i32
    %run_scoped3A_251 = arith.constant 0 : i32
    "tpu.region"() ({
      %run_scoped3A_836 = tpu.sem_alloc : memref<!tpu.dma_semaphore, #tpu.memory_space<semaphore_mem>>
      %dma_start3A_837 = arith.constant 0 : i32
      %dma_start3A_838 = arith.constant 0 : i32
      %dma_start3A_839 = tpu.memref_slice %arg16[%run_scoped3A_251, %dma_start3A_837, %dma_start3A_838] : memref<2x128x32xf32, #tpu.memory_space<vmem>> -> memref<1x128x32xf32, #tpu.memory_space<vmem>>
      %dma_start3A_840 = tpu.memref_squeeze %dma_start3A_839 : memref<1x128x32xf32, #tpu.memory_space<vmem>> -> memref<128x32xf32, #tpu.memory_space<vmem>>
      %dma_start3A_841 = arith.constant 0 : i32
      %dma_start3A_842 = tpu.memref_slice %arg5[%add3A_250, %dma_start3A_841] : memref<131072x32xf32, #tpu.memory_space<hbm>> -> memref<128x32xf32, #tpu.memory_space<hbm>>
      %dma_start3A_843 = arith.constant 0 : i32
      %dma_start3A_844 = tpu.memref_slice %arg5[%add3A_250, %dma_start3A_843] : memref<131072x32xf32, #tpu.memory_space<hbm>> -> memref<128x32xf32, #tpu.memory_space<hbm>>
      %dma_start3A_845 = arith.constant 0 : i32
      %dma_start3A_846 = arith.constant 0 : i32
      %dma_start3A_847 = tpu.memref_slice %arg16[%run_scoped3A_251, %dma_start3A_845, %dma_start3A_846] : memref<2x128x32xf32, #tpu.memory_space<vmem>> -> memref<1x128x32xf32, #tpu.memory_space<vmem>>
      %dma_start3A_848 = tpu.memref_squeeze %dma_start3A_847 : memref<1x128x32xf32, #tpu.memory_space<vmem>> -> memref<128x32xf32, #tpu.memory_space<vmem>>
      tpu.enqueue_dma source(%dma_start3A_848 : memref<128x32xf32, #tpu.memory_space<vmem>>) target(%dma_start3A_844 : memref<128x32xf32, #tpu.memory_space<hbm>>) target_semaphore(%run_scoped3A_836 : memref<!tpu.dma_semaphore, #tpu.memory_space<semaphore_mem>>)
      %dma_wait3A_849 = arith.constant 0 : i32
      %dma_wait3A_850 = arith.constant 0 : i32
      %dma_wait3A_851 = tpu.memref_slice %arg16[%run_scoped3A_251, %dma_wait3A_849, %dma_wait3A_850] : memref<2x128x32xf32, #tpu.memory_space<vmem>> -> memref<1x128x32xf32, #tpu.memory_space<vmem>>
      %dma_wait3A_852 = tpu.memref_squeeze %dma_wait3A_851 : memref<1x128x32xf32, #tpu.memory_space<vmem>> -> memref<128x32xf32, #tpu.memory_space<vmem>>
      %dma_wait3A_853 = arith.constant 0 : i32
      %dma_wait3A_854 = tpu.memref_slice %arg5[%add3A_250, %dma_wait3A_853] : memref<131072x32xf32, #tpu.memory_space<hbm>> -> memref<128x32xf32, #tpu.memory_space<hbm>>
      %dma_wait3A_855 = arith.constant 0 : i32
      %dma_wait3A_856 = tpu.memref_slice %arg5[%add3A_250, %dma_wait3A_855] : memref<131072x32xf32, #tpu.memory_space<hbm>> -> memref<128x32xf32, #tpu.memory_space<hbm>>
      %dma_wait3A_857 = arith.constant 0 : i32
      %dma_wait3A_858 = arith.constant 0 : i32
      %dma_wait3A_859 = tpu.memref_slice %arg16[%run_scoped3A_251, %dma_wait3A_857, %dma_wait3A_858] : memref<2x128x32xf32, #tpu.memory_space<vmem>> -> memref<1x128x32xf32, #tpu.memory_space<vmem>>
      %dma_wait3A_860 = tpu.memref_squeeze %dma_wait3A_859 : memref<1x128x32xf32, #tpu.memory_space<vmem>> -> memref<128x32xf32, #tpu.memory_space<vmem>>
      tpu.wait_dma2 semaphore(%run_scoped3A_836 : memref<!tpu.dma_semaphore, #tpu.memory_space<semaphore_mem>>) src(%dma_wait3A_860 : memref<128x32xf32, #tpu.memory_space<vmem>>) dst(%dma_wait3A_856 : memref<128x32xf32, #tpu.memory_space<hbm>>)
      tpu.yield
    }) : () -> ()
    %dma_start3A_252 = arith.constant 0 : i32
    %dma_start3A_253 = arith.constant 0 : i32
    %dma_start3A_254 = arith.constant 0 : i32
    %dma_start3A_255 = tpu.memref_slice %arg16[%dma_start3A_252, %dma_start3A_253, %dma_start3A_254] : memref<2x128x32xf32, #tpu.memory_space<vmem>> -> memref<1x128x32xf32, #tpu.memory_space<vmem>>
    %dma_start3A_256 = tpu.memref_squeeze %dma_start3A_255 : memref<1x128x32xf32, #tpu.memory_space<vmem>> -> memref<128x32xf32, #tpu.memory_space<vmem>>
    %dma_start3A_257 = arith.constant 1280 : i32
    %dma_start3A_258 = tpu.memref_slice %arg14[%dma_start3A_257] : memref<2048xi32, #tpu.memory_space<vmem>> -> memref<128xi32, #tpu.memory_space<vmem>>
    %dma_start3A_259 = arith.constant 0 : i32
    %dma_start3A_260 = arith.constant 0 : i32
    %dma_start3A_261 = tpu.memref_slice %arg4[%dma_start3A_259, %dma_start3A_260] : memref<16384x32xf32, #tpu.memory_space<hbm>> -> memref<16384x32xf32, #tpu.memory_space<hbm>>
    tpu.enqueue_indirect_dma source(%dma_start3A_261 : memref<16384x32xf32, #tpu.memory_space<hbm>>) target(%dma_start3A_256 : memref<128x32xf32, #tpu.memory_space<vmem>>) offsets(%dma_start3A_258 : memref<128xi32, #tpu.memory_space<vmem>>) semaphore(%arg17 : memref<!tpu.dma_semaphore, #tpu.memory_space<semaphore_mem>>)
    %dma_wait3A_262 = arith.constant 1 : i32
    %dma_wait3A_263 = arith.constant 0 : i32
    %dma_wait3A_264 = arith.constant 0 : i32
    %dma_wait3A_265 = tpu.memref_slice %arg16[%dma_wait3A_262, %dma_wait3A_263, %dma_wait3A_264] : memref<2x128x32xf32, #tpu.memory_space<vmem>> -> memref<1x128x32xf32, #tpu.memory_space<vmem>>
    %dma_wait3A_266 = tpu.memref_squeeze %dma_wait3A_265 : memref<1x128x32xf32, #tpu.memory_space<vmem>> -> memref<128x32xf32, #tpu.memory_space<vmem>>
    %dma_wait3A_267 = arith.constant 1152 : i32
    %dma_wait3A_268 = tpu.memref_slice %arg14[%dma_wait3A_267] : memref<2048xi32, #tpu.memory_space<vmem>> -> memref<128xi32, #tpu.memory_space<vmem>>
    %dma_wait3A_269 = arith.constant 0 : i32
    %dma_wait3A_270 = arith.constant 0 : i32
    %dma_wait3A_271 = tpu.memref_slice %arg4[%dma_wait3A_269, %dma_wait3A_270] : memref<16384x32xf32, #tpu.memory_space<hbm>> -> memref<16384x32xf32, #tpu.memory_space<hbm>>
    tpu.wait_indirect_dma semaphore(%arg17 : memref<!tpu.dma_semaphore, #tpu.memory_space<semaphore_mem>>) src(%dma_wait3A_271 : memref<16384x32xf32, #tpu.memory_space<hbm>>) dst(%dma_wait3A_266 : memref<128x32xf32, #tpu.memory_space<vmem>>)
    %mul3A_272 = arith.constant 32 : i32
    %mul3A_273 = arith.muli %add3A_19, %mul3A_272 : i32
    %add3A_274 = arith.constant 1152 : i32
    %add3A_275 = arith.addi %mul3A_273, %add3A_274 : i32
    %run_scoped3A_276 = arith.constant 1 : i32
    "tpu.region"() ({
      %run_scoped3A_836 = tpu.sem_alloc : memref<!tpu.dma_semaphore, #tpu.memory_space<semaphore_mem>>
      %dma_start3A_837 = arith.constant 0 : i32
      %dma_start3A_838 = arith.constant 0 : i32
      %dma_start3A_839 = tpu.memref_slice %arg16[%run_scoped3A_276, %dma_start3A_837, %dma_start3A_838] : memref<2x128x32xf32, #tpu.memory_space<vmem>> -> memref<1x128x32xf32, #tpu.memory_space<vmem>>
      %dma_start3A_840 = tpu.memref_squeeze %dma_start3A_839 : memref<1x128x32xf32, #tpu.memory_space<vmem>> -> memref<128x32xf32, #tpu.memory_space<vmem>>
      %dma_start3A_841 = arith.constant 0 : i32
      %dma_start3A_842 = tpu.memref_slice %arg5[%add3A_275, %dma_start3A_841] : memref<131072x32xf32, #tpu.memory_space<hbm>> -> memref<128x32xf32, #tpu.memory_space<hbm>>
      %dma_start3A_843 = arith.constant 0 : i32
      %dma_start3A_844 = tpu.memref_slice %arg5[%add3A_275, %dma_start3A_843] : memref<131072x32xf32, #tpu.memory_space<hbm>> -> memref<128x32xf32, #tpu.memory_space<hbm>>
      %dma_start3A_845 = arith.constant 0 : i32
      %dma_start3A_846 = arith.constant 0 : i32
      %dma_start3A_847 = tpu.memref_slice %arg16[%run_scoped3A_276, %dma_start3A_845, %dma_start3A_846] : memref<2x128x32xf32, #tpu.memory_space<vmem>> -> memref<1x128x32xf32, #tpu.memory_space<vmem>>
      %dma_start3A_848 = tpu.memref_squeeze %dma_start3A_847 : memref<1x128x32xf32, #tpu.memory_space<vmem>> -> memref<128x32xf32, #tpu.memory_space<vmem>>
      tpu.enqueue_dma source(%dma_start3A_848 : memref<128x32xf32, #tpu.memory_space<vmem>>) target(%dma_start3A_844 : memref<128x32xf32, #tpu.memory_space<hbm>>) target_semaphore(%run_scoped3A_836 : memref<!tpu.dma_semaphore, #tpu.memory_space<semaphore_mem>>)
      %dma_wait3A_849 = arith.constant 0 : i32
      %dma_wait3A_850 = arith.constant 0 : i32
      %dma_wait3A_851 = tpu.memref_slice %arg16[%run_scoped3A_276, %dma_wait3A_849, %dma_wait3A_850] : memref<2x128x32xf32, #tpu.memory_space<vmem>> -> memref<1x128x32xf32, #tpu.memory_space<vmem>>
      %dma_wait3A_852 = tpu.memref_squeeze %dma_wait3A_851 : memref<1x128x32xf32, #tpu.memory_space<vmem>> -> memref<128x32xf32, #tpu.memory_space<vmem>>
      %dma_wait3A_853 = arith.constant 0 : i32
      %dma_wait3A_854 = tpu.memref_slice %arg5[%add3A_275, %dma_wait3A_853] : memref<131072x32xf32, #tpu.memory_space<hbm>> -> memref<128x32xf32, #tpu.memory_space<hbm>>
      %dma_wait3A_855 = arith.constant 0 : i32
      %dma_wait3A_856 = tpu.memref_slice %arg5[%add3A_275, %dma_wait3A_855] : memref<131072x32xf32, #tpu.memory_space<hbm>> -> memref<128x32xf32, #tpu.memory_space<hbm>>
      %dma_wait3A_857 = arith.constant 0 : i32
      %dma_wait3A_858 = arith.constant 0 : i32
      %dma_wait3A_859 = tpu.memref_slice %arg16[%run_scoped3A_276, %dma_wait3A_857, %dma_wait3A_858] : memref<2x128x32xf32, #tpu.memory_space<vmem>> -> memref<1x128x32xf32, #tpu.memory_space<vmem>>
      %dma_wait3A_860 = tpu.memref_squeeze %dma_wait3A_859 : memref<1x128x32xf32, #tpu.memory_space<vmem>> -> memref<128x32xf32, #tpu.memory_space<vmem>>
      tpu.wait_dma2 semaphore(%run_scoped3A_836 : memref<!tpu.dma_semaphore, #tpu.memory_space<semaphore_mem>>) src(%dma_wait3A_860 : memref<128x32xf32, #tpu.memory_space<vmem>>) dst(%dma_wait3A_856 : memref<128x32xf32, #tpu.memory_space<hbm>>)
      tpu.yield
    }) : () -> ()
    %dma_start3A_277 = arith.constant 1 : i32
    %dma_start3A_278 = arith.constant 0 : i32
    %dma_start3A_279 = arith.constant 0 : i32
    %dma_start3A_280 = tpu.memref_slice %arg16[%dma_start3A_277, %dma_start3A_278, %dma_start3A_279] : memref<2x128x32xf32, #tpu.memory_space<vmem>> -> memref<1x128x32xf32, #tpu.memory_space<vmem>>
    %dma_start3A_281 = tpu.memref_squeeze %dma_start3A_280 : memref<1x128x32xf32, #tpu.memory_space<vmem>> -> memref<128x32xf32, #tpu.memory_space<vmem>>
    %dma_start3A_282 = arith.constant 1408 : i32
    %dma_start3A_283 = tpu.memref_slice %arg14[%dma_start3A_282] : memref<2048xi32, #tpu.memory_space<vmem>> -> memref<128xi32, #tpu.memory_space<vmem>>
    %dma_start3A_284 = arith.constant 0 : i32
    %dma_start3A_285 = arith.constant 0 : i32
    %dma_start3A_286 = tpu.memref_slice %arg4[%dma_start3A_284, %dma_start3A_285] : memref<16384x32xf32, #tpu.memory_space<hbm>> -> memref<16384x32xf32, #tpu.memory_space<hbm>>
    tpu.enqueue_indirect_dma source(%dma_start3A_286 : memref<16384x32xf32, #tpu.memory_space<hbm>>) target(%dma_start3A_281 : memref<128x32xf32, #tpu.memory_space<vmem>>) offsets(%dma_start3A_283 : memref<128xi32, #tpu.memory_space<vmem>>) semaphore(%arg17 : memref<!tpu.dma_semaphore, #tpu.memory_space<semaphore_mem>>)
    %dma_wait3A_287 = arith.constant 0 : i32
    %dma_wait3A_288 = arith.constant 0 : i32
    %dma_wait3A_289 = arith.constant 0 : i32
    %dma_wait3A_290 = tpu.memref_slice %arg16[%dma_wait3A_287, %dma_wait3A_288, %dma_wait3A_289] : memref<2x128x32xf32, #tpu.memory_space<vmem>> -> memref<1x128x32xf32, #tpu.memory_space<vmem>>
    %dma_wait3A_291 = tpu.memref_squeeze %dma_wait3A_290 : memref<1x128x32xf32, #tpu.memory_space<vmem>> -> memref<128x32xf32, #tpu.memory_space<vmem>>
    %dma_wait3A_292 = arith.constant 1280 : i32
    %dma_wait3A_293 = tpu.memref_slice %arg14[%dma_wait3A_292] : memref<2048xi32, #tpu.memory_space<vmem>> -> memref<128xi32, #tpu.memory_space<vmem>>
    %dma_wait3A_294 = arith.constant 0 : i32
    %dma_wait3A_295 = arith.constant 0 : i32
    %dma_wait3A_296 = tpu.memref_slice %arg4[%dma_wait3A_294, %dma_wait3A_295] : memref<16384x32xf32, #tpu.memory_space<hbm>> -> memref<16384x32xf32, #tpu.memory_space<hbm>>
    tpu.wait_indirect_dma semaphore(%arg17 : memref<!tpu.dma_semaphore, #tpu.memory_space<semaphore_mem>>) src(%dma_wait3A_296 : memref<16384x32xf32, #tpu.memory_space<hbm>>) dst(%dma_wait3A_291 : memref<128x32xf32, #tpu.memory_space<vmem>>)
    %mul3A_297 = arith.constant 32 : i32
    %mul3A_298 = arith.muli %add3A_19, %mul3A_297 : i32
    %add3A_299 = arith.constant 1280 : i32
    %add3A_300 = arith.addi %mul3A_298, %add3A_299 : i32
    %run_scoped3A_301 = arith.constant 0 : i32
    "tpu.region"() ({
      %run_scoped3A_836 = tpu.sem_alloc : memref<!tpu.dma_semaphore, #tpu.memory_space<semaphore_mem>>
      %dma_start3A_837 = arith.constant 0 : i32
      %dma_start3A_838 = arith.constant 0 : i32
      %dma_start3A_839 = tpu.memref_slice %arg16[%run_scoped3A_301, %dma_start3A_837, %dma_start3A_838] : memref<2x128x32xf32, #tpu.memory_space<vmem>> -> memref<1x128x32xf32, #tpu.memory_space<vmem>>
      %dma_start3A_840 = tpu.memref_squeeze %dma_start3A_839 : memref<1x128x32xf32, #tpu.memory_space<vmem>> -> memref<128x32xf32, #tpu.memory_space<vmem>>
      %dma_start3A_841 = arith.constant 0 : i32
      %dma_start3A_842 = tpu.memref_slice %arg5[%add3A_300, %dma_start3A_841] : memref<131072x32xf32, #tpu.memory_space<hbm>> -> memref<128x32xf32, #tpu.memory_space<hbm>>
      %dma_start3A_843 = arith.constant 0 : i32
      %dma_start3A_844 = tpu.memref_slice %arg5[%add3A_300, %dma_start3A_843] : memref<131072x32xf32, #tpu.memory_space<hbm>> -> memref<128x32xf32, #tpu.memory_space<hbm>>
      %dma_start3A_845 = arith.constant 0 : i32
      %dma_start3A_846 = arith.constant 0 : i32
      %dma_start3A_847 = tpu.memref_slice %arg16[%run_scoped3A_301, %dma_start3A_845, %dma_start3A_846] : memref<2x128x32xf32, #tpu.memory_space<vmem>> -> memref<1x128x32xf32, #tpu.memory_space<vmem>>
      %dma_start3A_848 = tpu.memref_squeeze %dma_start3A_847 : memref<1x128x32xf32, #tpu.memory_space<vmem>> -> memref<128x32xf32, #tpu.memory_space<vmem>>
      tpu.enqueue_dma source(%dma_start3A_848 : memref<128x32xf32, #tpu.memory_space<vmem>>) target(%dma_start3A_844 : memref<128x32xf32, #tpu.memory_space<hbm>>) target_semaphore(%run_scoped3A_836 : memref<!tpu.dma_semaphore, #tpu.memory_space<semaphore_mem>>)
      %dma_wait3A_849 = arith.constant 0 : i32
      %dma_wait3A_850 = arith.constant 0 : i32
      %dma_wait3A_851 = tpu.memref_slice %arg16[%run_scoped3A_301, %dma_wait3A_849, %dma_wait3A_850] : memref<2x128x32xf32, #tpu.memory_space<vmem>> -> memref<1x128x32xf32, #tpu.memory_space<vmem>>
      %dma_wait3A_852 = tpu.memref_squeeze %dma_wait3A_851 : memref<1x128x32xf32, #tpu.memory_space<vmem>> -> memref<128x32xf32, #tpu.memory_space<vmem>>
      %dma_wait3A_853 = arith.constant 0 : i32
      %dma_wait3A_854 = tpu.memref_slice %arg5[%add3A_300, %dma_wait3A_853] : memref<131072x32xf32, #tpu.memory_space<hbm>> -> memref<128x32xf32, #tpu.memory_space<hbm>>
      %dma_wait3A_855 = arith.constant 0 : i32
      %dma_wait3A_856 = tpu.memref_slice %arg5[%add3A_300, %dma_wait3A_855] : memref<131072x32xf32, #tpu.memory_space<hbm>> -> memref<128x32xf32, #tpu.memory_space<hbm>>
      %dma_wait3A_857 = arith.constant 0 : i32
      %dma_wait3A_858 = arith.constant 0 : i32
      %dma_wait3A_859 = tpu.memref_slice %arg16[%run_scoped3A_301, %dma_wait3A_857, %dma_wait3A_858] : memref<2x128x32xf32, #tpu.memory_space<vmem>> -> memref<1x128x32xf32, #tpu.memory_space<vmem>>
      %dma_wait3A_860 = tpu.memref_squeeze %dma_wait3A_859 : memref<1x128x32xf32, #tpu.memory_space<vmem>> -> memref<128x32xf32, #tpu.memory_space<vmem>>
      tpu.wait_dma2 semaphore(%run_scoped3A_836 : memref<!tpu.dma_semaphore, #tpu.memory_space<semaphore_mem>>) src(%dma_wait3A_860 : memref<128x32xf32, #tpu.memory_space<vmem>>) dst(%dma_wait3A_856 : memref<128x32xf32, #tpu.memory_space<hbm>>)
      tpu.yield
    }) : () -> ()
    %dma_start3A_302 = arith.constant 0 : i32
    %dma_start3A_303 = arith.constant 0 : i32
    %dma_start3A_304 = arith.constant 0 : i32
    %dma_start3A_305 = tpu.memref_slice %arg16[%dma_start3A_302, %dma_start3A_303, %dma_start3A_304] : memref<2x128x32xf32, #tpu.memory_space<vmem>> -> memref<1x128x32xf32, #tpu.memory_space<vmem>>
    %dma_start3A_306 = tpu.memref_squeeze %dma_start3A_305 : memref<1x128x32xf32, #tpu.memory_space<vmem>> -> memref<128x32xf32, #tpu.memory_space<vmem>>
    %dma_start3A_307 = arith.constant 1536 : i32
    %dma_start3A_308 = tpu.memref_slice %arg14[%dma_start3A_307] : memref<2048xi32, #tpu.memory_space<vmem>> -> memref<128xi32, #tpu.memory_space<vmem>>
    %dma_start3A_309 = arith.constant 0 : i32
    %dma_start3A_310 = arith.constant 0 : i32
    %dma_start3A_311 = tpu.memref_slice %arg4[%dma_start3A_309, %dma_start3A_310] : memref<16384x32xf32, #tpu.memory_space<hbm>> -> memref<16384x32xf32, #tpu.memory_space<hbm>>
    tpu.enqueue_indirect_dma source(%dma_start3A_311 : memref<16384x32xf32, #tpu.memory_space<hbm>>) target(%dma_start3A_306 : memref<128x32xf32, #tpu.memory_space<vmem>>) offsets(%dma_start3A_308 : memref<128xi32, #tpu.memory_space<vmem>>) semaphore(%arg17 : memref<!tpu.dma_semaphore, #tpu.memory_space<semaphore_mem>>)
    %dma_wait3A_312 = arith.constant 1 : i32
    %dma_wait3A_313 = arith.constant 0 : i32
    %dma_wait3A_314 = arith.constant 0 : i32
    %dma_wait3A_315 = tpu.memref_slice %arg16[%dma_wait3A_312, %dma_wait3A_313, %dma_wait3A_314] : memref<2x128x32xf32, #tpu.memory_space<vmem>> -> memref<1x128x32xf32, #tpu.memory_space<vmem>>
    %dma_wait3A_316 = tpu.memref_squeeze %dma_wait3A_315 : memref<1x128x32xf32, #tpu.memory_space<vmem>> -> memref<128x32xf32, #tpu.memory_space<vmem>>
    %dma_wait3A_317 = arith.constant 1408 : i32
    %dma_wait3A_318 = tpu.memref_slice %arg14[%dma_wait3A_317] : memref<2048xi32, #tpu.memory_space<vmem>> -> memref<128xi32, #tpu.memory_space<vmem>>
    %dma_wait3A_319 = arith.constant 0 : i32
    %dma_wait3A_320 = arith.constant 0 : i32
    %dma_wait3A_321 = tpu.memref_slice %arg4[%dma_wait3A_319, %dma_wait3A_320] : memref<16384x32xf32, #tpu.memory_space<hbm>> -> memref<16384x32xf32, #tpu.memory_space<hbm>>
    tpu.wait_indirect_dma semaphore(%arg17 : memref<!tpu.dma_semaphore, #tpu.memory_space<semaphore_mem>>) src(%dma_wait3A_321 : memref<16384x32xf32, #tpu.memory_space<hbm>>) dst(%dma_wait3A_316 : memref<128x32xf32, #tpu.memory_space<vmem>>)
    %mul3A_322 = arith.constant 32 : i32
    %mul3A_323 = arith.muli %add3A_19, %mul3A_322 : i32
    %add3A_324 = arith.constant 1408 : i32
    %add3A_325 = arith.addi %mul3A_323, %add3A_324 : i32
    %run_scoped3A_326 = arith.constant 1 : i32
    "tpu.region"() ({
      %run_scoped3A_836 = tpu.sem_alloc : memref<!tpu.dma_semaphore, #tpu.memory_space<semaphore_mem>>
      %dma_start3A_837 = arith.constant 0 : i32
      %dma_start3A_838 = arith.constant 0 : i32
      %dma_start3A_839 = tpu.memref_slice %arg16[%run_scoped3A_326, %dma_start3A_837, %dma_start3A_838] : memref<2x128x32xf32, #tpu.memory_space<vmem>> -> memref<1x128x32xf32, #tpu.memory_space<vmem>>
      %dma_start3A_840 = tpu.memref_squeeze %dma_start3A_839 : memref<1x128x32xf32, #tpu.memory_space<vmem>> -> memref<128x32xf32, #tpu.memory_space<vmem>>
      %dma_start3A_841 = arith.constant 0 : i32
      %dma_start3A_842 = tpu.memref_slice %arg5[%add3A_325, %dma_start3A_841] : memref<131072x32xf32, #tpu.memory_space<hbm>> -> memref<128x32xf32, #tpu.memory_space<hbm>>
      %dma_start3A_843 = arith.constant 0 : i32
      %dma_start3A_844 = tpu.memref_slice %arg5[%add3A_325, %dma_start3A_843] : memref<131072x32xf32, #tpu.memory_space<hbm>> -> memref<128x32xf32, #tpu.memory_space<hbm>>
      %dma_start3A_845 = arith.constant 0 : i32
      %dma_start3A_846 = arith.constant 0 : i32
      %dma_start3A_847 = tpu.memref_slice %arg16[%run_scoped3A_326, %dma_start3A_845, %dma_start3A_846] : memref<2x128x32xf32, #tpu.memory_space<vmem>> -> memref<1x128x32xf32, #tpu.memory_space<vmem>>
      %dma_start3A_848 = tpu.memref_squeeze %dma_start3A_847 : memref<1x128x32xf32, #tpu.memory_space<vmem>> -> memref<128x32xf32, #tpu.memory_space<vmem>>
      tpu.enqueue_dma source(%dma_start3A_848 : memref<128x32xf32, #tpu.memory_space<vmem>>) target(%dma_start3A_844 : memref<128x32xf32, #tpu.memory_space<hbm>>) target_semaphore(%run_scoped3A_836 : memref<!tpu.dma_semaphore, #tpu.memory_space<semaphore_mem>>)
      %dma_wait3A_849 = arith.constant 0 : i32
      %dma_wait3A_850 = arith.constant 0 : i32
      %dma_wait3A_851 = tpu.memref_slice %arg16[%run_scoped3A_326, %dma_wait3A_849, %dma_wait3A_850] : memref<2x128x32xf32, #tpu.memory_space<vmem>> -> memref<1x128x32xf32, #tpu.memory_space<vmem>>
      %dma_wait3A_852 = tpu.memref_squeeze %dma_wait3A_851 : memref<1x128x32xf32, #tpu.memory_space<vmem>> -> memref<128x32xf32, #tpu.memory_space<vmem>>
      %dma_wait3A_853 = arith.constant 0 : i32
      %dma_wait3A_854 = tpu.memref_slice %arg5[%add3A_325, %dma_wait3A_853] : memref<131072x32xf32, #tpu.memory_space<hbm>> -> memref<128x32xf32, #tpu.memory_space<hbm>>
      %dma_wait3A_855 = arith.constant 0 : i32
      %dma_wait3A_856 = tpu.memref_slice %arg5[%add3A_325, %dma_wait3A_855] : memref<131072x32xf32, #tpu.memory_space<hbm>> -> memref<128x32xf32, #tpu.memory_space<hbm>>
      %dma_wait3A_857 = arith.constant 0 : i32
      %dma_wait3A_858 = arith.constant 0 : i32
      %dma_wait3A_859 = tpu.memref_slice %arg16[%run_scoped3A_326, %dma_wait3A_857, %dma_wait3A_858] : memref<2x128x32xf32, #tpu.memory_space<vmem>> -> memref<1x128x32xf32, #tpu.memory_space<vmem>>
      %dma_wait3A_860 = tpu.memref_squeeze %dma_wait3A_859 : memref<1x128x32xf32, #tpu.memory_space<vmem>> -> memref<128x32xf32, #tpu.memory_space<vmem>>
      tpu.wait_dma2 semaphore(%run_scoped3A_836 : memref<!tpu.dma_semaphore, #tpu.memory_space<semaphore_mem>>) src(%dma_wait3A_860 : memref<128x32xf32, #tpu.memory_space<vmem>>) dst(%dma_wait3A_856 : memref<128x32xf32, #tpu.memory_space<hbm>>)
      tpu.yield
    }) : () -> ()
    %dma_start3A_327 = arith.constant 1 : i32
    %dma_start3A_328 = arith.constant 0 : i32
    %dma_start3A_329 = arith.constant 0 : i32
    %dma_start3A_330 = tpu.memref_slice %arg16[%dma_start3A_327, %dma_start3A_328, %dma_start3A_329] : memref<2x128x32xf32, #tpu.memory_space<vmem>> -> memref<1x128x32xf32, #tpu.memory_space<vmem>>
    %dma_start3A_331 = tpu.memref_squeeze %dma_start3A_330 : memref<1x128x32xf32, #tpu.memory_space<vmem>> -> memref<128x32xf32, #tpu.memory_space<vmem>>
    %dma_start3A_332 = arith.constant 1664 : i32
    %dma_start3A_333 = tpu.memref_slice %arg14[%dma_start3A_332] : memref<2048xi32, #tpu.memory_space<vmem>> -> memref<128xi32, #tpu.memory_space<vmem>>
    %dma_start3A_334 = arith.constant 0 : i32
    %dma_start3A_335 = arith.constant 0 : i32
    %dma_start3A_336 = tpu.memref_slice %arg4[%dma_start3A_334, %dma_start3A_335] : memref<16384x32xf32, #tpu.memory_space<hbm>> -> memref<16384x32xf32, #tpu.memory_space<hbm>>
    tpu.enqueue_indirect_dma source(%dma_start3A_336 : memref<16384x32xf32, #tpu.memory_space<hbm>>) target(%dma_start3A_331 : memref<128x32xf32, #tpu.memory_space<vmem>>) offsets(%dma_start3A_333 : memref<128xi32, #tpu.memory_space<vmem>>) semaphore(%arg17 : memref<!tpu.dma_semaphore, #tpu.memory_space<semaphore_mem>>)
    %dma_wait3A_337 = arith.constant 0 : i32
    %dma_wait3A_338 = arith.constant 0 : i32
    %dma_wait3A_339 = arith.constant 0 : i32
    %dma_wait3A_340 = tpu.memref_slice %arg16[%dma_wait3A_337, %dma_wait3A_338, %dma_wait3A_339] : memref<2x128x32xf32, #tpu.memory_space<vmem>> -> memref<1x128x32xf32, #tpu.memory_space<vmem>>
    %dma_wait3A_341 = tpu.memref_squeeze %dma_wait3A_340 : memref<1x128x32xf32, #tpu.memory_space<vmem>> -> memref<128x32xf32, #tpu.memory_space<vmem>>
    %dma_wait3A_342 = arith.constant 1536 : i32
    %dma_wait3A_343 = tpu.memref_slice %arg14[%dma_wait3A_342] : memref<2048xi32, #tpu.memory_space<vmem>> -> memref<128xi32, #tpu.memory_space<vmem>>
    %dma_wait3A_344 = arith.constant 0 : i32
    %dma_wait3A_345 = arith.constant 0 : i32
    %dma_wait3A_346 = tpu.memref_slice %arg4[%dma_wait3A_344, %dma_wait3A_345] : memref<16384x32xf32, #tpu.memory_space<hbm>> -> memref<16384x32xf32, #tpu.memory_space<hbm>>
    tpu.wait_indirect_dma semaphore(%arg17 : memref<!tpu.dma_semaphore, #tpu.memory_space<semaphore_mem>>) src(%dma_wait3A_346 : memref<16384x32xf32, #tpu.memory_space<hbm>>) dst(%dma_wait3A_341 : memref<128x32xf32, #tpu.memory_space<vmem>>)
    %mul3A_347 = arith.constant 32 : i32
    %mul3A_348 = arith.muli %add3A_19, %mul3A_347 : i32
    %add3A_349 = arith.constant 1536 : i32
    %add3A_350 = arith.addi %mul3A_348, %add3A_349 : i32
    %run_scoped3A_351 = arith.constant 0 : i32
    "tpu.region"() ({
      %run_scoped3A_836 = tpu.sem_alloc : memref<!tpu.dma_semaphore, #tpu.memory_space<semaphore_mem>>
      %dma_start3A_837 = arith.constant 0 : i32
      %dma_start3A_838 = arith.constant 0 : i32
      %dma_start3A_839 = tpu.memref_slice %arg16[%run_scoped3A_351, %dma_start3A_837, %dma_start3A_838] : memref<2x128x32xf32, #tpu.memory_space<vmem>> -> memref<1x128x32xf32, #tpu.memory_space<vmem>>
      %dma_start3A_840 = tpu.memref_squeeze %dma_start3A_839 : memref<1x128x32xf32, #tpu.memory_space<vmem>> -> memref<128x32xf32, #tpu.memory_space<vmem>>
      %dma_start3A_841 = arith.constant 0 : i32
      %dma_start3A_842 = tpu.memref_slice %arg5[%add3A_350, %dma_start3A_841] : memref<131072x32xf32, #tpu.memory_space<hbm>> -> memref<128x32xf32, #tpu.memory_space<hbm>>
      %dma_start3A_843 = arith.constant 0 : i32
      %dma_start3A_844 = tpu.memref_slice %arg5[%add3A_350, %dma_start3A_843] : memref<131072x32xf32, #tpu.memory_space<hbm>> -> memref<128x32xf32, #tpu.memory_space<hbm>>
      %dma_start3A_845 = arith.constant 0 : i32
      %dma_start3A_846 = arith.constant 0 : i32
      %dma_start3A_847 = tpu.memref_slice %arg16[%run_scoped3A_351, %dma_start3A_845, %dma_start3A_846] : memref<2x128x32xf32, #tpu.memory_space<vmem>> -> memref<1x128x32xf32, #tpu.memory_space<vmem>>
      %dma_start3A_848 = tpu.memref_squeeze %dma_start3A_847 : memref<1x128x32xf32, #tpu.memory_space<vmem>> -> memref<128x32xf32, #tpu.memory_space<vmem>>
      tpu.enqueue_dma source(%dma_start3A_848 : memref<128x32xf32, #tpu.memory_space<vmem>>) target(%dma_start3A_844 : memref<128x32xf32, #tpu.memory_space<hbm>>) target_semaphore(%run_scoped3A_836 : memref<!tpu.dma_semaphore, #tpu.memory_space<semaphore_mem>>)
      %dma_wait3A_849 = arith.constant 0 : i32
      %dma_wait3A_850 = arith.constant 0 : i32
      %dma_wait3A_851 = tpu.memref_slice %arg16[%run_scoped3A_351, %dma_wait3A_849, %dma_wait3A_850] : memref<2x128x32xf32, #tpu.memory_space<vmem>> -> memref<1x128x32xf32, #tpu.memory_space<vmem>>
      %dma_wait3A_852 = tpu.memref_squeeze %dma_wait3A_851 : memref<1x128x32xf32, #tpu.memory_space<vmem>> -> memref<128x32xf32, #tpu.memory_space<vmem>>
      %dma_wait3A_853 = arith.constant 0 : i32
      %dma_wait3A_854 = tpu.memref_slice %arg5[%add3A_350, %dma_wait3A_853] : memref<131072x32xf32, #tpu.memory_space<hbm>> -> memref<128x32xf32, #tpu.memory_space<hbm>>
      %dma_wait3A_855 = arith.constant 0 : i32
      %dma_wait3A_856 = tpu.memref_slice %arg5[%add3A_350, %dma_wait3A_855] : memref<131072x32xf32, #tpu.memory_space<hbm>> -> memref<128x32xf32, #tpu.memory_space<hbm>>
      %dma_wait3A_857 = arith.constant 0 : i32
      %dma_wait3A_858 = arith.constant 0 : i32
      %dma_wait3A_859 = tpu.memref_slice %arg16[%run_scoped3A_351, %dma_wait3A_857, %dma_wait3A_858] : memref<2x128x32xf32, #tpu.memory_space<vmem>> -> memref<1x128x32xf32, #tpu.memory_space<vmem>>
      %dma_wait3A_860 = tpu.memref_squeeze %dma_wait3A_859 : memref<1x128x32xf32, #tpu.memory_space<vmem>> -> memref<128x32xf32, #tpu.memory_space<vmem>>
      tpu.wait_dma2 semaphore(%run_scoped3A_836 : memref<!tpu.dma_semaphore, #tpu.memory_space<semaphore_mem>>) src(%dma_wait3A_860 : memref<128x32xf32, #tpu.memory_space<vmem>>) dst(%dma_wait3A_856 : memref<128x32xf32, #tpu.memory_space<hbm>>)
      tpu.yield
    }) : () -> ()
    %dma_start3A_352 = arith.constant 0 : i32
    %dma_start3A_353 = arith.constant 0 : i32
    %dma_start3A_354 = arith.constant 0 : i32
    %dma_start3A_355 = tpu.memref_slice %arg16[%dma_start3A_352, %dma_start3A_353, %dma_start3A_354] : memref<2x128x32xf32, #tpu.memory_space<vmem>> -> memref<1x128x32xf32, #tpu.memory_space<vmem>>
    %dma_start3A_356 = tpu.memref_squeeze %dma_start3A_355 : memref<1x128x32xf32, #tpu.memory_space<vmem>> -> memref<128x32xf32, #tpu.memory_space<vmem>>
    %dma_start3A_357 = arith.constant 1792 : i32
    %dma_start3A_358 = tpu.memref_slice %arg14[%dma_start3A_357] : memref<2048xi32, #tpu.memory_space<vmem>> -> memref<128xi32, #tpu.memory_space<vmem>>
    %dma_start3A_359 = arith.constant 0 : i32
    %dma_start3A_360 = arith.constant 0 : i32
    %dma_start3A_361 = tpu.memref_slice %arg4[%dma_start3A_359, %dma_start3A_360] : memref<16384x32xf32, #tpu.memory_space<hbm>> -> memref<16384x32xf32, #tpu.memory_space<hbm>>
    tpu.enqueue_indirect_dma source(%dma_start3A_361 : memref<16384x32xf32, #tpu.memory_space<hbm>>) target(%dma_start3A_356 : memref<128x32xf32, #tpu.memory_space<vmem>>) offsets(%dma_start3A_358 : memref<128xi32, #tpu.memory_space<vmem>>) semaphore(%arg17 : memref<!tpu.dma_semaphore, #tpu.memory_space<semaphore_mem>>)
    %dma_wait3A_362 = arith.constant 1 : i32
    %dma_wait3A_363 = arith.constant 0 : i32
    %dma_wait3A_364 = arith.constant 0 : i32
    %dma_wait3A_365 = tpu.memref_slice %arg16[%dma_wait3A_362, %dma_wait3A_363, %dma_wait3A_364] : memref<2x128x32xf32, #tpu.memory_space<vmem>> -> memref<1x128x32xf32, #tpu.memory_space<vmem>>
    %dma_wait3A_366 = tpu.memref_squeeze %dma_wait3A_365 : memref<1x128x32xf32, #tpu.memory_space<vmem>> -> memref<128x32xf32, #tpu.memory_space<vmem>>
    %dma_wait3A_367 = arith.constant 1664 : i32
    %dma_wait3A_368 = tpu.memref_slice %arg14[%dma_wait3A_367] : memref<2048xi32, #tpu.memory_space<vmem>> -> memref<128xi32, #tpu.memory_space<vmem>>
    %dma_wait3A_369 = arith.constant 0 : i32
    %dma_wait3A_370 = arith.constant 0 : i32
    %dma_wait3A_371 = tpu.memref_slice %arg4[%dma_wait3A_369, %dma_wait3A_370] : memref<16384x32xf32, #tpu.memory_space<hbm>> -> memref<16384x32xf32, #tpu.memory_space<hbm>>
    tpu.wait_indirect_dma semaphore(%arg17 : memref<!tpu.dma_semaphore, #tpu.memory_space<semaphore_mem>>) src(%dma_wait3A_371 : memref<16384x32xf32, #tpu.memory_space<hbm>>) dst(%dma_wait3A_366 : memref<128x32xf32, #tpu.memory_space<vmem>>)
    %mul3A_372 = arith.constant 32 : i32
    %mul3A_373 = arith.muli %add3A_19, %mul3A_372 : i32
    %add3A_374 = arith.constant 1664 : i32
    %add3A_375 = arith.addi %mul3A_373, %add3A_374 : i32
    %run_scoped3A_376 = arith.constant 1 : i32
    "tpu.region"() ({
      %run_scoped3A_836 = tpu.sem_alloc : memref<!tpu.dma_semaphore, #tpu.memory_space<semaphore_mem>>
      %dma_start3A_837 = arith.constant 0 : i32
      %dma_start3A_838 = arith.constant 0 : i32
      %dma_start3A_839 = tpu.memref_slice %arg16[%run_scoped3A_376, %dma_start3A_837, %dma_start3A_838] : memref<2x128x32xf32, #tpu.memory_space<vmem>> -> memref<1x128x32xf32, #tpu.memory_space<vmem>>
      %dma_start3A_840 = tpu.memref_squeeze %dma_start3A_839 : memref<1x128x32xf32, #tpu.memory_space<vmem>> -> memref<128x32xf32, #tpu.memory_space<vmem>>
      %dma_start3A_841 = arith.constant 0 : i32
      %dma_start3A_842 = tpu.memref_slice %arg5[%add3A_375, %dma_start3A_841] : memref<131072x32xf32, #tpu.memory_space<hbm>> -> memref<128x32xf32, #tpu.memory_space<hbm>>
      %dma_start3A_843 = arith.constant 0 : i32
      %dma_start3A_844 = tpu.memref_slice %arg5[%add3A_375, %dma_start3A_843] : memref<131072x32xf32, #tpu.memory_space<hbm>> -> memref<128x32xf32, #tpu.memory_space<hbm>>
      %dma_start3A_845 = arith.constant 0 : i32
      %dma_start3A_846 = arith.constant 0 : i32
      %dma_start3A_847 = tpu.memref_slice %arg16[%run_scoped3A_376, %dma_start3A_845, %dma_start3A_846] : memref<2x128x32xf32, #tpu.memory_space<vmem>> -> memref<1x128x32xf32, #tpu.memory_space<vmem>>
      %dma_start3A_848 = tpu.memref_squeeze %dma_start3A_847 : memref<1x128x32xf32, #tpu.memory_space<vmem>> -> memref<128x32xf32, #tpu.memory_space<vmem>>
      tpu.enqueue_dma source(%dma_start3A_848 : memref<128x32xf32, #tpu.memory_space<vmem>>) target(%dma_start3A_844 : memref<128x32xf32, #tpu.memory_space<hbm>>) target_semaphore(%run_scoped3A_836 : memref<!tpu.dma_semaphore, #tpu.memory_space<semaphore_mem>>)
      %dma_wait3A_849 = arith.constant 0 : i32
      %dma_wait3A_850 = arith.constant 0 : i32
      %dma_wait3A_851 = tpu.memref_slice %arg16[%run_scoped3A_376, %dma_wait3A_849, %dma_wait3A_850] : memref<2x128x32xf32, #tpu.memory_space<vmem>> -> memref<1x128x32xf32, #tpu.memory_space<vmem>>
      %dma_wait3A_852 = tpu.memref_squeeze %dma_wait3A_851 : memref<1x128x32xf32, #tpu.memory_space<vmem>> -> memref<128x32xf32, #tpu.memory_space<vmem>>
      %dma_wait3A_853 = arith.constant 0 : i32
      %dma_wait3A_854 = tpu.memref_slice %arg5[%add3A_375, %dma_wait3A_853] : memref<131072x32xf32, #tpu.memory_space<hbm>> -> memref<128x32xf32, #tpu.memory_space<hbm>>
      %dma_wait3A_855 = arith.constant 0 : i32
      %dma_wait3A_856 = tpu.memref_slice %arg5[%add3A_375, %dma_wait3A_855] : memref<131072x32xf32, #tpu.memory_space<hbm>> -> memref<128x32xf32, #tpu.memory_space<hbm>>
      %dma_wait3A_857 = arith.constant 0 : i32
      %dma_wait3A_858 = arith.constant 0 : i32
      %dma_wait3A_859 = tpu.memref_slice %arg16[%run_scoped3A_376, %dma_wait3A_857, %dma_wait3A_858] : memref<2x128x32xf32, #tpu.memory_space<vmem>> -> memref<1x128x32xf32, #tpu.memory_space<vmem>>
      %dma_wait3A_860 = tpu.memref_squeeze %dma_wait3A_859 : memref<1x128x32xf32, #tpu.memory_space<vmem>> -> memref<128x32xf32, #tpu.memory_space<vmem>>
      tpu.wait_dma2 semaphore(%run_scoped3A_836 : memref<!tpu.dma_semaphore, #tpu.memory_space<semaphore_mem>>) src(%dma_wait3A_860 : memref<128x32xf32, #tpu.memory_space<vmem>>) dst(%dma_wait3A_856 : memref<128x32xf32, #tpu.memory_space<hbm>>)
      tpu.yield
    }) : () -> ()
    %dma_start3A_377 = arith.constant 1 : i32
    %dma_start3A_378 = arith.constant 0 : i32
    %dma_start3A_379 = arith.constant 0 : i32
    %dma_start3A_380 = tpu.memref_slice %arg16[%dma_start3A_377, %dma_start3A_378, %dma_start3A_379] : memref<2x128x32xf32, #tpu.memory_space<vmem>> -> memref<1x128x32xf32, #tpu.memory_space<vmem>>
    %dma_start3A_381 = tpu.memref_squeeze %dma_start3A_380 : memref<1x128x32xf32, #tpu.memory_space<vmem>> -> memref<128x32xf32, #tpu.memory_space<vmem>>
    %dma_start3A_382 = arith.constant 1920 : i32
    %dma_start3A_383 = tpu.memref_slice %arg14[%dma_start3A_382] : memref<2048xi32, #tpu.memory_space<vmem>> -> memref<128xi32, #tpu.memory_space<vmem>>
    %dma_start3A_384 = arith.constant 0 : i32
    %dma_start3A_385 = arith.constant 0 : i32
    %dma_start3A_386 = tpu.memref_slice %arg4[%dma_start3A_384, %dma_start3A_385] : memref<16384x32xf32, #tpu.memory_space<hbm>> -> memref<16384x32xf32, #tpu.memory_space<hbm>>
    tpu.enqueue_indirect_dma source(%dma_start3A_386 : memref<16384x32xf32, #tpu.memory_space<hbm>>) target(%dma_start3A_381 : memref<128x32xf32, #tpu.memory_space<vmem>>) offsets(%dma_start3A_383 : memref<128xi32, #tpu.memory_space<vmem>>) semaphore(%arg17 : memref<!tpu.dma_semaphore, #tpu.memory_space<semaphore_mem>>)
    %dma_wait3A_387 = arith.constant 0 : i32
    %dma_wait3A_388 = arith.constant 0 : i32
    %dma_wait3A_389 = arith.constant 0 : i32
    %dma_wait3A_390 = tpu.memref_slice %arg16[%dma_wait3A_387, %dma_wait3A_388, %dma_wait3A_389] : memref<2x128x32xf32, #tpu.memory_space<vmem>> -> memref<1x128x32xf32, #tpu.memory_space<vmem>>
    %dma_wait3A_391 = tpu.memref_squeeze %dma_wait3A_390 : memref<1x128x32xf32, #tpu.memory_space<vmem>> -> memref<128x32xf32, #tpu.memory_space<vmem>>
    %dma_wait3A_392 = arith.constant 1792 : i32
    %dma_wait3A_393 = tpu.memref_slice %arg14[%dma_wait3A_392] : memref<2048xi32, #tpu.memory_space<vmem>> -> memref<128xi32, #tpu.memory_space<vmem>>
    %dma_wait3A_394 = arith.constant 0 : i32
    %dma_wait3A_395 = arith.constant 0 : i32
    %dma_wait3A_396 = tpu.memref_slice %arg4[%dma_wait3A_394, %dma_wait3A_395] : memref<16384x32xf32, #tpu.memory_space<hbm>> -> memref<16384x32xf32, #tpu.memory_space<hbm>>
    tpu.wait_indirect_dma semaphore(%arg17 : memref<!tpu.dma_semaphore, #tpu.memory_space<semaphore_mem>>) src(%dma_wait3A_396 : memref<16384x32xf32, #tpu.memory_space<hbm>>) dst(%dma_wait3A_391 : memref<128x32xf32, #tpu.memory_space<vmem>>)
    %mul3A_397 = arith.constant 32 : i32
    %mul3A_398 = arith.muli %add3A_19, %mul3A_397 : i32
    %add3A_399 = arith.constant 1792 : i32
    %add3A_400 = arith.addi %mul3A_398, %add3A_399 : i32
    %run_scoped3A_401 = arith.constant 0 : i32
    "tpu.region"() ({
      %run_scoped3A_836 = tpu.sem_alloc : memref<!tpu.dma_semaphore, #tpu.memory_space<semaphore_mem>>
      %dma_start3A_837 = arith.constant 0 : i32
      %dma_start3A_838 = arith.constant 0 : i32
      %dma_start3A_839 = tpu.memref_slice %arg16[%run_scoped3A_401, %dma_start3A_837, %dma_start3A_838] : memref<2x128x32xf32, #tpu.memory_space<vmem>> -> memref<1x128x32xf32, #tpu.memory_space<vmem>>
      %dma_start3A_840 = tpu.memref_squeeze %dma_start3A_839 : memref<1x128x32xf32, #tpu.memory_space<vmem>> -> memref<128x32xf32, #tpu.memory_space<vmem>>
      %dma_start3A_841 = arith.constant 0 : i32
      %dma_start3A_842 = tpu.memref_slice %arg5[%add3A_400, %dma_start3A_841] : memref<131072x32xf32, #tpu.memory_space<hbm>> -> memref<128x32xf32, #tpu.memory_space<hbm>>
      %dma_start3A_843 = arith.constant 0 : i32
      %dma_start3A_844 = tpu.memref_slice %arg5[%add3A_400, %dma_start3A_843] : memref<131072x32xf32, #tpu.memory_space<hbm>> -> memref<128x32xf32, #tpu.memory_space<hbm>>
      %dma_start3A_845 = arith.constant 0 : i32
      %dma_start3A_846 = arith.constant 0 : i32
      %dma_start3A_847 = tpu.memref_slice %arg16[%run_scoped3A_401, %dma_start3A_845, %dma_start3A_846] : memref<2x128x32xf32, #tpu.memory_space<vmem>> -> memref<1x128x32xf32, #tpu.memory_space<vmem>>
      %dma_start3A_848 = tpu.memref_squeeze %dma_start3A_847 : memref<1x128x32xf32, #tpu.memory_space<vmem>> -> memref<128x32xf32, #tpu.memory_space<vmem>>
      tpu.enqueue_dma source(%dma_start3A_848 : memref<128x32xf32, #tpu.memory_space<vmem>>) target(%dma_start3A_844 : memref<128x32xf32, #tpu.memory_space<hbm>>) target_semaphore(%run_scoped3A_836 : memref<!tpu.dma_semaphore, #tpu.memory_space<semaphore_mem>>)
      %dma_wait3A_849 = arith.constant 0 : i32
      %dma_wait3A_850 = arith.constant 0 : i32
      %dma_wait3A_851 = tpu.memref_slice %arg16[%run_scoped3A_401, %dma_wait3A_849, %dma_wait3A_850] : memref<2x128x32xf32, #tpu.memory_space<vmem>> -> memref<1x128x32xf32, #tpu.memory_space<vmem>>
      %dma_wait3A_852 = tpu.memref_squeeze %dma_wait3A_851 : memref<1x128x32xf32, #tpu.memory_space<vmem>> -> memref<128x32xf32, #tpu.memory_space<vmem>>
      %dma_wait3A_853 = arith.constant 0 : i32
      %dma_wait3A_854 = tpu.memref_slice %arg5[%add3A_400, %dma_wait3A_853] : memref<131072x32xf32, #tpu.memory_space<hbm>> -> memref<128x32xf32, #tpu.memory_space<hbm>>
      %dma_wait3A_855 = arith.constant 0 : i32
      %dma_wait3A_856 = tpu.memref_slice %arg5[%add3A_400, %dma_wait3A_855] : memref<131072x32xf32, #tpu.memory_space<hbm>> -> memref<128x32xf32, #tpu.memory_space<hbm>>
      %dma_wait3A_857 = arith.constant 0 : i32
      %dma_wait3A_858 = arith.constant 0 : i32
      %dma_wait3A_859 = tpu.memref_slice %arg16[%run_scoped3A_401, %dma_wait3A_857, %dma_wait3A_858] : memref<2x128x32xf32, #tpu.memory_space<vmem>> -> memref<1x128x32xf32, #tpu.memory_space<vmem>>
      %dma_wait3A_860 = tpu.memref_squeeze %dma_wait3A_859 : memref<1x128x32xf32, #tpu.memory_space<vmem>> -> memref<128x32xf32, #tpu.memory_space<vmem>>
      tpu.wait_dma2 semaphore(%run_scoped3A_836 : memref<!tpu.dma_semaphore, #tpu.memory_space<semaphore_mem>>) src(%dma_wait3A_860 : memref<128x32xf32, #tpu.memory_space<vmem>>) dst(%dma_wait3A_856 : memref<128x32xf32, #tpu.memory_space<hbm>>)
      tpu.yield
    }) : () -> ()
    %dma_wait3A_402 = arith.constant 1 : i32
    %dma_wait3A_403 = arith.constant 0 : i32
    %dma_wait3A_404 = arith.constant 0 : i32
    %dma_wait3A_405 = tpu.memref_slice %arg16[%dma_wait3A_402, %dma_wait3A_403, %dma_wait3A_404] : memref<2x128x32xf32, #tpu.memory_space<vmem>> -> memref<1x128x32xf32, #tpu.memory_space<vmem>>
    %dma_wait3A_406 = tpu.memref_squeeze %dma_wait3A_405 : memref<1x128x32xf32, #tpu.memory_space<vmem>> -> memref<128x32xf32, #tpu.memory_space<vmem>>
    %dma_wait3A_407 = arith.constant 1920 : i32
    %dma_wait3A_408 = tpu.memref_slice %arg14[%dma_wait3A_407] : memref<2048xi32, #tpu.memory_space<vmem>> -> memref<128xi32, #tpu.memory_space<vmem>>
    %dma_wait3A_409 = arith.constant 0 : i32
    %dma_wait3A_410 = arith.constant 0 : i32
    %dma_wait3A_411 = tpu.memref_slice %arg4[%dma_wait3A_409, %dma_wait3A_410] : memref<16384x32xf32, #tpu.memory_space<hbm>> -> memref<16384x32xf32, #tpu.memory_space<hbm>>
    tpu.wait_indirect_dma semaphore(%arg17 : memref<!tpu.dma_semaphore, #tpu.memory_space<semaphore_mem>>) src(%dma_wait3A_411 : memref<16384x32xf32, #tpu.memory_space<hbm>>) dst(%dma_wait3A_406 : memref<128x32xf32, #tpu.memory_space<vmem>>)
    %mul3A_412 = arith.constant 32 : i32
    %mul3A_413 = arith.muli %add3A_19, %mul3A_412 : i32
    %add3A_414 = arith.constant 1920 : i32
    %add3A_415 = arith.addi %mul3A_413, %add3A_414 : i32
    %run_scoped3A_416 = arith.constant 1 : i32
    "tpu.region"() ({
      %run_scoped3A_836 = tpu.sem_alloc : memref<!tpu.dma_semaphore, #tpu.memory_space<semaphore_mem>>
      %dma_start3A_837 = arith.constant 0 : i32
      %dma_start3A_838 = arith.constant 0 : i32
      %dma_start3A_839 = tpu.memref_slice %arg16[%run_scoped3A_416, %dma_start3A_837, %dma_start3A_838] : memref<2x128x32xf32, #tpu.memory_space<vmem>> -> memref<1x128x32xf32, #tpu.memory_space<vmem>>
      %dma_start3A_840 = tpu.memref_squeeze %dma_start3A_839 : memref<1x128x32xf32, #tpu.memory_space<vmem>> -> memref<128x32xf32, #tpu.memory_space<vmem>>
      %dma_start3A_841 = arith.constant 0 : i32
      %dma_start3A_842 = tpu.memref_slice %arg5[%add3A_415, %dma_start3A_841] : memref<131072x32xf32, #tpu.memory_space<hbm>> -> memref<128x32xf32, #tpu.memory_space<hbm>>
      %dma_start3A_843 = arith.constant 0 : i32
      %dma_start3A_844 = tpu.memref_slice %arg5[%add3A_415, %dma_start3A_843] : memref<131072x32xf32, #tpu.memory_space<hbm>> -> memref<128x32xf32, #tpu.memory_space<hbm>>
      %dma_start3A_845 = arith.constant 0 : i32
      %dma_start3A_846 = arith.constant 0 : i32
      %dma_start3A_847 = tpu.memref_slice %arg16[%run_scoped3A_416, %dma_start3A_845, %dma_start3A_846] : memref<2x128x32xf32, #tpu.memory_space<vmem>> -> memref<1x128x32xf32, #tpu.memory_space<vmem>>
      %dma_start3A_848 = tpu.memref_squeeze %dma_start3A_847 : memref<1x128x32xf32, #tpu.memory_space<vmem>> -> memref<128x32xf32, #tpu.memory_space<vmem>>
      tpu.enqueue_dma source(%dma_start3A_848 : memref<128x32xf32, #tpu.memory_space<vmem>>) target(%dma_start3A_844 : memref<128x32xf32, #tpu.memory_space<hbm>>) target_semaphore(%run_scoped3A_836 : memref<!tpu.dma_semaphore, #tpu.memory_space<semaphore_mem>>)
      %dma_wait3A_849 = arith.constant 0 : i32
      %dma_wait3A_850 = arith.constant 0 : i32
      %dma_wait3A_851 = tpu.memref_slice %arg16[%run_scoped3A_416, %dma_wait3A_849, %dma_wait3A_850] : memref<2x128x32xf32, #tpu.memory_space<vmem>> -> memref<1x128x32xf32, #tpu.memory_space<vmem>>
      %dma_wait3A_852 = tpu.memref_squeeze %dma_wait3A_851 : memref<1x128x32xf32, #tpu.memory_space<vmem>> -> memref<128x32xf32, #tpu.memory_space<vmem>>
      %dma_wait3A_853 = arith.constant 0 : i32
      %dma_wait3A_854 = tpu.memref_slice %arg5[%add3A_415, %dma_wait3A_853] : memref<131072x32xf32, #tpu.memory_space<hbm>> -> memref<128x32xf32, #tpu.memory_space<hbm>>
      %dma_wait3A_855 = arith.constant 0 : i32
      %dma_wait3A_856 = tpu.memref_slice %arg5[%add3A_415, %dma_wait3A_855] : memref<131072x32xf32, #tpu.memory_space<hbm>> -> memref<128x32xf32, #tpu.memory_space<hbm>>
      %dma_wait3A_857 = arith.constant 0 : i32
      %dma_wait3A_858 = arith.constant 0 : i32
      %dma_wait3A_859 = tpu.memref_slice %arg16[%run_scoped3A_416, %dma_wait3A_857, %dma_wait3A_858] : memref<2x128x32xf32, #tpu.memory_space<vmem>> -> memref<1x128x32xf32, #tpu.memory_space<vmem>>
      %dma_wait3A_860 = tpu.memref_squeeze %dma_wait3A_859 : memref<1x128x32xf32, #tpu.memory_space<vmem>> -> memref<128x32xf32, #tpu.memory_space<vmem>>
      tpu.wait_dma2 semaphore(%run_scoped3A_836 : memref<!tpu.dma_semaphore, #tpu.memory_space<semaphore_mem>>) src(%dma_wait3A_860 : memref<128x32xf32, #tpu.memory_space<vmem>>) dst(%dma_wait3A_856 : memref<128x32xf32, #tpu.memory_space<hbm>>)
      tpu.yield
    }) : () -> ()
    "tpu.region"() ({
      %run_scoped3A_836 = tpu.sem_alloc : memref<!tpu.dma_semaphore, #tpu.memory_space<semaphore_mem>>
      %dma_start3A_837 = arith.constant 24576 : i32
      %dma_start3A_838 = tpu.memref_slice %arg2[%dma_start3A_837] : memref<49152xf32, #tpu.memory_space<hbm>> -> memref<8192xf32, #tpu.memory_space<hbm>>
      %dma_start3A_839 = arith.constant 24576 : i32
      %dma_start3A_840 = tpu.memref_slice %arg2[%dma_start3A_839] : memref<49152xf32, #tpu.memory_space<hbm>> -> memref<8192xf32, #tpu.memory_space<hbm>>
      tpu.enqueue_dma source(%dma_start3A_840 : memref<8192xf32, #tpu.memory_space<hbm>>) target(%arg7 : memref<8192xf32, #tpu.memory_space<vmem>>) target_semaphore(%run_scoped3A_836 : memref<!tpu.dma_semaphore, #tpu.memory_space<semaphore_mem>>)
      %dma_wait3A_841 = arith.constant 24576 : i32
      %dma_wait3A_842 = tpu.memref_slice %arg2[%dma_wait3A_841] : memref<49152xf32, #tpu.memory_space<hbm>> -> memref<8192xf32, #tpu.memory_space<hbm>>
      %dma_wait3A_843 = arith.constant 24576 : i32
      %dma_wait3A_844 = tpu.memref_slice %arg2[%dma_wait3A_843] : memref<49152xf32, #tpu.memory_space<hbm>> -> memref<8192xf32, #tpu.memory_space<hbm>>
      tpu.wait_dma2 semaphore(%run_scoped3A_836 : memref<!tpu.dma_semaphore, #tpu.memory_space<semaphore_mem>>) src(%dma_wait3A_844 : memref<8192xf32, #tpu.memory_space<hbm>>) dst(%arg7 : memref<8192xf32, #tpu.memory_space<vmem>>)
      tpu.yield
    }) : () -> ()
    "tpu.region"() ({
      %run_scoped3A_836 = tpu.sem_alloc : memref<!tpu.dma_semaphore, #tpu.memory_space<semaphore_mem>>
      %dma_start3A_837 = arith.constant 32768 : i32
      %dma_start3A_838 = tpu.memref_slice %arg2[%dma_start3A_837] : memref<49152xf32, #tpu.memory_space<hbm>> -> memref<8192xf32, #tpu.memory_space<hbm>>
      %dma_start3A_839 = arith.constant 32768 : i32
      %dma_start3A_840 = tpu.memref_slice %arg2[%dma_start3A_839] : memref<49152xf32, #tpu.memory_space<hbm>> -> memref<8192xf32, #tpu.memory_space<hbm>>
      tpu.enqueue_dma source(%dma_start3A_840 : memref<8192xf32, #tpu.memory_space<hbm>>) target(%arg8 : memref<8192xf32, #tpu.memory_space<vmem>>) target_semaphore(%run_scoped3A_836 : memref<!tpu.dma_semaphore, #tpu.memory_space<semaphore_mem>>)
      %dma_wait3A_841 = arith.constant 32768 : i32
      %dma_wait3A_842 = tpu.memref_slice %arg2[%dma_wait3A_841] : memref<49152xf32, #tpu.memory_space<hbm>> -> memref<8192xf32, #tpu.memory_space<hbm>>
      %dma_wait3A_843 = arith.constant 32768 : i32
      %dma_wait3A_844 = tpu.memref_slice %arg2[%dma_wait3A_843] : memref<49152xf32, #tpu.memory_space<hbm>> -> memref<8192xf32, #tpu.memory_space<hbm>>
      tpu.wait_dma2 semaphore(%run_scoped3A_836 : memref<!tpu.dma_semaphore, #tpu.memory_space<semaphore_mem>>) src(%dma_wait3A_844 : memref<8192xf32, #tpu.memory_space<hbm>>) dst(%arg8 : memref<8192xf32, #tpu.memory_space<vmem>>)
      tpu.yield
    }) : () -> ()
    "tpu.region"() ({
      %run_scoped3A_836 = tpu.sem_alloc : memref<!tpu.dma_semaphore, #tpu.memory_space<semaphore_mem>>
      %dma_start3A_837 = arith.constant 40960 : i32
      %dma_start3A_838 = tpu.memref_slice %arg2[%dma_start3A_837] : memref<49152xf32, #tpu.memory_space<hbm>> -> memref<8192xf32, #tpu.memory_space<hbm>>
      %dma_start3A_839 = arith.constant 40960 : i32
      %dma_start3A_840 = tpu.memref_slice %arg2[%dma_start3A_839] : memref<49152xf32, #tpu.memory_space<hbm>> -> memref<8192xf32, #tpu.memory_space<hbm>>
      tpu.enqueue_dma source(%dma_start3A_840 : memref<8192xf32, #tpu.memory_space<hbm>>) target(%arg9 : memref<8192xf32, #tpu.memory_space<vmem>>) target_semaphore(%run_scoped3A_836 : memref<!tpu.dma_semaphore, #tpu.memory_space<semaphore_mem>>)
      %dma_wait3A_841 = arith.constant 40960 : i32
      %dma_wait3A_842 = tpu.memref_slice %arg2[%dma_wait3A_841] : memref<49152xf32, #tpu.memory_space<hbm>> -> memref<8192xf32, #tpu.memory_space<hbm>>
      %dma_wait3A_843 = arith.constant 40960 : i32
      %dma_wait3A_844 = tpu.memref_slice %arg2[%dma_wait3A_843] : memref<49152xf32, #tpu.memory_space<hbm>> -> memref<8192xf32, #tpu.memory_space<hbm>>
      tpu.wait_dma2 semaphore(%run_scoped3A_836 : memref<!tpu.dma_semaphore, #tpu.memory_space<semaphore_mem>>) src(%dma_wait3A_844 : memref<8192xf32, #tpu.memory_space<hbm>>) dst(%arg9 : memref<8192xf32, #tpu.memory_space<vmem>>)
      tpu.yield
    }) : () -> ()
    %mul3A_417 = arith.constant 64 : i32
    %mul3A_418 = arith.muli %add3A, %mul3A_417 : i32
    %add3A_419 = arith.constant 6144 : i32
    %add3A_420 = arith.addi %add3A_419, %mul3A_418 : i32
    "tpu.region"() ({
      %run_scoped3A_836 = tpu.sem_alloc : memref<!tpu.dma_semaphore, #tpu.memory_space<semaphore_mem>>
      %dma_start3A_837 = tpu.memref_slice %arg3[%add3A_420] : memref<12288xf32, #tpu.memory_space<hbm>> -> memref<64xf32, #tpu.memory_space<hbm>>
      %dma_start3A_838 = tpu.memref_slice %arg3[%add3A_420] : memref<12288xf32, #tpu.memory_space<hbm>> -> memref<64xf32, #tpu.memory_space<hbm>>
      tpu.enqueue_dma source(%dma_start3A_838 : memref<64xf32, #tpu.memory_space<hbm>>) target(%arg10 : memref<64xf32, #tpu.memory_space<vmem>>) target_semaphore(%run_scoped3A_836 : memref<!tpu.dma_semaphore, #tpu.memory_space<semaphore_mem>>)
      %dma_wait3A_839 = tpu.memref_slice %arg3[%add3A_420] : memref<12288xf32, #tpu.memory_space<hbm>> -> memref<64xf32, #tpu.memory_space<hbm>>
      %dma_wait3A_840 = tpu.memref_slice %arg3[%add3A_420] : memref<12288xf32, #tpu.memory_space<hbm>> -> memref<64xf32, #tpu.memory_space<hbm>>
      tpu.wait_dma2 semaphore(%run_scoped3A_836 : memref<!tpu.dma_semaphore, #tpu.memory_space<semaphore_mem>>) src(%dma_wait3A_840 : memref<64xf32, #tpu.memory_space<hbm>>) dst(%arg10 : memref<64xf32, #tpu.memory_space<vmem>>)
      tpu.yield
    }) : () -> ()
    %add3A_421 = arith.constant 8192 : i32
    %add3A_422 = arith.addi %add3A_421, %mul3A_418 : i32
    "tpu.region"() ({
      %run_scoped3A_836 = tpu.sem_alloc : memref<!tpu.dma_semaphore, #tpu.memory_space<semaphore_mem>>
      %dma_start3A_837 = tpu.memref_slice %arg3[%add3A_422] : memref<12288xf32, #tpu.memory_space<hbm>> -> memref<64xf32, #tpu.memory_space<hbm>>
      %dma_start3A_838 = tpu.memref_slice %arg3[%add3A_422] : memref<12288xf32, #tpu.memory_space<hbm>> -> memref<64xf32, #tpu.memory_space<hbm>>
      tpu.enqueue_dma source(%dma_start3A_838 : memref<64xf32, #tpu.memory_space<hbm>>) target(%arg11 : memref<64xf32, #tpu.memory_space<vmem>>) target_semaphore(%run_scoped3A_836 : memref<!tpu.dma_semaphore, #tpu.memory_space<semaphore_mem>>)
      %dma_wait3A_839 = tpu.memref_slice %arg3[%add3A_422] : memref<12288xf32, #tpu.memory_space<hbm>> -> memref<64xf32, #tpu.memory_space<hbm>>
      %dma_wait3A_840 = tpu.memref_slice %arg3[%add3A_422] : memref<12288xf32, #tpu.memory_space<hbm>> -> memref<64xf32, #tpu.memory_space<hbm>>
      tpu.wait_dma2 semaphore(%run_scoped3A_836 : memref<!tpu.dma_semaphore, #tpu.memory_space<semaphore_mem>>) src(%dma_wait3A_840 : memref<64xf32, #tpu.memory_space<hbm>>) dst(%arg11 : memref<64xf32, #tpu.memory_space<vmem>>)
      tpu.yield
    }) : () -> ()
    %add3A_423 = arith.constant 10240 : i32
    %add3A_424 = arith.addi %add3A_423, %mul3A_418 : i32
    "tpu.region"() ({
      %run_scoped3A_836 = tpu.sem_alloc : memref<!tpu.dma_semaphore, #tpu.memory_space<semaphore_mem>>
      %dma_start3A_837 = tpu.memref_slice %arg3[%add3A_424] : memref<12288xf32, #tpu.memory_space<hbm>> -> memref<64xf32, #tpu.memory_space<hbm>>
      %dma_start3A_838 = tpu.memref_slice %arg3[%add3A_424] : memref<12288xf32, #tpu.memory_space<hbm>> -> memref<64xf32, #tpu.memory_space<hbm>>
      tpu.enqueue_dma source(%dma_start3A_838 : memref<64xf32, #tpu.memory_space<hbm>>) target(%arg12 : memref<64xf32, #tpu.memory_space<vmem>>) target_semaphore(%run_scoped3A_836 : memref<!tpu.dma_semaphore, #tpu.memory_space<semaphore_mem>>)
      %dma_wait3A_839 = tpu.memref_slice %arg3[%add3A_424] : memref<12288xf32, #tpu.memory_space<hbm>> -> memref<64xf32, #tpu.memory_space<hbm>>
      %dma_wait3A_840 = tpu.memref_slice %arg3[%add3A_424] : memref<12288xf32, #tpu.memory_space<hbm>> -> memref<64xf32, #tpu.memory_space<hbm>>
      tpu.wait_dma2 semaphore(%run_scoped3A_836 : memref<!tpu.dma_semaphore, #tpu.memory_space<semaphore_mem>>) src(%dma_wait3A_840 : memref<64xf32, #tpu.memory_space<hbm>>) dst(%arg12 : memref<64xf32, #tpu.memory_space<vmem>>)
      tpu.yield
    }) : () -> ()
    %scan3A_425 = arith.constant 0 : i32
    %scan3A_426 = arith.constant 4.000000e-02 : f32
    %scan3A_427 = arith.constant 0 : i32
    %scan3A_428 = arith.constant 64 : i32
    %scan3A_429 = arith.addi %scan3A_427, %scan3A_428 : i32
    %scan3A_430 = arith.constant 1 : i32
    scf.for %scan3A_836 = %scan3A_427 to %scan3A_429 step %scan3A_430  : i32 {
      %swap3A = arith.constant 0 : index
      %swap3A_837 = tpu.vector_load %arg13[%swap3A] {strides = array<i32>} : memref<192xi32, #tpu.memory_space<vmem>>, vector<16xi32>,
      tpu.vector_store %arg13[%swap3A], %broadcast_in_dim3A_1 {strides = array<i32>} : memref<192xi32, #tpu.memory_space<vmem>>, vector<16xi32>,
      %broadcast_in_dim3A_838 = vector.broadcast %scan3A_836 : i32 to vector<16xi32>
      %gather3A = tpu.vector_load_idx %arg10[%broadcast_in_dim3A_838] : memref<64xf32, #tpu.memory_space<vmem>>[vector<16xi32>], vector<16xf32>,
      %gather3A_839 = tpu.vector_load_idx %arg11[%broadcast_in_dim3A_838] : memref<64xf32, #tpu.memory_space<vmem>>[vector<16xi32>], vector<16xf32>,
      %gather3A_840 = tpu.vector_load_idx %arg12[%broadcast_in_dim3A_838] : memref<64xf32, #tpu.memory_space<vmem>>[vector<16xi32>], vector<16xf32>,
      %while3A = arith.constant 0 : i32
      %while3A_841 = arith.constant 0 : i32
      %while3A_842:3 = scf.while (%while3A_877 = %while3A, %while3A_878 = %while3A_841, %while3A_879 = %broadcast_in_dim3A_1) : (i32, i32, vector<16xi32>) -> (i32, i32, vector<16xi32>) {
        %lt3A_880 = arith.constant 8192 : i32
        %lt3A_881 = arith.cmpi slt, %while3A_877, %lt3A_880 : i32
        %lt3A_882 = arith.constant 32 : i32
        %lt3A_883 = arith.cmpi slt, %while3A_878, %lt3A_882 : i32
        %and3A = arith.andi %lt3A_881, %lt3A_883 : i1
        scf.condition(%and3A) %while3A_877, %while3A_878, %while3A_879 : i32, i32, vector<16xi32>
      } do {
      ^bb0(%while3A_877: i32, %while3A_878: i32, %while3A_879: vector<16xi32>):
        %add3A_880 = arith.constant 0 : i32
        %add3A_881 = arith.addi %while3A_877, %add3A_880 : i32
        %broadcast_in_dim3A_882 = vector.broadcast %add3A_881 : i32 to vector<16xi32>
        %add3A_883 = arith.addi %broadcast_in_dim3A_882, %iota3A : vector<16xi32>
        %gather3A_884 = tpu.vector_load_idx %arg7[%add3A_883] : memref<8192xf32, #tpu.memory_space<vmem>>[vector<16xi32>], vector<16xf32>,
        %gather3A_885 = tpu.vector_load_idx %arg8[%add3A_883] : memref<8192xf32, #tpu.memory_space<vmem>>[vector<16xi32>], vector<16xf32>,
        %gather3A_886 = tpu.vector_load_idx %arg9[%add3A_883] : memref<8192xf32, #tpu.memory_space<vmem>>[vector<16xi32>], vector<16xf32>,
        %sub3A = arith.subf %gather3A_884, %gather3A : vector<16xf32>
        %sub3A_887 = arith.subf %gather3A_885, %gather3A_839 : vector<16xf32>
        %sub3A_888 = arith.subf %gather3A_886, %gather3A_840 : vector<16xf32>
        %mul3A_889 = arith.mulf %sub3A, %sub3A : vector<16xf32>
        %mul3A_890 = arith.mulf %sub3A_887, %sub3A_887 : vector<16xf32>
        %add3A_891 = arith.addf %mul3A_889, %mul3A_890 : vector<16xf32>
        %mul3A_892 = arith.mulf %sub3A_888, %sub3A_888 : vector<16xf32>
        %add3A_893 = arith.addf %add3A_891, %mul3A_892 : vector<16xf32>
        %lt3A_894 = vector.broadcast %scan3A_426 : f32 to vector<16xf32>
        %lt3A_895 = arith.cmpf olt, %add3A_893, %lt3A_894 : vector<16xf32>
        %convert_element_type3A = arith.extui %lt3A_895 : vector<16xi1> to vector<16xi32>
        %broadcast_in_dim3A_896 = arith.constant true
        %broadcast_in_dim3A_897 = vector.broadcast %broadcast_in_dim3A_896 : i1 to vector<16xi1>
        %masked_cumsum3A = tpu.scan <sum>, %convert_element_type3A masked %broadcast_in_dim3A_897 : vector<16xi32>, vector<16xi1> -> vector<16xi32>
        %add3A_898 = arith.addi %while3A_879, %masked_cumsum3A : vector<16xi32>
        %sub3A_899 = arith.constant 1 : i32
        %sub3A_900 = vector.broadcast %sub3A_899 : i32 to vector<16xi32>
        %sub3A_901 = arith.subi %add3A_898, %sub3A_900 : vector<16xi32>
        tpu.vector_store_idx %arg13[%sub3A_901], %add3A_883 masked %lt3A_895 : memref<192xi32, #tpu.memory_space<vmem>>[vector<16xi32>], vector<16xi32>, vector<16xi1>
        %all_reduce_population_count3A = tpu.all_reduce %lt3A_895 {dim = 0 : i64, kind = #tpu.reduction_kind<sum>} : vector<16xi1> -> vector<16xi32>
        %add3A_902 = arith.addi %while3A_879, %all_reduce_population_count3A : vector<16xi32>
        %add3A_903 = arith.constant 16 : i32
        %add3A_904 = arith.addi %while3A_877, %add3A_903 : i32
        %broadcast_in_dim3A_905 = vector.broadcast %add3A_904 : i32 to vector<16xi32>
        %add3A_906 = arith.addi %broadcast_in_dim3A_905, %iota3A : vector<16xi32>
        %gather3A_907 = tpu.vector_load_idx %arg7[%add3A_906] : memref<8192xf32, #tpu.memory_space<vmem>>[vector<16xi32>], vector<16xf32>,
        %gather3A_908 = tpu.vector_load_idx %arg8[%add3A_906] : memref<8192xf32, #tpu.memory_space<vmem>>[vector<16xi32>], vector<16xf32>,
        %gather3A_909 = tpu.vector_load_idx %arg9[%add3A_906] : memref<8192xf32, #tpu.memory_space<vmem>>[vector<16xi32>], vector<16xf32>,
        %sub3A_910 = arith.subf %gather3A_907, %gather3A : vector<16xf32>
        %sub3A_911 = arith.subf %gather3A_908, %gather3A_839 : vector<16xf32>
        %sub3A_912 = arith.subf %gather3A_909, %gather3A_840 : vector<16xf32>
        %mul3A_913 = arith.mulf %sub3A_910, %sub3A_910 : vector<16xf32>
        %mul3A_914 = arith.mulf %sub3A_911, %sub3A_911 : vector<16xf32>
        %add3A_915 = arith.addf %mul3A_913, %mul3A_914 : vector<16xf32>
        %mul3A_916 = arith.mulf %sub3A_912, %sub3A_912 : vector<16xf32>
        %add3A_917 = arith.addf %add3A_915, %mul3A_916 : vector<16xf32>
        %lt3A_918 = vector.broadcast %scan3A_426 : f32 to vector<16xf32>
        %lt3A_919 = arith.cmpf olt, %add3A_917, %lt3A_918 : vector<16xf32>
        %convert_element_type3A_920 = arith.extui %lt3A_919 : vector<16xi1> to vector<16xi32>
        %broadcast_in_dim3A_921 = arith.constant true
        %broadcast_in_dim3A_922 = vector.broadcast %broadcast_in_dim3A_921 : i1 to vector<16xi1>
        %masked_cumsum3A_923 = tpu.scan <sum>, %convert_element_type3A_920 masked %broadcast_in_dim3A_922 : vector<16xi32>, vector<16xi1> -> vector<16xi32>
        %add3A_924 = arith.addi %add3A_902, %masked_cumsum3A_923 : vector<16xi32>
        %sub3A_925 = arith.constant 1 : i32
        %sub3A_926 = vector.broadcast %sub3A_925 : i32 to vector<16xi32>
        %sub3A_927 = arith.subi %add3A_924, %sub3A_926 : vector<16xi32>
        tpu.vector_store_idx %arg13[%sub3A_927], %add3A_906 masked %lt3A_919 : memref<192xi32, #tpu.memory_space<vmem>>[vector<16xi32>], vector<16xi32>, vector<16xi1>
        %all_reduce_population_count3A_928 = tpu.all_reduce %lt3A_919 {dim = 0 : i64, kind = #tpu.reduction_kind<sum>} : vector<16xi1> -> vector<16xi32>
        %add3A_929 = arith.addi %add3A_902, %all_reduce_population_count3A_928 : vector<16xi32>
        %add3A_930 = arith.constant 32 : i32
        %add3A_931 = arith.addi %while3A_877, %add3A_930 : i32
        %broadcast_in_dim3A_932 = vector.broadcast %add3A_931 : i32 to vector<16xi32>
        %add3A_933 = arith.addi %broadcast_in_dim3A_932, %iota3A : vector<16xi32>
        %gather3A_934 = tpu.vector_load_idx %arg7[%add3A_933] : memref<8192xf32, #tpu.memory_space<vmem>>[vector<16xi32>], vector<16xf32>,
        %gather3A_935 = tpu.vector_load_idx %arg8[%add3A_933] : memref<8192xf32, #tpu.memory_space<vmem>>[vector<16xi32>], vector<16xf32>,
        %gather3A_936 = tpu.vector_load_idx %arg9[%add3A_933] : memref<8192xf32, #tpu.memory_space<vmem>>[vector<16xi32>], vector<16xf32>,
        %sub3A_937 = arith.subf %gather3A_934, %gather3A : vector<16xf32>
        %sub3A_938 = arith.subf %gather3A_935, %gather3A_839 : vector<16xf32>
        %sub3A_939 = arith.subf %gather3A_936, %gather3A_840 : vector<16xf32>
        %mul3A_940 = arith.mulf %sub3A_937, %sub3A_937 : vector<16xf32>
        %mul3A_941 = arith.mulf %sub3A_938, %sub3A_938 : vector<16xf32>
        %add3A_942 = arith.addf %mul3A_940, %mul3A_941 : vector<16xf32>
        %mul3A_943 = arith.mulf %sub3A_939, %sub3A_939 : vector<16xf32>
        %add3A_944 = arith.addf %add3A_942, %mul3A_943 : vector<16xf32>
        %lt3A_945 = vector.broadcast %scan3A_426 : f32 to vector<16xf32>
        %lt3A_946 = arith.cmpf olt, %add3A_944, %lt3A_945 : vector<16xf32>
        %convert_element_type3A_947 = arith.extui %lt3A_946 : vector<16xi1> to vector<16xi32>
        %broadcast_in_dim3A_948 = arith.constant true
        %broadcast_in_dim3A_949 = vector.broadcast %broadcast_in_dim3A_948 : i1 to vector<16xi1>
        %masked_cumsum3A_950 = tpu.scan <sum>, %convert_element_type3A_947 masked %broadcast_in_dim3A_949 : vector<16xi32>, vector<16xi1> -> vector<16xi32>
        %add3A_951 = arith.addi %add3A_929, %masked_cumsum3A_950 : vector<16xi32>
        %sub3A_952 = arith.constant 1 : i32
        %sub3A_953 = vector.broadcast %sub3A_952 : i32 to vector<16xi32>
        %sub3A_954 = arith.subi %add3A_951, %sub3A_953 : vector<16xi32>
        tpu.vector_store_idx %arg13[%sub3A_954], %add3A_933 masked %lt3A_946 : memref<192xi32, #tpu.memory_space<vmem>>[vector<16xi32>], vector<16xi32>, vector<16xi1>
        %all_reduce_population_count3A_955 = tpu.all_reduce %lt3A_946 {dim = 0 : i64, kind = #tpu.reduction_kind<sum>} : vector<16xi1> -> vector<16xi32>
        %add3A_956 = arith.addi %add3A_929, %all_reduce_population_count3A_955 : vector<16xi32>
        %add3A_957 = arith.constant 48 : i32
        %add3A_958 = arith.addi %while3A_877, %add3A_957 : i32
        %broadcast_in_dim3A_959 = vector.broadcast %add3A_958 : i32 to vector<16xi32>
        %add3A_960 = arith.addi %broadcast_in_dim3A_959, %iota3A : vector<16xi32>
        %gather3A_961 = tpu.vector_load_idx %arg7[%add3A_960] : memref<8192xf32, #tpu.memory_space<vmem>>[vector<16xi32>], vector<16xf32>,
        %gather3A_962 = tpu.vector_load_idx %arg8[%add3A_960] : memref<8192xf32, #tpu.memory_space<vmem>>[vector<16xi32>], vector<16xf32>,
        %gather3A_963 = tpu.vector_load_idx %arg9[%add3A_960] : memref<8192xf32, #tpu.memory_space<vmem>>[vector<16xi32>], vector<16xf32>,
        %sub3A_964 = arith.subf %gather3A_961, %gather3A : vector<16xf32>
        %sub3A_965 = arith.subf %gather3A_962, %gather3A_839 : vector<16xf32>
        %sub3A_966 = arith.subf %gather3A_963, %gather3A_840 : vector<16xf32>
        %mul3A_967 = arith.mulf %sub3A_964, %sub3A_964 : vector<16xf32>
        %mul3A_968 = arith.mulf %sub3A_965, %sub3A_965 : vector<16xf32>
        %add3A_969 = arith.addf %mul3A_967, %mul3A_968 : vector<16xf32>
        %mul3A_970 = arith.mulf %sub3A_966, %sub3A_966 : vector<16xf32>
        %add3A_971 = arith.addf %add3A_969, %mul3A_970 : vector<16xf32>
        %lt3A_972 = vector.broadcast %scan3A_426 : f32 to vector<16xf32>
        %lt3A_973 = arith.cmpf olt, %add3A_971, %lt3A_972 : vector<16xf32>
        %convert_element_type3A_974 = arith.extui %lt3A_973 : vector<16xi1> to vector<16xi32>
        %broadcast_in_dim3A_975 = arith.constant true
        %broadcast_in_dim3A_976 = vector.broadcast %broadcast_in_dim3A_975 : i1 to vector<16xi1>
        %masked_cumsum3A_977 = tpu.scan <sum>, %convert_element_type3A_974 masked %broadcast_in_dim3A_976 : vector<16xi32>, vector<16xi1> -> vector<16xi32>
        %add3A_978 = arith.addi %add3A_956, %masked_cumsum3A_977 : vector<16xi32>
        %sub3A_979 = arith.constant 1 : i32
        %sub3A_980 = vector.broadcast %sub3A_979 : i32 to vector<16xi32>
        %sub3A_981 = arith.subi %add3A_978, %sub3A_980 : vector<16xi32>
        tpu.vector_store_idx %arg13[%sub3A_981], %add3A_960 masked %lt3A_973 : memref<192xi32, #tpu.memory_space<vmem>>[vector<16xi32>], vector<16xi32>, vector<16xi1>
        %all_reduce_population_count3A_982 = tpu.all_reduce %lt3A_973 {dim = 0 : i64, kind = #tpu.reduction_kind<sum>} : vector<16xi1> -> vector<16xi32>
        %add3A_983 = arith.addi %add3A_956, %all_reduce_population_count3A_982 : vector<16xi32>
        %add3A_984 = arith.constant 64 : i32
        %add3A_985 = arith.addi %while3A_877, %add3A_984 : i32
        %broadcast_in_dim3A_986 = vector.broadcast %add3A_985 : i32 to vector<16xi32>
        %add3A_987 = arith.addi %broadcast_in_dim3A_986, %iota3A : vector<16xi32>
        %gather3A_988 = tpu.vector_load_idx %arg7[%add3A_987] : memref<8192xf32, #tpu.memory_space<vmem>>[vector<16xi32>], vector<16xf32>,
        %gather3A_989 = tpu.vector_load_idx %arg8[%add3A_987] : memref<8192xf32, #tpu.memory_space<vmem>>[vector<16xi32>], vector<16xf32>,
        %gather3A_990 = tpu.vector_load_idx %arg9[%add3A_987] : memref<8192xf32, #tpu.memory_space<vmem>>[vector<16xi32>], vector<16xf32>,
        %sub3A_991 = arith.subf %gather3A_988, %gather3A : vector<16xf32>
        %sub3A_992 = arith.subf %gather3A_989, %gather3A_839 : vector<16xf32>
        %sub3A_993 = arith.subf %gather3A_990, %gather3A_840 : vector<16xf32>
        %mul3A_994 = arith.mulf %sub3A_991, %sub3A_991 : vector<16xf32>
        %mul3A_995 = arith.mulf %sub3A_992, %sub3A_992 : vector<16xf32>
        %add3A_996 = arith.addf %mul3A_994, %mul3A_995 : vector<16xf32>
        %mul3A_997 = arith.mulf %sub3A_993, %sub3A_993 : vector<16xf32>
        %add3A_998 = arith.addf %add3A_996, %mul3A_997 : vector<16xf32>
        %lt3A_999 = vector.broadcast %scan3A_426 : f32 to vector<16xf32>
        %lt3A_1000 = arith.cmpf olt, %add3A_998, %lt3A_999 : vector<16xf32>
        %convert_element_type3A_1001 = arith.extui %lt3A_1000 : vector<16xi1> to vector<16xi32>
        %broadcast_in_dim3A_1002 = arith.constant true
        %broadcast_in_dim3A_1003 = vector.broadcast %broadcast_in_dim3A_1002 : i1 to vector<16xi1>
        %masked_cumsum3A_1004 = tpu.scan <sum>, %convert_element_type3A_1001 masked %broadcast_in_dim3A_1003 : vector<16xi32>, vector<16xi1> -> vector<16xi32>
        %add3A_1005 = arith.addi %add3A_983, %masked_cumsum3A_1004 : vector<16xi32>
        %sub3A_1006 = arith.constant 1 : i32
        %sub3A_1007 = vector.broadcast %sub3A_1006 : i32 to vector<16xi32>
        %sub3A_1008 = arith.subi %add3A_1005, %sub3A_1007 : vector<16xi32>
        tpu.vector_store_idx %arg13[%sub3A_1008], %add3A_987 masked %lt3A_1000 : memref<192xi32, #tpu.memory_space<vmem>>[vector<16xi32>], vector<16xi32>, vector<16xi1>
        %all_reduce_population_count3A_1009 = tpu.all_reduce %lt3A_1000 {dim = 0 : i64, kind = #tpu.reduction_kind<sum>} : vector<16xi1> -> vector<16xi32>
        %add3A_1010 = arith.addi %add3A_983, %all_reduce_population_count3A_1009 : vector<16xi32>
        %add3A_1011 = arith.constant 80 : i32
        %add3A_1012 = arith.addi %while3A_877, %add3A_1011 : i32
        %broadcast_in_dim3A_1013 = vector.broadcast %add3A_1012 : i32 to vector<16xi32>
        %add3A_1014 = arith.addi %broadcast_in_dim3A_1013, %iota3A : vector<16xi32>
        %gather3A_1015 = tpu.vector_load_idx %arg7[%add3A_1014] : memref<8192xf32, #tpu.memory_space<vmem>>[vector<16xi32>], vector<16xf32>,
        %gather3A_1016 = tpu.vector_load_idx %arg8[%add3A_1014] : memref<8192xf32, #tpu.memory_space<vmem>>[vector<16xi32>], vector<16xf32>,
        %gather3A_1017 = tpu.vector_load_idx %arg9[%add3A_1014] : memref<8192xf32, #tpu.memory_space<vmem>>[vector<16xi32>], vector<16xf32>,
        %sub3A_1018 = arith.subf %gather3A_1015, %gather3A : vector<16xf32>
        %sub3A_1019 = arith.subf %gather3A_1016, %gather3A_839 : vector<16xf32>
        %sub3A_1020 = arith.subf %gather3A_1017, %gather3A_840 : vector<16xf32>
        %mul3A_1021 = arith.mulf %sub3A_1018, %sub3A_1018 : vector<16xf32>
        %mul3A_1022 = arith.mulf %sub3A_1019, %sub3A_1019 : vector<16xf32>
        %add3A_1023 = arith.addf %mul3A_1021, %mul3A_1022 : vector<16xf32>
        %mul3A_1024 = arith.mulf %sub3A_1020, %sub3A_1020 : vector<16xf32>
        %add3A_1025 = arith.addf %add3A_1023, %mul3A_1024 : vector<16xf32>
        %lt3A_1026 = vector.broadcast %scan3A_426 : f32 to vector<16xf32>
        %lt3A_1027 = arith.cmpf olt, %add3A_1025, %lt3A_1026 : vector<16xf32>
        %convert_element_type3A_1028 = arith.extui %lt3A_1027 : vector<16xi1> to vector<16xi32>
        %broadcast_in_dim3A_1029 = arith.constant true
        %broadcast_in_dim3A_1030 = vector.broadcast %broadcast_in_dim3A_1029 : i1 to vector<16xi1>
        %masked_cumsum3A_1031 = tpu.scan <sum>, %convert_element_type3A_1028 masked %broadcast_in_dim3A_1030 : vector<16xi32>, vector<16xi1> -> vector<16xi32>
        %add3A_1032 = arith.addi %add3A_1010, %masked_cumsum3A_1031 : vector<16xi32>
        %sub3A_1033 = arith.constant 1 : i32
        %sub3A_1034 = vector.broadcast %sub3A_1033 : i32 to vector<16xi32>
        %sub3A_1035 = arith.subi %add3A_1032, %sub3A_1034 : vector<16xi32>
        tpu.vector_store_idx %arg13[%sub3A_1035], %add3A_1014 masked %lt3A_1027 : memref<192xi32, #tpu.memory_space<vmem>>[vector<16xi32>], vector<16xi32>, vector<16xi1>
        %all_reduce_population_count3A_1036 = tpu.all_reduce %lt3A_1027 {dim = 0 : i64, kind = #tpu.reduction_kind<sum>} : vector<16xi1> -> vector<16xi32>
        %add3A_1037 = arith.addi %add3A_1010, %all_reduce_population_count3A_1036 : vector<16xi32>
        %add3A_1038 = arith.constant 96 : i32
        %add3A_1039 = arith.addi %while3A_877, %add3A_1038 : i32
        %broadcast_in_dim3A_1040 = vector.broadcast %add3A_1039 : i32 to vector<16xi32>
        %add3A_1041 = arith.addi %broadcast_in_dim3A_1040, %iota3A : vector<16xi32>
        %gather3A_1042 = tpu.vector_load_idx %arg7[%add3A_1041] : memref<8192xf32, #tpu.memory_space<vmem>>[vector<16xi32>], vector<16xf32>,
        %gather3A_1043 = tpu.vector_load_idx %arg8[%add3A_1041] : memref<8192xf32, #tpu.memory_space<vmem>>[vector<16xi32>], vector<16xf32>,
        %gather3A_1044 = tpu.vector_load_idx %arg9[%add3A_1041] : memref<8192xf32, #tpu.memory_space<vmem>>[vector<16xi32>], vector<16xf32>,
        %sub3A_1045 = arith.subf %gather3A_1042, %gather3A : vector<16xf32>
        %sub3A_1046 = arith.subf %gather3A_1043, %gather3A_839 : vector<16xf32>
        %sub3A_1047 = arith.subf %gather3A_1044, %gather3A_840 : vector<16xf32>
        %mul3A_1048 = arith.mulf %sub3A_1045, %sub3A_1045 : vector<16xf32>
        %mul3A_1049 = arith.mulf %sub3A_1046, %sub3A_1046 : vector<16xf32>
        %add3A_1050 = arith.addf %mul3A_1048, %mul3A_1049 : vector<16xf32>
        %mul3A_1051 = arith.mulf %sub3A_1047, %sub3A_1047 : vector<16xf32>
        %add3A_1052 = arith.addf %add3A_1050, %mul3A_1051 : vector<16xf32>
        %lt3A_1053 = vector.broadcast %scan3A_426 : f32 to vector<16xf32>
        %lt3A_1054 = arith.cmpf olt, %add3A_1052, %lt3A_1053 : vector<16xf32>
        %convert_element_type3A_1055 = arith.extui %lt3A_1054 : vector<16xi1> to vector<16xi32>
        %broadcast_in_dim3A_1056 = arith.constant true
        %broadcast_in_dim3A_1057 = vector.broadcast %broadcast_in_dim3A_1056 : i1 to vector<16xi1>
        %masked_cumsum3A_1058 = tpu.scan <sum>, %convert_element_type3A_1055 masked %broadcast_in_dim3A_1057 : vector<16xi32>, vector<16xi1> -> vector<16xi32>
        %add3A_1059 = arith.addi %add3A_1037, %masked_cumsum3A_1058 : vector<16xi32>
        %sub3A_1060 = arith.constant 1 : i32
        %sub3A_1061 = vector.broadcast %sub3A_1060 : i32 to vector<16xi32>
        %sub3A_1062 = arith.subi %add3A_1059, %sub3A_1061 : vector<16xi32>
        tpu.vector_store_idx %arg13[%sub3A_1062], %add3A_1041 masked %lt3A_1054 : memref<192xi32, #tpu.memory_space<vmem>>[vector<16xi32>], vector<16xi32>, vector<16xi1>
        %all_reduce_population_count3A_1063 = tpu.all_reduce %lt3A_1054 {dim = 0 : i64, kind = #tpu.reduction_kind<sum>} : vector<16xi1> -> vector<16xi32>
        %add3A_1064 = arith.addi %add3A_1037, %all_reduce_population_count3A_1063 : vector<16xi32>
        %add3A_1065 = arith.constant 112 : i32
        %add3A_1066 = arith.addi %while3A_877, %add3A_1065 : i32
        %broadcast_in_dim3A_1067 = vector.broadcast %add3A_1066 : i32 to vector<16xi32>
        %add3A_1068 = arith.addi %broadcast_in_dim3A_1067, %iota3A : vector<16xi32>
        %gather3A_1069 = tpu.vector_load_idx %arg7[%add3A_1068] : memref<8192xf32, #tpu.memory_space<vmem>>[vector<16xi32>], vector<16xf32>,
        %gather3A_1070 = tpu.vector_load_idx %arg8[%add3A_1068] : memref<8192xf32, #tpu.memory_space<vmem>>[vector<16xi32>], vector<16xf32>,
        %gather3A_1071 = tpu.vector_load_idx %arg9[%add3A_1068] : memref<8192xf32, #tpu.memory_space<vmem>>[vector<16xi32>], vector<16xf32>,
        %sub3A_1072 = arith.subf %gather3A_1069, %gather3A : vector<16xf32>
        %sub3A_1073 = arith.subf %gather3A_1070, %gather3A_839 : vector<16xf32>
        %sub3A_1074 = arith.subf %gather3A_1071, %gather3A_840 : vector<16xf32>
        %mul3A_1075 = arith.mulf %sub3A_1072, %sub3A_1072 : vector<16xf32>
        %mul3A_1076 = arith.mulf %sub3A_1073, %sub3A_1073 : vector<16xf32>
        %add3A_1077 = arith.addf %mul3A_1075, %mul3A_1076 : vector<16xf32>
        %mul3A_1078 = arith.mulf %sub3A_1074, %sub3A_1074 : vector<16xf32>
        %add3A_1079 = arith.addf %add3A_1077, %mul3A_1078 : vector<16xf32>
        %lt3A_1080 = vector.broadcast %scan3A_426 : f32 to vector<16xf32>
        %lt3A_1081 = arith.cmpf olt, %add3A_1079, %lt3A_1080 : vector<16xf32>
        %convert_element_type3A_1082 = arith.extui %lt3A_1081 : vector<16xi1> to vector<16xi32>
        %broadcast_in_dim3A_1083 = arith.constant true
        %broadcast_in_dim3A_1084 = vector.broadcast %broadcast_in_dim3A_1083 : i1 to vector<16xi1>
        %masked_cumsum3A_1085 = tpu.scan <sum>, %convert_element_type3A_1082 masked %broadcast_in_dim3A_1084 : vector<16xi32>, vector<16xi1> -> vector<16xi32>
        %add3A_1086 = arith.addi %add3A_1064, %masked_cumsum3A_1085 : vector<16xi32>
        %sub3A_1087 = arith.constant 1 : i32
        %sub3A_1088 = vector.broadcast %sub3A_1087 : i32 to vector<16xi32>
        %sub3A_1089 = arith.subi %add3A_1086, %sub3A_1088 : vector<16xi32>
        tpu.vector_store_idx %arg13[%sub3A_1089], %add3A_1068 masked %lt3A_1081 : memref<192xi32, #tpu.memory_space<vmem>>[vector<16xi32>], vector<16xi32>, vector<16xi1>
        %all_reduce_population_count3A_1090 = tpu.all_reduce %lt3A_1081 {dim = 0 : i64, kind = #tpu.reduction_kind<sum>} : vector<16xi1> -> vector<16xi32>
        %add3A_1091 = arith.addi %add3A_1064, %all_reduce_population_count3A_1090 : vector<16xi32>
        %add3A_1092 = arith.constant 128 : i32
        %add3A_1093 = arith.addi %while3A_877, %add3A_1092 : i32
        %reduce_max3A = arith.constant true
        %reduce_max3A_1094 = vector.broadcast %reduce_max3A : i1 to vector<16xi1>
        %reduce_max3A_1095 = arith.constant -2147483648 : i32
        %reduce_max3A_1096 = vector.broadcast %reduce_max3A_1095 : i32 to vector<16xi32>
        %reduce_max3A_1097 = arith.xori %add3A_1091, %reduce_max3A_1096 : vector<16xi32>
        %reduce_max3A_1098 = tpu.scan <max>, %reduce_max3A_1097 masked %reduce_max3A_1094 : vector<16xi32>, vector<16xi1> -> vector<16xi32>
        %reduce_max3A_1099 = arith.xori %reduce_max3A_1098, %reduce_max3A_1096 : vector<16xi32>
        %reduce_max3A_1100 = vector.extract %reduce_max3A_1099[15] : i32 from vector<16xi32>
        scf.yield %add3A_1093, %reduce_max3A_1100, %add3A_1091 : i32, i32, vector<16xi32>
      }
      %min3A = arith.constant 32 : i32
      %min3A_843 = arith.minsi %while3A_842#1, %min3A : i32
      %broadcast_in_dim3A_844 = vector.broadcast %min3A_843 : i32 to vector<16xi32>
      %gather3A_845 = tpu.vector_load_idx %arg13[%broadcast_in_dim3A_1] : memref<192xi32, #tpu.memory_space<vmem>>[vector<16xi32>], vector<16xi32>,
      %add3A_846 = arith.constant 0 : i32
      %add3A_847 = vector.broadcast %add3A_846 : i32 to vector<16xi32>
      %add3A_848 = arith.addi %iota3A, %add3A_847 : vector<16xi32>
      %get3A = arith.constant 0 : index
      %get3A_849 = tpu.vector_load %arg13[%get3A] {strides = array<i32>} : memref<192xi32, #tpu.memory_space<vmem>>, vector<16xi32>,
      %lt3A = arith.cmpi slt, %add3A_848, %broadcast_in_dim3A_844 : vector<16xi32>
      %select_n3A = arith.select %lt3A, %get3A_849, %gather3A_845 : vector<16xi1>, vector<16xi32>
      %add3A_850 = arith.constant 8192 : i32
      %add3A_851 = vector.broadcast %add3A_850 : i32 to vector<16xi32>
      %add3A_852 = arith.addi %select_n3A, %add3A_851 : vector<16xi32>
      %mul3A_853 = arith.constant 32 : i32
      %mul3A_854 = arith.muli %scan3A_836, %mul3A_853 : i32
      %add3A_855 = arith.constant 0 : i32
      %add3A_856 = arith.addi %mul3A_854, %add3A_855 : i32
      %broadcast_in_dim3A_857 = vector.broadcast %add3A_856 : i32 to vector<16xi32>
      %add3A_858 = arith.addi %broadcast_in_dim3A_857, %iota3A : vector<16xi32>
      tpu.vector_store_idx %arg14[%add3A_858], %add3A_852 : memref<2048xi32, #tpu.memory_space<vmem>>[vector<16xi32>], vector<16xi32>,
      %add3A_859 = arith.constant 16 : i32
      %add3A_860 = vector.broadcast %add3A_859 : i32 to vector<16xi32>
      %add3A_861 = arith.addi %iota3A, %add3A_860 : vector<16xi32>
      %get3A_862 = arith.constant 16 : index
      %get3A_863 = tpu.vector_load %arg13[%get3A_862] {strides = array<i32>} : memref<192xi32, #tpu.memory_space<vmem>>, vector<16xi32>,
      %lt3A_864 = arith.cmpi slt, %add3A_861, %broadcast_in_dim3A_844 : vector<16xi32>
      %select_n3A_865 = arith.select %lt3A_864, %get3A_863, %gather3A_845 : vector<16xi1>, vector<16xi32>
      %add3A_866 = arith.constant 8192 : i32
      %add3A_867 = vector.broadcast %add3A_866 : i32 to vector<16xi32>
      %add3A_868 = arith.addi %select_n3A_865, %add3A_867 : vector<16xi32>
      %mul3A_869 = arith.constant 32 : i32
      %mul3A_870 = arith.muli %scan3A_836, %mul3A_869 : i32
      %add3A_871 = arith.constant 16 : i32
      %add3A_872 = arith.addi %mul3A_870, %add3A_871 : i32
      %broadcast_in_dim3A_873 = vector.broadcast %add3A_872 : i32 to vector<16xi32>
      %add3A_874 = arith.addi %broadcast_in_dim3A_873, %iota3A : vector<16xi32>
      tpu.vector_store_idx %arg14[%add3A_874], %add3A_868 : memref<2048xi32, #tpu.memory_space<vmem>>[vector<16xi32>], vector<16xi32>,
      %eq3A = arith.constant 0 : i32
      %eq3A_875 = vector.broadcast %eq3A : i32 to vector<16xi32>
      %eq3A_876 = arith.cmpi eq, %iota3A, %eq3A_875 : vector<16xi32>
      tpu.vector_store_idx %arg15[%broadcast_in_dim3A_838], %broadcast_in_dim3A_844 masked %eq3A_876 : memref<64xi32, #tpu.memory_space<vmem>>[vector<16xi32>], vector<16xi32>, vector<16xi1>
    }
    %scan3A_431 = arith.constant 64 : i32
    %mul3A_432 = arith.constant 64 : i32
    %mul3A_433 = arith.muli %add3A, %mul3A_432 : i32
    %add3A_434 = arith.constant 2048 : i32
    %add3A_435 = arith.addi %add3A_434, %mul3A_433 : i32
    "tpu.region"() ({
      %run_scoped3A_836 = tpu.sem_alloc : memref<!tpu.dma_semaphore, #tpu.memory_space<semaphore_mem>>
      %dma_start3A_837 = tpu.memref_slice %arg6[%add3A_435] : memref<4096xi32, #tpu.memory_space<hbm>> -> memref<64xi32, #tpu.memory_space<hbm>>
      %dma_start3A_838 = tpu.memref_slice %arg6[%add3A_435] : memref<4096xi32, #tpu.memory_space<hbm>> -> memref<64xi32, #tpu.memory_space<hbm>>
      tpu.enqueue_dma source(%arg15 : memref<64xi32, #tpu.memory_space<vmem>>) target(%dma_start3A_838 : memref<64xi32, #tpu.memory_space<hbm>>) target_semaphore(%run_scoped3A_836 : memref<!tpu.dma_semaphore, #tpu.memory_space<semaphore_mem>>)
      %dma_wait3A_839 = tpu.memref_slice %arg6[%add3A_435] : memref<4096xi32, #tpu.memory_space<hbm>> -> memref<64xi32, #tpu.memory_space<hbm>>
      %dma_wait3A_840 = tpu.memref_slice %arg6[%add3A_435] : memref<4096xi32, #tpu.memory_space<hbm>> -> memref<64xi32, #tpu.memory_space<hbm>>
      tpu.wait_dma2 semaphore(%run_scoped3A_836 : memref<!tpu.dma_semaphore, #tpu.memory_space<semaphore_mem>>) src(%arg15 : memref<64xi32, #tpu.memory_space<vmem>>) dst(%dma_wait3A_840 : memref<64xi32, #tpu.memory_space<hbm>>)
      tpu.yield
    }) : () -> ()
    %dma_start3A_436 = arith.constant 0 : i32
    %dma_start3A_437 = arith.constant 0 : i32
    %dma_start3A_438 = arith.constant 0 : i32
    %dma_start3A_439 = tpu.memref_slice %arg16[%dma_start3A_436, %dma_start3A_437, %dma_start3A_438] : memref<2x128x32xf32, #tpu.memory_space<vmem>> -> memref<1x128x32xf32, #tpu.memory_space<vmem>>
    %dma_start3A_440 = tpu.memref_squeeze %dma_start3A_439 : memref<1x128x32xf32, #tpu.memory_space<vmem>> -> memref<128x32xf32, #tpu.memory_space<vmem>>
    %dma_start3A_441 = arith.constant 0 : i32
    %dma_start3A_442 = tpu.memref_slice %arg14[%dma_start3A_441] : memref<2048xi32, #tpu.memory_space<vmem>> -> memref<128xi32, #tpu.memory_space<vmem>>
    %dma_start3A_443 = arith.constant 0 : i32
    %dma_start3A_444 = arith.constant 0 : i32
    %dma_start3A_445 = tpu.memref_slice %arg4[%dma_start3A_443, %dma_start3A_444] : memref<16384x32xf32, #tpu.memory_space<hbm>> -> memref<16384x32xf32, #tpu.memory_space<hbm>>
    tpu.enqueue_indirect_dma source(%dma_start3A_445 : memref<16384x32xf32, #tpu.memory_space<hbm>>) target(%dma_start3A_440 : memref<128x32xf32, #tpu.memory_space<vmem>>) offsets(%dma_start3A_442 : memref<128xi32, #tpu.memory_space<vmem>>) semaphore(%arg17 : memref<!tpu.dma_semaphore, #tpu.memory_space<semaphore_mem>>)
    %dma_start3A_446 = arith.constant 1 : i32
    %dma_start3A_447 = arith.constant 0 : i32
    %dma_start3A_448 = arith.constant 0 : i32
    %dma_start3A_449 = tpu.memref_slice %arg16[%dma_start3A_446, %dma_start3A_447, %dma_start3A_448] : memref<2x128x32xf32, #tpu.memory_space<vmem>> -> memref<1x128x32xf32, #tpu.memory_space<vmem>>
    %dma_start3A_450 = tpu.memref_squeeze %dma_start3A_449 : memref<1x128x32xf32, #tpu.memory_space<vmem>> -> memref<128x32xf32, #tpu.memory_space<vmem>>
    %dma_start3A_451 = arith.constant 128 : i32
    %dma_start3A_452 = tpu.memref_slice %arg14[%dma_start3A_451] : memref<2048xi32, #tpu.memory_space<vmem>> -> memref<128xi32, #tpu.memory_space<vmem>>
    %dma_start3A_453 = arith.constant 0 : i32
    %dma_start3A_454 = arith.constant 0 : i32
    %dma_start3A_455 = tpu.memref_slice %arg4[%dma_start3A_453, %dma_start3A_454] : memref<16384x32xf32, #tpu.memory_space<hbm>> -> memref<16384x32xf32, #tpu.memory_space<hbm>>
    tpu.enqueue_indirect_dma source(%dma_start3A_455 : memref<16384x32xf32, #tpu.memory_space<hbm>>) target(%dma_start3A_450 : memref<128x32xf32, #tpu.memory_space<vmem>>) offsets(%dma_start3A_452 : memref<128xi32, #tpu.memory_space<vmem>>) semaphore(%arg17 : memref<!tpu.dma_semaphore, #tpu.memory_space<semaphore_mem>>)
    %dma_wait3A_456 = arith.constant 0 : i32
    %dma_wait3A_457 = arith.constant 0 : i32
    %dma_wait3A_458 = arith.constant 0 : i32
    %dma_wait3A_459 = tpu.memref_slice %arg16[%dma_wait3A_456, %dma_wait3A_457, %dma_wait3A_458] : memref<2x128x32xf32, #tpu.memory_space<vmem>> -> memref<1x128x32xf32, #tpu.memory_space<vmem>>
    %dma_wait3A_460 = tpu.memref_squeeze %dma_wait3A_459 : memref<1x128x32xf32, #tpu.memory_space<vmem>> -> memref<128x32xf32, #tpu.memory_space<vmem>>
    %dma_wait3A_461 = arith.constant 0 : i32
    %dma_wait3A_462 = tpu.memref_slice %arg14[%dma_wait3A_461] : memref<2048xi32, #tpu.memory_space<vmem>> -> memref<128xi32, #tpu.memory_space<vmem>>
    %dma_wait3A_463 = arith.constant 0 : i32
    %dma_wait3A_464 = arith.constant 0 : i32
    %dma_wait3A_465 = tpu.memref_slice %arg4[%dma_wait3A_463, %dma_wait3A_464] : memref<16384x32xf32, #tpu.memory_space<hbm>> -> memref<16384x32xf32, #tpu.memory_space<hbm>>
    tpu.wait_indirect_dma semaphore(%arg17 : memref<!tpu.dma_semaphore, #tpu.memory_space<semaphore_mem>>) src(%dma_wait3A_465 : memref<16384x32xf32, #tpu.memory_space<hbm>>) dst(%dma_wait3A_460 : memref<128x32xf32, #tpu.memory_space<vmem>>)
    %mul3A_466 = arith.constant 32 : i32
    %mul3A_467 = arith.muli %add3A_435, %mul3A_466 : i32
    %add3A_468 = arith.constant 0 : i32
    %add3A_469 = arith.addi %mul3A_467, %add3A_468 : i32
    %run_scoped3A_470 = arith.constant 0 : i32
    "tpu.region"() ({
      %run_scoped3A_836 = tpu.sem_alloc : memref<!tpu.dma_semaphore, #tpu.memory_space<semaphore_mem>>
      %dma_start3A_837 = arith.constant 0 : i32
      %dma_start3A_838 = arith.constant 0 : i32
      %dma_start3A_839 = tpu.memref_slice %arg16[%run_scoped3A_470, %dma_start3A_837, %dma_start3A_838] : memref<2x128x32xf32, #tpu.memory_space<vmem>> -> memref<1x128x32xf32, #tpu.memory_space<vmem>>
      %dma_start3A_840 = tpu.memref_squeeze %dma_start3A_839 : memref<1x128x32xf32, #tpu.memory_space<vmem>> -> memref<128x32xf32, #tpu.memory_space<vmem>>
      %dma_start3A_841 = arith.constant 0 : i32
      %dma_start3A_842 = tpu.memref_slice %arg5[%add3A_469, %dma_start3A_841] : memref<131072x32xf32, #tpu.memory_space<hbm>> -> memref<128x32xf32, #tpu.memory_space<hbm>>
      %dma_start3A_843 = arith.constant 0 : i32
      %dma_start3A_844 = tpu.memref_slice %arg5[%add3A_469, %dma_start3A_843] : memref<131072x32xf32, #tpu.memory_space<hbm>> -> memref<128x32xf32, #tpu.memory_space<hbm>>
      %dma_start3A_845 = arith.constant 0 : i32
      %dma_start3A_846 = arith.constant 0 : i32
      %dma_start3A_847 = tpu.memref_slice %arg16[%run_scoped3A_470, %dma_start3A_845, %dma_start3A_846] : memref<2x128x32xf32, #tpu.memory_space<vmem>> -> memref<1x128x32xf32, #tpu.memory_space<vmem>>
      %dma_start3A_848 = tpu.memref_squeeze %dma_start3A_847 : memref<1x128x32xf32, #tpu.memory_space<vmem>> -> memref<128x32xf32, #tpu.memory_space<vmem>>
      tpu.enqueue_dma source(%dma_start3A_848 : memref<128x32xf32, #tpu.memory_space<vmem>>) target(%dma_start3A_844 : memref<128x32xf32, #tpu.memory_space<hbm>>) target_semaphore(%run_scoped3A_836 : memref<!tpu.dma_semaphore, #tpu.memory_space<semaphore_mem>>)
      %dma_wait3A_849 = arith.constant 0 : i32
      %dma_wait3A_850 = arith.constant 0 : i32
      %dma_wait3A_851 = tpu.memref_slice %arg16[%run_scoped3A_470, %dma_wait3A_849, %dma_wait3A_850] : memref<2x128x32xf32, #tpu.memory_space<vmem>> -> memref<1x128x32xf32, #tpu.memory_space<vmem>>
      %dma_wait3A_852 = tpu.memref_squeeze %dma_wait3A_851 : memref<1x128x32xf32, #tpu.memory_space<vmem>> -> memref<128x32xf32, #tpu.memory_space<vmem>>
      %dma_wait3A_853 = arith.constant 0 : i32
      %dma_wait3A_854 = tpu.memref_slice %arg5[%add3A_469, %dma_wait3A_853] : memref<131072x32xf32, #tpu.memory_space<hbm>> -> memref<128x32xf32, #tpu.memory_space<hbm>>
      %dma_wait3A_855 = arith.constant 0 : i32
      %dma_wait3A_856 = tpu.memref_slice %arg5[%add3A_469, %dma_wait3A_855] : memref<131072x32xf32, #tpu.memory_space<hbm>> -> memref<128x32xf32, #tpu.memory_space<hbm>>
      %dma_wait3A_857 = arith.constant 0 : i32
      %dma_wait3A_858 = arith.constant 0 : i32
      %dma_wait3A_859 = tpu.memref_slice %arg16[%run_scoped3A_470, %dma_wait3A_857, %dma_wait3A_858] : memref<2x128x32xf32, #tpu.memory_space<vmem>> -> memref<1x128x32xf32, #tpu.memory_space<vmem>>
      %dma_wait3A_860 = tpu.memref_squeeze %dma_wait3A_859 : memref<1x128x32xf32, #tpu.memory_space<vmem>> -> memref<128x32xf32, #tpu.memory_space<vmem>>
      tpu.wait_dma2 semaphore(%run_scoped3A_836 : memref<!tpu.dma_semaphore, #tpu.memory_space<semaphore_mem>>) src(%dma_wait3A_860 : memref<128x32xf32, #tpu.memory_space<vmem>>) dst(%dma_wait3A_856 : memref<128x32xf32, #tpu.memory_space<hbm>>)
      tpu.yield
    }) : () -> ()
    %dma_start3A_471 = arith.constant 0 : i32
    %dma_start3A_472 = arith.constant 0 : i32
    %dma_start3A_473 = arith.constant 0 : i32
    %dma_start3A_474 = tpu.memref_slice %arg16[%dma_start3A_471, %dma_start3A_472, %dma_start3A_473] : memref<2x128x32xf32, #tpu.memory_space<vmem>> -> memref<1x128x32xf32, #tpu.memory_space<vmem>>
    %dma_start3A_475 = tpu.memref_squeeze %dma_start3A_474 : memref<1x128x32xf32, #tpu.memory_space<vmem>> -> memref<128x32xf32, #tpu.memory_space<vmem>>
    %dma_start3A_476 = arith.constant 256 : i32
    %dma_start3A_477 = tpu.memref_slice %arg14[%dma_start3A_476] : memref<2048xi32, #tpu.memory_space<vmem>> -> memref<128xi32, #tpu.memory_space<vmem>>
    %dma_start3A_478 = arith.constant 0 : i32
    %dma_start3A_479 = arith.constant 0 : i32
    %dma_start3A_480 = tpu.memref_slice %arg4[%dma_start3A_478, %dma_start3A_479] : memref<16384x32xf32, #tpu.memory_space<hbm>> -> memref<16384x32xf32, #tpu.memory_space<hbm>>
    tpu.enqueue_indirect_dma source(%dma_start3A_480 : memref<16384x32xf32, #tpu.memory_space<hbm>>) target(%dma_start3A_475 : memref<128x32xf32, #tpu.memory_space<vmem>>) offsets(%dma_start3A_477 : memref<128xi32, #tpu.memory_space<vmem>>) semaphore(%arg17 : memref<!tpu.dma_semaphore, #tpu.memory_space<semaphore_mem>>)
    %dma_wait3A_481 = arith.constant 1 : i32
    %dma_wait3A_482 = arith.constant 0 : i32
    %dma_wait3A_483 = arith.constant 0 : i32
    %dma_wait3A_484 = tpu.memref_slice %arg16[%dma_wait3A_481, %dma_wait3A_482, %dma_wait3A_483] : memref<2x128x32xf32, #tpu.memory_space<vmem>> -> memref<1x128x32xf32, #tpu.memory_space<vmem>>
    %dma_wait3A_485 = tpu.memref_squeeze %dma_wait3A_484 : memref<1x128x32xf32, #tpu.memory_space<vmem>> -> memref<128x32xf32, #tpu.memory_space<vmem>>
    %dma_wait3A_486 = arith.constant 128 : i32
    %dma_wait3A_487 = tpu.memref_slice %arg14[%dma_wait3A_486] : memref<2048xi32, #tpu.memory_space<vmem>> -> memref<128xi32, #tpu.memory_space<vmem>>
    %dma_wait3A_488 = arith.constant 0 : i32
    %dma_wait3A_489 = arith.constant 0 : i32
    %dma_wait3A_490 = tpu.memref_slice %arg4[%dma_wait3A_488, %dma_wait3A_489] : memref<16384x32xf32, #tpu.memory_space<hbm>> -> memref<16384x32xf32, #tpu.memory_space<hbm>>
    tpu.wait_indirect_dma semaphore(%arg17 : memref<!tpu.dma_semaphore, #tpu.memory_space<semaphore_mem>>) src(%dma_wait3A_490 : memref<16384x32xf32, #tpu.memory_space<hbm>>) dst(%dma_wait3A_485 : memref<128x32xf32, #tpu.memory_space<vmem>>)
    %mul3A_491 = arith.constant 32 : i32
    %mul3A_492 = arith.muli %add3A_435, %mul3A_491 : i32
    %add3A_493 = arith.constant 128 : i32
    %add3A_494 = arith.addi %mul3A_492, %add3A_493 : i32
    %run_scoped3A_495 = arith.constant 1 : i32
    "tpu.region"() ({
      %run_scoped3A_836 = tpu.sem_alloc : memref<!tpu.dma_semaphore, #tpu.memory_space<semaphore_mem>>
      %dma_start3A_837 = arith.constant 0 : i32
      %dma_start3A_838 = arith.constant 0 : i32
      %dma_start3A_839 = tpu.memref_slice %arg16[%run_scoped3A_495, %dma_start3A_837, %dma_start3A_838] : memref<2x128x32xf32, #tpu.memory_space<vmem>> -> memref<1x128x32xf32, #tpu.memory_space<vmem>>
      %dma_start3A_840 = tpu.memref_squeeze %dma_start3A_839 : memref<1x128x32xf32, #tpu.memory_space<vmem>> -> memref<128x32xf32, #tpu.memory_space<vmem>>
      %dma_start3A_841 = arith.constant 0 : i32
      %dma_start3A_842 = tpu.memref_slice %arg5[%add3A_494, %dma_start3A_841] : memref<131072x32xf32, #tpu.memory_space<hbm>> -> memref<128x32xf32, #tpu.memory_space<hbm>>
      %dma_start3A_843 = arith.constant 0 : i32
      %dma_start3A_844 = tpu.memref_slice %arg5[%add3A_494, %dma_start3A_843] : memref<131072x32xf32, #tpu.memory_space<hbm>> -> memref<128x32xf32, #tpu.memory_space<hbm>>
      %dma_start3A_845 = arith.constant 0 : i32
      %dma_start3A_846 = arith.constant 0 : i32
      %dma_start3A_847 = tpu.memref_slice %arg16[%run_scoped3A_495, %dma_start3A_845, %dma_start3A_846] : memref<2x128x32xf32, #tpu.memory_space<vmem>> -> memref<1x128x32xf32, #tpu.memory_space<vmem>>
      %dma_start3A_848 = tpu.memref_squeeze %dma_start3A_847 : memref<1x128x32xf32, #tpu.memory_space<vmem>> -> memref<128x32xf32, #tpu.memory_space<vmem>>
      tpu.enqueue_dma source(%dma_start3A_848 : memref<128x32xf32, #tpu.memory_space<vmem>>) target(%dma_start3A_844 : memref<128x32xf32, #tpu.memory_space<hbm>>) target_semaphore(%run_scoped3A_836 : memref<!tpu.dma_semaphore, #tpu.memory_space<semaphore_mem>>)
      %dma_wait3A_849 = arith.constant 0 : i32
      %dma_wait3A_850 = arith.constant 0 : i32
      %dma_wait3A_851 = tpu.memref_slice %arg16[%run_scoped3A_495, %dma_wait3A_849, %dma_wait3A_850] : memref<2x128x32xf32, #tpu.memory_space<vmem>> -> memref<1x128x32xf32, #tpu.memory_space<vmem>>
      %dma_wait3A_852 = tpu.memref_squeeze %dma_wait3A_851 : memref<1x128x32xf32, #tpu.memory_space<vmem>> -> memref<128x32xf32, #tpu.memory_space<vmem>>
      %dma_wait3A_853 = arith.constant 0 : i32
      %dma_wait3A_854 = tpu.memref_slice %arg5[%add3A_494, %dma_wait3A_853] : memref<131072x32xf32, #tpu.memory_space<hbm>> -> memref<128x32xf32, #tpu.memory_space<hbm>>
      %dma_wait3A_855 = arith.constant 0 : i32
      %dma_wait3A_856 = tpu.memref_slice %arg5[%add3A_494, %dma_wait3A_855] : memref<131072x32xf32, #tpu.memory_space<hbm>> -> memref<128x32xf32, #tpu.memory_space<hbm>>
      %dma_wait3A_857 = arith.constant 0 : i32
      %dma_wait3A_858 = arith.constant 0 : i32
      %dma_wait3A_859 = tpu.memref_slice %arg16[%run_scoped3A_495, %dma_wait3A_857, %dma_wait3A_858] : memref<2x128x32xf32, #tpu.memory_space<vmem>> -> memref<1x128x32xf32, #tpu.memory_space<vmem>>
      %dma_wait3A_860 = tpu.memref_squeeze %dma_wait3A_859 : memref<1x128x32xf32, #tpu.memory_space<vmem>> -> memref<128x32xf32, #tpu.memory_space<vmem>>
      tpu.wait_dma2 semaphore(%run_scoped3A_836 : memref<!tpu.dma_semaphore, #tpu.memory_space<semaphore_mem>>) src(%dma_wait3A_860 : memref<128x32xf32, #tpu.memory_space<vmem>>) dst(%dma_wait3A_856 : memref<128x32xf32, #tpu.memory_space<hbm>>)
      tpu.yield
    }) : () -> ()
    %dma_start3A_496 = arith.constant 1 : i32
    %dma_start3A_497 = arith.constant 0 : i32
    %dma_start3A_498 = arith.constant 0 : i32
    %dma_start3A_499 = tpu.memref_slice %arg16[%dma_start3A_496, %dma_start3A_497, %dma_start3A_498] : memref<2x128x32xf32, #tpu.memory_space<vmem>> -> memref<1x128x32xf32, #tpu.memory_space<vmem>>
    %dma_start3A_500 = tpu.memref_squeeze %dma_start3A_499 : memref<1x128x32xf32, #tpu.memory_space<vmem>> -> memref<128x32xf32, #tpu.memory_space<vmem>>
    %dma_start3A_501 = arith.constant 384 : i32
    %dma_start3A_502 = tpu.memref_slice %arg14[%dma_start3A_501] : memref<2048xi32, #tpu.memory_space<vmem>> -> memref<128xi32, #tpu.memory_space<vmem>>
    %dma_start3A_503 = arith.constant 0 : i32
    %dma_start3A_504 = arith.constant 0 : i32
    %dma_start3A_505 = tpu.memref_slice %arg4[%dma_start3A_503, %dma_start3A_504] : memref<16384x32xf32, #tpu.memory_space<hbm>> -> memref<16384x32xf32, #tpu.memory_space<hbm>>
    tpu.enqueue_indirect_dma source(%dma_start3A_505 : memref<16384x32xf32, #tpu.memory_space<hbm>>) target(%dma_start3A_500 : memref<128x32xf32, #tpu.memory_space<vmem>>) offsets(%dma_start3A_502 : memref<128xi32, #tpu.memory_space<vmem>>) semaphore(%arg17 : memref<!tpu.dma_semaphore, #tpu.memory_space<semaphore_mem>>)
    %dma_wait3A_506 = arith.constant 0 : i32
    %dma_wait3A_507 = arith.constant 0 : i32
    %dma_wait3A_508 = arith.constant 0 : i32
    %dma_wait3A_509 = tpu.memref_slice %arg16[%dma_wait3A_506, %dma_wait3A_507, %dma_wait3A_508] : memref<2x128x32xf32, #tpu.memory_space<vmem>> -> memref<1x128x32xf32, #tpu.memory_space<vmem>>
    %dma_wait3A_510 = tpu.memref_squeeze %dma_wait3A_509 : memref<1x128x32xf32, #tpu.memory_space<vmem>> -> memref<128x32xf32, #tpu.memory_space<vmem>>
    %dma_wait3A_511 = arith.constant 256 : i32
    %dma_wait3A_512 = tpu.memref_slice %arg14[%dma_wait3A_511] : memref<2048xi32, #tpu.memory_space<vmem>> -> memref<128xi32, #tpu.memory_space<vmem>>
    %dma_wait3A_513 = arith.constant 0 : i32
    %dma_wait3A_514 = arith.constant 0 : i32
    %dma_wait3A_515 = tpu.memref_slice %arg4[%dma_wait3A_513, %dma_wait3A_514] : memref<16384x32xf32, #tpu.memory_space<hbm>> -> memref<16384x32xf32, #tpu.memory_space<hbm>>
    tpu.wait_indirect_dma semaphore(%arg17 : memref<!tpu.dma_semaphore, #tpu.memory_space<semaphore_mem>>) src(%dma_wait3A_515 : memref<16384x32xf32, #tpu.memory_space<hbm>>) dst(%dma_wait3A_510 : memref<128x32xf32, #tpu.memory_space<vmem>>)
    %mul3A_516 = arith.constant 32 : i32
    %mul3A_517 = arith.muli %add3A_435, %mul3A_516 : i32
    %add3A_518 = arith.constant 256 : i32
    %add3A_519 = arith.addi %mul3A_517, %add3A_518 : i32
    %run_scoped3A_520 = arith.constant 0 : i32
    "tpu.region"() ({
      %run_scoped3A_836 = tpu.sem_alloc : memref<!tpu.dma_semaphore, #tpu.memory_space<semaphore_mem>>
      %dma_start3A_837 = arith.constant 0 : i32
      %dma_start3A_838 = arith.constant 0 : i32
      %dma_start3A_839 = tpu.memref_slice %arg16[%run_scoped3A_520, %dma_start3A_837, %dma_start3A_838] : memref<2x128x32xf32, #tpu.memory_space<vmem>> -> memref<1x128x32xf32, #tpu.memory_space<vmem>>
      %dma_start3A_840 = tpu.memref_squeeze %dma_start3A_839 : memref<1x128x32xf32, #tpu.memory_space<vmem>> -> memref<128x32xf32, #tpu.memory_space<vmem>>
      %dma_start3A_841 = arith.constant 0 : i32
      %dma_start3A_842 = tpu.memref_slice %arg5[%add3A_519, %dma_start3A_841] : memref<131072x32xf32, #tpu.memory_space<hbm>> -> memref<128x32xf32, #tpu.memory_space<hbm>>
      %dma_start3A_843 = arith.constant 0 : i32
      %dma_start3A_844 = tpu.memref_slice %arg5[%add3A_519, %dma_start3A_843] : memref<131072x32xf32, #tpu.memory_space<hbm>> -> memref<128x32xf32, #tpu.memory_space<hbm>>
      %dma_start3A_845 = arith.constant 0 : i32
      %dma_start3A_846 = arith.constant 0 : i32
      %dma_start3A_847 = tpu.memref_slice %arg16[%run_scoped3A_520, %dma_start3A_845, %dma_start3A_846] : memref<2x128x32xf32, #tpu.memory_space<vmem>> -> memref<1x128x32xf32, #tpu.memory_space<vmem>>
      %dma_start3A_848 = tpu.memref_squeeze %dma_start3A_847 : memref<1x128x32xf32, #tpu.memory_space<vmem>> -> memref<128x32xf32, #tpu.memory_space<vmem>>
      tpu.enqueue_dma source(%dma_start3A_848 : memref<128x32xf32, #tpu.memory_space<vmem>>) target(%dma_start3A_844 : memref<128x32xf32, #tpu.memory_space<hbm>>) target_semaphore(%run_scoped3A_836 : memref<!tpu.dma_semaphore, #tpu.memory_space<semaphore_mem>>)
      %dma_wait3A_849 = arith.constant 0 : i32
      %dma_wait3A_850 = arith.constant 0 : i32
      %dma_wait3A_851 = tpu.memref_slice %arg16[%run_scoped3A_520, %dma_wait3A_849, %dma_wait3A_850] : memref<2x128x32xf32, #tpu.memory_space<vmem>> -> memref<1x128x32xf32, #tpu.memory_space<vmem>>
      %dma_wait3A_852 = tpu.memref_squeeze %dma_wait3A_851 : memref<1x128x32xf32, #tpu.memory_space<vmem>> -> memref<128x32xf32, #tpu.memory_space<vmem>>
      %dma_wait3A_853 = arith.constant 0 : i32
      %dma_wait3A_854 = tpu.memref_slice %arg5[%add3A_519, %dma_wait3A_853] : memref<131072x32xf32, #tpu.memory_space<hbm>> -> memref<128x32xf32, #tpu.memory_space<hbm>>
      %dma_wait3A_855 = arith.constant 0 : i32
      %dma_wait3A_856 = tpu.memref_slice %arg5[%add3A_519, %dma_wait3A_855] : memref<131072x32xf32, #tpu.memory_space<hbm>> -> memref<128x32xf32, #tpu.memory_space<hbm>>
      %dma_wait3A_857 = arith.constant 0 : i32
      %dma_wait3A_858 = arith.constant 0 : i32
      %dma_wait3A_859 = tpu.memref_slice %arg16[%run_scoped3A_520, %dma_wait3A_857, %dma_wait3A_858] : memref<2x128x32xf32, #tpu.memory_space<vmem>> -> memref<1x128x32xf32, #tpu.memory_space<vmem>>
      %dma_wait3A_860 = tpu.memref_squeeze %dma_wait3A_859 : memref<1x128x32xf32, #tpu.memory_space<vmem>> -> memref<128x32xf32, #tpu.memory_space<vmem>>
      tpu.wait_dma2 semaphore(%run_scoped3A_836 : memref<!tpu.dma_semaphore, #tpu.memory_space<semaphore_mem>>) src(%dma_wait3A_860 : memref<128x32xf32, #tpu.memory_space<vmem>>) dst(%dma_wait3A_856 : memref<128x32xf32, #tpu.memory_space<hbm>>)
      tpu.yield
    }) : () -> ()
    %dma_start3A_521 = arith.constant 0 : i32
    %dma_start3A_522 = arith.constant 0 : i32
    %dma_start3A_523 = arith.constant 0 : i32
    %dma_start3A_524 = tpu.memref_slice %arg16[%dma_start3A_521, %dma_start3A_522, %dma_start3A_523] : memref<2x128x32xf32, #tpu.memory_space<vmem>> -> memref<1x128x32xf32, #tpu.memory_space<vmem>>
    %dma_start3A_525 = tpu.memref_squeeze %dma_start3A_524 : memref<1x128x32xf32, #tpu.memory_space<vmem>> -> memref<128x32xf32, #tpu.memory_space<vmem>>
    %dma_start3A_526 = arith.constant 512 : i32
    %dma_start3A_527 = tpu.memref_slice %arg14[%dma_start3A_526] : memref<2048xi32, #tpu.memory_space<vmem>> -> memref<128xi32, #tpu.memory_space<vmem>>
    %dma_start3A_528 = arith.constant 0 : i32
    %dma_start3A_529 = arith.constant 0 : i32
    %dma_start3A_530 = tpu.memref_slice %arg4[%dma_start3A_528, %dma_start3A_529] : memref<16384x32xf32, #tpu.memory_space<hbm>> -> memref<16384x32xf32, #tpu.memory_space<hbm>>
    tpu.enqueue_indirect_dma source(%dma_start3A_530 : memref<16384x32xf32, #tpu.memory_space<hbm>>) target(%dma_start3A_525 : memref<128x32xf32, #tpu.memory_space<vmem>>) offsets(%dma_start3A_527 : memref<128xi32, #tpu.memory_space<vmem>>) semaphore(%arg17 : memref<!tpu.dma_semaphore, #tpu.memory_space<semaphore_mem>>)
    %dma_wait3A_531 = arith.constant 1 : i32
    %dma_wait3A_532 = arith.constant 0 : i32
    %dma_wait3A_533 = arith.constant 0 : i32
    %dma_wait3A_534 = tpu.memref_slice %arg16[%dma_wait3A_531, %dma_wait3A_532, %dma_wait3A_533] : memref<2x128x32xf32, #tpu.memory_space<vmem>> -> memref<1x128x32xf32, #tpu.memory_space<vmem>>
    %dma_wait3A_535 = tpu.memref_squeeze %dma_wait3A_534 : memref<1x128x32xf32, #tpu.memory_space<vmem>> -> memref<128x32xf32, #tpu.memory_space<vmem>>
    %dma_wait3A_536 = arith.constant 384 : i32
    %dma_wait3A_537 = tpu.memref_slice %arg14[%dma_wait3A_536] : memref<2048xi32, #tpu.memory_space<vmem>> -> memref<128xi32, #tpu.memory_space<vmem>>
    %dma_wait3A_538 = arith.constant 0 : i32
    %dma_wait3A_539 = arith.constant 0 : i32
    %dma_wait3A_540 = tpu.memref_slice %arg4[%dma_wait3A_538, %dma_wait3A_539] : memref<16384x32xf32, #tpu.memory_space<hbm>> -> memref<16384x32xf32, #tpu.memory_space<hbm>>
    tpu.wait_indirect_dma semaphore(%arg17 : memref<!tpu.dma_semaphore, #tpu.memory_space<semaphore_mem>>) src(%dma_wait3A_540 : memref<16384x32xf32, #tpu.memory_space<hbm>>) dst(%dma_wait3A_535 : memref<128x32xf32, #tpu.memory_space<vmem>>)
    %mul3A_541 = arith.constant 32 : i32
    %mul3A_542 = arith.muli %add3A_435, %mul3A_541 : i32
    %add3A_543 = arith.constant 384 : i32
    %add3A_544 = arith.addi %mul3A_542, %add3A_543 : i32
    %run_scoped3A_545 = arith.constant 1 : i32
    "tpu.region"() ({
      %run_scoped3A_836 = tpu.sem_alloc : memref<!tpu.dma_semaphore, #tpu.memory_space<semaphore_mem>>
      %dma_start3A_837 = arith.constant 0 : i32
      %dma_start3A_838 = arith.constant 0 : i32
      %dma_start3A_839 = tpu.memref_slice %arg16[%run_scoped3A_545, %dma_start3A_837, %dma_start3A_838] : memref<2x128x32xf32, #tpu.memory_space<vmem>> -> memref<1x128x32xf32, #tpu.memory_space<vmem>>
      %dma_start3A_840 = tpu.memref_squeeze %dma_start3A_839 : memref<1x128x32xf32, #tpu.memory_space<vmem>> -> memref<128x32xf32, #tpu.memory_space<vmem>>
      %dma_start3A_841 = arith.constant 0 : i32
      %dma_start3A_842 = tpu.memref_slice %arg5[%add3A_544, %dma_start3A_841] : memref<131072x32xf32, #tpu.memory_space<hbm>> -> memref<128x32xf32, #tpu.memory_space<hbm>>
      %dma_start3A_843 = arith.constant 0 : i32
      %dma_start3A_844 = tpu.memref_slice %arg5[%add3A_544, %dma_start3A_843] : memref<131072x32xf32, #tpu.memory_space<hbm>> -> memref<128x32xf32, #tpu.memory_space<hbm>>
      %dma_start3A_845 = arith.constant 0 : i32
      %dma_start3A_846 = arith.constant 0 : i32
      %dma_start3A_847 = tpu.memref_slice %arg16[%run_scoped3A_545, %dma_start3A_845, %dma_start3A_846] : memref<2x128x32xf32, #tpu.memory_space<vmem>> -> memref<1x128x32xf32, #tpu.memory_space<vmem>>
      %dma_start3A_848 = tpu.memref_squeeze %dma_start3A_847 : memref<1x128x32xf32, #tpu.memory_space<vmem>> -> memref<128x32xf32, #tpu.memory_space<vmem>>
      tpu.enqueue_dma source(%dma_start3A_848 : memref<128x32xf32, #tpu.memory_space<vmem>>) target(%dma_start3A_844 : memref<128x32xf32, #tpu.memory_space<hbm>>) target_semaphore(%run_scoped3A_836 : memref<!tpu.dma_semaphore, #tpu.memory_space<semaphore_mem>>)
      %dma_wait3A_849 = arith.constant 0 : i32
      %dma_wait3A_850 = arith.constant 0 : i32
      %dma_wait3A_851 = tpu.memref_slice %arg16[%run_scoped3A_545, %dma_wait3A_849, %dma_wait3A_850] : memref<2x128x32xf32, #tpu.memory_space<vmem>> -> memref<1x128x32xf32, #tpu.memory_space<vmem>>
      %dma_wait3A_852 = tpu.memref_squeeze %dma_wait3A_851 : memref<1x128x32xf32, #tpu.memory_space<vmem>> -> memref<128x32xf32, #tpu.memory_space<vmem>>
      %dma_wait3A_853 = arith.constant 0 : i32
      %dma_wait3A_854 = tpu.memref_slice %arg5[%add3A_544, %dma_wait3A_853] : memref<131072x32xf32, #tpu.memory_space<hbm>> -> memref<128x32xf32, #tpu.memory_space<hbm>>
      %dma_wait3A_855 = arith.constant 0 : i32
      %dma_wait3A_856 = tpu.memref_slice %arg5[%add3A_544, %dma_wait3A_855] : memref<131072x32xf32, #tpu.memory_space<hbm>> -> memref<128x32xf32, #tpu.memory_space<hbm>>
      %dma_wait3A_857 = arith.constant 0 : i32
      %dma_wait3A_858 = arith.constant 0 : i32
      %dma_wait3A_859 = tpu.memref_slice %arg16[%run_scoped3A_545, %dma_wait3A_857, %dma_wait3A_858] : memref<2x128x32xf32, #tpu.memory_space<vmem>> -> memref<1x128x32xf32, #tpu.memory_space<vmem>>
      %dma_wait3A_860 = tpu.memref_squeeze %dma_wait3A_859 : memref<1x128x32xf32, #tpu.memory_space<vmem>> -> memref<128x32xf32, #tpu.memory_space<vmem>>
      tpu.wait_dma2 semaphore(%run_scoped3A_836 : memref<!tpu.dma_semaphore, #tpu.memory_space<semaphore_mem>>) src(%dma_wait3A_860 : memref<128x32xf32, #tpu.memory_space<vmem>>) dst(%dma_wait3A_856 : memref<128x32xf32, #tpu.memory_space<hbm>>)
      tpu.yield
    }) : () -> ()
    %dma_start3A_546 = arith.constant 1 : i32
    %dma_start3A_547 = arith.constant 0 : i32
    %dma_start3A_548 = arith.constant 0 : i32
    %dma_start3A_549 = tpu.memref_slice %arg16[%dma_start3A_546, %dma_start3A_547, %dma_start3A_548] : memref<2x128x32xf32, #tpu.memory_space<vmem>> -> memref<1x128x32xf32, #tpu.memory_space<vmem>>
    %dma_start3A_550 = tpu.memref_squeeze %dma_start3A_549 : memref<1x128x32xf32, #tpu.memory_space<vmem>> -> memref<128x32xf32, #tpu.memory_space<vmem>>
    %dma_start3A_551 = arith.constant 640 : i32
    %dma_start3A_552 = tpu.memref_slice %arg14[%dma_start3A_551] : memref<2048xi32, #tpu.memory_space<vmem>> -> memref<128xi32, #tpu.memory_space<vmem>>
    %dma_start3A_553 = arith.constant 0 : i32
    %dma_start3A_554 = arith.constant 0 : i32
    %dma_start3A_555 = tpu.memref_slice %arg4[%dma_start3A_553, %dma_start3A_554] : memref<16384x32xf32, #tpu.memory_space<hbm>> -> memref<16384x32xf32, #tpu.memory_space<hbm>>
    tpu.enqueue_indirect_dma source(%dma_start3A_555 : memref<16384x32xf32, #tpu.memory_space<hbm>>) target(%dma_start3A_550 : memref<128x32xf32, #tpu.memory_space<vmem>>) offsets(%dma_start3A_552 : memref<128xi32, #tpu.memory_space<vmem>>) semaphore(%arg17 : memref<!tpu.dma_semaphore, #tpu.memory_space<semaphore_mem>>)
    %dma_wait3A_556 = arith.constant 0 : i32
    %dma_wait3A_557 = arith.constant 0 : i32
    %dma_wait3A_558 = arith.constant 0 : i32
    %dma_wait3A_559 = tpu.memref_slice %arg16[%dma_wait3A_556, %dma_wait3A_557, %dma_wait3A_558] : memref<2x128x32xf32, #tpu.memory_space<vmem>> -> memref<1x128x32xf32, #tpu.memory_space<vmem>>
    %dma_wait3A_560 = tpu.memref_squeeze %dma_wait3A_559 : memref<1x128x32xf32, #tpu.memory_space<vmem>> -> memref<128x32xf32, #tpu.memory_space<vmem>>
    %dma_wait3A_561 = arith.constant 512 : i32
    %dma_wait3A_562 = tpu.memref_slice %arg14[%dma_wait3A_561] : memref<2048xi32, #tpu.memory_space<vmem>> -> memref<128xi32, #tpu.memory_space<vmem>>
    %dma_wait3A_563 = arith.constant 0 : i32
    %dma_wait3A_564 = arith.constant 0 : i32
    %dma_wait3A_565 = tpu.memref_slice %arg4[%dma_wait3A_563, %dma_wait3A_564] : memref<16384x32xf32, #tpu.memory_space<hbm>> -> memref<16384x32xf32, #tpu.memory_space<hbm>>
    tpu.wait_indirect_dma semaphore(%arg17 : memref<!tpu.dma_semaphore, #tpu.memory_space<semaphore_mem>>) src(%dma_wait3A_565 : memref<16384x32xf32, #tpu.memory_space<hbm>>) dst(%dma_wait3A_560 : memref<128x32xf32, #tpu.memory_space<vmem>>)
    %mul3A_566 = arith.constant 32 : i32
    %mul3A_567 = arith.muli %add3A_435, %mul3A_566 : i32
    %add3A_568 = arith.constant 512 : i32
    %add3A_569 = arith.addi %mul3A_567, %add3A_568 : i32
    %run_scoped3A_570 = arith.constant 0 : i32
    "tpu.region"() ({
      %run_scoped3A_836 = tpu.sem_alloc : memref<!tpu.dma_semaphore, #tpu.memory_space<semaphore_mem>>
      %dma_start3A_837 = arith.constant 0 : i32
      %dma_start3A_838 = arith.constant 0 : i32
      %dma_start3A_839 = tpu.memref_slice %arg16[%run_scoped3A_570, %dma_start3A_837, %dma_start3A_838] : memref<2x128x32xf32, #tpu.memory_space<vmem>> -> memref<1x128x32xf32, #tpu.memory_space<vmem>>
      %dma_start3A_840 = tpu.memref_squeeze %dma_start3A_839 : memref<1x128x32xf32, #tpu.memory_space<vmem>> -> memref<128x32xf32, #tpu.memory_space<vmem>>
      %dma_start3A_841 = arith.constant 0 : i32
      %dma_start3A_842 = tpu.memref_slice %arg5[%add3A_569, %dma_start3A_841] : memref<131072x32xf32, #tpu.memory_space<hbm>> -> memref<128x32xf32, #tpu.memory_space<hbm>>
      %dma_start3A_843 = arith.constant 0 : i32
      %dma_start3A_844 = tpu.memref_slice %arg5[%add3A_569, %dma_start3A_843] : memref<131072x32xf32, #tpu.memory_space<hbm>> -> memref<128x32xf32, #tpu.memory_space<hbm>>
      %dma_start3A_845 = arith.constant 0 : i32
      %dma_start3A_846 = arith.constant 0 : i32
      %dma_start3A_847 = tpu.memref_slice %arg16[%run_scoped3A_570, %dma_start3A_845, %dma_start3A_846] : memref<2x128x32xf32, #tpu.memory_space<vmem>> -> memref<1x128x32xf32, #tpu.memory_space<vmem>>
      %dma_start3A_848 = tpu.memref_squeeze %dma_start3A_847 : memref<1x128x32xf32, #tpu.memory_space<vmem>> -> memref<128x32xf32, #tpu.memory_space<vmem>>
      tpu.enqueue_dma source(%dma_start3A_848 : memref<128x32xf32, #tpu.memory_space<vmem>>) target(%dma_start3A_844 : memref<128x32xf32, #tpu.memory_space<hbm>>) target_semaphore(%run_scoped3A_836 : memref<!tpu.dma_semaphore, #tpu.memory_space<semaphore_mem>>)
      %dma_wait3A_849 = arith.constant 0 : i32
      %dma_wait3A_850 = arith.constant 0 : i32
      %dma_wait3A_851 = tpu.memref_slice %arg16[%run_scoped3A_570, %dma_wait3A_849, %dma_wait3A_850] : memref<2x128x32xf32, #tpu.memory_space<vmem>> -> memref<1x128x32xf32, #tpu.memory_space<vmem>>
      %dma_wait3A_852 = tpu.memref_squeeze %dma_wait3A_851 : memref<1x128x32xf32, #tpu.memory_space<vmem>> -> memref<128x32xf32, #tpu.memory_space<vmem>>
      %dma_wait3A_853 = arith.constant 0 : i32
      %dma_wait3A_854 = tpu.memref_slice %arg5[%add3A_569, %dma_wait3A_853] : memref<131072x32xf32, #tpu.memory_space<hbm>> -> memref<128x32xf32, #tpu.memory_space<hbm>>
      %dma_wait3A_855 = arith.constant 0 : i32
      %dma_wait3A_856 = tpu.memref_slice %arg5[%add3A_569, %dma_wait3A_855] : memref<131072x32xf32, #tpu.memory_space<hbm>> -> memref<128x32xf32, #tpu.memory_space<hbm>>
      %dma_wait3A_857 = arith.constant 0 : i32
      %dma_wait3A_858 = arith.constant 0 : i32
      %dma_wait3A_859 = tpu.memref_slice %arg16[%run_scoped3A_570, %dma_wait3A_857, %dma_wait3A_858] : memref<2x128x32xf32, #tpu.memory_space<vmem>> -> memref<1x128x32xf32, #tpu.memory_space<vmem>>
      %dma_wait3A_860 = tpu.memref_squeeze %dma_wait3A_859 : memref<1x128x32xf32, #tpu.memory_space<vmem>> -> memref<128x32xf32, #tpu.memory_space<vmem>>
      tpu.wait_dma2 semaphore(%run_scoped3A_836 : memref<!tpu.dma_semaphore, #tpu.memory_space<semaphore_mem>>) src(%dma_wait3A_860 : memref<128x32xf32, #tpu.memory_space<vmem>>) dst(%dma_wait3A_856 : memref<128x32xf32, #tpu.memory_space<hbm>>)
      tpu.yield
    }) : () -> ()
    %dma_start3A_571 = arith.constant 0 : i32
    %dma_start3A_572 = arith.constant 0 : i32
    %dma_start3A_573 = arith.constant 0 : i32
    %dma_start3A_574 = tpu.memref_slice %arg16[%dma_start3A_571, %dma_start3A_572, %dma_start3A_573] : memref<2x128x32xf32, #tpu.memory_space<vmem>> -> memref<1x128x32xf32, #tpu.memory_space<vmem>>
    %dma_start3A_575 = tpu.memref_squeeze %dma_start3A_574 : memref<1x128x32xf32, #tpu.memory_space<vmem>> -> memref<128x32xf32, #tpu.memory_space<vmem>>
    %dma_start3A_576 = arith.constant 768 : i32
    %dma_start3A_577 = tpu.memref_slice %arg14[%dma_start3A_576] : memref<2048xi32, #tpu.memory_space<vmem>> -> memref<128xi32, #tpu.memory_space<vmem>>
    %dma_start3A_578 = arith.constant 0 : i32
    %dma_start3A_579 = arith.constant 0 : i32
    %dma_start3A_580 = tpu.memref_slice %arg4[%dma_start3A_578, %dma_start3A_579] : memref<16384x32xf32, #tpu.memory_space<hbm>> -> memref<16384x32xf32, #tpu.memory_space<hbm>>
    tpu.enqueue_indirect_dma source(%dma_start3A_580 : memref<16384x32xf32, #tpu.memory_space<hbm>>) target(%dma_start3A_575 : memref<128x32xf32, #tpu.memory_space<vmem>>) offsets(%dma_start3A_577 : memref<128xi32, #tpu.memory_space<vmem>>) semaphore(%arg17 : memref<!tpu.dma_semaphore, #tpu.memory_space<semaphore_mem>>)
    %dma_wait3A_581 = arith.constant 1 : i32
    %dma_wait3A_582 = arith.constant 0 : i32
    %dma_wait3A_583 = arith.constant 0 : i32
    %dma_wait3A_584 = tpu.memref_slice %arg16[%dma_wait3A_581, %dma_wait3A_582, %dma_wait3A_583] : memref<2x128x32xf32, #tpu.memory_space<vmem>> -> memref<1x128x32xf32, #tpu.memory_space<vmem>>
    %dma_wait3A_585 = tpu.memref_squeeze %dma_wait3A_584 : memref<1x128x32xf32, #tpu.memory_space<vmem>> -> memref<128x32xf32, #tpu.memory_space<vmem>>
    %dma_wait3A_586 = arith.constant 640 : i32
    %dma_wait3A_587 = tpu.memref_slice %arg14[%dma_wait3A_586] : memref<2048xi32, #tpu.memory_space<vmem>> -> memref<128xi32, #tpu.memory_space<vmem>>
    %dma_wait3A_588 = arith.constant 0 : i32
    %dma_wait3A_589 = arith.constant 0 : i32
    %dma_wait3A_590 = tpu.memref_slice %arg4[%dma_wait3A_588, %dma_wait3A_589] : memref<16384x32xf32, #tpu.memory_space<hbm>> -> memref<16384x32xf32, #tpu.memory_space<hbm>>
    tpu.wait_indirect_dma semaphore(%arg17 : memref<!tpu.dma_semaphore, #tpu.memory_space<semaphore_mem>>) src(%dma_wait3A_590 : memref<16384x32xf32, #tpu.memory_space<hbm>>) dst(%dma_wait3A_585 : memref<128x32xf32, #tpu.memory_space<vmem>>)
    %mul3A_591 = arith.constant 32 : i32
    %mul3A_592 = arith.muli %add3A_435, %mul3A_591 : i32
    %add3A_593 = arith.constant 640 : i32
    %add3A_594 = arith.addi %mul3A_592, %add3A_593 : i32
    %run_scoped3A_595 = arith.constant 1 : i32
    "tpu.region"() ({
      %run_scoped3A_836 = tpu.sem_alloc : memref<!tpu.dma_semaphore, #tpu.memory_space<semaphore_mem>>
      %dma_start3A_837 = arith.constant 0 : i32
      %dma_start3A_838 = arith.constant 0 : i32
      %dma_start3A_839 = tpu.memref_slice %arg16[%run_scoped3A_595, %dma_start3A_837, %dma_start3A_838] : memref<2x128x32xf32, #tpu.memory_space<vmem>> -> memref<1x128x32xf32, #tpu.memory_space<vmem>>
      %dma_start3A_840 = tpu.memref_squeeze %dma_start3A_839 : memref<1x128x32xf32, #tpu.memory_space<vmem>> -> memref<128x32xf32, #tpu.memory_space<vmem>>
      %dma_start3A_841 = arith.constant 0 : i32
      %dma_start3A_842 = tpu.memref_slice %arg5[%add3A_594, %dma_start3A_841] : memref<131072x32xf32, #tpu.memory_space<hbm>> -> memref<128x32xf32, #tpu.memory_space<hbm>>
      %dma_start3A_843 = arith.constant 0 : i32
      %dma_start3A_844 = tpu.memref_slice %arg5[%add3A_594, %dma_start3A_843] : memref<131072x32xf32, #tpu.memory_space<hbm>> -> memref<128x32xf32, #tpu.memory_space<hbm>>
      %dma_start3A_845 = arith.constant 0 : i32
      %dma_start3A_846 = arith.constant 0 : i32
      %dma_start3A_847 = tpu.memref_slice %arg16[%run_scoped3A_595, %dma_start3A_845, %dma_start3A_846] : memref<2x128x32xf32, #tpu.memory_space<vmem>> -> memref<1x128x32xf32, #tpu.memory_space<vmem>>
      %dma_start3A_848 = tpu.memref_squeeze %dma_start3A_847 : memref<1x128x32xf32, #tpu.memory_space<vmem>> -> memref<128x32xf32, #tpu.memory_space<vmem>>
      tpu.enqueue_dma source(%dma_start3A_848 : memref<128x32xf32, #tpu.memory_space<vmem>>) target(%dma_start3A_844 : memref<128x32xf32, #tpu.memory_space<hbm>>) target_semaphore(%run_scoped3A_836 : memref<!tpu.dma_semaphore, #tpu.memory_space<semaphore_mem>>)
      %dma_wait3A_849 = arith.constant 0 : i32
      %dma_wait3A_850 = arith.constant 0 : i32
      %dma_wait3A_851 = tpu.memref_slice %arg16[%run_scoped3A_595, %dma_wait3A_849, %dma_wait3A_850] : memref<2x128x32xf32, #tpu.memory_space<vmem>> -> memref<1x128x32xf32, #tpu.memory_space<vmem>>
      %dma_wait3A_852 = tpu.memref_squeeze %dma_wait3A_851 : memref<1x128x32xf32, #tpu.memory_space<vmem>> -> memref<128x32xf32, #tpu.memory_space<vmem>>
      %dma_wait3A_853 = arith.constant 0 : i32
      %dma_wait3A_854 = tpu.memref_slice %arg5[%add3A_594, %dma_wait3A_853] : memref<131072x32xf32, #tpu.memory_space<hbm>> -> memref<128x32xf32, #tpu.memory_space<hbm>>
      %dma_wait3A_855 = arith.constant 0 : i32
      %dma_wait3A_856 = tpu.memref_slice %arg5[%add3A_594, %dma_wait3A_855] : memref<131072x32xf32, #tpu.memory_space<hbm>> -> memref<128x32xf32, #tpu.memory_space<hbm>>
      %dma_wait3A_857 = arith.constant 0 : i32
      %dma_wait3A_858 = arith.constant 0 : i32
      %dma_wait3A_859 = tpu.memref_slice %arg16[%run_scoped3A_595, %dma_wait3A_857, %dma_wait3A_858] : memref<2x128x32xf32, #tpu.memory_space<vmem>> -> memref<1x128x32xf32, #tpu.memory_space<vmem>>
      %dma_wait3A_860 = tpu.memref_squeeze %dma_wait3A_859 : memref<1x128x32xf32, #tpu.memory_space<vmem>> -> memref<128x32xf32, #tpu.memory_space<vmem>>
      tpu.wait_dma2 semaphore(%run_scoped3A_836 : memref<!tpu.dma_semaphore, #tpu.memory_space<semaphore_mem>>) src(%dma_wait3A_860 : memref<128x32xf32, #tpu.memory_space<vmem>>) dst(%dma_wait3A_856 : memref<128x32xf32, #tpu.memory_space<hbm>>)
      tpu.yield
    }) : () -> ()
    %dma_start3A_596 = arith.constant 1 : i32
    %dma_start3A_597 = arith.constant 0 : i32
    %dma_start3A_598 = arith.constant 0 : i32
    %dma_start3A_599 = tpu.memref_slice %arg16[%dma_start3A_596, %dma_start3A_597, %dma_start3A_598] : memref<2x128x32xf32, #tpu.memory_space<vmem>> -> memref<1x128x32xf32, #tpu.memory_space<vmem>>
    %dma_start3A_600 = tpu.memref_squeeze %dma_start3A_599 : memref<1x128x32xf32, #tpu.memory_space<vmem>> -> memref<128x32xf32, #tpu.memory_space<vmem>>
    %dma_start3A_601 = arith.constant 896 : i32
    %dma_start3A_602 = tpu.memref_slice %arg14[%dma_start3A_601] : memref<2048xi32, #tpu.memory_space<vmem>> -> memref<128xi32, #tpu.memory_space<vmem>>
    %dma_start3A_603 = arith.constant 0 : i32
    %dma_start3A_604 = arith.constant 0 : i32
    %dma_start3A_605 = tpu.memref_slice %arg4[%dma_start3A_603, %dma_start3A_604] : memref<16384x32xf32, #tpu.memory_space<hbm>> -> memref<16384x32xf32, #tpu.memory_space<hbm>>
    tpu.enqueue_indirect_dma source(%dma_start3A_605 : memref<16384x32xf32, #tpu.memory_space<hbm>>) target(%dma_start3A_600 : memref<128x32xf32, #tpu.memory_space<vmem>>) offsets(%dma_start3A_602 : memref<128xi32, #tpu.memory_space<vmem>>) semaphore(%arg17 : memref<!tpu.dma_semaphore, #tpu.memory_space<semaphore_mem>>)
    %dma_wait3A_606 = arith.constant 0 : i32
    %dma_wait3A_607 = arith.constant 0 : i32
    %dma_wait3A_608 = arith.constant 0 : i32
    %dma_wait3A_609 = tpu.memref_slice %arg16[%dma_wait3A_606, %dma_wait3A_607, %dma_wait3A_608] : memref<2x128x32xf32, #tpu.memory_space<vmem>> -> memref<1x128x32xf32, #tpu.memory_space<vmem>>
    %dma_wait3A_610 = tpu.memref_squeeze %dma_wait3A_609 : memref<1x128x32xf32, #tpu.memory_space<vmem>> -> memref<128x32xf32, #tpu.memory_space<vmem>>
    %dma_wait3A_611 = arith.constant 768 : i32
    %dma_wait3A_612 = tpu.memref_slice %arg14[%dma_wait3A_611] : memref<2048xi32, #tpu.memory_space<vmem>> -> memref<128xi32, #tpu.memory_space<vmem>>
    %dma_wait3A_613 = arith.constant 0 : i32
    %dma_wait3A_614 = arith.constant 0 : i32
    %dma_wait3A_615 = tpu.memref_slice %arg4[%dma_wait3A_613, %dma_wait3A_614] : memref<16384x32xf32, #tpu.memory_space<hbm>> -> memref<16384x32xf32, #tpu.memory_space<hbm>>
    tpu.wait_indirect_dma semaphore(%arg17 : memref<!tpu.dma_semaphore, #tpu.memory_space<semaphore_mem>>) src(%dma_wait3A_615 : memref<16384x32xf32, #tpu.memory_space<hbm>>) dst(%dma_wait3A_610 : memref<128x32xf32, #tpu.memory_space<vmem>>)
    %mul3A_616 = arith.constant 32 : i32
    %mul3A_617 = arith.muli %add3A_435, %mul3A_616 : i32
    %add3A_618 = arith.constant 768 : i32
    %add3A_619 = arith.addi %mul3A_617, %add3A_618 : i32
    %run_scoped3A_620 = arith.constant 0 : i32
    "tpu.region"() ({
      %run_scoped3A_836 = tpu.sem_alloc : memref<!tpu.dma_semaphore, #tpu.memory_space<semaphore_mem>>
      %dma_start3A_837 = arith.constant 0 : i32
      %dma_start3A_838 = arith.constant 0 : i32
      %dma_start3A_839 = tpu.memref_slice %arg16[%run_scoped3A_620, %dma_start3A_837, %dma_start3A_838] : memref<2x128x32xf32, #tpu.memory_space<vmem>> -> memref<1x128x32xf32, #tpu.memory_space<vmem>>
      %dma_start3A_840 = tpu.memref_squeeze %dma_start3A_839 : memref<1x128x32xf32, #tpu.memory_space<vmem>> -> memref<128x32xf32, #tpu.memory_space<vmem>>
      %dma_start3A_841 = arith.constant 0 : i32
      %dma_start3A_842 = tpu.memref_slice %arg5[%add3A_619, %dma_start3A_841] : memref<131072x32xf32, #tpu.memory_space<hbm>> -> memref<128x32xf32, #tpu.memory_space<hbm>>
      %dma_start3A_843 = arith.constant 0 : i32
      %dma_start3A_844 = tpu.memref_slice %arg5[%add3A_619, %dma_start3A_843] : memref<131072x32xf32, #tpu.memory_space<hbm>> -> memref<128x32xf32, #tpu.memory_space<hbm>>
      %dma_start3A_845 = arith.constant 0 : i32
      %dma_start3A_846 = arith.constant 0 : i32
      %dma_start3A_847 = tpu.memref_slice %arg16[%run_scoped3A_620, %dma_start3A_845, %dma_start3A_846] : memref<2x128x32xf32, #tpu.memory_space<vmem>> -> memref<1x128x32xf32, #tpu.memory_space<vmem>>
      %dma_start3A_848 = tpu.memref_squeeze %dma_start3A_847 : memref<1x128x32xf32, #tpu.memory_space<vmem>> -> memref<128x32xf32, #tpu.memory_space<vmem>>
      tpu.enqueue_dma source(%dma_start3A_848 : memref<128x32xf32, #tpu.memory_space<vmem>>) target(%dma_start3A_844 : memref<128x32xf32, #tpu.memory_space<hbm>>) target_semaphore(%run_scoped3A_836 : memref<!tpu.dma_semaphore, #tpu.memory_space<semaphore_mem>>)
      %dma_wait3A_849 = arith.constant 0 : i32
      %dma_wait3A_850 = arith.constant 0 : i32
      %dma_wait3A_851 = tpu.memref_slice %arg16[%run_scoped3A_620, %dma_wait3A_849, %dma_wait3A_850] : memref<2x128x32xf32, #tpu.memory_space<vmem>> -> memref<1x128x32xf32, #tpu.memory_space<vmem>>
      %dma_wait3A_852 = tpu.memref_squeeze %dma_wait3A_851 : memref<1x128x32xf32, #tpu.memory_space<vmem>> -> memref<128x32xf32, #tpu.memory_space<vmem>>
      %dma_wait3A_853 = arith.constant 0 : i32
      %dma_wait3A_854 = tpu.memref_slice %arg5[%add3A_619, %dma_wait3A_853] : memref<131072x32xf32, #tpu.memory_space<hbm>> -> memref<128x32xf32, #tpu.memory_space<hbm>>
      %dma_wait3A_855 = arith.constant 0 : i32
      %dma_wait3A_856 = tpu.memref_slice %arg5[%add3A_619, %dma_wait3A_855] : memref<131072x32xf32, #tpu.memory_space<hbm>> -> memref<128x32xf32, #tpu.memory_space<hbm>>
      %dma_wait3A_857 = arith.constant 0 : i32
      %dma_wait3A_858 = arith.constant 0 : i32
      %dma_wait3A_859 = tpu.memref_slice %arg16[%run_scoped3A_620, %dma_wait3A_857, %dma_wait3A_858] : memref<2x128x32xf32, #tpu.memory_space<vmem>> -> memref<1x128x32xf32, #tpu.memory_space<vmem>>
      %dma_wait3A_860 = tpu.memref_squeeze %dma_wait3A_859 : memref<1x128x32xf32, #tpu.memory_space<vmem>> -> memref<128x32xf32, #tpu.memory_space<vmem>>
      tpu.wait_dma2 semaphore(%run_scoped3A_836 : memref<!tpu.dma_semaphore, #tpu.memory_space<semaphore_mem>>) src(%dma_wait3A_860 : memref<128x32xf32, #tpu.memory_space<vmem>>) dst(%dma_wait3A_856 : memref<128x32xf32, #tpu.memory_space<hbm>>)
      tpu.yield
    }) : () -> ()
    %dma_start3A_621 = arith.constant 0 : i32
    %dma_start3A_622 = arith.constant 0 : i32
    %dma_start3A_623 = arith.constant 0 : i32
    %dma_start3A_624 = tpu.memref_slice %arg16[%dma_start3A_621, %dma_start3A_622, %dma_start3A_623] : memref<2x128x32xf32, #tpu.memory_space<vmem>> -> memref<1x128x32xf32, #tpu.memory_space<vmem>>
    %dma_start3A_625 = tpu.memref_squeeze %dma_start3A_624 : memref<1x128x32xf32, #tpu.memory_space<vmem>> -> memref<128x32xf32, #tpu.memory_space<vmem>>
    %dma_start3A_626 = arith.constant 1024 : i32
    %dma_start3A_627 = tpu.memref_slice %arg14[%dma_start3A_626] : memref<2048xi32, #tpu.memory_space<vmem>> -> memref<128xi32, #tpu.memory_space<vmem>>
    %dma_start3A_628 = arith.constant 0 : i32
    %dma_start3A_629 = arith.constant 0 : i32
    %dma_start3A_630 = tpu.memref_slice %arg4[%dma_start3A_628, %dma_start3A_629] : memref<16384x32xf32, #tpu.memory_space<hbm>> -> memref<16384x32xf32, #tpu.memory_space<hbm>>
    tpu.enqueue_indirect_dma source(%dma_start3A_630 : memref<16384x32xf32, #tpu.memory_space<hbm>>) target(%dma_start3A_625 : memref<128x32xf32, #tpu.memory_space<vmem>>) offsets(%dma_start3A_627 : memref<128xi32, #tpu.memory_space<vmem>>) semaphore(%arg17 : memref<!tpu.dma_semaphore, #tpu.memory_space<semaphore_mem>>)
    %dma_wait3A_631 = arith.constant 1 : i32
    %dma_wait3A_632 = arith.constant 0 : i32
    %dma_wait3A_633 = arith.constant 0 : i32
    %dma_wait3A_634 = tpu.memref_slice %arg16[%dma_wait3A_631, %dma_wait3A_632, %dma_wait3A_633] : memref<2x128x32xf32, #tpu.memory_space<vmem>> -> memref<1x128x32xf32, #tpu.memory_space<vmem>>
    %dma_wait3A_635 = tpu.memref_squeeze %dma_wait3A_634 : memref<1x128x32xf32, #tpu.memory_space<vmem>> -> memref<128x32xf32, #tpu.memory_space<vmem>>
    %dma_wait3A_636 = arith.constant 896 : i32
    %dma_wait3A_637 = tpu.memref_slice %arg14[%dma_wait3A_636] : memref<2048xi32, #tpu.memory_space<vmem>> -> memref<128xi32, #tpu.memory_space<vmem>>
    %dma_wait3A_638 = arith.constant 0 : i32
    %dma_wait3A_639 = arith.constant 0 : i32
    %dma_wait3A_640 = tpu.memref_slice %arg4[%dma_wait3A_638, %dma_wait3A_639] : memref<16384x32xf32, #tpu.memory_space<hbm>> -> memref<16384x32xf32, #tpu.memory_space<hbm>>
    tpu.wait_indirect_dma semaphore(%arg17 : memref<!tpu.dma_semaphore, #tpu.memory_space<semaphore_mem>>) src(%dma_wait3A_640 : memref<16384x32xf32, #tpu.memory_space<hbm>>) dst(%dma_wait3A_635 : memref<128x32xf32, #tpu.memory_space<vmem>>)
    %mul3A_641 = arith.constant 32 : i32
    %mul3A_642 = arith.muli %add3A_435, %mul3A_641 : i32
    %add3A_643 = arith.constant 896 : i32
    %add3A_644 = arith.addi %mul3A_642, %add3A_643 : i32
    %run_scoped3A_645 = arith.constant 1 : i32
    "tpu.region"() ({
      %run_scoped3A_836 = tpu.sem_alloc : memref<!tpu.dma_semaphore, #tpu.memory_space<semaphore_mem>>
      %dma_start3A_837 = arith.constant 0 : i32
      %dma_start3A_838 = arith.constant 0 : i32
      %dma_start3A_839 = tpu.memref_slice %arg16[%run_scoped3A_645, %dma_start3A_837, %dma_start3A_838] : memref<2x128x32xf32, #tpu.memory_space<vmem>> -> memref<1x128x32xf32, #tpu.memory_space<vmem>>
      %dma_start3A_840 = tpu.memref_squeeze %dma_start3A_839 : memref<1x128x32xf32, #tpu.memory_space<vmem>> -> memref<128x32xf32, #tpu.memory_space<vmem>>
      %dma_start3A_841 = arith.constant 0 : i32
      %dma_start3A_842 = tpu.memref_slice %arg5[%add3A_644, %dma_start3A_841] : memref<131072x32xf32, #tpu.memory_space<hbm>> -> memref<128x32xf32, #tpu.memory_space<hbm>>
      %dma_start3A_843 = arith.constant 0 : i32
      %dma_start3A_844 = tpu.memref_slice %arg5[%add3A_644, %dma_start3A_843] : memref<131072x32xf32, #tpu.memory_space<hbm>> -> memref<128x32xf32, #tpu.memory_space<hbm>>
      %dma_start3A_845 = arith.constant 0 : i32
      %dma_start3A_846 = arith.constant 0 : i32
      %dma_start3A_847 = tpu.memref_slice %arg16[%run_scoped3A_645, %dma_start3A_845, %dma_start3A_846] : memref<2x128x32xf32, #tpu.memory_space<vmem>> -> memref<1x128x32xf32, #tpu.memory_space<vmem>>
      %dma_start3A_848 = tpu.memref_squeeze %dma_start3A_847 : memref<1x128x32xf32, #tpu.memory_space<vmem>> -> memref<128x32xf32, #tpu.memory_space<vmem>>
      tpu.enqueue_dma source(%dma_start3A_848 : memref<128x32xf32, #tpu.memory_space<vmem>>) target(%dma_start3A_844 : memref<128x32xf32, #tpu.memory_space<hbm>>) target_semaphore(%run_scoped3A_836 : memref<!tpu.dma_semaphore, #tpu.memory_space<semaphore_mem>>)
      %dma_wait3A_849 = arith.constant 0 : i32
      %dma_wait3A_850 = arith.constant 0 : i32
      %dma_wait3A_851 = tpu.memref_slice %arg16[%run_scoped3A_645, %dma_wait3A_849, %dma_wait3A_850] : memref<2x128x32xf32, #tpu.memory_space<vmem>> -> memref<1x128x32xf32, #tpu.memory_space<vmem>>
      %dma_wait3A_852 = tpu.memref_squeeze %dma_wait3A_851 : memref<1x128x32xf32, #tpu.memory_space<vmem>> -> memref<128x32xf32, #tpu.memory_space<vmem>>
      %dma_wait3A_853 = arith.constant 0 : i32
      %dma_wait3A_854 = tpu.memref_slice %arg5[%add3A_644, %dma_wait3A_853] : memref<131072x32xf32, #tpu.memory_space<hbm>> -> memref<128x32xf32, #tpu.memory_space<hbm>>
      %dma_wait3A_855 = arith.constant 0 : i32
      %dma_wait3A_856 = tpu.memref_slice %arg5[%add3A_644, %dma_wait3A_855] : memref<131072x32xf32, #tpu.memory_space<hbm>> -> memref<128x32xf32, #tpu.memory_space<hbm>>
      %dma_wait3A_857 = arith.constant 0 : i32
      %dma_wait3A_858 = arith.constant 0 : i32
      %dma_wait3A_859 = tpu.memref_slice %arg16[%run_scoped3A_645, %dma_wait3A_857, %dma_wait3A_858] : memref<2x128x32xf32, #tpu.memory_space<vmem>> -> memref<1x128x32xf32, #tpu.memory_space<vmem>>
      %dma_wait3A_860 = tpu.memref_squeeze %dma_wait3A_859 : memref<1x128x32xf32, #tpu.memory_space<vmem>> -> memref<128x32xf32, #tpu.memory_space<vmem>>
      tpu.wait_dma2 semaphore(%run_scoped3A_836 : memref<!tpu.dma_semaphore, #tpu.memory_space<semaphore_mem>>) src(%dma_wait3A_860 : memref<128x32xf32, #tpu.memory_space<vmem>>) dst(%dma_wait3A_856 : memref<128x32xf32, #tpu.memory_space<hbm>>)
      tpu.yield
    }) : () -> ()
    %dma_start3A_646 = arith.constant 1 : i32
    %dma_start3A_647 = arith.constant 0 : i32
    %dma_start3A_648 = arith.constant 0 : i32
    %dma_start3A_649 = tpu.memref_slice %arg16[%dma_start3A_646, %dma_start3A_647, %dma_start3A_648] : memref<2x128x32xf32, #tpu.memory_space<vmem>> -> memref<1x128x32xf32, #tpu.memory_space<vmem>>
    %dma_start3A_650 = tpu.memref_squeeze %dma_start3A_649 : memref<1x128x32xf32, #tpu.memory_space<vmem>> -> memref<128x32xf32, #tpu.memory_space<vmem>>
    %dma_start3A_651 = arith.constant 1152 : i32
    %dma_start3A_652 = tpu.memref_slice %arg14[%dma_start3A_651] : memref<2048xi32, #tpu.memory_space<vmem>> -> memref<128xi32, #tpu.memory_space<vmem>>
    %dma_start3A_653 = arith.constant 0 : i32
    %dma_start3A_654 = arith.constant 0 : i32
    %dma_start3A_655 = tpu.memref_slice %arg4[%dma_start3A_653, %dma_start3A_654] : memref<16384x32xf32, #tpu.memory_space<hbm>> -> memref<16384x32xf32, #tpu.memory_space<hbm>>
    tpu.enqueue_indirect_dma source(%dma_start3A_655 : memref<16384x32xf32, #tpu.memory_space<hbm>>) target(%dma_start3A_650 : memref<128x32xf32, #tpu.memory_space<vmem>>) offsets(%dma_start3A_652 : memref<128xi32, #tpu.memory_space<vmem>>) semaphore(%arg17 : memref<!tpu.dma_semaphore, #tpu.memory_space<semaphore_mem>>)
    %dma_wait3A_656 = arith.constant 0 : i32
    %dma_wait3A_657 = arith.constant 0 : i32
    %dma_wait3A_658 = arith.constant 0 : i32
    %dma_wait3A_659 = tpu.memref_slice %arg16[%dma_wait3A_656, %dma_wait3A_657, %dma_wait3A_658] : memref<2x128x32xf32, #tpu.memory_space<vmem>> -> memref<1x128x32xf32, #tpu.memory_space<vmem>>
    %dma_wait3A_660 = tpu.memref_squeeze %dma_wait3A_659 : memref<1x128x32xf32, #tpu.memory_space<vmem>> -> memref<128x32xf32, #tpu.memory_space<vmem>>
    %dma_wait3A_661 = arith.constant 1024 : i32
    %dma_wait3A_662 = tpu.memref_slice %arg14[%dma_wait3A_661] : memref<2048xi32, #tpu.memory_space<vmem>> -> memref<128xi32, #tpu.memory_space<vmem>>
    %dma_wait3A_663 = arith.constant 0 : i32
    %dma_wait3A_664 = arith.constant 0 : i32
    %dma_wait3A_665 = tpu.memref_slice %arg4[%dma_wait3A_663, %dma_wait3A_664] : memref<16384x32xf32, #tpu.memory_space<hbm>> -> memref<16384x32xf32, #tpu.memory_space<hbm>>
    tpu.wait_indirect_dma semaphore(%arg17 : memref<!tpu.dma_semaphore, #tpu.memory_space<semaphore_mem>>) src(%dma_wait3A_665 : memref<16384x32xf32, #tpu.memory_space<hbm>>) dst(%dma_wait3A_660 : memref<128x32xf32, #tpu.memory_space<vmem>>)
    %mul3A_666 = arith.constant 32 : i32
    %mul3A_667 = arith.muli %add3A_435, %mul3A_666 : i32
    %add3A_668 = arith.constant 1024 : i32
    %add3A_669 = arith.addi %mul3A_667, %add3A_668 : i32
    %run_scoped3A_670 = arith.constant 0 : i32
    "tpu.region"() ({
      %run_scoped3A_836 = tpu.sem_alloc : memref<!tpu.dma_semaphore, #tpu.memory_space<semaphore_mem>>
      %dma_start3A_837 = arith.constant 0 : i32
      %dma_start3A_838 = arith.constant 0 : i32
      %dma_start3A_839 = tpu.memref_slice %arg16[%run_scoped3A_670, %dma_start3A_837, %dma_start3A_838] : memref<2x128x32xf32, #tpu.memory_space<vmem>> -> memref<1x128x32xf32, #tpu.memory_space<vmem>>
      %dma_start3A_840 = tpu.memref_squeeze %dma_start3A_839 : memref<1x128x32xf32, #tpu.memory_space<vmem>> -> memref<128x32xf32, #tpu.memory_space<vmem>>
      %dma_start3A_841 = arith.constant 0 : i32
      %dma_start3A_842 = tpu.memref_slice %arg5[%add3A_669, %dma_start3A_841] : memref<131072x32xf32, #tpu.memory_space<hbm>> -> memref<128x32xf32, #tpu.memory_space<hbm>>
      %dma_start3A_843 = arith.constant 0 : i32
      %dma_start3A_844 = tpu.memref_slice %arg5[%add3A_669, %dma_start3A_843] : memref<131072x32xf32, #tpu.memory_space<hbm>> -> memref<128x32xf32, #tpu.memory_space<hbm>>
      %dma_start3A_845 = arith.constant 0 : i32
      %dma_start3A_846 = arith.constant 0 : i32
      %dma_start3A_847 = tpu.memref_slice %arg16[%run_scoped3A_670, %dma_start3A_845, %dma_start3A_846] : memref<2x128x32xf32, #tpu.memory_space<vmem>> -> memref<1x128x32xf32, #tpu.memory_space<vmem>>
      %dma_start3A_848 = tpu.memref_squeeze %dma_start3A_847 : memref<1x128x32xf32, #tpu.memory_space<vmem>> -> memref<128x32xf32, #tpu.memory_space<vmem>>
      tpu.enqueue_dma source(%dma_start3A_848 : memref<128x32xf32, #tpu.memory_space<vmem>>) target(%dma_start3A_844 : memref<128x32xf32, #tpu.memory_space<hbm>>) target_semaphore(%run_scoped3A_836 : memref<!tpu.dma_semaphore, #tpu.memory_space<semaphore_mem>>)
      %dma_wait3A_849 = arith.constant 0 : i32
      %dma_wait3A_850 = arith.constant 0 : i32
      %dma_wait3A_851 = tpu.memref_slice %arg16[%run_scoped3A_670, %dma_wait3A_849, %dma_wait3A_850] : memref<2x128x32xf32, #tpu.memory_space<vmem>> -> memref<1x128x32xf32, #tpu.memory_space<vmem>>
      %dma_wait3A_852 = tpu.memref_squeeze %dma_wait3A_851 : memref<1x128x32xf32, #tpu.memory_space<vmem>> -> memref<128x32xf32, #tpu.memory_space<vmem>>
      %dma_wait3A_853 = arith.constant 0 : i32
      %dma_wait3A_854 = tpu.memref_slice %arg5[%add3A_669, %dma_wait3A_853] : memref<131072x32xf32, #tpu.memory_space<hbm>> -> memref<128x32xf32, #tpu.memory_space<hbm>>
      %dma_wait3A_855 = arith.constant 0 : i32
      %dma_wait3A_856 = tpu.memref_slice %arg5[%add3A_669, %dma_wait3A_855] : memref<131072x32xf32, #tpu.memory_space<hbm>> -> memref<128x32xf32, #tpu.memory_space<hbm>>
      %dma_wait3A_857 = arith.constant 0 : i32
      %dma_wait3A_858 = arith.constant 0 : i32
      %dma_wait3A_859 = tpu.memref_slice %arg16[%run_scoped3A_670, %dma_wait3A_857, %dma_wait3A_858] : memref<2x128x32xf32, #tpu.memory_space<vmem>> -> memref<1x128x32xf32, #tpu.memory_space<vmem>>
      %dma_wait3A_860 = tpu.memref_squeeze %dma_wait3A_859 : memref<1x128x32xf32, #tpu.memory_space<vmem>> -> memref<128x32xf32, #tpu.memory_space<vmem>>
      tpu.wait_dma2 semaphore(%run_scoped3A_836 : memref<!tpu.dma_semaphore, #tpu.memory_space<semaphore_mem>>) src(%dma_wait3A_860 : memref<128x32xf32, #tpu.memory_space<vmem>>) dst(%dma_wait3A_856 : memref<128x32xf32, #tpu.memory_space<hbm>>)
      tpu.yield
    }) : () -> ()
    %dma_start3A_671 = arith.constant 0 : i32
    %dma_start3A_672 = arith.constant 0 : i32
    %dma_start3A_673 = arith.constant 0 : i32
    %dma_start3A_674 = tpu.memref_slice %arg16[%dma_start3A_671, %dma_start3A_672, %dma_start3A_673] : memref<2x128x32xf32, #tpu.memory_space<vmem>> -> memref<1x128x32xf32, #tpu.memory_space<vmem>>
    %dma_start3A_675 = tpu.memref_squeeze %dma_start3A_674 : memref<1x128x32xf32, #tpu.memory_space<vmem>> -> memref<128x32xf32, #tpu.memory_space<vmem>>
    %dma_start3A_676 = arith.constant 1280 : i32
    %dma_start3A_677 = tpu.memref_slice %arg14[%dma_start3A_676] : memref<2048xi32, #tpu.memory_space<vmem>> -> memref<128xi32, #tpu.memory_space<vmem>>
    %dma_start3A_678 = arith.constant 0 : i32
    %dma_start3A_679 = arith.constant 0 : i32
    %dma_start3A_680 = tpu.memref_slice %arg4[%dma_start3A_678, %dma_start3A_679] : memref<16384x32xf32, #tpu.memory_space<hbm>> -> memref<16384x32xf32, #tpu.memory_space<hbm>>
    tpu.enqueue_indirect_dma source(%dma_start3A_680 : memref<16384x32xf32, #tpu.memory_space<hbm>>) target(%dma_start3A_675 : memref<128x32xf32, #tpu.memory_space<vmem>>) offsets(%dma_start3A_677 : memref<128xi32, #tpu.memory_space<vmem>>) semaphore(%arg17 : memref<!tpu.dma_semaphore, #tpu.memory_space<semaphore_mem>>)
    %dma_wait3A_681 = arith.constant 1 : i32
    %dma_wait3A_682 = arith.constant 0 : i32
    %dma_wait3A_683 = arith.constant 0 : i32
    %dma_wait3A_684 = tpu.memref_slice %arg16[%dma_wait3A_681, %dma_wait3A_682, %dma_wait3A_683] : memref<2x128x32xf32, #tpu.memory_space<vmem>> -> memref<1x128x32xf32, #tpu.memory_space<vmem>>
    %dma_wait3A_685 = tpu.memref_squeeze %dma_wait3A_684 : memref<1x128x32xf32, #tpu.memory_space<vmem>> -> memref<128x32xf32, #tpu.memory_space<vmem>>
    %dma_wait3A_686 = arith.constant 1152 : i32
    %dma_wait3A_687 = tpu.memref_slice %arg14[%dma_wait3A_686] : memref<2048xi32, #tpu.memory_space<vmem>> -> memref<128xi32, #tpu.memory_space<vmem>>
    %dma_wait3A_688 = arith.constant 0 : i32
    %dma_wait3A_689 = arith.constant 0 : i32
    %dma_wait3A_690 = tpu.memref_slice %arg4[%dma_wait3A_688, %dma_wait3A_689] : memref<16384x32xf32, #tpu.memory_space<hbm>> -> memref<16384x32xf32, #tpu.memory_space<hbm>>
    tpu.wait_indirect_dma semaphore(%arg17 : memref<!tpu.dma_semaphore, #tpu.memory_space<semaphore_mem>>) src(%dma_wait3A_690 : memref<16384x32xf32, #tpu.memory_space<hbm>>) dst(%dma_wait3A_685 : memref<128x32xf32, #tpu.memory_space<vmem>>)
    %mul3A_691 = arith.constant 32 : i32
    %mul3A_692 = arith.muli %add3A_435, %mul3A_691 : i32
    %add3A_693 = arith.constant 1152 : i32
    %add3A_694 = arith.addi %mul3A_692, %add3A_693 : i32
    %run_scoped3A_695 = arith.constant 1 : i32
    "tpu.region"() ({
      %run_scoped3A_836 = tpu.sem_alloc : memref<!tpu.dma_semaphore, #tpu.memory_space<semaphore_mem>>
      %dma_start3A_837 = arith.constant 0 : i32
      %dma_start3A_838 = arith.constant 0 : i32
      %dma_start3A_839 = tpu.memref_slice %arg16[%run_scoped3A_695, %dma_start3A_837, %dma_start3A_838] : memref<2x128x32xf32, #tpu.memory_space<vmem>> -> memref<1x128x32xf32, #tpu.memory_space<vmem>>
      %dma_start3A_840 = tpu.memref_squeeze %dma_start3A_839 : memref<1x128x32xf32, #tpu.memory_space<vmem>> -> memref<128x32xf32, #tpu.memory_space<vmem>>
      %dma_start3A_841 = arith.constant 0 : i32
      %dma_start3A_842 = tpu.memref_slice %arg5[%add3A_694, %dma_start3A_841] : memref<131072x32xf32, #tpu.memory_space<hbm>> -> memref<128x32xf32, #tpu.memory_space<hbm>>
      %dma_start3A_843 = arith.constant 0 : i32
      %dma_start3A_844 = tpu.memref_slice %arg5[%add3A_694, %dma_start3A_843] : memref<131072x32xf32, #tpu.memory_space<hbm>> -> memref<128x32xf32, #tpu.memory_space<hbm>>
      %dma_start3A_845 = arith.constant 0 : i32
      %dma_start3A_846 = arith.constant 0 : i32
      %dma_start3A_847 = tpu.memref_slice %arg16[%run_scoped3A_695, %dma_start3A_845, %dma_start3A_846] : memref<2x128x32xf32, #tpu.memory_space<vmem>> -> memref<1x128x32xf32, #tpu.memory_space<vmem>>
      %dma_start3A_848 = tpu.memref_squeeze %dma_start3A_847 : memref<1x128x32xf32, #tpu.memory_space<vmem>> -> memref<128x32xf32, #tpu.memory_space<vmem>>
      tpu.enqueue_dma source(%dma_start3A_848 : memref<128x32xf32, #tpu.memory_space<vmem>>) target(%dma_start3A_844 : memref<128x32xf32, #tpu.memory_space<hbm>>) target_semaphore(%run_scoped3A_836 : memref<!tpu.dma_semaphore, #tpu.memory_space<semaphore_mem>>)
      %dma_wait3A_849 = arith.constant 0 : i32
      %dma_wait3A_850 = arith.constant 0 : i32
      %dma_wait3A_851 = tpu.memref_slice %arg16[%run_scoped3A_695, %dma_wait3A_849, %dma_wait3A_850] : memref<2x128x32xf32, #tpu.memory_space<vmem>> -> memref<1x128x32xf32, #tpu.memory_space<vmem>>
      %dma_wait3A_852 = tpu.memref_squeeze %dma_wait3A_851 : memref<1x128x32xf32, #tpu.memory_space<vmem>> -> memref<128x32xf32, #tpu.memory_space<vmem>>
      %dma_wait3A_853 = arith.constant 0 : i32
      %dma_wait3A_854 = tpu.memref_slice %arg5[%add3A_694, %dma_wait3A_853] : memref<131072x32xf32, #tpu.memory_space<hbm>> -> memref<128x32xf32, #tpu.memory_space<hbm>>
      %dma_wait3A_855 = arith.constant 0 : i32
      %dma_wait3A_856 = tpu.memref_slice %arg5[%add3A_694, %dma_wait3A_855] : memref<131072x32xf32, #tpu.memory_space<hbm>> -> memref<128x32xf32, #tpu.memory_space<hbm>>
      %dma_wait3A_857 = arith.constant 0 : i32
      %dma_wait3A_858 = arith.constant 0 : i32
      %dma_wait3A_859 = tpu.memref_slice %arg16[%run_scoped3A_695, %dma_wait3A_857, %dma_wait3A_858] : memref<2x128x32xf32, #tpu.memory_space<vmem>> -> memref<1x128x32xf32, #tpu.memory_space<vmem>>
      %dma_wait3A_860 = tpu.memref_squeeze %dma_wait3A_859 : memref<1x128x32xf32, #tpu.memory_space<vmem>> -> memref<128x32xf32, #tpu.memory_space<vmem>>
      tpu.wait_dma2 semaphore(%run_scoped3A_836 : memref<!tpu.dma_semaphore, #tpu.memory_space<semaphore_mem>>) src(%dma_wait3A_860 : memref<128x32xf32, #tpu.memory_space<vmem>>) dst(%dma_wait3A_856 : memref<128x32xf32, #tpu.memory_space<hbm>>)
      tpu.yield
    }) : () -> ()
    %dma_start3A_696 = arith.constant 1 : i32
    %dma_start3A_697 = arith.constant 0 : i32
    %dma_start3A_698 = arith.constant 0 : i32
    %dma_start3A_699 = tpu.memref_slice %arg16[%dma_start3A_696, %dma_start3A_697, %dma_start3A_698] : memref<2x128x32xf32, #tpu.memory_space<vmem>> -> memref<1x128x32xf32, #tpu.memory_space<vmem>>
    %dma_start3A_700 = tpu.memref_squeeze %dma_start3A_699 : memref<1x128x32xf32, #tpu.memory_space<vmem>> -> memref<128x32xf32, #tpu.memory_space<vmem>>
    %dma_start3A_701 = arith.constant 1408 : i32
    %dma_start3A_702 = tpu.memref_slice %arg14[%dma_start3A_701] : memref<2048xi32, #tpu.memory_space<vmem>> -> memref<128xi32, #tpu.memory_space<vmem>>
    %dma_start3A_703 = arith.constant 0 : i32
    %dma_start3A_704 = arith.constant 0 : i32
    %dma_start3A_705 = tpu.memref_slice %arg4[%dma_start3A_703, %dma_start3A_704] : memref<16384x32xf32, #tpu.memory_space<hbm>> -> memref<16384x32xf32, #tpu.memory_space<hbm>>
    tpu.enqueue_indirect_dma source(%dma_start3A_705 : memref<16384x32xf32, #tpu.memory_space<hbm>>) target(%dma_start3A_700 : memref<128x32xf32, #tpu.memory_space<vmem>>) offsets(%dma_start3A_702 : memref<128xi32, #tpu.memory_space<vmem>>) semaphore(%arg17 : memref<!tpu.dma_semaphore, #tpu.memory_space<semaphore_mem>>)
    %dma_wait3A_706 = arith.constant 0 : i32
    %dma_wait3A_707 = arith.constant 0 : i32
    %dma_wait3A_708 = arith.constant 0 : i32
    %dma_wait3A_709 = tpu.memref_slice %arg16[%dma_wait3A_706, %dma_wait3A_707, %dma_wait3A_708] : memref<2x128x32xf32, #tpu.memory_space<vmem>> -> memref<1x128x32xf32, #tpu.memory_space<vmem>>
    %dma_wait3A_710 = tpu.memref_squeeze %dma_wait3A_709 : memref<1x128x32xf32, #tpu.memory_space<vmem>> -> memref<128x32xf32, #tpu.memory_space<vmem>>
    %dma_wait3A_711 = arith.constant 1280 : i32
    %dma_wait3A_712 = tpu.memref_slice %arg14[%dma_wait3A_711] : memref<2048xi32, #tpu.memory_space<vmem>> -> memref<128xi32, #tpu.memory_space<vmem>>
    %dma_wait3A_713 = arith.constant 0 : i32
    %dma_wait3A_714 = arith.constant 0 : i32
    %dma_wait3A_715 = tpu.memref_slice %arg4[%dma_wait3A_713, %dma_wait3A_714] : memref<16384x32xf32, #tpu.memory_space<hbm>> -> memref<16384x32xf32, #tpu.memory_space<hbm>>
    tpu.wait_indirect_dma semaphore(%arg17 : memref<!tpu.dma_semaphore, #tpu.memory_space<semaphore_mem>>) src(%dma_wait3A_715 : memref<16384x32xf32, #tpu.memory_space<hbm>>) dst(%dma_wait3A_710 : memref<128x32xf32, #tpu.memory_space<vmem>>)
    %mul3A_716 = arith.constant 32 : i32
    %mul3A_717 = arith.muli %add3A_435, %mul3A_716 : i32
    %add3A_718 = arith.constant 1280 : i32
    %add3A_719 = arith.addi %mul3A_717, %add3A_718 : i32
    %run_scoped3A_720 = arith.constant 0 : i32
    "tpu.region"() ({
      %run_scoped3A_836 = tpu.sem_alloc : memref<!tpu.dma_semaphore, #tpu.memory_space<semaphore_mem>>
      %dma_start3A_837 = arith.constant 0 : i32
      %dma_start3A_838 = arith.constant 0 : i32
      %dma_start3A_839 = tpu.memref_slice %arg16[%run_scoped3A_720, %dma_start3A_837, %dma_start3A_838] : memref<2x128x32xf32, #tpu.memory_space<vmem>> -> memref<1x128x32xf32, #tpu.memory_space<vmem>>
      %dma_start3A_840 = tpu.memref_squeeze %dma_start3A_839 : memref<1x128x32xf32, #tpu.memory_space<vmem>> -> memref<128x32xf32, #tpu.memory_space<vmem>>
      %dma_start3A_841 = arith.constant 0 : i32
      %dma_start3A_842 = tpu.memref_slice %arg5[%add3A_719, %dma_start3A_841] : memref<131072x32xf32, #tpu.memory_space<hbm>> -> memref<128x32xf32, #tpu.memory_space<hbm>>
      %dma_start3A_843 = arith.constant 0 : i32
      %dma_start3A_844 = tpu.memref_slice %arg5[%add3A_719, %dma_start3A_843] : memref<131072x32xf32, #tpu.memory_space<hbm>> -> memref<128x32xf32, #tpu.memory_space<hbm>>
      %dma_start3A_845 = arith.constant 0 : i32
      %dma_start3A_846 = arith.constant 0 : i32
      %dma_start3A_847 = tpu.memref_slice %arg16[%run_scoped3A_720, %dma_start3A_845, %dma_start3A_846] : memref<2x128x32xf32, #tpu.memory_space<vmem>> -> memref<1x128x32xf32, #tpu.memory_space<vmem>>
      %dma_start3A_848 = tpu.memref_squeeze %dma_start3A_847 : memref<1x128x32xf32, #tpu.memory_space<vmem>> -> memref<128x32xf32, #tpu.memory_space<vmem>>
      tpu.enqueue_dma source(%dma_start3A_848 : memref<128x32xf32, #tpu.memory_space<vmem>>) target(%dma_start3A_844 : memref<128x32xf32, #tpu.memory_space<hbm>>) target_semaphore(%run_scoped3A_836 : memref<!tpu.dma_semaphore, #tpu.memory_space<semaphore_mem>>)
      %dma_wait3A_849 = arith.constant 0 : i32
      %dma_wait3A_850 = arith.constant 0 : i32
      %dma_wait3A_851 = tpu.memref_slice %arg16[%run_scoped3A_720, %dma_wait3A_849, %dma_wait3A_850] : memref<2x128x32xf32, #tpu.memory_space<vmem>> -> memref<1x128x32xf32, #tpu.memory_space<vmem>>
      %dma_wait3A_852 = tpu.memref_squeeze %dma_wait3A_851 : memref<1x128x32xf32, #tpu.memory_space<vmem>> -> memref<128x32xf32, #tpu.memory_space<vmem>>
      %dma_wait3A_853 = arith.constant 0 : i32
      %dma_wait3A_854 = tpu.memref_slice %arg5[%add3A_719, %dma_wait3A_853] : memref<131072x32xf32, #tpu.memory_space<hbm>> -> memref<128x32xf32, #tpu.memory_space<hbm>>
      %dma_wait3A_855 = arith.constant 0 : i32
      %dma_wait3A_856 = tpu.memref_slice %arg5[%add3A_719, %dma_wait3A_855] : memref<131072x32xf32, #tpu.memory_space<hbm>> -> memref<128x32xf32, #tpu.memory_space<hbm>>
      %dma_wait3A_857 = arith.constant 0 : i32
      %dma_wait3A_858 = arith.constant 0 : i32
      %dma_wait3A_859 = tpu.memref_slice %arg16[%run_scoped3A_720, %dma_wait3A_857, %dma_wait3A_858] : memref<2x128x32xf32, #tpu.memory_space<vmem>> -> memref<1x128x32xf32, #tpu.memory_space<vmem>>
      %dma_wait3A_860 = tpu.memref_squeeze %dma_wait3A_859 : memref<1x128x32xf32, #tpu.memory_space<vmem>> -> memref<128x32xf32, #tpu.memory_space<vmem>>
      tpu.wait_dma2 semaphore(%run_scoped3A_836 : memref<!tpu.dma_semaphore, #tpu.memory_space<semaphore_mem>>) src(%dma_wait3A_860 : memref<128x32xf32, #tpu.memory_space<vmem>>) dst(%dma_wait3A_856 : memref<128x32xf32, #tpu.memory_space<hbm>>)
      tpu.yield
    }) : () -> ()
    %dma_start3A_721 = arith.constant 0 : i32
    %dma_start3A_722 = arith.constant 0 : i32
    %dma_start3A_723 = arith.constant 0 : i32
    %dma_start3A_724 = tpu.memref_slice %arg16[%dma_start3A_721, %dma_start3A_722, %dma_start3A_723] : memref<2x128x32xf32, #tpu.memory_space<vmem>> -> memref<1x128x32xf32, #tpu.memory_space<vmem>>
    %dma_start3A_725 = tpu.memref_squeeze %dma_start3A_724 : memref<1x128x32xf32, #tpu.memory_space<vmem>> -> memref<128x32xf32, #tpu.memory_space<vmem>>
    %dma_start3A_726 = arith.constant 1536 : i32
    %dma_start3A_727 = tpu.memref_slice %arg14[%dma_start3A_726] : memref<2048xi32, #tpu.memory_space<vmem>> -> memref<128xi32, #tpu.memory_space<vmem>>
    %dma_start3A_728 = arith.constant 0 : i32
    %dma_start3A_729 = arith.constant 0 : i32
    %dma_start3A_730 = tpu.memref_slice %arg4[%dma_start3A_728, %dma_start3A_729] : memref<16384x32xf32, #tpu.memory_space<hbm>> -> memref<16384x32xf32, #tpu.memory_space<hbm>>
    tpu.enqueue_indirect_dma source(%dma_start3A_730 : memref<16384x32xf32, #tpu.memory_space<hbm>>) target(%dma_start3A_725 : memref<128x32xf32, #tpu.memory_space<vmem>>) offsets(%dma_start3A_727 : memref<128xi32, #tpu.memory_space<vmem>>) semaphore(%arg17 : memref<!tpu.dma_semaphore, #tpu.memory_space<semaphore_mem>>)
    %dma_wait3A_731 = arith.constant 1 : i32
    %dma_wait3A_732 = arith.constant 0 : i32
    %dma_wait3A_733 = arith.constant 0 : i32
    %dma_wait3A_734 = tpu.memref_slice %arg16[%dma_wait3A_731, %dma_wait3A_732, %dma_wait3A_733] : memref<2x128x32xf32, #tpu.memory_space<vmem>> -> memref<1x128x32xf32, #tpu.memory_space<vmem>>
    %dma_wait3A_735 = tpu.memref_squeeze %dma_wait3A_734 : memref<1x128x32xf32, #tpu.memory_space<vmem>> -> memref<128x32xf32, #tpu.memory_space<vmem>>
    %dma_wait3A_736 = arith.constant 1408 : i32
    %dma_wait3A_737 = tpu.memref_slice %arg14[%dma_wait3A_736] : memref<2048xi32, #tpu.memory_space<vmem>> -> memref<128xi32, #tpu.memory_space<vmem>>
    %dma_wait3A_738 = arith.constant 0 : i32
    %dma_wait3A_739 = arith.constant 0 : i32
    %dma_wait3A_740 = tpu.memref_slice %arg4[%dma_wait3A_738, %dma_wait3A_739] : memref<16384x32xf32, #tpu.memory_space<hbm>> -> memref<16384x32xf32, #tpu.memory_space<hbm>>
    tpu.wait_indirect_dma semaphore(%arg17 : memref<!tpu.dma_semaphore, #tpu.memory_space<semaphore_mem>>) src(%dma_wait3A_740 : memref<16384x32xf32, #tpu.memory_space<hbm>>) dst(%dma_wait3A_735 : memref<128x32xf32, #tpu.memory_space<vmem>>)
    %mul3A_741 = arith.constant 32 : i32
    %mul3A_742 = arith.muli %add3A_435, %mul3A_741 : i32
    %add3A_743 = arith.constant 1408 : i32
    %add3A_744 = arith.addi %mul3A_742, %add3A_743 : i32
    %run_scoped3A_745 = arith.constant 1 : i32
    "tpu.region"() ({
      %run_scoped3A_836 = tpu.sem_alloc : memref<!tpu.dma_semaphore, #tpu.memory_space<semaphore_mem>>
      %dma_start3A_837 = arith.constant 0 : i32
      %dma_start3A_838 = arith.constant 0 : i32
      %dma_start3A_839 = tpu.memref_slice %arg16[%run_scoped3A_745, %dma_start3A_837, %dma_start3A_838] : memref<2x128x32xf32, #tpu.memory_space<vmem>> -> memref<1x128x32xf32, #tpu.memory_space<vmem>>
      %dma_start3A_840 = tpu.memref_squeeze %dma_start3A_839 : memref<1x128x32xf32, #tpu.memory_space<vmem>> -> memref<128x32xf32, #tpu.memory_space<vmem>>
      %dma_start3A_841 = arith.constant 0 : i32
      %dma_start3A_842 = tpu.memref_slice %arg5[%add3A_744, %dma_start3A_841] : memref<131072x32xf32, #tpu.memory_space<hbm>> -> memref<128x32xf32, #tpu.memory_space<hbm>>
      %dma_start3A_843 = arith.constant 0 : i32
      %dma_start3A_844 = tpu.memref_slice %arg5[%add3A_744, %dma_start3A_843] : memref<131072x32xf32, #tpu.memory_space<hbm>> -> memref<128x32xf32, #tpu.memory_space<hbm>>
      %dma_start3A_845 = arith.constant 0 : i32
      %dma_start3A_846 = arith.constant 0 : i32
      %dma_start3A_847 = tpu.memref_slice %arg16[%run_scoped3A_745, %dma_start3A_845, %dma_start3A_846] : memref<2x128x32xf32, #tpu.memory_space<vmem>> -> memref<1x128x32xf32, #tpu.memory_space<vmem>>
      %dma_start3A_848 = tpu.memref_squeeze %dma_start3A_847 : memref<1x128x32xf32, #tpu.memory_space<vmem>> -> memref<128x32xf32, #tpu.memory_space<vmem>>
      tpu.enqueue_dma source(%dma_start3A_848 : memref<128x32xf32, #tpu.memory_space<vmem>>) target(%dma_start3A_844 : memref<128x32xf32, #tpu.memory_space<hbm>>) target_semaphore(%run_scoped3A_836 : memref<!tpu.dma_semaphore, #tpu.memory_space<semaphore_mem>>)
      %dma_wait3A_849 = arith.constant 0 : i32
      %dma_wait3A_850 = arith.constant 0 : i32
      %dma_wait3A_851 = tpu.memref_slice %arg16[%run_scoped3A_745, %dma_wait3A_849, %dma_wait3A_850] : memref<2x128x32xf32, #tpu.memory_space<vmem>> -> memref<1x128x32xf32, #tpu.memory_space<vmem>>
      %dma_wait3A_852 = tpu.memref_squeeze %dma_wait3A_851 : memref<1x128x32xf32, #tpu.memory_space<vmem>> -> memref<128x32xf32, #tpu.memory_space<vmem>>
      %dma_wait3A_853 = arith.constant 0 : i32
      %dma_wait3A_854 = tpu.memref_slice %arg5[%add3A_744, %dma_wait3A_853] : memref<131072x32xf32, #tpu.memory_space<hbm>> -> memref<128x32xf32, #tpu.memory_space<hbm>>
      %dma_wait3A_855 = arith.constant 0 : i32
      %dma_wait3A_856 = tpu.memref_slice %arg5[%add3A_744, %dma_wait3A_855] : memref<131072x32xf32, #tpu.memory_space<hbm>> -> memref<128x32xf32, #tpu.memory_space<hbm>>
      %dma_wait3A_857 = arith.constant 0 : i32
      %dma_wait3A_858 = arith.constant 0 : i32
      %dma_wait3A_859 = tpu.memref_slice %arg16[%run_scoped3A_745, %dma_wait3A_857, %dma_wait3A_858] : memref<2x128x32xf32, #tpu.memory_space<vmem>> -> memref<1x128x32xf32, #tpu.memory_space<vmem>>
      %dma_wait3A_860 = tpu.memref_squeeze %dma_wait3A_859 : memref<1x128x32xf32, #tpu.memory_space<vmem>> -> memref<128x32xf32, #tpu.memory_space<vmem>>
      tpu.wait_dma2 semaphore(%run_scoped3A_836 : memref<!tpu.dma_semaphore, #tpu.memory_space<semaphore_mem>>) src(%dma_wait3A_860 : memref<128x32xf32, #tpu.memory_space<vmem>>) dst(%dma_wait3A_856 : memref<128x32xf32, #tpu.memory_space<hbm>>)
      tpu.yield
    }) : () -> ()
    %dma_start3A_746 = arith.constant 1 : i32
    %dma_start3A_747 = arith.constant 0 : i32
    %dma_start3A_748 = arith.constant 0 : i32
    %dma_start3A_749 = tpu.memref_slice %arg16[%dma_start3A_746, %dma_start3A_747, %dma_start3A_748] : memref<2x128x32xf32, #tpu.memory_space<vmem>> -> memref<1x128x32xf32, #tpu.memory_space<vmem>>
    %dma_start3A_750 = tpu.memref_squeeze %dma_start3A_749 : memref<1x128x32xf32, #tpu.memory_space<vmem>> -> memref<128x32xf32, #tpu.memory_space<vmem>>
    %dma_start3A_751 = arith.constant 1664 : i32
    %dma_start3A_752 = tpu.memref_slice %arg14[%dma_start3A_751] : memref<2048xi32, #tpu.memory_space<vmem>> -> memref<128xi32, #tpu.memory_space<vmem>>
    %dma_start3A_753 = arith.constant 0 : i32
    %dma_start3A_754 = arith.constant 0 : i32
    %dma_start3A_755 = tpu.memref_slice %arg4[%dma_start3A_753, %dma_start3A_754] : memref<16384x32xf32, #tpu.memory_space<hbm>> -> memref<16384x32xf32, #tpu.memory_space<hbm>>
    tpu.enqueue_indirect_dma source(%dma_start3A_755 : memref<16384x32xf32, #tpu.memory_space<hbm>>) target(%dma_start3A_750 : memref<128x32xf32, #tpu.memory_space<vmem>>) offsets(%dma_start3A_752 : memref<128xi32, #tpu.memory_space<vmem>>) semaphore(%arg17 : memref<!tpu.dma_semaphore, #tpu.memory_space<semaphore_mem>>)
    %dma_wait3A_756 = arith.constant 0 : i32
    %dma_wait3A_757 = arith.constant 0 : i32
    %dma_wait3A_758 = arith.constant 0 : i32
    %dma_wait3A_759 = tpu.memref_slice %arg16[%dma_wait3A_756, %dma_wait3A_757, %dma_wait3A_758] : memref<2x128x32xf32, #tpu.memory_space<vmem>> -> memref<1x128x32xf32, #tpu.memory_space<vmem>>
    %dma_wait3A_760 = tpu.memref_squeeze %dma_wait3A_759 : memref<1x128x32xf32, #tpu.memory_space<vmem>> -> memref<128x32xf32, #tpu.memory_space<vmem>>
    %dma_wait3A_761 = arith.constant 1536 : i32
    %dma_wait3A_762 = tpu.memref_slice %arg14[%dma_wait3A_761] : memref<2048xi32, #tpu.memory_space<vmem>> -> memref<128xi32, #tpu.memory_space<vmem>>
    %dma_wait3A_763 = arith.constant 0 : i32
    %dma_wait3A_764 = arith.constant 0 : i32
    %dma_wait3A_765 = tpu.memref_slice %arg4[%dma_wait3A_763, %dma_wait3A_764] : memref<16384x32xf32, #tpu.memory_space<hbm>> -> memref<16384x32xf32, #tpu.memory_space<hbm>>
    tpu.wait_indirect_dma semaphore(%arg17 : memref<!tpu.dma_semaphore, #tpu.memory_space<semaphore_mem>>) src(%dma_wait3A_765 : memref<16384x32xf32, #tpu.memory_space<hbm>>) dst(%dma_wait3A_760 : memref<128x32xf32, #tpu.memory_space<vmem>>)
    %mul3A_766 = arith.constant 32 : i32
    %mul3A_767 = arith.muli %add3A_435, %mul3A_766 : i32
    %add3A_768 = arith.constant 1536 : i32
    %add3A_769 = arith.addi %mul3A_767, %add3A_768 : i32
    %run_scoped3A_770 = arith.constant 0 : i32
    "tpu.region"() ({
      %run_scoped3A_836 = tpu.sem_alloc : memref<!tpu.dma_semaphore, #tpu.memory_space<semaphore_mem>>
      %dma_start3A_837 = arith.constant 0 : i32
      %dma_start3A_838 = arith.constant 0 : i32
      %dma_start3A_839 = tpu.memref_slice %arg16[%run_scoped3A_770, %dma_start3A_837, %dma_start3A_838] : memref<2x128x32xf32, #tpu.memory_space<vmem>> -> memref<1x128x32xf32, #tpu.memory_space<vmem>>
      %dma_start3A_840 = tpu.memref_squeeze %dma_start3A_839 : memref<1x128x32xf32, #tpu.memory_space<vmem>> -> memref<128x32xf32, #tpu.memory_space<vmem>>
      %dma_start3A_841 = arith.constant 0 : i32
      %dma_start3A_842 = tpu.memref_slice %arg5[%add3A_769, %dma_start3A_841] : memref<131072x32xf32, #tpu.memory_space<hbm>> -> memref<128x32xf32, #tpu.memory_space<hbm>>
      %dma_start3A_843 = arith.constant 0 : i32
      %dma_start3A_844 = tpu.memref_slice %arg5[%add3A_769, %dma_start3A_843] : memref<131072x32xf32, #tpu.memory_space<hbm>> -> memref<128x32xf32, #tpu.memory_space<hbm>>
      %dma_start3A_845 = arith.constant 0 : i32
      %dma_start3A_846 = arith.constant 0 : i32
      %dma_start3A_847 = tpu.memref_slice %arg16[%run_scoped3A_770, %dma_start3A_845, %dma_start3A_846] : memref<2x128x32xf32, #tpu.memory_space<vmem>> -> memref<1x128x32xf32, #tpu.memory_space<vmem>>
      %dma_start3A_848 = tpu.memref_squeeze %dma_start3A_847 : memref<1x128x32xf32, #tpu.memory_space<vmem>> -> memref<128x32xf32, #tpu.memory_space<vmem>>
      tpu.enqueue_dma source(%dma_start3A_848 : memref<128x32xf32, #tpu.memory_space<vmem>>) target(%dma_start3A_844 : memref<128x32xf32, #tpu.memory_space<hbm>>) target_semaphore(%run_scoped3A_836 : memref<!tpu.dma_semaphore, #tpu.memory_space<semaphore_mem>>)
      %dma_wait3A_849 = arith.constant 0 : i32
      %dma_wait3A_850 = arith.constant 0 : i32
      %dma_wait3A_851 = tpu.memref_slice %arg16[%run_scoped3A_770, %dma_wait3A_849, %dma_wait3A_850] : memref<2x128x32xf32, #tpu.memory_space<vmem>> -> memref<1x128x32xf32, #tpu.memory_space<vmem>>
      %dma_wait3A_852 = tpu.memref_squeeze %dma_wait3A_851 : memref<1x128x32xf32, #tpu.memory_space<vmem>> -> memref<128x32xf32, #tpu.memory_space<vmem>>
      %dma_wait3A_853 = arith.constant 0 : i32
      %dma_wait3A_854 = tpu.memref_slice %arg5[%add3A_769, %dma_wait3A_853] : memref<131072x32xf32, #tpu.memory_space<hbm>> -> memref<128x32xf32, #tpu.memory_space<hbm>>
      %dma_wait3A_855 = arith.constant 0 : i32
      %dma_wait3A_856 = tpu.memref_slice %arg5[%add3A_769, %dma_wait3A_855] : memref<131072x32xf32, #tpu.memory_space<hbm>> -> memref<128x32xf32, #tpu.memory_space<hbm>>
      %dma_wait3A_857 = arith.constant 0 : i32
      %dma_wait3A_858 = arith.constant 0 : i32
      %dma_wait3A_859 = tpu.memref_slice %arg16[%run_scoped3A_770, %dma_wait3A_857, %dma_wait3A_858] : memref<2x128x32xf32, #tpu.memory_space<vmem>> -> memref<1x128x32xf32, #tpu.memory_space<vmem>>
      %dma_wait3A_860 = tpu.memref_squeeze %dma_wait3A_859 : memref<1x128x32xf32, #tpu.memory_space<vmem>> -> memref<128x32xf32, #tpu.memory_space<vmem>>
      tpu.wait_dma2 semaphore(%run_scoped3A_836 : memref<!tpu.dma_semaphore, #tpu.memory_space<semaphore_mem>>) src(%dma_wait3A_860 : memref<128x32xf32, #tpu.memory_space<vmem>>) dst(%dma_wait3A_856 : memref<128x32xf32, #tpu.memory_space<hbm>>)
      tpu.yield
    }) : () -> ()
    %dma_start3A_771 = arith.constant 0 : i32
    %dma_start3A_772 = arith.constant 0 : i32
    %dma_start3A_773 = arith.constant 0 : i32
    %dma_start3A_774 = tpu.memref_slice %arg16[%dma_start3A_771, %dma_start3A_772, %dma_start3A_773] : memref<2x128x32xf32, #tpu.memory_space<vmem>> -> memref<1x128x32xf32, #tpu.memory_space<vmem>>
    %dma_start3A_775 = tpu.memref_squeeze %dma_start3A_774 : memref<1x128x32xf32, #tpu.memory_space<vmem>> -> memref<128x32xf32, #tpu.memory_space<vmem>>
    %dma_start3A_776 = arith.constant 1792 : i32
    %dma_start3A_777 = tpu.memref_slice %arg14[%dma_start3A_776] : memref<2048xi32, #tpu.memory_space<vmem>> -> memref<128xi32, #tpu.memory_space<vmem>>
    %dma_start3A_778 = arith.constant 0 : i32
    %dma_start3A_779 = arith.constant 0 : i32
    %dma_start3A_780 = tpu.memref_slice %arg4[%dma_start3A_778, %dma_start3A_779] : memref<16384x32xf32, #tpu.memory_space<hbm>> -> memref<16384x32xf32, #tpu.memory_space<hbm>>
    tpu.enqueue_indirect_dma source(%dma_start3A_780 : memref<16384x32xf32, #tpu.memory_space<hbm>>) target(%dma_start3A_775 : memref<128x32xf32, #tpu.memory_space<vmem>>) offsets(%dma_start3A_777 : memref<128xi32, #tpu.memory_space<vmem>>) semaphore(%arg17 : memref<!tpu.dma_semaphore, #tpu.memory_space<semaphore_mem>>)
    %dma_wait3A_781 = arith.constant 1 : i32
    %dma_wait3A_782 = arith.constant 0 : i32
    %dma_wait3A_783 = arith.constant 0 : i32
    %dma_wait3A_784 = tpu.memref_slice %arg16[%dma_wait3A_781, %dma_wait3A_782, %dma_wait3A_783] : memref<2x128x32xf32, #tpu.memory_space<vmem>> -> memref<1x128x32xf32, #tpu.memory_space<vmem>>
    %dma_wait3A_785 = tpu.memref_squeeze %dma_wait3A_784 : memref<1x128x32xf32, #tpu.memory_space<vmem>> -> memref<128x32xf32, #tpu.memory_space<vmem>>
    %dma_wait3A_786 = arith.constant 1664 : i32
    %dma_wait3A_787 = tpu.memref_slice %arg14[%dma_wait3A_786] : memref<2048xi32, #tpu.memory_space<vmem>> -> memref<128xi32, #tpu.memory_space<vmem>>
    %dma_wait3A_788 = arith.constant 0 : i32
    %dma_wait3A_789 = arith.constant 0 : i32
    %dma_wait3A_790 = tpu.memref_slice %arg4[%dma_wait3A_788, %dma_wait3A_789] : memref<16384x32xf32, #tpu.memory_space<hbm>> -> memref<16384x32xf32, #tpu.memory_space<hbm>>
    tpu.wait_indirect_dma semaphore(%arg17 : memref<!tpu.dma_semaphore, #tpu.memory_space<semaphore_mem>>) src(%dma_wait3A_790 : memref<16384x32xf32, #tpu.memory_space<hbm>>) dst(%dma_wait3A_785 : memref<128x32xf32, #tpu.memory_space<vmem>>)
    %mul3A_791 = arith.constant 32 : i32
    %mul3A_792 = arith.muli %add3A_435, %mul3A_791 : i32
    %add3A_793 = arith.constant 1664 : i32
    %add3A_794 = arith.addi %mul3A_792, %add3A_793 : i32
    %run_scoped3A_795 = arith.constant 1 : i32
    "tpu.region"() ({
      %run_scoped3A_836 = tpu.sem_alloc : memref<!tpu.dma_semaphore, #tpu.memory_space<semaphore_mem>>
      %dma_start3A_837 = arith.constant 0 : i32
      %dma_start3A_838 = arith.constant 0 : i32
      %dma_start3A_839 = tpu.memref_slice %arg16[%run_scoped3A_795, %dma_start3A_837, %dma_start3A_838] : memref<2x128x32xf32, #tpu.memory_space<vmem>> -> memref<1x128x32xf32, #tpu.memory_space<vmem>>
      %dma_start3A_840 = tpu.memref_squeeze %dma_start3A_839 : memref<1x128x32xf32, #tpu.memory_space<vmem>> -> memref<128x32xf32, #tpu.memory_space<vmem>>
      %dma_start3A_841 = arith.constant 0 : i32
      %dma_start3A_842 = tpu.memref_slice %arg5[%add3A_794, %dma_start3A_841] : memref<131072x32xf32, #tpu.memory_space<hbm>> -> memref<128x32xf32, #tpu.memory_space<hbm>>
      %dma_start3A_843 = arith.constant 0 : i32
      %dma_start3A_844 = tpu.memref_slice %arg5[%add3A_794, %dma_start3A_843] : memref<131072x32xf32, #tpu.memory_space<hbm>> -> memref<128x32xf32, #tpu.memory_space<hbm>>
      %dma_start3A_845 = arith.constant 0 : i32
      %dma_start3A_846 = arith.constant 0 : i32
      %dma_start3A_847 = tpu.memref_slice %arg16[%run_scoped3A_795, %dma_start3A_845, %dma_start3A_846] : memref<2x128x32xf32, #tpu.memory_space<vmem>> -> memref<1x128x32xf32, #tpu.memory_space<vmem>>
      %dma_start3A_848 = tpu.memref_squeeze %dma_start3A_847 : memref<1x128x32xf32, #tpu.memory_space<vmem>> -> memref<128x32xf32, #tpu.memory_space<vmem>>
      tpu.enqueue_dma source(%dma_start3A_848 : memref<128x32xf32, #tpu.memory_space<vmem>>) target(%dma_start3A_844 : memref<128x32xf32, #tpu.memory_space<hbm>>) target_semaphore(%run_scoped3A_836 : memref<!tpu.dma_semaphore, #tpu.memory_space<semaphore_mem>>)
      %dma_wait3A_849 = arith.constant 0 : i32
      %dma_wait3A_850 = arith.constant 0 : i32
      %dma_wait3A_851 = tpu.memref_slice %arg16[%run_scoped3A_795, %dma_wait3A_849, %dma_wait3A_850] : memref<2x128x32xf32, #tpu.memory_space<vmem>> -> memref<1x128x32xf32, #tpu.memory_space<vmem>>
      %dma_wait3A_852 = tpu.memref_squeeze %dma_wait3A_851 : memref<1x128x32xf32, #tpu.memory_space<vmem>> -> memref<128x32xf32, #tpu.memory_space<vmem>>
      %dma_wait3A_853 = arith.constant 0 : i32
      %dma_wait3A_854 = tpu.memref_slice %arg5[%add3A_794, %dma_wait3A_853] : memref<131072x32xf32, #tpu.memory_space<hbm>> -> memref<128x32xf32, #tpu.memory_space<hbm>>
      %dma_wait3A_855 = arith.constant 0 : i32
      %dma_wait3A_856 = tpu.memref_slice %arg5[%add3A_794, %dma_wait3A_855] : memref<131072x32xf32, #tpu.memory_space<hbm>> -> memref<128x32xf32, #tpu.memory_space<hbm>>
      %dma_wait3A_857 = arith.constant 0 : i32
      %dma_wait3A_858 = arith.constant 0 : i32
      %dma_wait3A_859 = tpu.memref_slice %arg16[%run_scoped3A_795, %dma_wait3A_857, %dma_wait3A_858] : memref<2x128x32xf32, #tpu.memory_space<vmem>> -> memref<1x128x32xf32, #tpu.memory_space<vmem>>
      %dma_wait3A_860 = tpu.memref_squeeze %dma_wait3A_859 : memref<1x128x32xf32, #tpu.memory_space<vmem>> -> memref<128x32xf32, #tpu.memory_space<vmem>>
      tpu.wait_dma2 semaphore(%run_scoped3A_836 : memref<!tpu.dma_semaphore, #tpu.memory_space<semaphore_mem>>) src(%dma_wait3A_860 : memref<128x32xf32, #tpu.memory_space<vmem>>) dst(%dma_wait3A_856 : memref<128x32xf32, #tpu.memory_space<hbm>>)
      tpu.yield
    }) : () -> ()
    %dma_start3A_796 = arith.constant 1 : i32
    %dma_start3A_797 = arith.constant 0 : i32
    %dma_start3A_798 = arith.constant 0 : i32
    %dma_start3A_799 = tpu.memref_slice %arg16[%dma_start3A_796, %dma_start3A_797, %dma_start3A_798] : memref<2x128x32xf32, #tpu.memory_space<vmem>> -> memref<1x128x32xf32, #tpu.memory_space<vmem>>
    %dma_start3A_800 = tpu.memref_squeeze %dma_start3A_799 : memref<1x128x32xf32, #tpu.memory_space<vmem>> -> memref<128x32xf32, #tpu.memory_space<vmem>>
    %dma_start3A_801 = arith.constant 1920 : i32
    %dma_start3A_802 = tpu.memref_slice %arg14[%dma_start3A_801] : memref<2048xi32, #tpu.memory_space<vmem>> -> memref<128xi32, #tpu.memory_space<vmem>>
    %dma_start3A_803 = arith.constant 0 : i32
    %dma_start3A_804 = arith.constant 0 : i32
    %dma_start3A_805 = tpu.memref_slice %arg4[%dma_start3A_803, %dma_start3A_804] : memref<16384x32xf32, #tpu.memory_space<hbm>> -> memref<16384x32xf32, #tpu.memory_space<hbm>>
    tpu.enqueue_indirect_dma source(%dma_start3A_805 : memref<16384x32xf32, #tpu.memory_space<hbm>>) target(%dma_start3A_800 : memref<128x32xf32, #tpu.memory_space<vmem>>) offsets(%dma_start3A_802 : memref<128xi32, #tpu.memory_space<vmem>>) semaphore(%arg17 : memref<!tpu.dma_semaphore, #tpu.memory_space<semaphore_mem>>)
    %dma_wait3A_806 = arith.constant 0 : i32
    %dma_wait3A_807 = arith.constant 0 : i32
    %dma_wait3A_808 = arith.constant 0 : i32
    %dma_wait3A_809 = tpu.memref_slice %arg16[%dma_wait3A_806, %dma_wait3A_807, %dma_wait3A_808] : memref<2x128x32xf32, #tpu.memory_space<vmem>> -> memref<1x128x32xf32, #tpu.memory_space<vmem>>
    %dma_wait3A_810 = tpu.memref_squeeze %dma_wait3A_809 : memref<1x128x32xf32, #tpu.memory_space<vmem>> -> memref<128x32xf32, #tpu.memory_space<vmem>>
    %dma_wait3A_811 = arith.constant 1792 : i32
    %dma_wait3A_812 = tpu.memref_slice %arg14[%dma_wait3A_811] : memref<2048xi32, #tpu.memory_space<vmem>> -> memref<128xi32, #tpu.memory_space<vmem>>
    %dma_wait3A_813 = arith.constant 0 : i32
    %dma_wait3A_814 = arith.constant 0 : i32
    %dma_wait3A_815 = tpu.memref_slice %arg4[%dma_wait3A_813, %dma_wait3A_814] : memref<16384x32xf32, #tpu.memory_space<hbm>> -> memref<16384x32xf32, #tpu.memory_space<hbm>>
    tpu.wait_indirect_dma semaphore(%arg17 : memref<!tpu.dma_semaphore, #tpu.memory_space<semaphore_mem>>) src(%dma_wait3A_815 : memref<16384x32xf32, #tpu.memory_space<hbm>>) dst(%dma_wait3A_810 : memref<128x32xf32, #tpu.memory_space<vmem>>)
    %mul3A_816 = arith.constant 32 : i32
    %mul3A_817 = arith.muli %add3A_435, %mul3A_816 : i32
    %add3A_818 = arith.constant 1792 : i32
    %add3A_819 = arith.addi %mul3A_817, %add3A_818 : i32
    %run_scoped3A_820 = arith.constant 0 : i32
    "tpu.region"() ({
      %run_scoped3A_836 = tpu.sem_alloc : memref<!tpu.dma_semaphore, #tpu.memory_space<semaphore_mem>>
      %dma_start3A_837 = arith.constant 0 : i32
      %dma_start3A_838 = arith.constant 0 : i32
      %dma_start3A_839 = tpu.memref_slice %arg16[%run_scoped3A_820, %dma_start3A_837, %dma_start3A_838] : memref<2x128x32xf32, #tpu.memory_space<vmem>> -> memref<1x128x32xf32, #tpu.memory_space<vmem>>
      %dma_start3A_840 = tpu.memref_squeeze %dma_start3A_839 : memref<1x128x32xf32, #tpu.memory_space<vmem>> -> memref<128x32xf32, #tpu.memory_space<vmem>>
      %dma_start3A_841 = arith.constant 0 : i32
      %dma_start3A_842 = tpu.memref_slice %arg5[%add3A_819, %dma_start3A_841] : memref<131072x32xf32, #tpu.memory_space<hbm>> -> memref<128x32xf32, #tpu.memory_space<hbm>>
      %dma_start3A_843 = arith.constant 0 : i32
      %dma_start3A_844 = tpu.memref_slice %arg5[%add3A_819, %dma_start3A_843] : memref<131072x32xf32, #tpu.memory_space<hbm>> -> memref<128x32xf32, #tpu.memory_space<hbm>>
      %dma_start3A_845 = arith.constant 0 : i32
      %dma_start3A_846 = arith.constant 0 : i32
      %dma_start3A_847 = tpu.memref_slice %arg16[%run_scoped3A_820, %dma_start3A_845, %dma_start3A_846] : memref<2x128x32xf32, #tpu.memory_space<vmem>> -> memref<1x128x32xf32, #tpu.memory_space<vmem>>
      %dma_start3A_848 = tpu.memref_squeeze %dma_start3A_847 : memref<1x128x32xf32, #tpu.memory_space<vmem>> -> memref<128x32xf32, #tpu.memory_space<vmem>>
      tpu.enqueue_dma source(%dma_start3A_848 : memref<128x32xf32, #tpu.memory_space<vmem>>) target(%dma_start3A_844 : memref<128x32xf32, #tpu.memory_space<hbm>>) target_semaphore(%run_scoped3A_836 : memref<!tpu.dma_semaphore, #tpu.memory_space<semaphore_mem>>)
      %dma_wait3A_849 = arith.constant 0 : i32
      %dma_wait3A_850 = arith.constant 0 : i32
      %dma_wait3A_851 = tpu.memref_slice %arg16[%run_scoped3A_820, %dma_wait3A_849, %dma_wait3A_850] : memref<2x128x32xf32, #tpu.memory_space<vmem>> -> memref<1x128x32xf32, #tpu.memory_space<vmem>>
      %dma_wait3A_852 = tpu.memref_squeeze %dma_wait3A_851 : memref<1x128x32xf32, #tpu.memory_space<vmem>> -> memref<128x32xf32, #tpu.memory_space<vmem>>
      %dma_wait3A_853 = arith.constant 0 : i32
      %dma_wait3A_854 = tpu.memref_slice %arg5[%add3A_819, %dma_wait3A_853] : memref<131072x32xf32, #tpu.memory_space<hbm>> -> memref<128x32xf32, #tpu.memory_space<hbm>>
      %dma_wait3A_855 = arith.constant 0 : i32
      %dma_wait3A_856 = tpu.memref_slice %arg5[%add3A_819, %dma_wait3A_855] : memref<131072x32xf32, #tpu.memory_space<hbm>> -> memref<128x32xf32, #tpu.memory_space<hbm>>
      %dma_wait3A_857 = arith.constant 0 : i32
      %dma_wait3A_858 = arith.constant 0 : i32
      %dma_wait3A_859 = tpu.memref_slice %arg16[%run_scoped3A_820, %dma_wait3A_857, %dma_wait3A_858] : memref<2x128x32xf32, #tpu.memory_space<vmem>> -> memref<1x128x32xf32, #tpu.memory_space<vmem>>
      %dma_wait3A_860 = tpu.memref_squeeze %dma_wait3A_859 : memref<1x128x32xf32, #tpu.memory_space<vmem>> -> memref<128x32xf32, #tpu.memory_space<vmem>>
      tpu.wait_dma2 semaphore(%run_scoped3A_836 : memref<!tpu.dma_semaphore, #tpu.memory_space<semaphore_mem>>) src(%dma_wait3A_860 : memref<128x32xf32, #tpu.memory_space<vmem>>) dst(%dma_wait3A_856 : memref<128x32xf32, #tpu.memory_space<hbm>>)
      tpu.yield
    }) : () -> ()
    %dma_wait3A_821 = arith.constant 1 : i32
    %dma_wait3A_822 = arith.constant 0 : i32
    %dma_wait3A_823 = arith.constant 0 : i32
    %dma_wait3A_824 = tpu.memref_slice %arg16[%dma_wait3A_821, %dma_wait3A_822, %dma_wait3A_823] : memref<2x128x32xf32, #tpu.memory_space<vmem>> -> memref<1x128x32xf32, #tpu.memory_space<vmem>>
    %dma_wait3A_825 = tpu.memref_squeeze %dma_wait3A_824 : memref<1x128x32xf32, #tpu.memory_space<vmem>> -> memref<128x32xf32, #tpu.memory_space<vmem>>
    %dma_wait3A_826 = arith.constant 1920 : i32
    %dma_wait3A_827 = tpu.memref_slice %arg14[%dma_wait3A_826] : memref<2048xi32, #tpu.memory_space<vmem>> -> memref<128xi32, #tpu.memory_space<vmem>>
    %dma_wait3A_828 = arith.constant 0 : i32
    %dma_wait3A_829 = arith.constant 0 : i32
    %dma_wait3A_830 = tpu.memref_slice %arg4[%dma_wait3A_828, %dma_wait3A_829] : memref<16384x32xf32, #tpu.memory_space<hbm>> -> memref<16384x32xf32, #tpu.memory_space<hbm>>
    tpu.wait_indirect_dma semaphore(%arg17 : memref<!tpu.dma_semaphore, #tpu.memory_space<semaphore_mem>>) src(%dma_wait3A_830 : memref<16384x32xf32, #tpu.memory_space<hbm>>) dst(%dma_wait3A_825 : memref<128x32xf32, #tpu.memory_space<vmem>>)
    %mul3A_831 = arith.constant 32 : i32
    %mul3A_832 = arith.muli %add3A_435, %mul3A_831 : i32
    %add3A_833 = arith.constant 1920 : i32
    %add3A_834 = arith.addi %mul3A_832, %add3A_833 : i32
    %run_scoped3A_835 = arith.constant 1 : i32
    "tpu.region"() ({
      %run_scoped3A_836 = tpu.sem_alloc : memref<!tpu.dma_semaphore, #tpu.memory_space<semaphore_mem>>
      %dma_start3A_837 = arith.constant 0 : i32
      %dma_start3A_838 = arith.constant 0 : i32
      %dma_start3A_839 = tpu.memref_slice %arg16[%run_scoped3A_835, %dma_start3A_837, %dma_start3A_838] : memref<2x128x32xf32, #tpu.memory_space<vmem>> -> memref<1x128x32xf32, #tpu.memory_space<vmem>>
      %dma_start3A_840 = tpu.memref_squeeze %dma_start3A_839 : memref<1x128x32xf32, #tpu.memory_space<vmem>> -> memref<128x32xf32, #tpu.memory_space<vmem>>
      %dma_start3A_841 = arith.constant 0 : i32
      %dma_start3A_842 = tpu.memref_slice %arg5[%add3A_834, %dma_start3A_841] : memref<131072x32xf32, #tpu.memory_space<hbm>> -> memref<128x32xf32, #tpu.memory_space<hbm>>
      %dma_start3A_843 = arith.constant 0 : i32
      %dma_start3A_844 = tpu.memref_slice %arg5[%add3A_834, %dma_start3A_843] : memref<131072x32xf32, #tpu.memory_space<hbm>> -> memref<128x32xf32, #tpu.memory_space<hbm>>
      %dma_start3A_845 = arith.constant 0 : i32
      %dma_start3A_846 = arith.constant 0 : i32
      %dma_start3A_847 = tpu.memref_slice %arg16[%run_scoped3A_835, %dma_start3A_845, %dma_start3A_846] : memref<2x128x32xf32, #tpu.memory_space<vmem>> -> memref<1x128x32xf32, #tpu.memory_space<vmem>>
      %dma_start3A_848 = tpu.memref_squeeze %dma_start3A_847 : memref<1x128x32xf32, #tpu.memory_space<vmem>> -> memref<128x32xf32, #tpu.memory_space<vmem>>
      tpu.enqueue_dma source(%dma_start3A_848 : memref<128x32xf32, #tpu.memory_space<vmem>>) target(%dma_start3A_844 : memref<128x32xf32, #tpu.memory_space<hbm>>) target_semaphore(%run_scoped3A_836 : memref<!tpu.dma_semaphore, #tpu.memory_space<semaphore_mem>>)
      %dma_wait3A_849 = arith.constant 0 : i32
      %dma_wait3A_850 = arith.constant 0 : i32
      %dma_wait3A_851 = tpu.memref_slice %arg16[%run_scoped3A_835, %dma_wait3A_849, %dma_wait3A_850] : memref<2x128x32xf32, #tpu.memory_space<vmem>> -> memref<1x128x32xf32, #tpu.memory_space<vmem>>
      %dma_wait3A_852 = tpu.memref_squeeze %dma_wait3A_851 : memref<1x128x32xf32, #tpu.memory_space<vmem>> -> memref<128x32xf32, #tpu.memory_space<vmem>>
      %dma_wait3A_853 = arith.constant 0 : i32
      %dma_wait3A_854 = tpu.memref_slice %arg5[%add3A_834, %dma_wait3A_853] : memref<131072x32xf32, #tpu.memory_space<hbm>> -> memref<128x32xf32, #tpu.memory_space<hbm>>
      %dma_wait3A_855 = arith.constant 0 : i32
      %dma_wait3A_856 = tpu.memref_slice %arg5[%add3A_834, %dma_wait3A_855] : memref<131072x32xf32, #tpu.memory_space<hbm>> -> memref<128x32xf32, #tpu.memory_space<hbm>>
      %dma_wait3A_857 = arith.constant 0 : i32
      %dma_wait3A_858 = arith.constant 0 : i32
      %dma_wait3A_859 = tpu.memref_slice %arg16[%run_scoped3A_835, %dma_wait3A_857, %dma_wait3A_858] : memref<2x128x32xf32, #tpu.memory_space<vmem>> -> memref<1x128x32xf32, #tpu.memory_space<vmem>>
      %dma_wait3A_860 = tpu.memref_squeeze %dma_wait3A_859 : memref<1x128x32xf32, #tpu.memory_space<vmem>> -> memref<128x32xf32, #tpu.memory_space<vmem>>
      tpu.wait_dma2 semaphore(%run_scoped3A_836 : memref<!tpu.dma_semaphore, #tpu.memory_space<semaphore_mem>>) src(%dma_wait3A_860 : memref<128x32xf32, #tpu.memory_space<vmem>>) dst(%dma_wait3A_856 : memref<128x32xf32, #tpu.memory_space<hbm>>)
      tpu.yield
    }) : () -> ()
    return
  }
}

module attributes {stable_mosaic.version = 14 : i64} {
  func.func @body(%arg0: i32, %arg1: memref<4096x256xf32, #tpu.memory_space<vmem>>, %arg2: memref<1024x256xf32, #tpu.memory_space<vmem>>, %arg3: memref<256x256xf32, #tpu.memory_space<vmem>>, %arg4: memref<1x256xf32, #tpu.memory_space<vmem>>) attributes {dimension_semantics = [#tpu.dimension_semantics<arbitrary>], iteration_bounds = array<i64: 4>, scalar_prefetch = 0 : i64, scratch_operands = 0 : i64, tpu.core_type = #tpu.core_type<tc>, window_params = [{transform_indices = @transform_0, window_bounds = array<i64: 4096, 256>}, {transform_indices = @transform_1, window_bounds = array<i64: 1024, 256>}, {pipeline_mode = #tpu.pipeline_mode<synchronous>, transform_indices = @transform_2, window_bounds = array<i64: 256, 256>}, {pipeline_mode = #tpu.pipeline_mode<synchronous>, transform_indices = @transform_3, window_bounds = array<i64: 1, 256>}]} {
    %get3A = arith.constant 0 : index
    %get3A_0 = arith.constant 0 : index
    %get3A_1 = vector.load %arg1[%get3A, %get3A_0] : memref<4096x256xf32, #tpu.memory_space<vmem>>, vector<4096x256xf32>
    %get3A_2 = arith.constant 0 : index
    %get3A_3 = arith.constant 0 : index
    %get3A_4 = vector.load %arg2[%get3A_2, %get3A_3] : memref<1024x256xf32, #tpu.memory_space<vmem>>, vector<1024x256xf32>
    %broadcast_in_dim3A = vector.shape_cast %get3A_4 : vector<1024x256xf32> to vector<1024x1x256xf32>
    %broadcast_in_dim3A_5 = vector.shape_cast %broadcast_in_dim3A : vector<1024x1x256xf32> to vector<1024x1x256xf32>
    %broadcast_in_dim3A_6 = vector.broadcast %broadcast_in_dim3A_5 : vector<1024x1x256xf32> to vector<1024x4x256xf32>
    %reshape3A = vector.shape_cast %broadcast_in_dim3A_6 : vector<1024x4x256xf32> to vector<4096x256xf32>
    %sub3A = arith.subf %get3A_1, %reshape3A : vector<4096x256xf32>
    %eq3A = arith.constant 0 : i32
    %eq3A_7 = arith.cmpi eq, %arg0, %eq3A : i32
    %convert_element_type3A = arith.extui %eq3A_7 : i1 to i32
    %cond3A = arith.constant 0 : i32
    %cond3A_8 = arith.cmpi ne, %convert_element_type3A, %cond3A : i32
    scf.if %cond3A_8 {
      %broadcast_in_dim3A_24 = arith.constant 0.000000e+00 : f32
      %broadcast_in_dim3A_25 = vector.broadcast %broadcast_in_dim3A_24 : f32 to vector<256x256xf32>
      %swap3A_26 = arith.constant 0 : index
      %swap3A_27 = arith.constant 0 : index
      %swap3A_28 = vector.load %arg3[%swap3A_26, %swap3A_27] : memref<256x256xf32, #tpu.memory_space<vmem>>, vector<256x256xf32>
      tpu.vector_store %arg3[%swap3A_26, %swap3A_27], %broadcast_in_dim3A_25 {strides = array<i32>} : memref<256x256xf32, #tpu.memory_space<vmem>>, vector<256x256xf32>,
      %broadcast_in_dim3A_29 = arith.constant 0.000000e+00 : f32
      %broadcast_in_dim3A_30 = vector.broadcast %broadcast_in_dim3A_29 : f32 to vector<1x256xf32>
      %swap3A_31 = arith.constant 0 : index
      %swap3A_32 = arith.constant 0 : index
      %swap3A_33 = vector.load %arg4[%swap3A_31, %swap3A_32] : memref<1x256xf32, #tpu.memory_space<vmem>>, vector<1x256xf32>
      tpu.vector_store %arg4[%swap3A_31, %swap3A_32], %broadcast_in_dim3A_30 {strides = array<i32>} : memref<1x256xf32, #tpu.memory_space<vmem>>, vector<1x256xf32>,
    } else {
    }
    %get3A_9 = arith.constant 0 : index
    %get3A_10 = arith.constant 0 : index
    %get3A_11 = vector.load %arg3[%get3A_9, %get3A_10] : memref<256x256xf32, #tpu.memory_space<vmem>>, vector<256x256xf32>
    %dot_general3A = arith.constant dense<0.000000e+00> : vector<256x256xf32>
    %dot_general3A_12 = tpu.matmul %sub3A, %sub3A, %dot_general3A {dimension_numbers = #tpu.dot_dimension_numbers<[0], [0], [1], [1], [0, 1, 1, 1], [], []>, transpose_lhs_hint = false} : vector<4096x256xf32>, vector<4096x256xf32>, vector<256x256xf32> -> vector<256x256xf32>
    %add3A = arith.addf %get3A_11, %dot_general3A_12 : vector<256x256xf32>
    %swap3A = arith.constant 0 : index
    %swap3A_13 = arith.constant 0 : index
    %swap3A_14 = vector.load %arg3[%swap3A, %swap3A_13] : memref<256x256xf32, #tpu.memory_space<vmem>>, vector<256x256xf32>
    tpu.vector_store %arg3[%swap3A, %swap3A_13], %add3A {strides = array<i32>} : memref<256x256xf32, #tpu.memory_space<vmem>>, vector<256x256xf32>,
    %get3A_15 = arith.constant 0 : index
    %get3A_16 = arith.constant 0 : index
    %get3A_17 = vector.load %arg4[%get3A_15, %get3A_16] : memref<1x256xf32, #tpu.memory_space<vmem>>, vector<1x256xf32>
    %reduce_sum3A = arith.constant dense<0.000000e+00> : vector<256xf32>
    %reduce_sum3A_18 = vector.multi_reduction <add>, %sub3A, %reduce_sum3A [0] : vector<4096x256xf32> to vector<256xf32>
    %broadcast_in_dim3A_19 = vector.shape_cast %reduce_sum3A_18 : vector<256xf32> to vector<1x256xf32>
    %add3A_20 = arith.addf %get3A_17, %broadcast_in_dim3A_19 : vector<1x256xf32>
    %swap3A_21 = arith.constant 0 : index
    %swap3A_22 = arith.constant 0 : index
    %swap3A_23 = vector.load %arg4[%swap3A_21, %swap3A_22] : memref<1x256xf32, #tpu.memory_space<vmem>>, vector<1x256xf32>
    tpu.vector_store %arg4[%swap3A_21, %swap3A_22], %add3A_20 {strides = array<i32>} : memref<1x256xf32, #tpu.memory_space<vmem>>, vector<1x256xf32>,
    return
  }
  func.func @transform_0(%arg0: i32) -> (i32, i32) {
    %c0_i32 = arith.constant 0 : i32
    %c0_i32_0 = arith.constant 0 : i32
    return %arg0, %c0_i32 : i32, i32
  }
  func.func @transform_1(%arg0: i32) -> (i32, i32) {
    %c0_i32 = arith.constant 0 : i32
    %c0_i32_0 = arith.constant 0 : i32
    return %arg0, %c0_i32 : i32, i32
  }
  func.func @transform_2(%arg0: i32) -> (i32, i32) {
    %c0_i32 = arith.constant 0 : i32
    %c0_i32_0 = arith.constant 0 : i32
    %c0_i32_1 = arith.constant 0 : i32
    return %c0_i32, %c0_i32_0 : i32, i32
  }
  func.func @transform_3(%arg0: i32) -> (i32, i32) {
    %c0_i32 = arith.constant 0 : i32
    %c0_i32_0 = arith.constant 0 : i32
    %c0_i32_1 = arith.constant 0 : i32
    return %c0_i32, %c0_i32_0 : i32, i32
  }
}

module attributes {stable_mosaic.version = 14 : i64} {
  func.func @body(%arg0: i32, %arg1: memref<4096x256xf32, #tpu.memory_space<vmem>>, %arg2: memref<1024x256xf32, #tpu.memory_space<vmem>>, %arg3: memref<256x256xf32, #tpu.memory_space<vmem>>, %arg4: memref<32x32xf32, #tpu.memory_space<vmem>>, %arg5: memref<1x32xf32, #tpu.memory_space<vmem>>, %arg6: memref<1x32xf32, #tpu.memory_space<vmem>>, %arg7: memref<256x256xf32, #tpu.memory_space<vmem>>, %arg8: memref<1x256xf32, #tpu.memory_space<vmem>>, %arg9: memref<256x256xf32, #tpu.memory_space<vmem>>, %arg10: memref<1x256xf32, #tpu.memory_space<vmem>>, %arg11: memref<2x256xf32, #tpu.memory_space<vmem>>) attributes {dimension_semantics = [#tpu.dimension_semantics<arbitrary>], iteration_bounds = array<i64: 4>, scalar_prefetch = 0 : i64, scratch_operands = 1 : i64, tpu.core_type = #tpu.core_type<tc>, window_params = [{transform_indices = @transform_0, window_bounds = array<i64: 4096, 256>}, {transform_indices = @transform_1, window_bounds = array<i64: 1024, 256>}, {pipeline_mode = #tpu.pipeline_mode<synchronous>, transform_indices = @transform_2, window_bounds = array<i64: 256, 256>}, {pipeline_mode = #tpu.pipeline_mode<synchronous>, transform_indices = @transform_3, window_bounds = array<i64: 32, 32>}, {pipeline_mode = #tpu.pipeline_mode<synchronous>, transform_indices = @transform_4, window_bounds = array<i64: 1, 32>}, {pipeline_mode = #tpu.pipeline_mode<synchronous>, transform_indices = @transform_5, window_bounds = array<i64: 1, 32>}, {pipeline_mode = #tpu.pipeline_mode<synchronous>, transform_indices = @transform_6, window_bounds = array<i64: 256, 256>}, {pipeline_mode = #tpu.pipeline_mode<synchronous>, transform_indices = @transform_7, window_bounds = array<i64: 1, 256>}, {pipeline_mode = #tpu.pipeline_mode<synchronous>, transform_indices = @transform_8, window_bounds = array<i64: 256, 256>}, {pipeline_mode = #tpu.pipeline_mode<synchronous>, transform_indices = @transform_9, window_bounds = array<i64: 1, 256>}]} {
    %eq3A = arith.constant 0 : i32
    %eq3A_0 = arith.cmpi eq, %arg0, %eq3A : i32
    %convert_element_type3A = arith.extui %eq3A_0 : i1 to i32
    %cond3A = arith.constant 0 : i32
    %cond3A_1 = arith.cmpi ne, %convert_element_type3A, %cond3A : i32
    scf.if %cond3A_1 {
      %get3A_45 = arith.constant 0 : index
      %get3A_46 = arith.constant 0 : index
      %get3A_47 = vector.load %arg7[%get3A_45, %get3A_46] : memref<256x256xf32, #tpu.memory_space<vmem>>, vector<256x256xf32>
      %get3A_48 = arith.constant 0 : index
      %get3A_49 = arith.constant 0 : index
      %get3A_50 = vector.load %arg8[%get3A_48, %get3A_49] : memref<1x256xf32, #tpu.memory_space<vmem>>, vector<1x256xf32>
      %broadcast_in_dim3A_51 = arith.constant 0.000000e+00 : f32
      %broadcast_in_dim3A_52 = vector.broadcast %broadcast_in_dim3A_51 : f32 to vector<32x32xf32>
      %broadcast_in_dim3A_53 = arith.constant 0.000000e+00 : f32
      %broadcast_in_dim3A_54 = vector.broadcast %broadcast_in_dim3A_53 : f32 to vector<1x32xf32>
      %slice3A = vector.extract_strided_slice %get3A_47 {offsets = [0, 0], sizes = [32, 32], strides = [1, 1]} : vector<256x256xf32> to vector<32x32xf32>
      %add3A_55 = arith.addf %broadcast_in_dim3A_52, %slice3A : vector<32x32xf32>
      %slice3A_56 = vector.extract_strided_slice %get3A_50 {offsets = [0, 0], sizes = [1, 32], strides = [1, 1]} : vector<1x256xf32> to vector<1x32xf32>
      %add3A_57 = arith.addf %broadcast_in_dim3A_54, %slice3A_56 : vector<1x32xf32>
      %slice3A_58 = vector.extract_strided_slice %get3A_47 {offsets = [32, 32], sizes = [32, 32], strides = [1, 1]} : vector<256x256xf32> to vector<32x32xf32>
      %add3A_59 = arith.addf %add3A_55, %slice3A_58 : vector<32x32xf32>
      %slice3A_60 = vector.extract_strided_slice %get3A_50 {offsets = [0, 32], sizes = [1, 32], strides = [1, 1]} : vector<1x256xf32> to vector<1x32xf32>
      %add3A_61 = arith.addf %add3A_57, %slice3A_60 : vector<1x32xf32>
      %slice3A_62 = vector.extract_strided_slice %get3A_47 {offsets = [64, 64], sizes = [32, 32], strides = [1, 1]} : vector<256x256xf32> to vector<32x32xf32>
      %add3A_63 = arith.addf %add3A_59, %slice3A_62 : vector<32x32xf32>
      %slice3A_64 = vector.extract_strided_slice %get3A_50 {offsets = [0, 64], sizes = [1, 32], strides = [1, 1]} : vector<1x256xf32> to vector<1x32xf32>
      %add3A_65 = arith.addf %add3A_61, %slice3A_64 : vector<1x32xf32>
      %slice3A_66 = vector.extract_strided_slice %get3A_47 {offsets = [96, 96], sizes = [32, 32], strides = [1, 1]} : vector<256x256xf32> to vector<32x32xf32>
      %add3A_67 = arith.addf %add3A_63, %slice3A_66 : vector<32x32xf32>
      %slice3A_68 = vector.extract_strided_slice %get3A_50 {offsets = [0, 96], sizes = [1, 32], strides = [1, 1]} : vector<1x256xf32> to vector<1x32xf32>
      %add3A_69 = arith.addf %add3A_65, %slice3A_68 : vector<1x32xf32>
      %slice3A_70 = vector.extract_strided_slice %get3A_47 {offsets = [128, 128], sizes = [32, 32], strides = [1, 1]} : vector<256x256xf32> to vector<32x32xf32>
      %add3A_71 = arith.addf %add3A_67, %slice3A_70 : vector<32x32xf32>
      %slice3A_72 = vector.extract_strided_slice %get3A_50 {offsets = [0, 128], sizes = [1, 32], strides = [1, 1]} : vector<1x256xf32> to vector<1x32xf32>
      %add3A_73 = arith.addf %add3A_69, %slice3A_72 : vector<1x32xf32>
      %slice3A_74 = vector.extract_strided_slice %get3A_47 {offsets = [160, 160], sizes = [32, 32], strides = [1, 1]} : vector<256x256xf32> to vector<32x32xf32>
      %add3A_75 = arith.addf %add3A_71, %slice3A_74 : vector<32x32xf32>
      %slice3A_76 = vector.extract_strided_slice %get3A_50 {offsets = [0, 160], sizes = [1, 32], strides = [1, 1]} : vector<1x256xf32> to vector<1x32xf32>
      %add3A_77 = arith.addf %add3A_73, %slice3A_76 : vector<1x32xf32>
      %slice3A_78 = vector.extract_strided_slice %get3A_47 {offsets = [192, 192], sizes = [32, 32], strides = [1, 1]} : vector<256x256xf32> to vector<32x32xf32>
      %add3A_79 = arith.addf %add3A_75, %slice3A_78 : vector<32x32xf32>
      %slice3A_80 = vector.extract_strided_slice %get3A_50 {offsets = [0, 192], sizes = [1, 32], strides = [1, 1]} : vector<1x256xf32> to vector<1x32xf32>
      %add3A_81 = arith.addf %add3A_77, %slice3A_80 : vector<1x32xf32>
      %slice3A_82 = vector.extract_strided_slice %get3A_47 {offsets = [224, 224], sizes = [32, 32], strides = [1, 1]} : vector<256x256xf32> to vector<32x32xf32>
      %add3A_83 = arith.addf %add3A_79, %slice3A_82 : vector<32x32xf32>
      %slice3A_84 = vector.extract_strided_slice %get3A_50 {offsets = [0, 224], sizes = [1, 32], strides = [1, 1]} : vector<1x256xf32> to vector<1x32xf32>
      %add3A_85 = arith.addf %add3A_81, %slice3A_84 : vector<1x32xf32>
      %get3A_86 = arith.constant 0 : index
      %get3A_87 = arith.constant 0 : index
      %get3A_88 = vector.load %arg4[%get3A_86, %get3A_87] : memref<32x32xf32, #tpu.memory_space<vmem>>, vector<32x32xf32>
      %get3A_89 = arith.constant 0 : index
      %get3A_90 = arith.constant 0 : index
      %get3A_91 = vector.load %arg5[%get3A_89, %get3A_90] : memref<1x32xf32, #tpu.memory_space<vmem>>, vector<1x32xf32>
      %get3A_92 = arith.constant 0 : index
      %get3A_93 = arith.constant 0 : index
      %get3A_94 = vector.load %arg6[%get3A_92, %get3A_93] : memref<1x32xf32, #tpu.memory_space<vmem>>, vector<1x32xf32>
      %dot_general3A_95 = arith.constant dense<0.000000e+00> : vector<1x32xf32>
      %dot_general3A_96 = tpu.matmul %add3A_85, %get3A_88, %dot_general3A_95 {dimension_numbers = #tpu.dot_dimension_numbers<[1], [0], [0], [1], [0, 0, 1, 1], [], []>, precision = #tpu.contract_precision<fp32>, transpose_lhs_hint = false} : vector<1x32xf32>, vector<32x32xf32>, vector<1x32xf32> -> vector<1x32xf32>
      %div3A = arith.constant 1.310720e+05 : f32
      %div3A_97 = vector.broadcast %div3A : f32 to vector<1x32xf32>
      %div3A_98 = arith.divf %dot_general3A_96, %div3A_97 : vector<1x32xf32>
      %dot_general3A_99 = arith.constant dense<0.000000e+00> : vector<32x32xf32>
      %dot_general3A_100 = tpu.matmul %add3A_83, %get3A_88, %dot_general3A_99 {dimension_numbers = #tpu.dot_dimension_numbers<[1], [0], [0], [1], [0, 0, 1, 1], [], []>, precision = #tpu.contract_precision<fp32>, transpose_lhs_hint = false} : vector<32x32xf32>, vector<32x32xf32>, vector<32x32xf32> -> vector<32x32xf32>
      %mul3A_101 = arith.mulf %get3A_88, %dot_general3A_100 : vector<32x32xf32>
      %reduce_sum3A_102 = arith.constant dense<0.000000e+00> : vector<32xf32>
      %reduce_sum3A_103 = vector.multi_reduction <add>, %mul3A_101, %reduce_sum3A_102 [0] : vector<32x32xf32> to vector<32xf32>
      %broadcast_in_dim3A_104 = vector.shape_cast %reduce_sum3A_103 : vector<32xf32> to vector<1x32xf32>
      %div3A_105 = arith.constant 1.310720e+05 : f32
      %div3A_106 = vector.broadcast %div3A_105 : f32 to vector<1x32xf32>
      %div3A_107 = arith.divf %broadcast_in_dim3A_104, %div3A_106 : vector<1x32xf32>
      %mul3A_108 = arith.mulf %div3A_98, %div3A_98 : vector<1x32xf32>
      %sub3A_109 = arith.subf %div3A_107, %mul3A_108 : vector<1x32xf32>
      %add3A_110 = arith.constant 9.99999974E-6 : f32
      %add3A_111 = vector.broadcast %add3A_110 : f32 to vector<1x32xf32>
      %add3A_112 = arith.addf %sub3A_109, %add3A_111 : vector<1x32xf32>
      %rsqrt3A = math.rsqrt %add3A_112 : vector<1x32xf32>
      %mul3A_113 = arith.mulf %get3A_91, %rsqrt3A : vector<1x32xf32>
      %mul3A_114 = arith.mulf %div3A_98, %mul3A_113 : vector<1x32xf32>
      %sub3A_115 = arith.subf %get3A_94, %mul3A_114 : vector<1x32xf32>
      %concatenate3A = tpu.concatenate %mul3A_113, %mul3A_113, %mul3A_113, %mul3A_113, %mul3A_113, %mul3A_113, %mul3A_113, %mul3A_113 in 1 : vector<1x32xf32>, vector<1x32xf32>, vector<1x32xf32>, vector<1x32xf32>, vector<1x32xf32>, vector<1x32xf32>, vector<1x32xf32>, vector<1x32xf32> -> vector<1x256xf32>
      %concatenate3A_116 = tpu.concatenate %sub3A_115, %sub3A_115, %sub3A_115, %sub3A_115, %sub3A_115, %sub3A_115, %sub3A_115, %sub3A_115 in 1 : vector<1x32xf32>, vector<1x32xf32>, vector<1x32xf32>, vector<1x32xf32>, vector<1x32xf32>, vector<1x32xf32>, vector<1x32xf32>, vector<1x32xf32> -> vector<1x256xf32>
      %swap3A_117 = arith.constant 0 : index
      %swap3A_118 = arith.constant 0 : index
      %swap3A_119 = vector.load %arg11[%swap3A_117, %swap3A_118] : memref<2x256xf32, #tpu.memory_space<vmem>>, vector<1x256xf32>
      tpu.vector_store %arg11[%swap3A_117, %swap3A_118], %concatenate3A {strides = array<i32>} : memref<2x256xf32, #tpu.memory_space<vmem>>, vector<1x256xf32>,
      %swap3A_120 = arith.constant 1 : index
      %swap3A_121 = arith.constant 0 : index
      %swap3A_122 = vector.load %arg11[%swap3A_120, %swap3A_121] : memref<2x256xf32, #tpu.memory_space<vmem>>, vector<1x256xf32>
      tpu.vector_store %arg11[%swap3A_120, %swap3A_121], %concatenate3A_116 {strides = array<i32>} : memref<2x256xf32, #tpu.memory_space<vmem>>, vector<1x256xf32>,
    } else {
    }
    %get3A = arith.constant 0 : index
    %get3A_2 = arith.constant 0 : index
    %get3A_3 = vector.load %arg1[%get3A, %get3A_2] : memref<4096x256xf32, #tpu.memory_space<vmem>>, vector<4096x256xf32>
    %get3A_4 = arith.constant 0 : index
    %get3A_5 = arith.constant 0 : index
    %get3A_6 = vector.load %arg2[%get3A_4, %get3A_5] : memref<1024x256xf32, #tpu.memory_space<vmem>>, vector<1024x256xf32>
    %broadcast_in_dim3A = vector.shape_cast %get3A_6 : vector<1024x256xf32> to vector<1024x1x256xf32>
    %broadcast_in_dim3A_7 = vector.shape_cast %broadcast_in_dim3A : vector<1024x1x256xf32> to vector<1024x1x256xf32>
    %broadcast_in_dim3A_8 = vector.broadcast %broadcast_in_dim3A_7 : vector<1024x1x256xf32> to vector<1024x4x256xf32>
    %reshape3A = vector.shape_cast %broadcast_in_dim3A_8 : vector<1024x4x256xf32> to vector<4096x256xf32>
    %sub3A = arith.subf %get3A_3, %reshape3A : vector<4096x256xf32>
    %get3A_9 = arith.constant 0 : index
    %get3A_10 = arith.constant 0 : index
    %get3A_11 = vector.load %arg3[%get3A_9, %get3A_10] : memref<256x256xf32, #tpu.memory_space<vmem>>, vector<256x256xf32>
    %dot_general3A = arith.constant dense<0.000000e+00> : vector<4096x256xf32>
    %dot_general3A_12 = tpu.matmul %sub3A, %get3A_11, %dot_general3A {dimension_numbers = #tpu.dot_dimension_numbers<[1], [0], [0], [1], [0, 0, 1, 1], [], []>, transpose_lhs_hint = false} : vector<4096x256xf32>, vector<256x256xf32>, vector<4096x256xf32> -> vector<4096x256xf32>
    %get3A_13 = arith.constant 0 : index
    %get3A_14 = arith.constant 0 : index
    %get3A_15 = vector.load %arg11[%get3A_13, %get3A_14] : memref<2x256xf32, #tpu.memory_space<vmem>>, vector<1x256xf32>
    %mul3A = vector.broadcast %get3A_15 : vector<1x256xf32> to vector<4096x256xf32>
    %mul3A_16 = arith.mulf %dot_general3A_12, %mul3A : vector<4096x256xf32>
    %get3A_17 = arith.constant 1 : index
    %get3A_18 = arith.constant 0 : index
    %get3A_19 = vector.load %arg11[%get3A_17, %get3A_18] : memref<2x256xf32, #tpu.memory_space<vmem>>, vector<1x256xf32>
    %add3A = vector.broadcast %get3A_19 : vector<1x256xf32> to vector<4096x256xf32>
    %add3A_20 = arith.addf %mul3A_16, %add3A : vector<4096x256xf32>
    %max3A = arith.constant 0.000000e+00 : f32
    %max3A_21 = vector.broadcast %max3A : f32 to vector<4096x256xf32>
    %max3A_22 = arith.maximumf %add3A_20, %max3A_21 : vector<4096x256xf32>
    %eq3A_23 = arith.constant 0 : i32
    %eq3A_24 = arith.cmpi eq, %arg0, %eq3A_23 : i32
    %convert_element_type3A_25 = arith.extui %eq3A_24 : i1 to i32
    %cond3A_26 = arith.constant 0 : i32
    %cond3A_27 = arith.cmpi ne, %convert_element_type3A_25, %cond3A_26 : i32
    scf.if %cond3A_27 {
      %broadcast_in_dim3A_45 = arith.constant 0.000000e+00 : f32
      %broadcast_in_dim3A_46 = vector.broadcast %broadcast_in_dim3A_45 : f32 to vector<256x256xf32>
      %swap3A_47 = arith.constant 0 : index
      %swap3A_48 = arith.constant 0 : index
      %swap3A_49 = vector.load %arg9[%swap3A_47, %swap3A_48] : memref<256x256xf32, #tpu.memory_space<vmem>>, vector<256x256xf32>
      tpu.vector_store %arg9[%swap3A_47, %swap3A_48], %broadcast_in_dim3A_46 {strides = array<i32>} : memref<256x256xf32, #tpu.memory_space<vmem>>, vector<256x256xf32>,
      %broadcast_in_dim3A_50 = arith.constant 0.000000e+00 : f32
      %broadcast_in_dim3A_51 = vector.broadcast %broadcast_in_dim3A_50 : f32 to vector<1x256xf32>
      %swap3A_52 = arith.constant 0 : index
      %swap3A_53 = arith.constant 0 : index
      %swap3A_54 = vector.load %arg10[%swap3A_52, %swap3A_53] : memref<1x256xf32, #tpu.memory_space<vmem>>, vector<1x256xf32>
      tpu.vector_store %arg10[%swap3A_52, %swap3A_53], %broadcast_in_dim3A_51 {strides = array<i32>} : memref<1x256xf32, #tpu.memory_space<vmem>>, vector<1x256xf32>,
    } else {
    }
    %get3A_28 = arith.constant 0 : index
    %get3A_29 = arith.constant 0 : index
    %get3A_30 = vector.load %arg9[%get3A_28, %get3A_29] : memref<256x256xf32, #tpu.memory_space<vmem>>, vector<256x256xf32>
    %dot_general3A_31 = arith.constant dense<0.000000e+00> : vector<256x256xf32>
    %dot_general3A_32 = tpu.matmul %max3A_22, %max3A_22, %dot_general3A_31 {dimension_numbers = #tpu.dot_dimension_numbers<[0], [0], [1], [1], [0, 1, 1, 1], [], []>, transpose_lhs_hint = false} : vector<4096x256xf32>, vector<4096x256xf32>, vector<256x256xf32> -> vector<256x256xf32>
    %add3A_33 = arith.addf %get3A_30, %dot_general3A_32 : vector<256x256xf32>
    %swap3A = arith.constant 0 : index
    %swap3A_34 = arith.constant 0 : index
    %swap3A_35 = vector.load %arg9[%swap3A, %swap3A_34] : memref<256x256xf32, #tpu.memory_space<vmem>>, vector<256x256xf32>
    tpu.vector_store %arg9[%swap3A, %swap3A_34], %add3A_33 {strides = array<i32>} : memref<256x256xf32, #tpu.memory_space<vmem>>, vector<256x256xf32>,
    %get3A_36 = arith.constant 0 : index
    %get3A_37 = arith.constant 0 : index
    %get3A_38 = vector.load %arg10[%get3A_36, %get3A_37] : memref<1x256xf32, #tpu.memory_space<vmem>>, vector<1x256xf32>
    %reduce_sum3A = arith.constant dense<0.000000e+00> : vector<256xf32>
    %reduce_sum3A_39 = vector.multi_reduction <add>, %max3A_22, %reduce_sum3A [0] : vector<4096x256xf32> to vector<256xf32>
    %broadcast_in_dim3A_40 = vector.shape_cast %reduce_sum3A_39 : vector<256xf32> to vector<1x256xf32>
    %add3A_41 = arith.addf %get3A_38, %broadcast_in_dim3A_40 : vector<1x256xf32>
    %swap3A_42 = arith.constant 0 : index
    %swap3A_43 = arith.constant 0 : index
    %swap3A_44 = vector.load %arg10[%swap3A_42, %swap3A_43] : memref<1x256xf32, #tpu.memory_space<vmem>>, vector<1x256xf32>
    tpu.vector_store %arg10[%swap3A_42, %swap3A_43], %add3A_41 {strides = array<i32>} : memref<1x256xf32, #tpu.memory_space<vmem>>, vector<1x256xf32>,
    return
  }
  func.func @transform_0(%arg0: i32) -> (i32, i32) {
    %c0_i32 = arith.constant 0 : i32
    %c0_i32_0 = arith.constant 0 : i32
    return %arg0, %c0_i32 : i32, i32
  }
  func.func @transform_1(%arg0: i32) -> (i32, i32) {
    %c0_i32 = arith.constant 0 : i32
    %c0_i32_0 = arith.constant 0 : i32
    return %arg0, %c0_i32 : i32, i32
  }
  func.func @transform_2(%arg0: i32) -> (i32, i32) {
    %c0_i32 = arith.constant 0 : i32
    %c0_i32_0 = arith.constant 0 : i32
    %c0_i32_1 = arith.constant 0 : i32
    return %c0_i32, %c0_i32_0 : i32, i32
  }
  func.func @transform_3(%arg0: i32) -> (i32, i32) {
    %c0_i32 = arith.constant 0 : i32
    %c0_i32_0 = arith.constant 0 : i32
    %c0_i32_1 = arith.constant 0 : i32
    return %c0_i32, %c0_i32_0 : i32, i32
  }
  func.func @transform_4(%arg0: i32) -> (i32, i32) {
    %c0_i32 = arith.constant 0 : i32
    %c0_i32_0 = arith.constant 0 : i32
    %c0_i32_1 = arith.constant 0 : i32
    return %c0_i32, %c0_i32_0 : i32, i32
  }
  func.func @transform_5(%arg0: i32) -> (i32, i32) {
    %c0_i32 = arith.constant 0 : i32
    %c0_i32_0 = arith.constant 0 : i32
    %c0_i32_1 = arith.constant 0 : i32
    return %c0_i32, %c0_i32_0 : i32, i32
  }
  func.func @transform_6(%arg0: i32) -> (i32, i32) {
    %c0_i32 = arith.constant 0 : i32
    %c0_i32_0 = arith.constant 0 : i32
    %c0_i32_1 = arith.constant 0 : i32
    return %c0_i32, %c0_i32_0 : i32, i32
  }
  func.func @transform_7(%arg0: i32) -> (i32, i32) {
    %c0_i32 = arith.constant 0 : i32
    %c0_i32_0 = arith.constant 0 : i32
    %c0_i32_1 = arith.constant 0 : i32
    return %c0_i32, %c0_i32_0 : i32, i32
  }
  func.func @transform_8(%arg0: i32) -> (i32, i32) {
    %c0_i32 = arith.constant 0 : i32
    %c0_i32_0 = arith.constant 0 : i32
    %c0_i32_1 = arith.constant 0 : i32
    return %c0_i32, %c0_i32_0 : i32, i32
  }
  func.func @transform_9(%arg0: i32) -> (i32, i32) {
    %c0_i32 = arith.constant 0 : i32
    %c0_i32_0 = arith.constant 0 : i32
    %c0_i32_1 = arith.constant 0 : i32
    return %c0_i32, %c0_i32_0 : i32, i32
  }
}

module attributes {stable_mosaic.version = 14 : i64} {
  func.func @body(%arg0: i32, %arg1: memref<4096x256xf32, #tpu.memory_space<vmem>>, %arg2: memref<1024x256xf32, #tpu.memory_space<vmem>>, %arg3: memref<256x256xf32, #tpu.memory_space<vmem>>, %arg4: memref<32x32xf32, #tpu.memory_space<vmem>>, %arg5: memref<1x32xf32, #tpu.memory_space<vmem>>, %arg6: memref<1x32xf32, #tpu.memory_space<vmem>>, %arg7: memref<256x256xf32, #tpu.memory_space<vmem>>, %arg8: memref<32x32xf32, #tpu.memory_space<vmem>>, %arg9: memref<1x32xf32, #tpu.memory_space<vmem>>, %arg10: memref<1x32xf32, #tpu.memory_space<vmem>>, %arg11: memref<256x256xf32, #tpu.memory_space<vmem>>, %arg12: memref<1x256xf32, #tpu.memory_space<vmem>>, %arg13: memref<256x256xf32, #tpu.memory_space<vmem>>, %arg14: memref<1x256xf32, #tpu.memory_space<vmem>>, %arg15: memref<256x256xf32, #tpu.memory_space<vmem>>, %arg16: memref<1x256xf32, #tpu.memory_space<vmem>>, %arg17: memref<4x256xf32, #tpu.memory_space<vmem>>) attributes {dimension_semantics = [#tpu.dimension_semantics<arbitrary>], iteration_bounds = array<i64: 4>, scalar_prefetch = 0 : i64, scratch_operands = 1 : i64, tpu.core_type = #tpu.core_type<tc>, window_params = [{transform_indices = @transform_0, window_bounds = array<i64: 4096, 256>}, {transform_indices = @transform_1, window_bounds = array<i64: 1024, 256>}, {pipeline_mode = #tpu.pipeline_mode<synchronous>, transform_indices = @transform_2, window_bounds = array<i64: 256, 256>}, {pipeline_mode = #tpu.pipeline_mode<synchronous>, transform_indices = @transform_3, window_bounds = array<i64: 32, 32>}, {pipeline_mode = #tpu.pipeline_mode<synchronous>, transform_indices = @transform_4, window_bounds = array<i64: 1, 32>}, {pipeline_mode = #tpu.pipeline_mode<synchronous>, transform_indices = @transform_5, window_bounds = array<i64: 1, 32>}, {pipeline_mode = #tpu.pipeline_mode<synchronous>, transform_indices = @transform_6, window_bounds = array<i64: 256, 256>}, {pipeline_mode = #tpu.pipeline_mode<synchronous>, transform_indices = @transform_7, window_bounds = array<i64: 32, 32>}, {pipeline_mode = #tpu.pipeline_mode<synchronous>, transform_indices = @transform_8, window_bounds = array<i64: 1, 32>}, {pipeline_mode = #tpu.pipeline_mode<synchronous>, transform_indices = @transform_9, window_bounds = array<i64: 1, 32>}, {pipeline_mode = #tpu.pipeline_mode<synchronous>, transform_indices = @transform_10, window_bounds = array<i64: 256, 256>}, {pipeline_mode = #tpu.pipeline_mode<synchronous>, transform_indices = @transform_11, window_bounds = array<i64: 1, 256>}, {pipeline_mode = #tpu.pipeline_mode<synchronous>, transform_indices = @transform_12, window_bounds = array<i64: 256, 256>}, {pipeline_mode = #tpu.pipeline_mode<synchronous>, transform_indices = @transform_13, window_bounds = array<i64: 1, 256>}, {pipeline_mode = #tpu.pipeline_mode<synchronous>, transform_indices = @transform_14, window_bounds = array<i64: 256, 256>}, {pipeline_mode = #tpu.pipeline_mode<synchronous>, transform_indices = @transform_15, window_bounds = array<i64: 1, 256>}]} {
    %eq3A = arith.constant 0 : i32
    %eq3A_0 = arith.cmpi eq, %arg0, %eq3A : i32
    %convert_element_type3A = arith.extui %eq3A_0 : i1 to i32
    %cond3A = arith.constant 0 : i32
    %cond3A_1 = arith.cmpi ne, %convert_element_type3A, %cond3A : i32
    scf.if %cond3A_1 {
      %get3A_63 = arith.constant 0 : index
      %get3A_64 = arith.constant 0 : index
      %get3A_65 = vector.load %arg11[%get3A_63, %get3A_64] : memref<256x256xf32, #tpu.memory_space<vmem>>, vector<256x256xf32>
      %get3A_66 = arith.constant 0 : index
      %get3A_67 = arith.constant 0 : index
      %get3A_68 = vector.load %arg12[%get3A_66, %get3A_67] : memref<1x256xf32, #tpu.memory_space<vmem>>, vector<1x256xf32>
      %broadcast_in_dim3A_69 = arith.constant 0.000000e+00 : f32
      %broadcast_in_dim3A_70 = vector.broadcast %broadcast_in_dim3A_69 : f32 to vector<32x32xf32>
      %broadcast_in_dim3A_71 = arith.constant 0.000000e+00 : f32
      %broadcast_in_dim3A_72 = vector.broadcast %broadcast_in_dim3A_71 : f32 to vector<1x32xf32>
      %slice3A = vector.extract_strided_slice %get3A_65 {offsets = [0, 0], sizes = [32, 32], strides = [1, 1]} : vector<256x256xf32> to vector<32x32xf32>
      %add3A_73 = arith.addf %broadcast_in_dim3A_70, %slice3A : vector<32x32xf32>
      %slice3A_74 = vector.extract_strided_slice %get3A_68 {offsets = [0, 0], sizes = [1, 32], strides = [1, 1]} : vector<1x256xf32> to vector<1x32xf32>
      %add3A_75 = arith.addf %broadcast_in_dim3A_72, %slice3A_74 : vector<1x32xf32>
      %slice3A_76 = vector.extract_strided_slice %get3A_65 {offsets = [32, 32], sizes = [32, 32], strides = [1, 1]} : vector<256x256xf32> to vector<32x32xf32>
      %add3A_77 = arith.addf %add3A_73, %slice3A_76 : vector<32x32xf32>
      %slice3A_78 = vector.extract_strided_slice %get3A_68 {offsets = [0, 32], sizes = [1, 32], strides = [1, 1]} : vector<1x256xf32> to vector<1x32xf32>
      %add3A_79 = arith.addf %add3A_75, %slice3A_78 : vector<1x32xf32>
      %slice3A_80 = vector.extract_strided_slice %get3A_65 {offsets = [64, 64], sizes = [32, 32], strides = [1, 1]} : vector<256x256xf32> to vector<32x32xf32>
      %add3A_81 = arith.addf %add3A_77, %slice3A_80 : vector<32x32xf32>
      %slice3A_82 = vector.extract_strided_slice %get3A_68 {offsets = [0, 64], sizes = [1, 32], strides = [1, 1]} : vector<1x256xf32> to vector<1x32xf32>
      %add3A_83 = arith.addf %add3A_79, %slice3A_82 : vector<1x32xf32>
      %slice3A_84 = vector.extract_strided_slice %get3A_65 {offsets = [96, 96], sizes = [32, 32], strides = [1, 1]} : vector<256x256xf32> to vector<32x32xf32>
      %add3A_85 = arith.addf %add3A_81, %slice3A_84 : vector<32x32xf32>
      %slice3A_86 = vector.extract_strided_slice %get3A_68 {offsets = [0, 96], sizes = [1, 32], strides = [1, 1]} : vector<1x256xf32> to vector<1x32xf32>
      %add3A_87 = arith.addf %add3A_83, %slice3A_86 : vector<1x32xf32>
      %slice3A_88 = vector.extract_strided_slice %get3A_65 {offsets = [128, 128], sizes = [32, 32], strides = [1, 1]} : vector<256x256xf32> to vector<32x32xf32>
      %add3A_89 = arith.addf %add3A_85, %slice3A_88 : vector<32x32xf32>
      %slice3A_90 = vector.extract_strided_slice %get3A_68 {offsets = [0, 128], sizes = [1, 32], strides = [1, 1]} : vector<1x256xf32> to vector<1x32xf32>
      %add3A_91 = arith.addf %add3A_87, %slice3A_90 : vector<1x32xf32>
      %slice3A_92 = vector.extract_strided_slice %get3A_65 {offsets = [160, 160], sizes = [32, 32], strides = [1, 1]} : vector<256x256xf32> to vector<32x32xf32>
      %add3A_93 = arith.addf %add3A_89, %slice3A_92 : vector<32x32xf32>
      %slice3A_94 = vector.extract_strided_slice %get3A_68 {offsets = [0, 160], sizes = [1, 32], strides = [1, 1]} : vector<1x256xf32> to vector<1x32xf32>
      %add3A_95 = arith.addf %add3A_91, %slice3A_94 : vector<1x32xf32>
      %slice3A_96 = vector.extract_strided_slice %get3A_65 {offsets = [192, 192], sizes = [32, 32], strides = [1, 1]} : vector<256x256xf32> to vector<32x32xf32>
      %add3A_97 = arith.addf %add3A_93, %slice3A_96 : vector<32x32xf32>
      %slice3A_98 = vector.extract_strided_slice %get3A_68 {offsets = [0, 192], sizes = [1, 32], strides = [1, 1]} : vector<1x256xf32> to vector<1x32xf32>
      %add3A_99 = arith.addf %add3A_95, %slice3A_98 : vector<1x32xf32>
      %slice3A_100 = vector.extract_strided_slice %get3A_65 {offsets = [224, 224], sizes = [32, 32], strides = [1, 1]} : vector<256x256xf32> to vector<32x32xf32>
      %add3A_101 = arith.addf %add3A_97, %slice3A_100 : vector<32x32xf32>
      %slice3A_102 = vector.extract_strided_slice %get3A_68 {offsets = [0, 224], sizes = [1, 32], strides = [1, 1]} : vector<1x256xf32> to vector<1x32xf32>
      %add3A_103 = arith.addf %add3A_99, %slice3A_102 : vector<1x32xf32>
      %get3A_104 = arith.constant 0 : index
      %get3A_105 = arith.constant 0 : index
      %get3A_106 = vector.load %arg4[%get3A_104, %get3A_105] : memref<32x32xf32, #tpu.memory_space<vmem>>, vector<32x32xf32>
      %get3A_107 = arith.constant 0 : index
      %get3A_108 = arith.constant 0 : index
      %get3A_109 = vector.load %arg5[%get3A_107, %get3A_108] : memref<1x32xf32, #tpu.memory_space<vmem>>, vector<1x32xf32>
      %get3A_110 = arith.constant 0 : index
      %get3A_111 = arith.constant 0 : index
      %get3A_112 = vector.load %arg6[%get3A_110, %get3A_111] : memref<1x32xf32, #tpu.memory_space<vmem>>, vector<1x32xf32>
      %dot_general3A_113 = arith.constant dense<0.000000e+00> : vector<1x32xf32>
      %dot_general3A_114 = tpu.matmul %add3A_103, %get3A_106, %dot_general3A_113 {dimension_numbers = #tpu.dot_dimension_numbers<[1], [0], [0], [1], [0, 0, 1, 1], [], []>, precision = #tpu.contract_precision<fp32>, transpose_lhs_hint = false} : vector<1x32xf32>, vector<32x32xf32>, vector<1x32xf32> -> vector<1x32xf32>
      %div3A = arith.constant 1.310720e+05 : f32
      %div3A_115 = vector.broadcast %div3A : f32 to vector<1x32xf32>
      %div3A_116 = arith.divf %dot_general3A_114, %div3A_115 : vector<1x32xf32>
      %dot_general3A_117 = arith.constant dense<0.000000e+00> : vector<32x32xf32>
      %dot_general3A_118 = tpu.matmul %add3A_101, %get3A_106, %dot_general3A_117 {dimension_numbers = #tpu.dot_dimension_numbers<[1], [0], [0], [1], [0, 0, 1, 1], [], []>, precision = #tpu.contract_precision<fp32>, transpose_lhs_hint = false} : vector<32x32xf32>, vector<32x32xf32>, vector<32x32xf32> -> vector<32x32xf32>
      %mul3A_119 = arith.mulf %get3A_106, %dot_general3A_118 : vector<32x32xf32>
      %reduce_sum3A_120 = arith.constant dense<0.000000e+00> : vector<32xf32>
      %reduce_sum3A_121 = vector.multi_reduction <add>, %mul3A_119, %reduce_sum3A_120 [0] : vector<32x32xf32> to vector<32xf32>
      %broadcast_in_dim3A_122 = vector.shape_cast %reduce_sum3A_121 : vector<32xf32> to vector<1x32xf32>
      %div3A_123 = arith.constant 1.310720e+05 : f32
      %div3A_124 = vector.broadcast %div3A_123 : f32 to vector<1x32xf32>
      %div3A_125 = arith.divf %broadcast_in_dim3A_122, %div3A_124 : vector<1x32xf32>
      %mul3A_126 = arith.mulf %div3A_116, %div3A_116 : vector<1x32xf32>
      %sub3A_127 = arith.subf %div3A_125, %mul3A_126 : vector<1x32xf32>
      %add3A_128 = arith.constant 9.99999974E-6 : f32
      %add3A_129 = vector.broadcast %add3A_128 : f32 to vector<1x32xf32>
      %add3A_130 = arith.addf %sub3A_127, %add3A_129 : vector<1x32xf32>
      %rsqrt3A = math.rsqrt %add3A_130 : vector<1x32xf32>
      %mul3A_131 = arith.mulf %get3A_109, %rsqrt3A : vector<1x32xf32>
      %mul3A_132 = arith.mulf %div3A_116, %mul3A_131 : vector<1x32xf32>
      %sub3A_133 = arith.subf %get3A_112, %mul3A_132 : vector<1x32xf32>
      %concatenate3A = tpu.concatenate %mul3A_131, %mul3A_131, %mul3A_131, %mul3A_131, %mul3A_131, %mul3A_131, %mul3A_131, %mul3A_131 in 1 : vector<1x32xf32>, vector<1x32xf32>, vector<1x32xf32>, vector<1x32xf32>, vector<1x32xf32>, vector<1x32xf32>, vector<1x32xf32>, vector<1x32xf32> -> vector<1x256xf32>
      %concatenate3A_134 = tpu.concatenate %sub3A_133, %sub3A_133, %sub3A_133, %sub3A_133, %sub3A_133, %sub3A_133, %sub3A_133, %sub3A_133 in 1 : vector<1x32xf32>, vector<1x32xf32>, vector<1x32xf32>, vector<1x32xf32>, vector<1x32xf32>, vector<1x32xf32>, vector<1x32xf32>, vector<1x32xf32> -> vector<1x256xf32>
      %get3A_135 = arith.constant 0 : index
      %get3A_136 = arith.constant 0 : index
      %get3A_137 = vector.load %arg13[%get3A_135, %get3A_136] : memref<256x256xf32, #tpu.memory_space<vmem>>, vector<256x256xf32>
      %get3A_138 = arith.constant 0 : index
      %get3A_139 = arith.constant 0 : index
      %get3A_140 = vector.load %arg14[%get3A_138, %get3A_139] : memref<1x256xf32, #tpu.memory_space<vmem>>, vector<1x256xf32>
      %broadcast_in_dim3A_141 = arith.constant 0.000000e+00 : f32
      %broadcast_in_dim3A_142 = vector.broadcast %broadcast_in_dim3A_141 : f32 to vector<32x32xf32>
      %broadcast_in_dim3A_143 = arith.constant 0.000000e+00 : f32
      %broadcast_in_dim3A_144 = vector.broadcast %broadcast_in_dim3A_143 : f32 to vector<1x32xf32>
      %slice3A_145 = vector.extract_strided_slice %get3A_137 {offsets = [0, 0], sizes = [32, 32], strides = [1, 1]} : vector<256x256xf32> to vector<32x32xf32>
      %add3A_146 = arith.addf %broadcast_in_dim3A_142, %slice3A_145 : vector<32x32xf32>
      %slice3A_147 = vector.extract_strided_slice %get3A_140 {offsets = [0, 0], sizes = [1, 32], strides = [1, 1]} : vector<1x256xf32> to vector<1x32xf32>
      %add3A_148 = arith.addf %broadcast_in_dim3A_144, %slice3A_147 : vector<1x32xf32>
      %slice3A_149 = vector.extract_strided_slice %get3A_137 {offsets = [32, 32], sizes = [32, 32], strides = [1, 1]} : vector<256x256xf32> to vector<32x32xf32>
      %add3A_150 = arith.addf %add3A_146, %slice3A_149 : vector<32x32xf32>
      %slice3A_151 = vector.extract_strided_slice %get3A_140 {offsets = [0, 32], sizes = [1, 32], strides = [1, 1]} : vector<1x256xf32> to vector<1x32xf32>
      %add3A_152 = arith.addf %add3A_148, %slice3A_151 : vector<1x32xf32>
      %slice3A_153 = vector.extract_strided_slice %get3A_137 {offsets = [64, 64], sizes = [32, 32], strides = [1, 1]} : vector<256x256xf32> to vector<32x32xf32>
      %add3A_154 = arith.addf %add3A_150, %slice3A_153 : vector<32x32xf32>
      %slice3A_155 = vector.extract_strided_slice %get3A_140 {offsets = [0, 64], sizes = [1, 32], strides = [1, 1]} : vector<1x256xf32> to vector<1x32xf32>
      %add3A_156 = arith.addf %add3A_152, %slice3A_155 : vector<1x32xf32>
      %slice3A_157 = vector.extract_strided_slice %get3A_137 {offsets = [96, 96], sizes = [32, 32], strides = [1, 1]} : vector<256x256xf32> to vector<32x32xf32>
      %add3A_158 = arith.addf %add3A_154, %slice3A_157 : vector<32x32xf32>
      %slice3A_159 = vector.extract_strided_slice %get3A_140 {offsets = [0, 96], sizes = [1, 32], strides = [1, 1]} : vector<1x256xf32> to vector<1x32xf32>
      %add3A_160 = arith.addf %add3A_156, %slice3A_159 : vector<1x32xf32>
      %slice3A_161 = vector.extract_strided_slice %get3A_137 {offsets = [128, 128], sizes = [32, 32], strides = [1, 1]} : vector<256x256xf32> to vector<32x32xf32>
      %add3A_162 = arith.addf %add3A_158, %slice3A_161 : vector<32x32xf32>
      %slice3A_163 = vector.extract_strided_slice %get3A_140 {offsets = [0, 128], sizes = [1, 32], strides = [1, 1]} : vector<1x256xf32> to vector<1x32xf32>
      %add3A_164 = arith.addf %add3A_160, %slice3A_163 : vector<1x32xf32>
      %slice3A_165 = vector.extract_strided_slice %get3A_137 {offsets = [160, 160], sizes = [32, 32], strides = [1, 1]} : vector<256x256xf32> to vector<32x32xf32>
      %add3A_166 = arith.addf %add3A_162, %slice3A_165 : vector<32x32xf32>
      %slice3A_167 = vector.extract_strided_slice %get3A_140 {offsets = [0, 160], sizes = [1, 32], strides = [1, 1]} : vector<1x256xf32> to vector<1x32xf32>
      %add3A_168 = arith.addf %add3A_164, %slice3A_167 : vector<1x32xf32>
      %slice3A_169 = vector.extract_strided_slice %get3A_137 {offsets = [192, 192], sizes = [32, 32], strides = [1, 1]} : vector<256x256xf32> to vector<32x32xf32>
      %add3A_170 = arith.addf %add3A_166, %slice3A_169 : vector<32x32xf32>
      %slice3A_171 = vector.extract_strided_slice %get3A_140 {offsets = [0, 192], sizes = [1, 32], strides = [1, 1]} : vector<1x256xf32> to vector<1x32xf32>
      %add3A_172 = arith.addf %add3A_168, %slice3A_171 : vector<1x32xf32>
      %slice3A_173 = vector.extract_strided_slice %get3A_137 {offsets = [224, 224], sizes = [32, 32], strides = [1, 1]} : vector<256x256xf32> to vector<32x32xf32>
      %add3A_174 = arith.addf %add3A_170, %slice3A_173 : vector<32x32xf32>
      %slice3A_175 = vector.extract_strided_slice %get3A_140 {offsets = [0, 224], sizes = [1, 32], strides = [1, 1]} : vector<1x256xf32> to vector<1x32xf32>
      %add3A_176 = arith.addf %add3A_172, %slice3A_175 : vector<1x32xf32>
      %get3A_177 = arith.constant 0 : index
      %get3A_178 = arith.constant 0 : index
      %get3A_179 = vector.load %arg8[%get3A_177, %get3A_178] : memref<32x32xf32, #tpu.memory_space<vmem>>, vector<32x32xf32>
      %get3A_180 = arith.constant 0 : index
      %get3A_181 = arith.constant 0 : index
      %get3A_182 = vector.load %arg9[%get3A_180, %get3A_181] : memref<1x32xf32, #tpu.memory_space<vmem>>, vector<1x32xf32>
      %get3A_183 = arith.constant 0 : index
      %get3A_184 = arith.constant 0 : index
      %get3A_185 = vector.load %arg10[%get3A_183, %get3A_184] : memref<1x32xf32, #tpu.memory_space<vmem>>, vector<1x32xf32>
      %dot_general3A_186 = arith.constant dense<0.000000e+00> : vector<1x32xf32>
      %dot_general3A_187 = tpu.matmul %add3A_176, %get3A_179, %dot_general3A_186 {dimension_numbers = #tpu.dot_dimension_numbers<[1], [0], [0], [1], [0, 0, 1, 1], [], []>, precision = #tpu.contract_precision<fp32>, transpose_lhs_hint = false} : vector<1x32xf32>, vector<32x32xf32>, vector<1x32xf32> -> vector<1x32xf32>
      %div3A_188 = arith.constant 1.310720e+05 : f32
      %div3A_189 = vector.broadcast %div3A_188 : f32 to vector<1x32xf32>
      %div3A_190 = arith.divf %dot_general3A_187, %div3A_189 : vector<1x32xf32>
      %dot_general3A_191 = arith.constant dense<0.000000e+00> : vector<32x32xf32>
      %dot_general3A_192 = tpu.matmul %add3A_174, %get3A_179, %dot_general3A_191 {dimension_numbers = #tpu.dot_dimension_numbers<[1], [0], [0], [1], [0, 0, 1, 1], [], []>, precision = #tpu.contract_precision<fp32>, transpose_lhs_hint = false} : vector<32x32xf32>, vector<32x32xf32>, vector<32x32xf32> -> vector<32x32xf32>
      %mul3A_193 = arith.mulf %get3A_179, %dot_general3A_192 : vector<32x32xf32>
      %reduce_sum3A_194 = arith.constant dense<0.000000e+00> : vector<32xf32>
      %reduce_sum3A_195 = vector.multi_reduction <add>, %mul3A_193, %reduce_sum3A_194 [0] : vector<32x32xf32> to vector<32xf32>
      %broadcast_in_dim3A_196 = vector.shape_cast %reduce_sum3A_195 : vector<32xf32> to vector<1x32xf32>
      %div3A_197 = arith.constant 1.310720e+05 : f32
      %div3A_198 = vector.broadcast %div3A_197 : f32 to vector<1x32xf32>
      %div3A_199 = arith.divf %broadcast_in_dim3A_196, %div3A_198 : vector<1x32xf32>
      %mul3A_200 = arith.mulf %div3A_190, %div3A_190 : vector<1x32xf32>
      %sub3A_201 = arith.subf %div3A_199, %mul3A_200 : vector<1x32xf32>
      %add3A_202 = arith.constant 9.99999974E-6 : f32
      %add3A_203 = vector.broadcast %add3A_202 : f32 to vector<1x32xf32>
      %add3A_204 = arith.addf %sub3A_201, %add3A_203 : vector<1x32xf32>
      %rsqrt3A_205 = math.rsqrt %add3A_204 : vector<1x32xf32>
      %mul3A_206 = arith.mulf %get3A_182, %rsqrt3A_205 : vector<1x32xf32>
      %mul3A_207 = arith.mulf %div3A_190, %mul3A_206 : vector<1x32xf32>
      %sub3A_208 = arith.subf %get3A_185, %mul3A_207 : vector<1x32xf32>
      %concatenate3A_209 = tpu.concatenate %mul3A_206, %mul3A_206, %mul3A_206, %mul3A_206, %mul3A_206, %mul3A_206, %mul3A_206, %mul3A_206 in 1 : vector<1x32xf32>, vector<1x32xf32>, vector<1x32xf32>, vector<1x32xf32>, vector<1x32xf32>, vector<1x32xf32>, vector<1x32xf32>, vector<1x32xf32> -> vector<1x256xf32>
      %concatenate3A_210 = tpu.concatenate %sub3A_208, %sub3A_208, %sub3A_208, %sub3A_208, %sub3A_208, %sub3A_208, %sub3A_208, %sub3A_208 in 1 : vector<1x32xf32>, vector<1x32xf32>, vector<1x32xf32>, vector<1x32xf32>, vector<1x32xf32>, vector<1x32xf32>, vector<1x32xf32>, vector<1x32xf32> -> vector<1x256xf32>
      %swap3A_211 = arith.constant 0 : index
      %swap3A_212 = arith.constant 0 : index
      %swap3A_213 = vector.load %arg17[%swap3A_211, %swap3A_212] : memref<4x256xf32, #tpu.memory_space<vmem>>, vector<1x256xf32>
      tpu.vector_store %arg17[%swap3A_211, %swap3A_212], %concatenate3A {strides = array<i32>} : memref<4x256xf32, #tpu.memory_space<vmem>>, vector<1x256xf32>,
      %swap3A_214 = arith.constant 1 : index
      %swap3A_215 = arith.constant 0 : index
      %swap3A_216 = vector.load %arg17[%swap3A_214, %swap3A_215] : memref<4x256xf32, #tpu.memory_space<vmem>>, vector<1x256xf32>
      tpu.vector_store %arg17[%swap3A_214, %swap3A_215], %concatenate3A_134 {strides = array<i32>} : memref<4x256xf32, #tpu.memory_space<vmem>>, vector<1x256xf32>,
      %swap3A_217 = arith.constant 2 : index
      %swap3A_218 = arith.constant 0 : index
      %swap3A_219 = vector.load %arg17[%swap3A_217, %swap3A_218] : memref<4x256xf32, #tpu.memory_space<vmem>>, vector<1x256xf32>
      tpu.vector_store %arg17[%swap3A_217, %swap3A_218], %concatenate3A_209 {strides = array<i32>} : memref<4x256xf32, #tpu.memory_space<vmem>>, vector<1x256xf32>,
      %swap3A_220 = arith.constant 3 : index
      %swap3A_221 = arith.constant 0 : index
      %swap3A_222 = vector.load %arg17[%swap3A_220, %swap3A_221] : memref<4x256xf32, #tpu.memory_space<vmem>>, vector<1x256xf32>
      tpu.vector_store %arg17[%swap3A_220, %swap3A_221], %concatenate3A_210 {strides = array<i32>} : memref<4x256xf32, #tpu.memory_space<vmem>>, vector<1x256xf32>,
    } else {
    }
    %get3A = arith.constant 0 : index
    %get3A_2 = arith.constant 0 : index
    %get3A_3 = vector.load %arg1[%get3A, %get3A_2] : memref<4096x256xf32, #tpu.memory_space<vmem>>, vector<4096x256xf32>
    %get3A_4 = arith.constant 0 : index
    %get3A_5 = arith.constant 0 : index
    %get3A_6 = vector.load %arg2[%get3A_4, %get3A_5] : memref<1024x256xf32, #tpu.memory_space<vmem>>, vector<1024x256xf32>
    %broadcast_in_dim3A = vector.shape_cast %get3A_6 : vector<1024x256xf32> to vector<1024x1x256xf32>
    %broadcast_in_dim3A_7 = vector.shape_cast %broadcast_in_dim3A : vector<1024x1x256xf32> to vector<1024x1x256xf32>
    %broadcast_in_dim3A_8 = vector.broadcast %broadcast_in_dim3A_7 : vector<1024x1x256xf32> to vector<1024x4x256xf32>
    %reshape3A = vector.shape_cast %broadcast_in_dim3A_8 : vector<1024x4x256xf32> to vector<4096x256xf32>
    %sub3A = arith.subf %get3A_3, %reshape3A : vector<4096x256xf32>
    %get3A_9 = arith.constant 0 : index
    %get3A_10 = arith.constant 0 : index
    %get3A_11 = vector.load %arg3[%get3A_9, %get3A_10] : memref<256x256xf32, #tpu.memory_space<vmem>>, vector<256x256xf32>
    %dot_general3A = arith.constant dense<0.000000e+00> : vector<4096x256xf32>
    %dot_general3A_12 = tpu.matmul %sub3A, %get3A_11, %dot_general3A {dimension_numbers = #tpu.dot_dimension_numbers<[1], [0], [0], [1], [0, 0, 1, 1], [], []>, transpose_lhs_hint = false} : vector<4096x256xf32>, vector<256x256xf32>, vector<4096x256xf32> -> vector<4096x256xf32>
    %get3A_13 = arith.constant 0 : index
    %get3A_14 = arith.constant 0 : index
    %get3A_15 = vector.load %arg17[%get3A_13, %get3A_14] : memref<4x256xf32, #tpu.memory_space<vmem>>, vector<1x256xf32>
    %mul3A = vector.broadcast %get3A_15 : vector<1x256xf32> to vector<4096x256xf32>
    %mul3A_16 = arith.mulf %dot_general3A_12, %mul3A : vector<4096x256xf32>
    %get3A_17 = arith.constant 1 : index
    %get3A_18 = arith.constant 0 : index
    %get3A_19 = vector.load %arg17[%get3A_17, %get3A_18] : memref<4x256xf32, #tpu.memory_space<vmem>>, vector<1x256xf32>
    %add3A = vector.broadcast %get3A_19 : vector<1x256xf32> to vector<4096x256xf32>
    %add3A_20 = arith.addf %mul3A_16, %add3A : vector<4096x256xf32>
    %max3A = arith.constant 0.000000e+00 : f32
    %max3A_21 = vector.broadcast %max3A : f32 to vector<4096x256xf32>
    %max3A_22 = arith.maximumf %add3A_20, %max3A_21 : vector<4096x256xf32>
    %get3A_23 = arith.constant 0 : index
    %get3A_24 = arith.constant 0 : index
    %get3A_25 = vector.load %arg7[%get3A_23, %get3A_24] : memref<256x256xf32, #tpu.memory_space<vmem>>, vector<256x256xf32>
    %dot_general3A_26 = arith.constant dense<0.000000e+00> : vector<4096x256xf32>
    %dot_general3A_27 = tpu.matmul %max3A_22, %get3A_25, %dot_general3A_26 {dimension_numbers = #tpu.dot_dimension_numbers<[1], [0], [0], [1], [0, 0, 1, 1], [], []>, transpose_lhs_hint = false} : vector<4096x256xf32>, vector<256x256xf32>, vector<4096x256xf32> -> vector<4096x256xf32>
    %get3A_28 = arith.constant 2 : index
    %get3A_29 = arith.constant 0 : index
    %get3A_30 = vector.load %arg17[%get3A_28, %get3A_29] : memref<4x256xf32, #tpu.memory_space<vmem>>, vector<1x256xf32>
    %mul3A_31 = vector.broadcast %get3A_30 : vector<1x256xf32> to vector<4096x256xf32>
    %mul3A_32 = arith.mulf %dot_general3A_27, %mul3A_31 : vector<4096x256xf32>
    %get3A_33 = arith.constant 3 : index
    %get3A_34 = arith.constant 0 : index
    %get3A_35 = vector.load %arg17[%get3A_33, %get3A_34] : memref<4x256xf32, #tpu.memory_space<vmem>>, vector<1x256xf32>
    %add3A_36 = vector.broadcast %get3A_35 : vector<1x256xf32> to vector<4096x256xf32>
    %add3A_37 = arith.addf %mul3A_32, %add3A_36 : vector<4096x256xf32>
    %max3A_38 = arith.constant 0.000000e+00 : f32
    %max3A_39 = vector.broadcast %max3A_38 : f32 to vector<4096x256xf32>
    %max3A_40 = arith.maximumf %add3A_37, %max3A_39 : vector<4096x256xf32>
    %eq3A_41 = arith.constant 0 : i32
    %eq3A_42 = arith.cmpi eq, %arg0, %eq3A_41 : i32
    %convert_element_type3A_43 = arith.extui %eq3A_42 : i1 to i32
    %cond3A_44 = arith.constant 0 : i32
    %cond3A_45 = arith.cmpi ne, %convert_element_type3A_43, %cond3A_44 : i32
    scf.if %cond3A_45 {
      %broadcast_in_dim3A_63 = arith.constant 0.000000e+00 : f32
      %broadcast_in_dim3A_64 = vector.broadcast %broadcast_in_dim3A_63 : f32 to vector<256x256xf32>
      %swap3A_65 = arith.constant 0 : index
      %swap3A_66 = arith.constant 0 : index
      %swap3A_67 = vector.load %arg15[%swap3A_65, %swap3A_66] : memref<256x256xf32, #tpu.memory_space<vmem>>, vector<256x256xf32>
      tpu.vector_store %arg15[%swap3A_65, %swap3A_66], %broadcast_in_dim3A_64 {strides = array<i32>} : memref<256x256xf32, #tpu.memory_space<vmem>>, vector<256x256xf32>,
      %broadcast_in_dim3A_68 = arith.constant 0.000000e+00 : f32
      %broadcast_in_dim3A_69 = vector.broadcast %broadcast_in_dim3A_68 : f32 to vector<1x256xf32>
      %swap3A_70 = arith.constant 0 : index
      %swap3A_71 = arith.constant 0 : index
      %swap3A_72 = vector.load %arg16[%swap3A_70, %swap3A_71] : memref<1x256xf32, #tpu.memory_space<vmem>>, vector<1x256xf32>
      tpu.vector_store %arg16[%swap3A_70, %swap3A_71], %broadcast_in_dim3A_69 {strides = array<i32>} : memref<1x256xf32, #tpu.memory_space<vmem>>, vector<1x256xf32>,
    } else {
    }
    %get3A_46 = arith.constant 0 : index
    %get3A_47 = arith.constant 0 : index
    %get3A_48 = vector.load %arg15[%get3A_46, %get3A_47] : memref<256x256xf32, #tpu.memory_space<vmem>>, vector<256x256xf32>
    %dot_general3A_49 = arith.constant dense<0.000000e+00> : vector<256x256xf32>
    %dot_general3A_50 = tpu.matmul %max3A_40, %max3A_40, %dot_general3A_49 {dimension_numbers = #tpu.dot_dimension_numbers<[0], [0], [1], [1], [0, 1, 1, 1], [], []>, transpose_lhs_hint = false} : vector<4096x256xf32>, vector<4096x256xf32>, vector<256x256xf32> -> vector<256x256xf32>
    %add3A_51 = arith.addf %get3A_48, %dot_general3A_50 : vector<256x256xf32>
    %swap3A = arith.constant 0 : index
    %swap3A_52 = arith.constant 0 : index
    %swap3A_53 = vector.load %arg15[%swap3A, %swap3A_52] : memref<256x256xf32, #tpu.memory_space<vmem>>, vector<256x256xf32>
    tpu.vector_store %arg15[%swap3A, %swap3A_52], %add3A_51 {strides = array<i32>} : memref<256x256xf32, #tpu.memory_space<vmem>>, vector<256x256xf32>,
    %get3A_54 = arith.constant 0 : index
    %get3A_55 = arith.constant 0 : index
    %get3A_56 = vector.load %arg16[%get3A_54, %get3A_55] : memref<1x256xf32, #tpu.memory_space<vmem>>, vector<1x256xf32>
    %reduce_sum3A = arith.constant dense<0.000000e+00> : vector<256xf32>
    %reduce_sum3A_57 = vector.multi_reduction <add>, %max3A_40, %reduce_sum3A [0] : vector<4096x256xf32> to vector<256xf32>
    %broadcast_in_dim3A_58 = vector.shape_cast %reduce_sum3A_57 : vector<256xf32> to vector<1x256xf32>
    %add3A_59 = arith.addf %get3A_56, %broadcast_in_dim3A_58 : vector<1x256xf32>
    %swap3A_60 = arith.constant 0 : index
    %swap3A_61 = arith.constant 0 : index
    %swap3A_62 = vector.load %arg16[%swap3A_60, %swap3A_61] : memref<1x256xf32, #tpu.memory_space<vmem>>, vector<1x256xf32>
    tpu.vector_store %arg16[%swap3A_60, %swap3A_61], %add3A_59 {strides = array<i32>} : memref<1x256xf32, #tpu.memory_space<vmem>>, vector<1x256xf32>,
    return
  }
  func.func @transform_0(%arg0: i32) -> (i32, i32) {
    %c0_i32 = arith.constant 0 : i32
    %c0_i32_0 = arith.constant 0 : i32
    return %arg0, %c0_i32 : i32, i32
  }
  func.func @transform_1(%arg0: i32) -> (i32, i32) {
    %c0_i32 = arith.constant 0 : i32
    %c0_i32_0 = arith.constant 0 : i32
    return %arg0, %c0_i32 : i32, i32
  }
  func.func @transform_2(%arg0: i32) -> (i32, i32) {
    %c0_i32 = arith.constant 0 : i32
    %c0_i32_0 = arith.constant 0 : i32
    %c0_i32_1 = arith.constant 0 : i32
    return %c0_i32, %c0_i32_0 : i32, i32
  }
  func.func @transform_3(%arg0: i32) -> (i32, i32) {
    %c0_i32 = arith.constant 0 : i32
    %c0_i32_0 = arith.constant 0 : i32
    %c0_i32_1 = arith.constant 0 : i32
    return %c0_i32, %c0_i32_0 : i32, i32
  }
  func.func @transform_4(%arg0: i32) -> (i32, i32) {
    %c0_i32 = arith.constant 0 : i32
    %c0_i32_0 = arith.constant 0 : i32
    %c0_i32_1 = arith.constant 0 : i32
    return %c0_i32, %c0_i32_0 : i32, i32
  }
  func.func @transform_5(%arg0: i32) -> (i32, i32) {
    %c0_i32 = arith.constant 0 : i32
    %c0_i32_0 = arith.constant 0 : i32
    %c0_i32_1 = arith.constant 0 : i32
    return %c0_i32, %c0_i32_0 : i32, i32
  }
  func.func @transform_6(%arg0: i32) -> (i32, i32) {
    %c0_i32 = arith.constant 0 : i32
    %c0_i32_0 = arith.constant 0 : i32
    %c0_i32_1 = arith.constant 0 : i32
    return %c0_i32, %c0_i32_0 : i32, i32
  }
  func.func @transform_7(%arg0: i32) -> (i32, i32) {
    %c0_i32 = arith.constant 0 : i32
    %c0_i32_0 = arith.constant 0 : i32
    %c0_i32_1 = arith.constant 0 : i32
    return %c0_i32, %c0_i32_0 : i32, i32
  }
  func.func @transform_8(%arg0: i32) -> (i32, i32) {
    %c0_i32 = arith.constant 0 : i32
    %c0_i32_0 = arith.constant 0 : i32
    %c0_i32_1 = arith.constant 0 : i32
    return %c0_i32, %c0_i32_0 : i32, i32
  }
  func.func @transform_9(%arg0: i32) -> (i32, i32) {
    %c0_i32 = arith.constant 0 : i32
    %c0_i32_0 = arith.constant 0 : i32
    %c0_i32_1 = arith.constant 0 : i32
    return %c0_i32, %c0_i32_0 : i32, i32
  }
  func.func @transform_10(%arg0: i32) -> (i32, i32) {
    %c0_i32 = arith.constant 0 : i32
    %c0_i32_0 = arith.constant 0 : i32
    %c0_i32_1 = arith.constant 0 : i32
    return %c0_i32, %c0_i32_0 : i32, i32
  }
  func.func @transform_11(%arg0: i32) -> (i32, i32) {
    %c0_i32 = arith.constant 0 : i32
    %c0_i32_0 = arith.constant 0 : i32
    %c0_i32_1 = arith.constant 0 : i32
    return %c0_i32, %c0_i32_0 : i32, i32
  }
  func.func @transform_12(%arg0: i32) -> (i32, i32) {
    %c0_i32 = arith.constant 0 : i32
    %c0_i32_0 = arith.constant 0 : i32
    %c0_i32_1 = arith.constant 0 : i32
    return %c0_i32, %c0_i32_0 : i32, i32
  }
  func.func @transform_13(%arg0: i32) -> (i32, i32) {
    %c0_i32 = arith.constant 0 : i32
    %c0_i32_0 = arith.constant 0 : i32
    %c0_i32_1 = arith.constant 0 : i32
    return %c0_i32, %c0_i32_0 : i32, i32
  }
  func.func @transform_14(%arg0: i32) -> (i32, i32) {
    %c0_i32 = arith.constant 0 : i32
    %c0_i32_0 = arith.constant 0 : i32
    %c0_i32_1 = arith.constant 0 : i32
    return %c0_i32, %c0_i32_0 : i32, i32
  }
  func.func @transform_15(%arg0: i32) -> (i32, i32) {
    %c0_i32 = arith.constant 0 : i32
    %c0_i32_0 = arith.constant 0 : i32
    %c0_i32_1 = arith.constant 0 : i32
    return %c0_i32, %c0_i32_0 : i32, i32
  }
}

module attributes {stable_mosaic.version = 14 : i64} {
  func.func @body(%arg0: i32, %arg1: memref<4096x256xf32, #tpu.memory_space<vmem>>, %arg2: memref<1024x256xf32, #tpu.memory_space<vmem>>, %arg3: memref<256x256xf32, #tpu.memory_space<vmem>>, %arg4: memref<32x32xf32, #tpu.memory_space<vmem>>, %arg5: memref<1x32xf32, #tpu.memory_space<vmem>>, %arg6: memref<1x32xf32, #tpu.memory_space<vmem>>, %arg7: memref<256x256xf32, #tpu.memory_space<vmem>>, %arg8: memref<32x32xf32, #tpu.memory_space<vmem>>, %arg9: memref<1x32xf32, #tpu.memory_space<vmem>>, %arg10: memref<1x32xf32, #tpu.memory_space<vmem>>, %arg11: memref<256x512xf32, #tpu.memory_space<vmem>>, %arg12: memref<32x64xf32, #tpu.memory_space<vmem>>, %arg13: memref<1x64xf32, #tpu.memory_space<vmem>>, %arg14: memref<1x64xf32, #tpu.memory_space<vmem>>, %arg15: memref<256x256xf32, #tpu.memory_space<vmem>>, %arg16: memref<1x256xf32, #tpu.memory_space<vmem>>, %arg17: memref<256x256xf32, #tpu.memory_space<vmem>>, %arg18: memref<1x256xf32, #tpu.memory_space<vmem>>, %arg19: memref<256x256xf32, #tpu.memory_space<vmem>>, %arg20: memref<1x256xf32, #tpu.memory_space<vmem>>, %arg21: memref<1024x1xi32, #tpu.memory_space<vmem>>, %arg22: memref<1024x64xf32, #tpu.memory_space<vmem>>, %arg23: memref<4x256xf32, #tpu.memory_space<vmem>>, %arg24: memref<2x512xf32, #tpu.memory_space<vmem>>) attributes {dimension_semantics = [#tpu.dimension_semantics<arbitrary>], iteration_bounds = array<i64: 4>, scalar_prefetch = 0 : i64, scratch_operands = 2 : i64, tpu.core_type = #tpu.core_type<tc>, window_params = [{transform_indices = @transform_0, window_bounds = array<i64: 4096, 256>}, {transform_indices = @transform_1, window_bounds = array<i64: 1024, 256>}, {pipeline_mode = #tpu.pipeline_mode<synchronous>, transform_indices = @transform_2, window_bounds = array<i64: 256, 256>}, {pipeline_mode = #tpu.pipeline_mode<synchronous>, transform_indices = @transform_3, window_bounds = array<i64: 32, 32>}, {pipeline_mode = #tpu.pipeline_mode<synchronous>, transform_indices = @transform_4, window_bounds = array<i64: 1, 32>}, {pipeline_mode = #tpu.pipeline_mode<synchronous>, transform_indices = @transform_5, window_bounds = array<i64: 1, 32>}, {pipeline_mode = #tpu.pipeline_mode<synchronous>, transform_indices = @transform_6, window_bounds = array<i64: 256, 256>}, {pipeline_mode = #tpu.pipeline_mode<synchronous>, transform_indices = @transform_7, window_bounds = array<i64: 32, 32>}, {pipeline_mode = #tpu.pipeline_mode<synchronous>, transform_indices = @transform_8, window_bounds = array<i64: 1, 32>}, {pipeline_mode = #tpu.pipeline_mode<synchronous>, transform_indices = @transform_9, window_bounds = array<i64: 1, 32>}, {pipeline_mode = #tpu.pipeline_mode<synchronous>, transform_indices = @transform_10, window_bounds = array<i64: 256, 512>}, {pipeline_mode = #tpu.pipeline_mode<synchronous>, transform_indices = @transform_11, window_bounds = array<i64: 32, 64>}, {pipeline_mode = #tpu.pipeline_mode<synchronous>, transform_indices = @transform_12, window_bounds = array<i64: 1, 64>}, {pipeline_mode = #tpu.pipeline_mode<synchronous>, transform_indices = @transform_13, window_bounds = array<i64: 1, 64>}, {pipeline_mode = #tpu.pipeline_mode<synchronous>, transform_indices = @transform_14, window_bounds = array<i64: 256, 256>}, {pipeline_mode = #tpu.pipeline_mode<synchronous>, transform_indices = @transform_15, window_bounds = array<i64: 1, 256>}, {pipeline_mode = #tpu.pipeline_mode<synchronous>, transform_indices = @transform_16, window_bounds = array<i64: 256, 256>}, {pipeline_mode = #tpu.pipeline_mode<synchronous>, transform_indices = @transform_17, window_bounds = array<i64: 1, 256>}, {pipeline_mode = #tpu.pipeline_mode<synchronous>, transform_indices = @transform_18, window_bounds = array<i64: 256, 256>}, {pipeline_mode = #tpu.pipeline_mode<synchronous>, transform_indices = @transform_19, window_bounds = array<i64: 1, 256>}, {transform_indices = @transform_20, window_bounds = array<i64: 1024, 1>}, {transform_indices = @transform_21, window_bounds = array<i64: 1024, 64>}]} {
    %eq3A = arith.constant 0 : i32
    %eq3A_0 = arith.cmpi eq, %arg0, %eq3A : i32
    %convert_element_type3A = arith.extui %eq3A_0 : i1 to i32
    %cond3A = arith.constant 0 : i32
    %cond3A_1 = arith.cmpi ne, %convert_element_type3A, %cond3A : i32
    scf.if %cond3A_1 {
      %get3A_86 = arith.constant 0 : index
      %get3A_87 = arith.constant 0 : index
      %get3A_88 = vector.load %arg15[%get3A_86, %get3A_87] : memref<256x256xf32, #tpu.memory_space<vmem>>, vector<256x256xf32>
      %get3A_89 = arith.constant 0 : index
      %get3A_90 = arith.constant 0 : index
      %get3A_91 = vector.load %arg16[%get3A_89, %get3A_90] : memref<1x256xf32, #tpu.memory_space<vmem>>, vector<1x256xf32>
      %broadcast_in_dim3A_92 = arith.constant 0.000000e+00 : f32
      %broadcast_in_dim3A_93 = vector.broadcast %broadcast_in_dim3A_92 : f32 to vector<32x32xf32>
      %broadcast_in_dim3A_94 = arith.constant 0.000000e+00 : f32
      %broadcast_in_dim3A_95 = vector.broadcast %broadcast_in_dim3A_94 : f32 to vector<1x32xf32>
      %slice3A_96 = vector.extract_strided_slice %get3A_88 {offsets = [0, 0], sizes = [32, 32], strides = [1, 1]} : vector<256x256xf32> to vector<32x32xf32>
      %add3A_97 = arith.addf %broadcast_in_dim3A_93, %slice3A_96 : vector<32x32xf32>
      %slice3A_98 = vector.extract_strided_slice %get3A_91 {offsets = [0, 0], sizes = [1, 32], strides = [1, 1]} : vector<1x256xf32> to vector<1x32xf32>
      %add3A_99 = arith.addf %broadcast_in_dim3A_95, %slice3A_98 : vector<1x32xf32>
      %slice3A_100 = vector.extract_strided_slice %get3A_88 {offsets = [32, 32], sizes = [32, 32], strides = [1, 1]} : vector<256x256xf32> to vector<32x32xf32>
      %add3A_101 = arith.addf %add3A_97, %slice3A_100 : vector<32x32xf32>
      %slice3A_102 = vector.extract_strided_slice %get3A_91 {offsets = [0, 32], sizes = [1, 32], strides = [1, 1]} : vector<1x256xf32> to vector<1x32xf32>
      %add3A_103 = arith.addf %add3A_99, %slice3A_102 : vector<1x32xf32>
      %slice3A_104 = vector.extract_strided_slice %get3A_88 {offsets = [64, 64], sizes = [32, 32], strides = [1, 1]} : vector<256x256xf32> to vector<32x32xf32>
      %add3A_105 = arith.addf %add3A_101, %slice3A_104 : vector<32x32xf32>
      %slice3A_106 = vector.extract_strided_slice %get3A_91 {offsets = [0, 64], sizes = [1, 32], strides = [1, 1]} : vector<1x256xf32> to vector<1x32xf32>
      %add3A_107 = arith.addf %add3A_103, %slice3A_106 : vector<1x32xf32>
      %slice3A_108 = vector.extract_strided_slice %get3A_88 {offsets = [96, 96], sizes = [32, 32], strides = [1, 1]} : vector<256x256xf32> to vector<32x32xf32>
      %add3A_109 = arith.addf %add3A_105, %slice3A_108 : vector<32x32xf32>
      %slice3A_110 = vector.extract_strided_slice %get3A_91 {offsets = [0, 96], sizes = [1, 32], strides = [1, 1]} : vector<1x256xf32> to vector<1x32xf32>
      %add3A_111 = arith.addf %add3A_107, %slice3A_110 : vector<1x32xf32>
      %slice3A_112 = vector.extract_strided_slice %get3A_88 {offsets = [128, 128], sizes = [32, 32], strides = [1, 1]} : vector<256x256xf32> to vector<32x32xf32>
      %add3A_113 = arith.addf %add3A_109, %slice3A_112 : vector<32x32xf32>
      %slice3A_114 = vector.extract_strided_slice %get3A_91 {offsets = [0, 128], sizes = [1, 32], strides = [1, 1]} : vector<1x256xf32> to vector<1x32xf32>
      %add3A_115 = arith.addf %add3A_111, %slice3A_114 : vector<1x32xf32>
      %slice3A_116 = vector.extract_strided_slice %get3A_88 {offsets = [160, 160], sizes = [32, 32], strides = [1, 1]} : vector<256x256xf32> to vector<32x32xf32>
      %add3A_117 = arith.addf %add3A_113, %slice3A_116 : vector<32x32xf32>
      %slice3A_118 = vector.extract_strided_slice %get3A_91 {offsets = [0, 160], sizes = [1, 32], strides = [1, 1]} : vector<1x256xf32> to vector<1x32xf32>
      %add3A_119 = arith.addf %add3A_115, %slice3A_118 : vector<1x32xf32>
      %slice3A_120 = vector.extract_strided_slice %get3A_88 {offsets = [192, 192], sizes = [32, 32], strides = [1, 1]} : vector<256x256xf32> to vector<32x32xf32>
      %add3A_121 = arith.addf %add3A_117, %slice3A_120 : vector<32x32xf32>
      %slice3A_122 = vector.extract_strided_slice %get3A_91 {offsets = [0, 192], sizes = [1, 32], strides = [1, 1]} : vector<1x256xf32> to vector<1x32xf32>
      %add3A_123 = arith.addf %add3A_119, %slice3A_122 : vector<1x32xf32>
      %slice3A_124 = vector.extract_strided_slice %get3A_88 {offsets = [224, 224], sizes = [32, 32], strides = [1, 1]} : vector<256x256xf32> to vector<32x32xf32>
      %add3A_125 = arith.addf %add3A_121, %slice3A_124 : vector<32x32xf32>
      %slice3A_126 = vector.extract_strided_slice %get3A_91 {offsets = [0, 224], sizes = [1, 32], strides = [1, 1]} : vector<1x256xf32> to vector<1x32xf32>
      %add3A_127 = arith.addf %add3A_123, %slice3A_126 : vector<1x32xf32>
      %get3A_128 = arith.constant 0 : index
      %get3A_129 = arith.constant 0 : index
      %get3A_130 = vector.load %arg4[%get3A_128, %get3A_129] : memref<32x32xf32, #tpu.memory_space<vmem>>, vector<32x32xf32>
      %get3A_131 = arith.constant 0 : index
      %get3A_132 = arith.constant 0 : index
      %get3A_133 = vector.load %arg5[%get3A_131, %get3A_132] : memref<1x32xf32, #tpu.memory_space<vmem>>, vector<1x32xf32>
      %get3A_134 = arith.constant 0 : index
      %get3A_135 = arith.constant 0 : index
      %get3A_136 = vector.load %arg6[%get3A_134, %get3A_135] : memref<1x32xf32, #tpu.memory_space<vmem>>, vector<1x32xf32>
      %dot_general3A_137 = arith.constant dense<0.000000e+00> : vector<1x32xf32>
      %dot_general3A_138 = tpu.matmul %add3A_127, %get3A_130, %dot_general3A_137 {dimension_numbers = #tpu.dot_dimension_numbers<[1], [0], [0], [1], [0, 0, 1, 1], [], []>, precision = #tpu.contract_precision<fp32>, transpose_lhs_hint = false} : vector<1x32xf32>, vector<32x32xf32>, vector<1x32xf32> -> vector<1x32xf32>
      %div3A = arith.constant 1.310720e+05 : f32
      %div3A_139 = vector.broadcast %div3A : f32 to vector<1x32xf32>
      %div3A_140 = arith.divf %dot_general3A_138, %div3A_139 : vector<1x32xf32>
      %dot_general3A_141 = arith.constant dense<0.000000e+00> : vector<32x32xf32>
      %dot_general3A_142 = tpu.matmul %add3A_125, %get3A_130, %dot_general3A_141 {dimension_numbers = #tpu.dot_dimension_numbers<[1], [0], [0], [1], [0, 0, 1, 1], [], []>, precision = #tpu.contract_precision<fp32>, transpose_lhs_hint = false} : vector<32x32xf32>, vector<32x32xf32>, vector<32x32xf32> -> vector<32x32xf32>
      %mul3A_143 = arith.mulf %get3A_130, %dot_general3A_142 : vector<32x32xf32>
      %reduce_sum3A = arith.constant dense<0.000000e+00> : vector<32xf32>
      %reduce_sum3A_144 = vector.multi_reduction <add>, %mul3A_143, %reduce_sum3A [0] : vector<32x32xf32> to vector<32xf32>
      %broadcast_in_dim3A_145 = vector.shape_cast %reduce_sum3A_144 : vector<32xf32> to vector<1x32xf32>
      %div3A_146 = arith.constant 1.310720e+05 : f32
      %div3A_147 = vector.broadcast %div3A_146 : f32 to vector<1x32xf32>
      %div3A_148 = arith.divf %broadcast_in_dim3A_145, %div3A_147 : vector<1x32xf32>
      %mul3A_149 = arith.mulf %div3A_140, %div3A_140 : vector<1x32xf32>
      %sub3A_150 = arith.subf %div3A_148, %mul3A_149 : vector<1x32xf32>
      %add3A_151 = arith.constant 9.99999974E-6 : f32
      %add3A_152 = vector.broadcast %add3A_151 : f32 to vector<1x32xf32>
      %add3A_153 = arith.addf %sub3A_150, %add3A_152 : vector<1x32xf32>
      %rsqrt3A = math.rsqrt %add3A_153 : vector<1x32xf32>
      %mul3A_154 = arith.mulf %get3A_133, %rsqrt3A : vector<1x32xf32>
      %mul3A_155 = arith.mulf %div3A_140, %mul3A_154 : vector<1x32xf32>
      %sub3A_156 = arith.subf %get3A_136, %mul3A_155 : vector<1x32xf32>
      %concatenate3A = tpu.concatenate %mul3A_154, %mul3A_154, %mul3A_154, %mul3A_154, %mul3A_154, %mul3A_154, %mul3A_154, %mul3A_154 in 1 : vector<1x32xf32>, vector<1x32xf32>, vector<1x32xf32>, vector<1x32xf32>, vector<1x32xf32>, vector<1x32xf32>, vector<1x32xf32>, vector<1x32xf32> -> vector<1x256xf32>
      %concatenate3A_157 = tpu.concatenate %sub3A_156, %sub3A_156, %sub3A_156, %sub3A_156, %sub3A_156, %sub3A_156, %sub3A_156, %sub3A_156 in 1 : vector<1x32xf32>, vector<1x32xf32>, vector<1x32xf32>, vector<1x32xf32>, vector<1x32xf32>, vector<1x32xf32>, vector<1x32xf32>, vector<1x32xf32> -> vector<1x256xf32>
      %get3A_158 = arith.constant 0 : index
      %get3A_159 = arith.constant 0 : index
      %get3A_160 = vector.load %arg17[%get3A_158, %get3A_159] : memref<256x256xf32, #tpu.memory_space<vmem>>, vector<256x256xf32>
      %get3A_161 = arith.constant 0 : index
      %get3A_162 = arith.constant 0 : index
      %get3A_163 = vector.load %arg18[%get3A_161, %get3A_162] : memref<1x256xf32, #tpu.memory_space<vmem>>, vector<1x256xf32>
      %broadcast_in_dim3A_164 = arith.constant 0.000000e+00 : f32
      %broadcast_in_dim3A_165 = vector.broadcast %broadcast_in_dim3A_164 : f32 to vector<32x32xf32>
      %broadcast_in_dim3A_166 = arith.constant 0.000000e+00 : f32
      %broadcast_in_dim3A_167 = vector.broadcast %broadcast_in_dim3A_166 : f32 to vector<1x32xf32>
      %slice3A_168 = vector.extract_strided_slice %get3A_160 {offsets = [0, 0], sizes = [32, 32], strides = [1, 1]} : vector<256x256xf32> to vector<32x32xf32>
      %add3A_169 = arith.addf %broadcast_in_dim3A_165, %slice3A_168 : vector<32x32xf32>
      %slice3A_170 = vector.extract_strided_slice %get3A_163 {offsets = [0, 0], sizes = [1, 32], strides = [1, 1]} : vector<1x256xf32> to vector<1x32xf32>
      %add3A_171 = arith.addf %broadcast_in_dim3A_167, %slice3A_170 : vector<1x32xf32>
      %slice3A_172 = vector.extract_strided_slice %get3A_160 {offsets = [32, 32], sizes = [32, 32], strides = [1, 1]} : vector<256x256xf32> to vector<32x32xf32>
      %add3A_173 = arith.addf %add3A_169, %slice3A_172 : vector<32x32xf32>
      %slice3A_174 = vector.extract_strided_slice %get3A_163 {offsets = [0, 32], sizes = [1, 32], strides = [1, 1]} : vector<1x256xf32> to vector<1x32xf32>
      %add3A_175 = arith.addf %add3A_171, %slice3A_174 : vector<1x32xf32>
      %slice3A_176 = vector.extract_strided_slice %get3A_160 {offsets = [64, 64], sizes = [32, 32], strides = [1, 1]} : vector<256x256xf32> to vector<32x32xf32>
      %add3A_177 = arith.addf %add3A_173, %slice3A_176 : vector<32x32xf32>
      %slice3A_178 = vector.extract_strided_slice %get3A_163 {offsets = [0, 64], sizes = [1, 32], strides = [1, 1]} : vector<1x256xf32> to vector<1x32xf32>
      %add3A_179 = arith.addf %add3A_175, %slice3A_178 : vector<1x32xf32>
      %slice3A_180 = vector.extract_strided_slice %get3A_160 {offsets = [96, 96], sizes = [32, 32], strides = [1, 1]} : vector<256x256xf32> to vector<32x32xf32>
      %add3A_181 = arith.addf %add3A_177, %slice3A_180 : vector<32x32xf32>
      %slice3A_182 = vector.extract_strided_slice %get3A_163 {offsets = [0, 96], sizes = [1, 32], strides = [1, 1]} : vector<1x256xf32> to vector<1x32xf32>
      %add3A_183 = arith.addf %add3A_179, %slice3A_182 : vector<1x32xf32>
      %slice3A_184 = vector.extract_strided_slice %get3A_160 {offsets = [128, 128], sizes = [32, 32], strides = [1, 1]} : vector<256x256xf32> to vector<32x32xf32>
      %add3A_185 = arith.addf %add3A_181, %slice3A_184 : vector<32x32xf32>
      %slice3A_186 = vector.extract_strided_slice %get3A_163 {offsets = [0, 128], sizes = [1, 32], strides = [1, 1]} : vector<1x256xf32> to vector<1x32xf32>
      %add3A_187 = arith.addf %add3A_183, %slice3A_186 : vector<1x32xf32>
      %slice3A_188 = vector.extract_strided_slice %get3A_160 {offsets = [160, 160], sizes = [32, 32], strides = [1, 1]} : vector<256x256xf32> to vector<32x32xf32>
      %add3A_189 = arith.addf %add3A_185, %slice3A_188 : vector<32x32xf32>
      %slice3A_190 = vector.extract_strided_slice %get3A_163 {offsets = [0, 160], sizes = [1, 32], strides = [1, 1]} : vector<1x256xf32> to vector<1x32xf32>
      %add3A_191 = arith.addf %add3A_187, %slice3A_190 : vector<1x32xf32>
      %slice3A_192 = vector.extract_strided_slice %get3A_160 {offsets = [192, 192], sizes = [32, 32], strides = [1, 1]} : vector<256x256xf32> to vector<32x32xf32>
      %add3A_193 = arith.addf %add3A_189, %slice3A_192 : vector<32x32xf32>
      %slice3A_194 = vector.extract_strided_slice %get3A_163 {offsets = [0, 192], sizes = [1, 32], strides = [1, 1]} : vector<1x256xf32> to vector<1x32xf32>
      %add3A_195 = arith.addf %add3A_191, %slice3A_194 : vector<1x32xf32>
      %slice3A_196 = vector.extract_strided_slice %get3A_160 {offsets = [224, 224], sizes = [32, 32], strides = [1, 1]} : vector<256x256xf32> to vector<32x32xf32>
      %add3A_197 = arith.addf %add3A_193, %slice3A_196 : vector<32x32xf32>
      %slice3A_198 = vector.extract_strided_slice %get3A_163 {offsets = [0, 224], sizes = [1, 32], strides = [1, 1]} : vector<1x256xf32> to vector<1x32xf32>
      %add3A_199 = arith.addf %add3A_195, %slice3A_198 : vector<1x32xf32>
      %get3A_200 = arith.constant 0 : index
      %get3A_201 = arith.constant 0 : index
      %get3A_202 = vector.load %arg8[%get3A_200, %get3A_201] : memref<32x32xf32, #tpu.memory_space<vmem>>, vector<32x32xf32>
      %get3A_203 = arith.constant 0 : index
      %get3A_204 = arith.constant 0 : index
      %get3A_205 = vector.load %arg9[%get3A_203, %get3A_204] : memref<1x32xf32, #tpu.memory_space<vmem>>, vector<1x32xf32>
      %get3A_206 = arith.constant 0 : index
      %get3A_207 = arith.constant 0 : index
      %get3A_208 = vector.load %arg10[%get3A_206, %get3A_207] : memref<1x32xf32, #tpu.memory_space<vmem>>, vector<1x32xf32>
      %dot_general3A_209 = arith.constant dense<0.000000e+00> : vector<1x32xf32>
      %dot_general3A_210 = tpu.matmul %add3A_199, %get3A_202, %dot_general3A_209 {dimension_numbers = #tpu.dot_dimension_numbers<[1], [0], [0], [1], [0, 0, 1, 1], [], []>, precision = #tpu.contract_precision<fp32>, transpose_lhs_hint = false} : vector<1x32xf32>, vector<32x32xf32>, vector<1x32xf32> -> vector<1x32xf32>
      %div3A_211 = arith.constant 1.310720e+05 : f32
      %div3A_212 = vector.broadcast %div3A_211 : f32 to vector<1x32xf32>
      %div3A_213 = arith.divf %dot_general3A_210, %div3A_212 : vector<1x32xf32>
      %dot_general3A_214 = arith.constant dense<0.000000e+00> : vector<32x32xf32>
      %dot_general3A_215 = tpu.matmul %add3A_197, %get3A_202, %dot_general3A_214 {dimension_numbers = #tpu.dot_dimension_numbers<[1], [0], [0], [1], [0, 0, 1, 1], [], []>, precision = #tpu.contract_precision<fp32>, transpose_lhs_hint = false} : vector<32x32xf32>, vector<32x32xf32>, vector<32x32xf32> -> vector<32x32xf32>
      %mul3A_216 = arith.mulf %get3A_202, %dot_general3A_215 : vector<32x32xf32>
      %reduce_sum3A_217 = arith.constant dense<0.000000e+00> : vector<32xf32>
      %reduce_sum3A_218 = vector.multi_reduction <add>, %mul3A_216, %reduce_sum3A_217 [0] : vector<32x32xf32> to vector<32xf32>
      %broadcast_in_dim3A_219 = vector.shape_cast %reduce_sum3A_218 : vector<32xf32> to vector<1x32xf32>
      %div3A_220 = arith.constant 1.310720e+05 : f32
      %div3A_221 = vector.broadcast %div3A_220 : f32 to vector<1x32xf32>
      %div3A_222 = arith.divf %broadcast_in_dim3A_219, %div3A_221 : vector<1x32xf32>
      %mul3A_223 = arith.mulf %div3A_213, %div3A_213 : vector<1x32xf32>
      %sub3A_224 = arith.subf %div3A_222, %mul3A_223 : vector<1x32xf32>
      %add3A_225 = arith.constant 9.99999974E-6 : f32
      %add3A_226 = vector.broadcast %add3A_225 : f32 to vector<1x32xf32>
      %add3A_227 = arith.addf %sub3A_224, %add3A_226 : vector<1x32xf32>
      %rsqrt3A_228 = math.rsqrt %add3A_227 : vector<1x32xf32>
      %mul3A_229 = arith.mulf %get3A_205, %rsqrt3A_228 : vector<1x32xf32>
      %mul3A_230 = arith.mulf %div3A_213, %mul3A_229 : vector<1x32xf32>
      %sub3A_231 = arith.subf %get3A_208, %mul3A_230 : vector<1x32xf32>
      %concatenate3A_232 = tpu.concatenate %mul3A_229, %mul3A_229, %mul3A_229, %mul3A_229, %mul3A_229, %mul3A_229, %mul3A_229, %mul3A_229 in 1 : vector<1x32xf32>, vector<1x32xf32>, vector<1x32xf32>, vector<1x32xf32>, vector<1x32xf32>, vector<1x32xf32>, vector<1x32xf32>, vector<1x32xf32> -> vector<1x256xf32>
      %concatenate3A_233 = tpu.concatenate %sub3A_231, %sub3A_231, %sub3A_231, %sub3A_231, %sub3A_231, %sub3A_231, %sub3A_231, %sub3A_231 in 1 : vector<1x32xf32>, vector<1x32xf32>, vector<1x32xf32>, vector<1x32xf32>, vector<1x32xf32>, vector<1x32xf32>, vector<1x32xf32>, vector<1x32xf32> -> vector<1x256xf32>
      %get3A_234 = arith.constant 0 : index
      %get3A_235 = arith.constant 0 : index
      %get3A_236 = vector.load %arg19[%get3A_234, %get3A_235] : memref<256x256xf32, #tpu.memory_space<vmem>>, vector<256x256xf32>
      %get3A_237 = arith.constant 0 : index
      %get3A_238 = arith.constant 0 : index
      %get3A_239 = vector.load %arg20[%get3A_237, %get3A_238] : memref<1x256xf32, #tpu.memory_space<vmem>>, vector<1x256xf32>
      %broadcast_in_dim3A_240 = arith.constant 0.000000e+00 : f32
      %broadcast_in_dim3A_241 = vector.broadcast %broadcast_in_dim3A_240 : f32 to vector<32x32xf32>
      %broadcast_in_dim3A_242 = arith.constant 0.000000e+00 : f32
      %broadcast_in_dim3A_243 = vector.broadcast %broadcast_in_dim3A_242 : f32 to vector<1x32xf32>
      %slice3A_244 = vector.extract_strided_slice %get3A_236 {offsets = [0, 0], sizes = [32, 32], strides = [1, 1]} : vector<256x256xf32> to vector<32x32xf32>
      %add3A_245 = arith.addf %broadcast_in_dim3A_241, %slice3A_244 : vector<32x32xf32>
      %slice3A_246 = vector.extract_strided_slice %get3A_239 {offsets = [0, 0], sizes = [1, 32], strides = [1, 1]} : vector<1x256xf32> to vector<1x32xf32>
      %add3A_247 = arith.addf %broadcast_in_dim3A_243, %slice3A_246 : vector<1x32xf32>
      %slice3A_248 = vector.extract_strided_slice %get3A_236 {offsets = [32, 32], sizes = [32, 32], strides = [1, 1]} : vector<256x256xf32> to vector<32x32xf32>
      %add3A_249 = arith.addf %add3A_245, %slice3A_248 : vector<32x32xf32>
      %slice3A_250 = vector.extract_strided_slice %get3A_239 {offsets = [0, 32], sizes = [1, 32], strides = [1, 1]} : vector<1x256xf32> to vector<1x32xf32>
      %add3A_251 = arith.addf %add3A_247, %slice3A_250 : vector<1x32xf32>
      %slice3A_252 = vector.extract_strided_slice %get3A_236 {offsets = [64, 64], sizes = [32, 32], strides = [1, 1]} : vector<256x256xf32> to vector<32x32xf32>
      %add3A_253 = arith.addf %add3A_249, %slice3A_252 : vector<32x32xf32>
      %slice3A_254 = vector.extract_strided_slice %get3A_239 {offsets = [0, 64], sizes = [1, 32], strides = [1, 1]} : vector<1x256xf32> to vector<1x32xf32>
      %add3A_255 = arith.addf %add3A_251, %slice3A_254 : vector<1x32xf32>
      %slice3A_256 = vector.extract_strided_slice %get3A_236 {offsets = [96, 96], sizes = [32, 32], strides = [1, 1]} : vector<256x256xf32> to vector<32x32xf32>
      %add3A_257 = arith.addf %add3A_253, %slice3A_256 : vector<32x32xf32>
      %slice3A_258 = vector.extract_strided_slice %get3A_239 {offsets = [0, 96], sizes = [1, 32], strides = [1, 1]} : vector<1x256xf32> to vector<1x32xf32>
      %add3A_259 = arith.addf %add3A_255, %slice3A_258 : vector<1x32xf32>
      %slice3A_260 = vector.extract_strided_slice %get3A_236 {offsets = [128, 128], sizes = [32, 32], strides = [1, 1]} : vector<256x256xf32> to vector<32x32xf32>
      %add3A_261 = arith.addf %add3A_257, %slice3A_260 : vector<32x32xf32>
      %slice3A_262 = vector.extract_strided_slice %get3A_239 {offsets = [0, 128], sizes = [1, 32], strides = [1, 1]} : vector<1x256xf32> to vector<1x32xf32>
      %add3A_263 = arith.addf %add3A_259, %slice3A_262 : vector<1x32xf32>
      %slice3A_264 = vector.extract_strided_slice %get3A_236 {offsets = [160, 160], sizes = [32, 32], strides = [1, 1]} : vector<256x256xf32> to vector<32x32xf32>
      %add3A_265 = arith.addf %add3A_261, %slice3A_264 : vector<32x32xf32>
      %slice3A_266 = vector.extract_strided_slice %get3A_239 {offsets = [0, 160], sizes = [1, 32], strides = [1, 1]} : vector<1x256xf32> to vector<1x32xf32>
      %add3A_267 = arith.addf %add3A_263, %slice3A_266 : vector<1x32xf32>
      %slice3A_268 = vector.extract_strided_slice %get3A_236 {offsets = [192, 192], sizes = [32, 32], strides = [1, 1]} : vector<256x256xf32> to vector<32x32xf32>
      %add3A_269 = arith.addf %add3A_265, %slice3A_268 : vector<32x32xf32>
      %slice3A_270 = vector.extract_strided_slice %get3A_239 {offsets = [0, 192], sizes = [1, 32], strides = [1, 1]} : vector<1x256xf32> to vector<1x32xf32>
      %add3A_271 = arith.addf %add3A_267, %slice3A_270 : vector<1x32xf32>
      %slice3A_272 = vector.extract_strided_slice %get3A_236 {offsets = [224, 224], sizes = [32, 32], strides = [1, 1]} : vector<256x256xf32> to vector<32x32xf32>
      %add3A_273 = arith.addf %add3A_269, %slice3A_272 : vector<32x32xf32>
      %slice3A_274 = vector.extract_strided_slice %get3A_239 {offsets = [0, 224], sizes = [1, 32], strides = [1, 1]} : vector<1x256xf32> to vector<1x32xf32>
      %add3A_275 = arith.addf %add3A_271, %slice3A_274 : vector<1x32xf32>
      %get3A_276 = arith.constant 0 : index
      %get3A_277 = arith.constant 0 : index
      %get3A_278 = vector.load %arg12[%get3A_276, %get3A_277] : memref<32x64xf32, #tpu.memory_space<vmem>>, vector<32x64xf32>
      %get3A_279 = arith.constant 0 : index
      %get3A_280 = arith.constant 0 : index
      %get3A_281 = vector.load %arg13[%get3A_279, %get3A_280] : memref<1x64xf32, #tpu.memory_space<vmem>>, vector<1x64xf32>
      %get3A_282 = arith.constant 0 : index
      %get3A_283 = arith.constant 0 : index
      %get3A_284 = vector.load %arg14[%get3A_282, %get3A_283] : memref<1x64xf32, #tpu.memory_space<vmem>>, vector<1x64xf32>
      %dot_general3A_285 = arith.constant dense<0.000000e+00> : vector<1x64xf32>
      %dot_general3A_286 = tpu.matmul %add3A_275, %get3A_278, %dot_general3A_285 {dimension_numbers = #tpu.dot_dimension_numbers<[1], [0], [0], [1], [0, 0, 1, 1], [], []>, precision = #tpu.contract_precision<fp32>, transpose_lhs_hint = false} : vector<1x32xf32>, vector<32x64xf32>, vector<1x64xf32> -> vector<1x64xf32>
      %div3A_287 = arith.constant 1.310720e+05 : f32
      %div3A_288 = vector.broadcast %div3A_287 : f32 to vector<1x64xf32>
      %div3A_289 = arith.divf %dot_general3A_286, %div3A_288 : vector<1x64xf32>
      %dot_general3A_290 = arith.constant dense<0.000000e+00> : vector<32x64xf32>
      %dot_general3A_291 = tpu.matmul %add3A_273, %get3A_278, %dot_general3A_290 {dimension_numbers = #tpu.dot_dimension_numbers<[1], [0], [0], [1], [0, 0, 1, 1], [], []>, precision = #tpu.contract_precision<fp32>, transpose_lhs_hint = false} : vector<32x32xf32>, vector<32x64xf32>, vector<32x64xf32> -> vector<32x64xf32>
      %mul3A_292 = arith.mulf %get3A_278, %dot_general3A_291 : vector<32x64xf32>
      %reduce_sum3A_293 = arith.constant dense<0.000000e+00> : vector<64xf32>
      %reduce_sum3A_294 = vector.multi_reduction <add>, %mul3A_292, %reduce_sum3A_293 [0] : vector<32x64xf32> to vector<64xf32>
      %broadcast_in_dim3A_295 = vector.shape_cast %reduce_sum3A_294 : vector<64xf32> to vector<1x64xf32>
      %div3A_296 = arith.constant 1.310720e+05 : f32
      %div3A_297 = vector.broadcast %div3A_296 : f32 to vector<1x64xf32>
      %div3A_298 = arith.divf %broadcast_in_dim3A_295, %div3A_297 : vector<1x64xf32>
      %mul3A_299 = arith.mulf %div3A_289, %div3A_289 : vector<1x64xf32>
      %sub3A_300 = arith.subf %div3A_298, %mul3A_299 : vector<1x64xf32>
      %add3A_301 = arith.constant 9.99999974E-6 : f32
      %add3A_302 = vector.broadcast %add3A_301 : f32 to vector<1x64xf32>
      %add3A_303 = arith.addf %sub3A_300, %add3A_302 : vector<1x64xf32>
      %rsqrt3A_304 = math.rsqrt %add3A_303 : vector<1x64xf32>
      %mul3A_305 = arith.mulf %get3A_281, %rsqrt3A_304 : vector<1x64xf32>
      %mul3A_306 = arith.mulf %div3A_289, %mul3A_305 : vector<1x64xf32>
      %sub3A_307 = arith.subf %get3A_284, %mul3A_306 : vector<1x64xf32>
      %swap3A_308 = arith.constant 0 : index
      %swap3A_309 = arith.constant 0 : index
      %swap3A_310 = vector.load %arg23[%swap3A_308, %swap3A_309] : memref<4x256xf32, #tpu.memory_space<vmem>>, vector<1x256xf32>
      tpu.vector_store %arg23[%swap3A_308, %swap3A_309], %concatenate3A {strides = array<i32>} : memref<4x256xf32, #tpu.memory_space<vmem>>, vector<1x256xf32>,
      %swap3A_311 = arith.constant 1 : index
      %swap3A_312 = arith.constant 0 : index
      %swap3A_313 = vector.load %arg23[%swap3A_311, %swap3A_312] : memref<4x256xf32, #tpu.memory_space<vmem>>, vector<1x256xf32>
      tpu.vector_store %arg23[%swap3A_311, %swap3A_312], %concatenate3A_157 {strides = array<i32>} : memref<4x256xf32, #tpu.memory_space<vmem>>, vector<1x256xf32>,
      %swap3A_314 = arith.constant 2 : index
      %swap3A_315 = arith.constant 0 : index
      %swap3A_316 = vector.load %arg23[%swap3A_314, %swap3A_315] : memref<4x256xf32, #tpu.memory_space<vmem>>, vector<1x256xf32>
      tpu.vector_store %arg23[%swap3A_314, %swap3A_315], %concatenate3A_232 {strides = array<i32>} : memref<4x256xf32, #tpu.memory_space<vmem>>, vector<1x256xf32>,
      %swap3A_317 = arith.constant 3 : index
      %swap3A_318 = arith.constant 0 : index
      %swap3A_319 = vector.load %arg23[%swap3A_317, %swap3A_318] : memref<4x256xf32, #tpu.memory_space<vmem>>, vector<1x256xf32>
      tpu.vector_store %arg23[%swap3A_317, %swap3A_318], %concatenate3A_233 {strides = array<i32>} : memref<4x256xf32, #tpu.memory_space<vmem>>, vector<1x256xf32>,
      %concatenate3A_320 = tpu.concatenate %mul3A_305, %mul3A_305, %mul3A_305, %mul3A_305, %mul3A_305, %mul3A_305, %mul3A_305, %mul3A_305 in 1 : vector<1x64xf32>, vector<1x64xf32>, vector<1x64xf32>, vector<1x64xf32>, vector<1x64xf32>, vector<1x64xf32>, vector<1x64xf32>, vector<1x64xf32> -> vector<1x512xf32>
      %swap3A_321 = arith.constant 0 : index
      %swap3A_322 = arith.constant 0 : index
      %swap3A_323 = vector.load %arg24[%swap3A_321, %swap3A_322] : memref<2x512xf32, #tpu.memory_space<vmem>>, vector<1x512xf32>
      tpu.vector_store %arg24[%swap3A_321, %swap3A_322], %concatenate3A_320 {strides = array<i32>} : memref<2x512xf32, #tpu.memory_space<vmem>>, vector<1x512xf32>,
      %concatenate3A_324 = tpu.concatenate %sub3A_307, %sub3A_307, %sub3A_307, %sub3A_307, %sub3A_307, %sub3A_307, %sub3A_307, %sub3A_307 in 1 : vector<1x64xf32>, vector<1x64xf32>, vector<1x64xf32>, vector<1x64xf32>, vector<1x64xf32>, vector<1x64xf32>, vector<1x64xf32>, vector<1x64xf32> -> vector<1x512xf32>
      %swap3A_325 = arith.constant 1 : index
      %swap3A_326 = arith.constant 0 : index
      %swap3A_327 = vector.load %arg24[%swap3A_325, %swap3A_326] : memref<2x512xf32, #tpu.memory_space<vmem>>, vector<1x512xf32>
      tpu.vector_store %arg24[%swap3A_325, %swap3A_326], %concatenate3A_324 {strides = array<i32>} : memref<2x512xf32, #tpu.memory_space<vmem>>, vector<1x512xf32>,
    } else {
    }
    %get3A = arith.constant 0 : index
    %get3A_2 = arith.constant 0 : index
    %get3A_3 = vector.load %arg1[%get3A, %get3A_2] : memref<4096x256xf32, #tpu.memory_space<vmem>>, vector<4096x256xf32>
    %get3A_4 = arith.constant 0 : index
    %get3A_5 = arith.constant 0 : index
    %get3A_6 = vector.load %arg2[%get3A_4, %get3A_5] : memref<1024x256xf32, #tpu.memory_space<vmem>>, vector<1024x256xf32>
    %broadcast_in_dim3A = vector.shape_cast %get3A_6 : vector<1024x256xf32> to vector<1024x1x256xf32>
    %broadcast_in_dim3A_7 = vector.shape_cast %broadcast_in_dim3A : vector<1024x1x256xf32> to vector<1024x1x256xf32>
    %broadcast_in_dim3A_8 = vector.broadcast %broadcast_in_dim3A_7 : vector<1024x1x256xf32> to vector<1024x4x256xf32>
    %reshape3A = vector.shape_cast %broadcast_in_dim3A_8 : vector<1024x4x256xf32> to vector<4096x256xf32>
    %sub3A = arith.subf %get3A_3, %reshape3A : vector<4096x256xf32>
    %get3A_9 = arith.constant 0 : index
    %get3A_10 = arith.constant 0 : index
    %get3A_11 = vector.load %arg3[%get3A_9, %get3A_10] : memref<256x256xf32, #tpu.memory_space<vmem>>, vector<256x256xf32>
    %dot_general3A = arith.constant dense<0.000000e+00> : vector<4096x256xf32>
    %dot_general3A_12 = tpu.matmul %sub3A, %get3A_11, %dot_general3A {dimension_numbers = #tpu.dot_dimension_numbers<[1], [0], [0], [1], [0, 0, 1, 1], [], []>, transpose_lhs_hint = false} : vector<4096x256xf32>, vector<256x256xf32>, vector<4096x256xf32> -> vector<4096x256xf32>
    %get3A_13 = arith.constant 0 : index
    %get3A_14 = arith.constant 0 : index
    %get3A_15 = vector.load %arg23[%get3A_13, %get3A_14] : memref<4x256xf32, #tpu.memory_space<vmem>>, vector<1x256xf32>
    %mul3A = vector.broadcast %get3A_15 : vector<1x256xf32> to vector<4096x256xf32>
    %mul3A_16 = arith.mulf %dot_general3A_12, %mul3A : vector<4096x256xf32>
    %get3A_17 = arith.constant 1 : index
    %get3A_18 = arith.constant 0 : index
    %get3A_19 = vector.load %arg23[%get3A_17, %get3A_18] : memref<4x256xf32, #tpu.memory_space<vmem>>, vector<1x256xf32>
    %add3A = vector.broadcast %get3A_19 : vector<1x256xf32> to vector<4096x256xf32>
    %add3A_20 = arith.addf %mul3A_16, %add3A : vector<4096x256xf32>
    %max3A = arith.constant 0.000000e+00 : f32
    %max3A_21 = vector.broadcast %max3A : f32 to vector<4096x256xf32>
    %max3A_22 = arith.maximumf %add3A_20, %max3A_21 : vector<4096x256xf32>
    %get3A_23 = arith.constant 0 : index
    %get3A_24 = arith.constant 0 : index
    %get3A_25 = vector.load %arg7[%get3A_23, %get3A_24] : memref<256x256xf32, #tpu.memory_space<vmem>>, vector<256x256xf32>
    %dot_general3A_26 = arith.constant dense<0.000000e+00> : vector<4096x256xf32>
    %dot_general3A_27 = tpu.matmul %max3A_22, %get3A_25, %dot_general3A_26 {dimension_numbers = #tpu.dot_dimension_numbers<[1], [0], [0], [1], [0, 0, 1, 1], [], []>, transpose_lhs_hint = false} : vector<4096x256xf32>, vector<256x256xf32>, vector<4096x256xf32> -> vector<4096x256xf32>
    %get3A_28 = arith.constant 2 : index
    %get3A_29 = arith.constant 0 : index
    %get3A_30 = vector.load %arg23[%get3A_28, %get3A_29] : memref<4x256xf32, #tpu.memory_space<vmem>>, vector<1x256xf32>
    %mul3A_31 = vector.broadcast %get3A_30 : vector<1x256xf32> to vector<4096x256xf32>
    %mul3A_32 = arith.mulf %dot_general3A_27, %mul3A_31 : vector<4096x256xf32>
    %get3A_33 = arith.constant 3 : index
    %get3A_34 = arith.constant 0 : index
    %get3A_35 = vector.load %arg23[%get3A_33, %get3A_34] : memref<4x256xf32, #tpu.memory_space<vmem>>, vector<1x256xf32>
    %add3A_36 = vector.broadcast %get3A_35 : vector<1x256xf32> to vector<4096x256xf32>
    %add3A_37 = arith.addf %mul3A_32, %add3A_36 : vector<4096x256xf32>
    %max3A_38 = arith.constant 0.000000e+00 : f32
    %max3A_39 = vector.broadcast %max3A_38 : f32 to vector<4096x256xf32>
    %max3A_40 = arith.maximumf %add3A_37, %max3A_39 : vector<4096x256xf32>
    %get3A_41 = arith.constant 0 : index
    %get3A_42 = arith.constant 0 : index
    %get3A_43 = vector.load %arg11[%get3A_41, %get3A_42] : memref<256x512xf32, #tpu.memory_space<vmem>>, vector<256x512xf32>
    %dot_general3A_44 = arith.constant dense<0.000000e+00> : vector<4096x512xf32>
    %dot_general3A_45 = tpu.matmul %max3A_40, %get3A_43, %dot_general3A_44 {dimension_numbers = #tpu.dot_dimension_numbers<[1], [0], [0], [1], [0, 0, 1, 1], [], []>, transpose_lhs_hint = false} : vector<4096x256xf32>, vector<256x512xf32>, vector<4096x512xf32> -> vector<4096x512xf32>
    %get3A_46 = arith.constant 0 : index
    %get3A_47 = arith.constant 0 : index
    %get3A_48 = vector.load %arg24[%get3A_46, %get3A_47] : memref<2x512xf32, #tpu.memory_space<vmem>>, vector<1x512xf32>
    %mul3A_49 = vector.broadcast %get3A_48 : vector<1x512xf32> to vector<4096x512xf32>
    %mul3A_50 = arith.mulf %dot_general3A_45, %mul3A_49 : vector<4096x512xf32>
    %get3A_51 = arith.constant 1 : index
    %get3A_52 = arith.constant 0 : index
    %get3A_53 = vector.load %arg24[%get3A_51, %get3A_52] : memref<2x512xf32, #tpu.memory_space<vmem>>, vector<1x512xf32>
    %add3A_54 = vector.broadcast %get3A_53 : vector<1x512xf32> to vector<4096x512xf32>
    %add3A_55 = arith.addf %mul3A_50, %add3A_54 : vector<4096x512xf32>
    %max3A_56 = arith.constant 0.000000e+00 : f32
    %max3A_57 = vector.broadcast %max3A_56 : f32 to vector<4096x512xf32>
    %max3A_58 = arith.maximumf %add3A_55, %max3A_57 : vector<4096x512xf32>
    %slice3A = vector.extract_strided_slice %max3A_58 {offsets = [0, 0], sizes = [4096, 64], strides = [1, 1]} : vector<4096x512xf32> to vector<4096x64xf32>
    %slice3A_59 = vector.extract_strided_slice %max3A_58 {offsets = [0, 64], sizes = [4096, 64], strides = [1, 1]} : vector<4096x512xf32> to vector<4096x64xf32>
    %max3A_60 = arith.maximumf %slice3A, %slice3A_59 : vector<4096x64xf32>
    %slice3A_61 = vector.extract_strided_slice %max3A_58 {offsets = [0, 128], sizes = [4096, 64], strides = [1, 1]} : vector<4096x512xf32> to vector<4096x64xf32>
    %max3A_62 = arith.maximumf %max3A_60, %slice3A_61 : vector<4096x64xf32>
    %slice3A_63 = vector.extract_strided_slice %max3A_58 {offsets = [0, 192], sizes = [4096, 64], strides = [1, 1]} : vector<4096x512xf32> to vector<4096x64xf32>
    %max3A_64 = arith.maximumf %max3A_62, %slice3A_63 : vector<4096x64xf32>
    %slice3A_65 = vector.extract_strided_slice %max3A_58 {offsets = [0, 256], sizes = [4096, 64], strides = [1, 1]} : vector<4096x512xf32> to vector<4096x64xf32>
    %max3A_66 = arith.maximumf %max3A_64, %slice3A_65 : vector<4096x64xf32>
    %slice3A_67 = vector.extract_strided_slice %max3A_58 {offsets = [0, 320], sizes = [4096, 64], strides = [1, 1]} : vector<4096x512xf32> to vector<4096x64xf32>
    %max3A_68 = arith.maximumf %max3A_66, %slice3A_67 : vector<4096x64xf32>
    %slice3A_69 = vector.extract_strided_slice %max3A_58 {offsets = [0, 384], sizes = [4096, 64], strides = [1, 1]} : vector<4096x512xf32> to vector<4096x64xf32>
    %max3A_70 = arith.maximumf %max3A_68, %slice3A_69 : vector<4096x64xf32>
    %slice3A_71 = vector.extract_strided_slice %max3A_58 {offsets = [0, 448], sizes = [4096, 64], strides = [1, 1]} : vector<4096x512xf32> to vector<4096x64xf32>
    %max3A_72 = arith.maximumf %max3A_70, %slice3A_71 : vector<4096x64xf32>
    %reshape3A_73 = vector.shape_cast %max3A_72 : vector<4096x64xf32> to vector<1024x4x64xf32>
    %get3A_74 = arith.constant 0 : index
    %get3A_75 = arith.constant 0 : index
    %get3A_76 = vector.load %arg21[%get3A_74, %get3A_75] : memref<1024x1xi32, #tpu.memory_space<vmem>>, vector<1024x1xi32>
    %gt3A = arith.constant 0 : i32
    %gt3A_77 = vector.broadcast %gt3A : i32 to vector<1024x1xi32>
    %gt3A_78 = arith.cmpi sgt, %get3A_76, %gt3A_77 : vector<1024x1xi32>
    %convert_element_type3A_79 = arith.extui %gt3A_78 : vector<1024x1xi1> to vector<1024x1xi32>
    %convert_element_type3A_80 = arith.sitofp %convert_element_type3A_79 : vector<1024x1xi32> to vector<1024x1xf32>
    %reduce_max3A = arith.constant dense<0xFF800000> : vector<1024x64xf32>
    %reduce_max3A_81 = vector.multi_reduction <maximumf>, %reshape3A_73, %reduce_max3A [1] : vector<1024x4x64xf32> to vector<1024x64xf32>
    %mul3A_82 = vector.broadcast %convert_element_type3A_80 : vector<1024x1xf32> to vector<1024x64xf32>
    %mul3A_83 = arith.mulf %reduce_max3A_81, %mul3A_82 : vector<1024x64xf32>
    %swap3A = arith.constant 0 : index
    %swap3A_84 = arith.constant 0 : index
    %swap3A_85 = vector.load %arg22[%swap3A, %swap3A_84] : memref<1024x64xf32, #tpu.memory_space<vmem>>, vector<1024x64xf32>
    tpu.vector_store %arg22[%swap3A, %swap3A_84], %mul3A_83 {strides = array<i32>} : memref<1024x64xf32, #tpu.memory_space<vmem>>, vector<1024x64xf32>,
    return
  }
  func.func @transform_0(%arg0: i32) -> (i32, i32) {
    %c0_i32 = arith.constant 0 : i32
    %c0_i32_0 = arith.constant 0 : i32
    return %arg0, %c0_i32 : i32, i32
  }
  func.func @transform_1(%arg0: i32) -> (i32, i32) {
    %c0_i32 = arith.constant 0 : i32
    %c0_i32_0 = arith.constant 0 : i32
    return %arg0, %c0_i32 : i32, i32
  }
  func.func @transform_2(%arg0: i32) -> (i32, i32) {
    %c0_i32 = arith.constant 0 : i32
    %c0_i32_0 = arith.constant 0 : i32
    %c0_i32_1 = arith.constant 0 : i32
    return %c0_i32, %c0_i32_0 : i32, i32
  }
  func.func @transform_3(%arg0: i32) -> (i32, i32) {
    %c0_i32 = arith.constant 0 : i32
    %c0_i32_0 = arith.constant 0 : i32
    %c0_i32_1 = arith.constant 0 : i32
    return %c0_i32, %c0_i32_0 : i32, i32
  }
  func.func @transform_4(%arg0: i32) -> (i32, i32) {
    %c0_i32 = arith.constant 0 : i32
    %c0_i32_0 = arith.constant 0 : i32
    %c0_i32_1 = arith.constant 0 : i32
    return %c0_i32, %c0_i32_0 : i32, i32
  }
  func.func @transform_5(%arg0: i32) -> (i32, i32) {
    %c0_i32 = arith.constant 0 : i32
    %c0_i32_0 = arith.constant 0 : i32
    %c0_i32_1 = arith.constant 0 : i32
    return %c0_i32, %c0_i32_0 : i32, i32
  }
  func.func @transform_6(%arg0: i32) -> (i32, i32) {
    %c0_i32 = arith.constant 0 : i32
    %c0_i32_0 = arith.constant 0 : i32
    %c0_i32_1 = arith.constant 0 : i32
    return %c0_i32, %c0_i32_0 : i32, i32
  }
  func.func @transform_7(%arg0: i32) -> (i32, i32) {
    %c0_i32 = arith.constant 0 : i32
    %c0_i32_0 = arith.constant 0 : i32
    %c0_i32_1 = arith.constant 0 : i32
    return %c0_i32, %c0_i32_0 : i32, i32
  }
  func.func @transform_8(%arg0: i32) -> (i32, i32) {
    %c0_i32 = arith.constant 0 : i32
    %c0_i32_0 = arith.constant 0 : i32
    %c0_i32_1 = arith.constant 0 : i32
    return %c0_i32, %c0_i32_0 : i32, i32
  }
  func.func @transform_9(%arg0: i32) -> (i32, i32) {
    %c0_i32 = arith.constant 0 : i32
    %c0_i32_0 = arith.constant 0 : i32
    %c0_i32_1 = arith.constant 0 : i32
    return %c0_i32, %c0_i32_0 : i32, i32
  }
  func.func @transform_10(%arg0: i32) -> (i32, i32) {
    %c0_i32 = arith.constant 0 : i32
    %c0_i32_0 = arith.constant 0 : i32
    %c0_i32_1 = arith.constant 0 : i32
    return %c0_i32, %c0_i32_0 : i32, i32
  }
  func.func @transform_11(%arg0: i32) -> (i32, i32) {
    %c0_i32 = arith.constant 0 : i32
    %c0_i32_0 = arith.constant 0 : i32
    %c0_i32_1 = arith.constant 0 : i32
    return %c0_i32, %c0_i32_0 : i32, i32
  }
  func.func @transform_12(%arg0: i32) -> (i32, i32) {
    %c0_i32 = arith.constant 0 : i32
    %c0_i32_0 = arith.constant 0 : i32
    %c0_i32_1 = arith.constant 0 : i32
    return %c0_i32, %c0_i32_0 : i32, i32
  }
  func.func @transform_13(%arg0: i32) -> (i32, i32) {
    %c0_i32 = arith.constant 0 : i32
    %c0_i32_0 = arith.constant 0 : i32
    %c0_i32_1 = arith.constant 0 : i32
    return %c0_i32, %c0_i32_0 : i32, i32
  }
  func.func @transform_14(%arg0: i32) -> (i32, i32) {
    %c0_i32 = arith.constant 0 : i32
    %c0_i32_0 = arith.constant 0 : i32
    %c0_i32_1 = arith.constant 0 : i32
    return %c0_i32, %c0_i32_0 : i32, i32
  }
  func.func @transform_15(%arg0: i32) -> (i32, i32) {
    %c0_i32 = arith.constant 0 : i32
    %c0_i32_0 = arith.constant 0 : i32
    %c0_i32_1 = arith.constant 0 : i32
    return %c0_i32, %c0_i32_0 : i32, i32
  }
  func.func @transform_16(%arg0: i32) -> (i32, i32) {
    %c0_i32 = arith.constant 0 : i32
    %c0_i32_0 = arith.constant 0 : i32
    %c0_i32_1 = arith.constant 0 : i32
    return %c0_i32, %c0_i32_0 : i32, i32
  }
  func.func @transform_17(%arg0: i32) -> (i32, i32) {
    %c0_i32 = arith.constant 0 : i32
    %c0_i32_0 = arith.constant 0 : i32
    %c0_i32_1 = arith.constant 0 : i32
    return %c0_i32, %c0_i32_0 : i32, i32
  }
  func.func @transform_18(%arg0: i32) -> (i32, i32) {
    %c0_i32 = arith.constant 0 : i32
    %c0_i32_0 = arith.constant 0 : i32
    %c0_i32_1 = arith.constant 0 : i32
    return %c0_i32, %c0_i32_0 : i32, i32
  }
  func.func @transform_19(%arg0: i32) -> (i32, i32) {
    %c0_i32 = arith.constant 0 : i32
    %c0_i32_0 = arith.constant 0 : i32
    %c0_i32_1 = arith.constant 0 : i32
    return %c0_i32, %c0_i32_0 : i32, i32
  }
  func.func @transform_20(%arg0: i32) -> (i32, i32) {
    %c0_i32 = arith.constant 0 : i32
    %c0_i32_0 = arith.constant 0 : i32
    return %arg0, %c0_i32 : i32, i32
  }
  func.func @transform_21(%arg0: i32) -> (i32, i32) {
    %c0_i32 = arith.constant 0 : i32
    %c0_i32_0 = arith.constant 0 : i32
    return %arg0, %c0_i32 : i32, i32
  }
}

</mosaic_0001>

<sc_bundles>
// kernel: kernel.7.cloned.1.call-start
scs
__scs_entry_jumppad:
0x0: {  	(pc) =	sbr.rel $0x88, $3  }
0x1: {  	(tag) =	ssettag $0x0;
	lr =	simm.s32 $0x1  }
0x2: {  	[smem:$0x3F95] =	sst lr;
	_ =	strace $0xD0000000  }
0x3: {  	_ = 	snop  }
0x4: {  	_ = 	snop  }
0x5: {  	_ = 	snop  }
0x6: {  	_ = 	snop  }
0x7: {  	_ = 	snop  }
__scs_overlays_trampoline_lowered:
0x8: {  	[smem:$0x3FA4] =	sst s0  }
0x9: {  	[smem:$0x3FA5] =	sst s1  }
0xa: {  	[smem:$0x3FA6] =	sst s2  }
0xb: {  	[smem:$0x3FA7] =	sst s3  }
0xc: {  	[smem:$0x3FA8] =	sst s4  }
0xd: {  	[smem:$0x3FA9] =	sst s5  }
0xe: {  	[smem:$0x3FAA] =	sst s6  }
0xf: {  	[smem:$0x3FAB] =	sst s7  }
0x10: {  	[smem:$0x3FAC] =	sst s8  }
0x11: {  	[smem:$0x3FAD] =	sst s9;
	s0 =	simm.s32 @!p0 $0x0  }
0x12: {  	s1 =	sld [smem:$0x3F93];
	s0 =	simm.s32 @p0 $0x1  }
0x13: {  	[smem:$0x3FAE] =	sst s0;
	s0 =	simm.s32 @!p1 $0x0  }
0x14: {  	s2 =	sld [smem:$0x3F92];
	s0 =	simm.s32 @p1 $0x1  }
0x15: {  	[smem:$0x3FAF] =	sst s0;
	s0 =	simm.s32 @!p2 $0x0  }
0x16: {  	s3 =	sld [smem:$0x3FDB];
	s0 =	simm.s32 @p2 $0x1  }
0x17: {  	s4 =	simm.s32 $0x1BF5;
	[smem:$0x3FB1] =	sst s0  }
0x18: {  	s0 =	sld [smem:$0x3F94];
	_ =	swait.ge [sflag:s4], $0x0  }
0x19: {  	s7 =	sld [smem:$0x3F95]  }
0x1a: {  	s8 =	sadd.s32 $0xFFFFE003, lr  }
0x1b: {  	s9 =	sadd.s32 $0xFFFFFEF7, lr;
	s5 =	simm.s32 $0xFFFFFFFF;
	p2 =	slt.u32 s8, $0xFFFFF086  }
0x1c: {  	p1 =	slt.u32 s9, $0xF7A;
	s5 =	simm.s32 @!p2 $0x0  }
0x1d: {  	s5 =	simm.s32 @p1 $0x1;
	p0 =	seq.s32 s7, s2  }
0x1e: {  	s7 =	smul.u32 @!p0 $0xF7A, s2;
	p2 =	seq.s32 @!p0 s5, $0x0  }
0x1f: {  	s9 =	smul.u32 $0xF7A, s1;
	s8 =	simm.s32 @!p0 $0x1BF5;
	p2 =	por !p2, p0  }
0x20: {  	[sflag:s8] =	ssyncset.s32 @!p0 $0xFFFFF086;
	s6 =	sadd.s32 @!p0 s3, s7;
	s7 =	simm.s32 @!p0 $0x108  }
0x21: {  	s3 =	sadd.s32 s3, s9;
	s6 =	sadd.s32 @!p0 $0x88, s6;
	s7 =	simm.s32 @p2 $0x1082  }
0x22: {  	[simem:s7], [sflag:s8] =	dma.local @!p0 [hbm:s6], $0xF7A  }
0x23: {  	s9 =	sor.u32 $0xD0000000, s2;
	s6 =	simm.s32 $0x108;
	_ =	swait.ge @!p0 [sflag:s8], $0x0  }
0x24: {  	s3 =	sadd.s32 $0x88, s3;
	s6 =	simm.s32 @!p1 $0x1082;
	[sflag:s4] =	ssyncset.s32 $0xFFFFF086  }
0x25: {  	[simem:s6], [sflag:s4] =	dma.local [hbm:s3], $0xF7A  }
0x26: {  	[smem:$0x3F95] =	sst s1;
	(tag) =	ssettag s2;
	_ =	strace s9  }
0x27: {  	s1 =	sld [smem:$0x3FA5]  }
0x28: {  	s2 =	sld [smem:$0x3FA6]  }
0x29: {  	s4 =	sld [smem:$0x3FA8]  }
0x2a: {  	p0 =	seq.s32 s5, $0x0;
	s5 =	sld [smem:$0x3FA9]  }
0x2b: {  	s6 =	sld [smem:$0x3FAA]  }
0x2c: {  	s7 =	sld [smem:$0x3FAB]  }
0x2d: {  	s3 =	simm.s32 $0x108;
	s8 =	sld [smem:$0x3FAC]  }
0x2e: {  	s3 =	simm.s32 @!p0 $0x1082;
	s9 =	sld [smem:$0x3FAD]  }
0x2f: {  	lr =	sadd.s32 s0, s3;
	s0 =	sld [smem:$0x3FA4]  }
0x30: {  	s3 =	sld [smem:$0x3FA7]  }
0x31: {  	[smem:$0x3FB0] =	sst s10  }
0x32: {  	s10 =	sld [smem:$0x3FAE];
	_ =	sdelay $0x3  }
0x33: {  	p0 =	seq.s32 s10, $0x1;
	s10 =	sld [smem:$0x3FB0];
	_ =	sdelay $0x3  }
0x34: {  	[smem:$0x3FB0] =	sst s10  }
0x35: {  	s10 =	sld [smem:$0x3FAF];
	_ =	sdelay $0x3  }
0x36: {  	p1 =	seq.s32 s10, $0x1;
	s10 =	sld [smem:$0x3FB0];
	_ =	sdelay $0x3  }
0x37: {  	[smem:$0x3FB0] =	sst s10  }
0x38: {  	s10 =	sld [smem:$0x3FB1]  }
0x39: {  	_ = 	snop;
	(pc) =	sbr.ind lr, $3  }
0x3a: {  	_ = 	snop  }
0x3b: {  	_ = 	snop  }
0x3c: {  	p2 =	seq.s32 s10, $0x1;
	s10 =	sld [smem:$0x3FB0]  }
0x3d: {  	_ =	shalt  }
0x3e: {  	_ =	shalt  }
0x3f: {  	_ =	shalt  }
0x40: {  	_ =	shalt  }
0x41: {  	_ =	shalt  }
0x42: {  	_ =	shalt  }
0x43: {  	_ =	shalt  }
0x44: {  	_ =	shalt  }
0x45: {  	_ =	shalt  }
0x46: {  	_ =	shalt  }
0x47: {  	_ =	shalt  }
0x48: {  	_ =	shalt  }
0x49: {  	_ =	shalt  }
0x4a: {  	_ =	shalt  }
0x4b: {  	_ =	shalt  }
0x4c: {  	_ =	shalt  }
0x4d: {  	_ =	shalt  }
0x4e: {  	_ =	shalt  }
0x4f: {  	_ =	shalt  }
0x50: {  	_ =	shalt  }
0x51: {  	_ =	shalt  }
0x52: {  	_ =	shalt  }
0x53: {  	_ =	shalt  }
0x54: {  	_ =	shalt  }
0x55: {  	_ =	shalt  }
0x56: {  	_ =	shalt  }
0x57: {  	_ =	shalt  }
0x58: {  	_ =	shalt  }
0x59: {  	_ =	shalt  }
0x5a: {  	_ =	shalt  }
0x5b: {  	_ =	shalt  }
0x5c: {  	_ =	shalt  }
0x5d: {  	_ =	shalt  }
0x5e: {  	_ =	shalt  }
0x5f: {  	_ =	shalt  }
0x60: {  	_ =	shalt  }
0x61: {  	_ =	shalt  }
0x62: {  	_ =	shalt  }
0x63: {  	_ =	shalt  }
0x64: {  	_ =	shalt  }
0x65: {  	_ =	shalt  }
0x66: {  	_ =	shalt  }
0x67: {  	_ =	shalt  }
0x68: {  	_ =	shalt  }
0x69: {  	_ =	shalt  }
0x6a: {  	_ =	shalt  }
0x6b: {  	_ =	shalt  }
0x6c: {  	_ =	shalt  }
0x6d: {  	_ =	shalt  }
0x6e: {  	_ =	shalt  }
0x6f: {  	_ =	shalt  }
0x70: {  	_ =	shalt  }
0x71: {  	_ =	shalt  }
0x72: {  	_ =	shalt  }
0x73: {  	_ =	shalt  }
0x74: {  	_ =	shalt  }
0x75: {  	_ =	shalt  }
0x76: {  	_ =	shalt  }
0x77: {  	_ =	shalt  }
0x78: {  	_ =	shalt  }
0x79: {  	_ =	shalt  }
0x7a: {  	_ =	shalt  }
0x7b: {  	_ =	shalt  }
0x7c: {  	_ =	shalt  }
0x7d: {  	_ =	shalt  }
0x7e: {  	_ =	shalt  }
0x7f: {  	_ =	shalt  }
0x80: {  	_ =	shalt  }
0x81: {  	_ =	shalt  }
0x82: {  	_ =	shalt  }
0x83: {  	_ =	shalt  }
0x84: {  	_ =	shalt  }
0x85: {  	_ =	shalt  }
0x86: {  	_ =	shalt  }
0x87: {  	_ =	shalt  }
.Lfunc_end0:
.L_simem_size_0:
called_computation_lowered:
.L_overlay_start_0:
0x88: {  	s2 =	sld [smem:$0x3FD9]  }
0x89: {  	s3 =	sld [smem:$0x3FFE];
	_ =	sdelay $0x1  }
0x8a: {  	s1 =	srdreg.scid  }
0x8b: {  	s0 =	sand.u32 $0x1, s1  }
0x8c: {  	s17 =	sshll.u32 s0, $0xA;
	s2 =	sadd.s32 s3, s2  }
0x8d: {  	s2 =	sadd.s32 s2, s17  }
0x8e: {  	[smem:$0x3FBC] =	sst s2  }
0x8f: {  	_ = 	snop  }
0x90: {  	s2 =	sld [smem:$0x3FD0];
	(tm) =	ssettm $0x1  }
0x91: {  	s18 =	sld [smem:$0x3FFB];
	_ =	sdelay $0x3  }
0x92: {  	_ =	strace s18  }
0x93: {  	s3 =	sld [smem:$0x3FFC];
	_ =	sdelay $0x3  }
0x94: {  	_ =	strace s3  }
0x95: {  	s3 =	sld [smem:$0x3FFD];
	_ =	sdelay $0x3  }
0x96: {  	_ =	strace s3  }
0x97: {  	_ =	strace $0x8FFFFFFF  }
0x98: {  	s19 =	sld [smem:$0x3FDB];
	_ =	sdelay $0x1  }
0x99: {  	s4 =	simm.s32 $_scs_section_size  }
0x9a: {  	s5 =	simm.s32 $_size__tile_overlayer_lowered;
	s6 =	simm.s32 $_tile_overlayer_lowered  }
0x9b: {  	s22 =	simm.s32 $0x1BFF;
	s21 =	sshll.u32 s6, $0x1;
	s3 =	sadd.s32 s4, s19  }
0x9c: {  	s7 =	simm.s32 $0x0;
	s20 =	sshll.u32 s5, $0x1;
	s5 =	sadd.s32 s21, s3  }
0x9d: {  	[timem:s7], [sflag:s22] =	dma.local [hbm:s5], s20  }
0x9e: {  	_ =	swait.ge [sflag:s22], s20  }
0x9f: {  	s4 =	ssub.s32 $0x0, s20;
	[sflag:s22] =	ssyncset.done $0x0  }
0xa0: {  	[sflag:s22] =	ssyncadd.s32 s4;
	_ =	sdelay $0x1  }
0xa1: {  	s23 =	simm.s32 $0x1B8B  }
0xa2: {  	_ =	swait.ge [sflag:s23], $0x1  }
0xa3: {  	[sflag:s23] =	ssyncset.done $0x0  }
0xa4: {  	s25 =	simm.s32 $0x1B8E;
	s24 =	sld [smem:$0x3FFE];
	[sflag:s23] =	ssyncadd.s32 $0xFFFFFFFF  }
0xa5: {  	s26 =	simm.s32 $execute0_lowered;
	[smem:$0x3FD2] =	sst s25  }
0xa6: {  	s5 =	sshll.u32 s26, $0x1;
	_ =	strace $0x80000046;
	[dreg:$0x1] =	wrdreg $0xFFFFFFFF  }
0xa7: {  	s28 =	simm.s32 $_size_execute0_lowered;
	s3 =	sadd.s32 s3, s5;
	[dreg:$0x0] =	wrdreg $0x0  }
0xa8: {  	s5 =	sshll.u32 s28, $0x1;
	[dreg:$0x2] =	wrdreg s3  }
0xa9: {  	[dreg:$0x3] =	wrdreg s5  }
0xaa: {  	[dreg:$0x4] =	wrdreg $0xC0  }
0xab: {  	_ =	task [dreg:s7], $0x5FFFF  }
0xac: {  	[dreg:$0x1] =	wrdreg $0xFFFFFFFF  }
0xad: {  	[dreg:$0x0] =	wrdreg $0x60  }
0xae: {  	[dreg:$0x2] =	wrdreg s2  }
0xaf: {  	[dreg:$0x3] =	wrdreg s24  }
0xb0: {  	[dreg:$0x4] =	wrdreg $0x9  }
0xb1: {  	_ =	task.clear_ibuf [dreg:s7], $0x5FFFF;
	_ =	strace $0x90000046  }
0xb2: {  	s29 =	simm.s32 $0x9;
	_ =	strace $0x80000048  }
0xb3: {  	_ =	swait.ge [sflag:s29], $0x1  }
0xb4: {  	[sflag:s29] =	ssyncadd.s32 $0xFFFFFFFF  }
0xb5: {  	_ =	strace $0x90000048  }
0xb6: {  	_ =	sfence  }
0xb7: {  	s30 =	sld [smem:$0x0];
	_ =	sdelay $0x2  }
0xb8: {  	s31 =	sshll.u32 s1, $0xD;
	s1 =	sshrl.u32 s1, $0x2  }
0xb9: {  	s3 =	sand.u32 $0x4000, s31;
	s1 =	sadd.s32 s1, s30  }
0xba: {  	s0 =	sor.u32 s3, s0;
	s1 =	sshll.u32 s1, $0x11  }
0xbb: {  	s0 =	sor.u32 s1, s0  }
0xbc: {  	s0 =	sadd.s32 $0x8F2B, s0  }
0xbd: {  	[sflag:s0] =	ssyncadd.remote.s32 $0x1  }
0xbe: {  	_ =	sfence.sel $0xFFFF  }
0xbf: {  	[dreg:$0x0] =	wrdreg $0xFFFFFFFF;
	(pc) =	sbr.abs _section_cstart, $3  }
0xc0: {  	[dreg:$0x1] =	wrdreg $0xFFFFFFFF  }
0xc1: {  	_ =	task.clear_ibuf [dreg:s7], $0x2FFFF;
	_ =	strace $0x9FFFFFFF  }
0xc2: {  	(tm) =	ssettm $0x7FFFFFFF  }
0xc3: {  	_ =	shalt  }
tec
execute0_lowered:
.L_overlay_start_1:
0x0: {  	(tag) =	ssettag $0x1  }
0x1: {  	s0 =	rddreg [dreg:$0x1];
	s2 =	srdreg.scid  }
0x2: {  	s3 =	stileid.u32;
	s1 =	simm.s32 $0x0;
	s2 =	sand.u32 $0x1, s2  }
0x3: {  	s3 =	sshll.u32 s3, $0x1;
	[smem:$0x7FF] =	sst s1;
	s4 =	sadd.s32 $0x12A00, s0  }
0x4: {  	s5 =	sadd.s32 $0x13000, s0;
	s7 =	sadd.s32 $0x93000, s0;
	s11 =	sadd.s32 $0x13600, s0  }
0x5: {  	s14 =	sadd.s32 $0x13C00, s0;
	s17 =	sadd.s32 $0x14600, s0;
	s3 =	sor.u32 s2, s3  }
0x6: {  	s2 =	ssub.s32 $0x2, s2;
	s6 =	sshll.u32 s3, $0x6;
	s9 =	sshll.u32 s3, $0x3  }
0x7: {  	s8 =	sshrl.u32 s2, $0x1;
	s3 =	sshll.u32 s3, $0xD;
	s18 =	sadd.s32 s7, s9  }
0x8: {  	s6 =	sor.u32 $0x800, s6;
	s19 =	sadd.s32 s5, s3;
	[dreg:$0x4] =	wrdreg s18  }
0x9: {  	s8 =	ssub.s32 s2, s8;
	s21 =	sadd.s32 s3, s11;
	[dreg:$0x5] =	wrdreg s19  }
0xa: {  	s2 =	sadd.s32 s4, s9;
	s22 =	sadd.s32 s3, s14;
	[dreg:$0x8] =	wrdreg s21  }
0xb: {  	s9 =	sadd.s32 $0x13400, s0;
	s25 =	sadd.s32 s3, s17;
	[dreg:$0xb] =	wrdreg s22  }
0xc: {  	s10 =	sshrl.u32 s6, $0x3;
	s12 =	sadd.s32 s3, s9;
	[dreg:$0x11] =	wrdreg s25  }
0xd: {  	s4 =	sadd.s32 s4, s10;
	[dreg:$0x7] =	wrdreg s12  }
0xe: {  	s6 =	sshll.u32 s6, $0x7;
	s7 =	sadd.s32 s7, s10;
	[dreg:$0x3] =	wrdreg s4  }
0xf: {  	s12 =	sadd.s32 $0x13800, s0;
	s5 =	sadd.s32 s5, s6;
	[dreg:$0xc] =	wrdreg s7  }
0x10: {  	s10 =	sadd.s32 $0x14200, s0;
	s13 =	sadd.s32 s3, s12;
	[dreg:$0x16] =	wrdreg s5  }
0x11: {  	s16 =	sadd.s32 s3, s10;
	[dreg:$0x9] =	wrdreg s13  }
0x12: {  	s4 =	sadd.s32 $0x13200, s0;
	s25 =	sadd.s32 s6, s12;
	[dreg:$0xf] =	wrdreg s16  }
0x13: {  	s7 =	sadd.s32 $0x14000, s0;
	s20 =	sadd.s32 s3, s4;
	[dreg:$0x1a] =	wrdreg s25  }
0x14: {  	s24 =	sadd.s32 s3, s7;
	[dreg:$0x6] =	wrdreg s20  }
0x15: {  	s22 =	sadd.s32 s6, s4;
	[dreg:$0xe] =	wrdreg s24  }
0x16: {  	s4 =	sadd.s32 s6, s14;
	[dreg:$0x17] =	wrdreg s22  }
0x17: {  	s13 =	sadd.s32 $0x13A00, s0;
	s7 =	sadd.s32 s6, s7;
	[dreg:$0x1c] =	wrdreg s4  }
0x18: {  	s16 =	sadd.s32 $0x14400, s0;
	s15 =	sadd.s32 s3, s13;
	[dreg:$0x1e] =	wrdreg s7  }
0x19: {  	s18 =	sadd.s32 s3, s16;
	[dreg:$0xa] =	wrdreg s15  }
0x1a: {  	s24 =	sadd.s32 s6, s11;
	[dreg:$0x10] =	wrdreg s18  }
0x1b: {  	s20 =	sadd.s32 $0x14C00, s0;
	s11 =	sadd.s32 s6, s17;
	[dreg:$0x19] =	wrdreg s24  }
0x1c: {  	s26 =	sadd.s32 s3, s20;
	[smem:$0x7EF] =	sst s11  }
0x1d: {  	s15 =	sadd.s32 $0x13E00, s0;
	s18 =	sadd.s32 $0x14800, s0;
	[dreg:$0x14] =	wrdreg s26  }
0x1e: {  	s23 =	sadd.s32 s3, s15;
	s26 =	sadd.s32 s6, s13;
	s13 =	rddreg [dreg:$0x0]  }
0x1f: {  	s19 =	sadd.s32 s3, s18;
	[dreg:$0xd] =	wrdreg s23  }
0x20: {  	[dreg:$0x12] =	wrdreg s19  }
0x21: {  	s5 =	sadd.s32 s6, s15;
	[dreg:$0x1b] =	wrdreg s26  }
0x22: {  	s12 =	sadd.s32 s6, s18;
	[dreg:$0x1d] =	wrdreg s5  }
0x23: {  	s28 =	simm.s32 $0x6180;
	s15 =	sadd.s32 s6, s20;
	[smem:$0x7F0] =	sst s12  }
0x24: {  	s29 =	simm.s32 $0x6980;
	s23 =	sadd.s32 s6, s9;
	[smem:$0x7F2] =	sst s15  }
0x25: {  	s30 =	simm.s32 $0x80;
	s9 =	sadd.s32 s6, s10;
	[dreg:$0x18] =	wrdreg s23  }
0x26: {  	s19 =	sadd.s32 $0x14A00, s0;
	s10 =	sadd.s32 s6, s16;
	[dreg:$0x1f] =	wrdreg s9  }
0x27: {  	s31 =	simm.s32 $0x69C0;
	s21 =	sadd.s32 s3, s19;
	[smem:$0x7EE] =	sst s10  }
0x28: {  	s14 =	sadd.s32 s6, s19;
	[dreg:$0x13] =	wrdreg s21;
	s21 =	sadd.s32 $0x14E00, s0  }
0x29: {  	s25 =	sadd.s32 $0x400, s2;
	[smem:$0x7F1] =	sst s14;
	s3 =	sadd.s32 s3, s21  }
0x2a: {  	s17 =	smax.u32 s8, $0x1;
	s16 =	sadd.s32 s6, s21;
	[dreg:$0x15] =	wrdreg s3  }
0x2b: {  	s4 =	simm.s32 $0x1;
	s8 =	simm.s32 $0x6400;
	[smem:$0x7F3] =	sst s16  }
0x2c: {  	s18 =	sadd.s32 $0x400, s13;
	_ =	strace $0x80000047;
	[smem:$0x7F4] =	sst s17  }
0x2d: {  	s24 =	sadd.s32 $0x300, s2;
	s19 =	sadd.s32 $0x800, s13;
	[smem:$0x7F5] =	sst s18  }
0x2e: {  	s11 =	simm.s32 $0x6500;
	s20 =	sadd.s32 $0x200, s2;
	[smem:$0x7F6] =	sst s19  }
0x2f: {  	s22 =	sadd.s32 $0x1000, s13;
	s21 =	sadd.s32 $0xC00, s13;
	[smem:$0x7F7] =	sst s20  }
0x30: {  	s26 =	sadd.s32 $0x500, s2;
	s12 =	simm.s32 $0x6580;
	[smem:$0x7F8] =	sst s21  }
0x31: {  	s15 =	simm.s32 $0x6700;
	s23 =	sadd.s32 $0x1400, s13;
	[smem:$0x7F9] =	sst s22  }
0x32: {  	s9 =	sadd.s32 $0x2A00, s0;
	s10 =	simm.s32 $0x6480;
	[smem:$0x7FA] =	sst s23  }
0x33: {  	s14 =	simm.s32 $0x6680;
	s0 =	simm.s32 $0x6900;
	[smem:$0x7FB] =	sst s24  }
0x34: {  	s13 =	simm.s32 $0x6600;
	s3 =	simm.s32 $0x79C0;
	[smem:$0x7FC] =	sst s25  }
0x35: {  	v0 =	vlaneseq.u32;
	s16 =	simm.s32 $0x6780;
	[smem:$0x7FD] =	sst s26;
	s20 =	simm.s32 $0x2  }
0x36: {  	v2 =	vimm.s32 $0x0;
	v1 =	vor.u32 $0xFFFFFF88, v0;
	v3 =	vor.u32 $0xFFFFFF98, v0;
	s21 =	simm.s32 $0x2000;
	s22 =	simm.s32 $0x4000;
	s23 =	simm.s32 $0x6000  }
0x37: {  	v4 =	vor.u32 $0xFFFFFFA8, v0;
	v5 =	vor.u32 $0xFFFFFFB8, v0;
	v6 =	vor.u32 $0xFFFFFFC8, v0;
	s24 =	simm.s32 $0x6040;
	s25 =	simm.s32 $0x6080;
	s26 =	simm.s32 $0x60C0  }
0x38: {  	v7 =	vor.u32 $0xFFFFFFD8, v0;
	v8 =	vor.u32 $0xFFFFFFE8, v0;
	v9 =	vor.u32 $0xFFFFFFF8, v0;
	s17 =	simm.s32 $0x6800;
	s18 =	simm.s32 $0x6880;
	s19 =	simm.s32 $0x0  }
.LBB2_1:
0x39: {  	s5 =	rddreg [dreg:$0x0]  }
0x3a: {  	[tilespmem:s1], [sflag:$0x2] =	stream.linear.gather [hbm4b:s5+s1], $0x2000, $0x38;
	[tilespmem:$0x89C0] =	vst v63  }
0x3b: {  	_ =	swait.ge [sflag:s20], $0x2000  }
0x3c: {  	s6 =	sld [smem:$0x7F5]  }
0x3d: {  	[sflag:s20] =	ssyncset.done $0x0  }
0x3e: {  	[sflag:s20] =	ssyncadd.s32 $0xFFFFE000  }
0x3f: {  	[tilespmem:s21], [sflag:$0x2] =	stream.linear.gather [hbm4b:s6+s1], $0x2000, $0x38;
	[tilespmem:$0x89C0] =	vst v63  }
0x40: {  	_ =	swait.ge [sflag:s20], $0x2000  }
0x41: {  	s7 =	sld [smem:$0x7F6]  }
0x42: {  	[sflag:s20] =	ssyncset.done $0x0  }
0x43: {  	[sflag:s20] =	ssyncadd.s32 $0xFFFFE000  }
0x44: {  	[tilespmem:s22], [sflag:$0x2] =	stream.linear.gather [hbm4b:s7+s1], $0x2000, $0x38;
	[tilespmem:$0x89C0] =	vst v63  }
0x45: {  	_ =	swait.ge [sflag:s20], $0x2000  }
0x46: {  	[sflag:s20] =	ssyncset.done $0x0  }
0x47: {  	[sflag:s20] =	ssyncadd.s32 $0xFFFFE000  }
0x48: {  	[tilespmem:s23], [sflag:$0x2] =	stream.linear.gather [hbm4b:s2+s1], $0x40, $0x38;
	[tilespmem:$0x89C0] =	vst v63  }
0x49: {  	_ =	swait.ge [sflag:s20], $0x40  }
0x4a: {  	[sflag:s20] =	ssyncset.done $0x0  }
0x4b: {  	s6 =	rddreg [dreg:$0x3];
	[sflag:s20] =	ssyncadd.s32 $0xFFFFFFC0  }
0x4c: {  	[tilespmem:s24], [sflag:$0x2] =	stream.linear.gather [hbm4b:s6+s1], $0x40, $0x38;
	[tilespmem:$0x89C0] =	vst v63  }
0x4d: {  	_ =	swait.ge [sflag:s20], $0x40  }
0x4e: {  	s7 =	sld [smem:$0x7F7]  }
0x4f: {  	[sflag:s20] =	ssyncset.done $0x0  }
0x50: {  	[sflag:s20] =	ssyncadd.s32 $0xFFFFFFC0  }
0x51: {  	[tilespmem:s25], [sflag:$0x2] =	stream.linear.gather [hbm4b:s7+s1], $0x40, $0x38;
	[tilespmem:$0x89C0] =	vst v63  }
0x52: {  	_ =	swait.ge [sflag:s20], $0x40  }
0x53: {  	[sflag:s20] =	ssyncset.done $0x0  }
0x54: {  	s5 =	simm.s32 $0x0;
	[sflag:s20] =	ssyncadd.s32 $0xFFFFFFC0  }
.LBB2_2:
0x55: {  	v11 =	vmov s5;
	_ =	sdelay $0x2  }
0x56: {  	v14 =	vimm.s32 $0x0  }
0x57: {  	[tilespmem:$0x60C0] =	vst v14  }
0x58: {  	v10 =	vld.idx.msk [tilespmem:v11+s23+$0x0], $0xffff  }
0x59: {  	v12 =	vld.idx.msk [tilespmem:v11+s24+$0x0], $0xffff  }
0x5a: {  	s6 =	simm.s32 $0x0;
	v13 =	vld.idx.msk [tilespmem:v11+s25+$0x0], $0xffff  }
.LBB2_3:
0x5b: {  	v15 =	vor.u32 s6, v0  }
0x5c: {  	v16 =	vand.u32 v1, v15;
	_ =	sdelay $0x4  }
0x5d: {  	v17 =	vld.idx.msk [tilespmem:v16+s1+$0x0], $0xffff  }
0x5e: {  	v18 =	vld.idx.msk [tilespmem:v16+s21+$0x0], $0xffff;
	_ =	sdelay $0x1  }
0x5f: {  	v16 =	vld.idx.msk [tilespmem:v16+s22+$0x0], $0xffff;
	_ =	sdelay $0x2  }
0x60: {  	v17 =	vsub.f32 v17, v10;
	v18 =	vsub.f32 v18, v12;
	_ =	sdelay $0x1  }
0x61: {  	v16 =	vsub.f32 v16, v13;
	v17 =	vmul.f32 v17, v17;
	v18 =	vmul.f32 v18, v18;
	_ =	sdelay $0x1  }
0x62: {  	v16 =	vmul.f32 v16, v16;
	v17 =	vadd.f32 v18, v17;
	_ =	sdelay $0x1  }
0x63: {  	v16 =	vadd.f32 v16, v17;
	_ =	sdelay $0x1  }
0x64: {  	vm0 =	vlt.f32 v16, $3.999999910e-02  }
0x65: {  	v16 =	vsel vm0, $0x1, v2  }
0x66: {  	(xrf0) =	vadd.scan.msk.s32 $0xffff, v16;
	_ =	sdelay $0x5  }
0x67: {  	v16, _, _ =	vpop (xrf0)  }
0x68: {  	s7 =	sadd.s32 $0x10, s6;
	v16 =	vadd.s32 v16, v14  }
0x69: {  	v40 =	vor.u32 s7, v0;
	v16 =	vadd.s32 $0xFFFFFFFF, v16  }
0x6a: {  	v41 =	vand.u32 v3, v40;
	_ =	sdelay $0x3  }
0x6b: {  	[tilespmem:v16+s26+$0x0] =	vst.idx.msk vm0, v15  }
0x6c: {  	v15 =	vld.idx.msk [tilespmem:v41+s1+$0x0], $0xffff  }
0x6d: {  	v16 =	vld.idx.msk [tilespmem:v41+s21+$0x0], $0xffff;
	_ =	sdelay $0x1  }
0x6e: {  	v18 =	vld.idx.msk [tilespmem:v41+s22+$0x0], $0xffff;
	_ =	sdelay $0x2  }
0x6f: {  	v15 =	vsub.f32 v15, v10;
	v16 =	vsub.f32 v16, v12;
	_ =	sdelay $0x1  }
0x70: {  	v18 =	vsub.f32 v18, v13;
	v15 =	vmul.f32 v15, v15;
	v16 =	vmul.f32 v16, v16;
	_ =	sdelay $0x1  }
0x71: {  	v42 =	vmul.f32 v18, v18;
	v15 =	vadd.f32 v16, v15;
	_ =	sdelay $0x1  }
0x72: {  	v15 =	vadd.f32 v42, v15;
	_ =	sdelay $0x1  }
0x73: {  	vm1 =	vlt.f32 v15, $3.999999910e-02  }
0x74: {  	v15 =	vsel vm1, $0x1, v2  }
0x75: {  	(xrf0) =	vadd.scan.msk.s32 $0xffff, v15;
	_ =	sdelay $0x1  }
0x76: {  	v15 =	vmpcnt.ones.xlane vm0;
	_ =	sdelay $0x3  }
0x77: {  	v14 =	vadd.s32 v14, v15;
	v15, _, _ =	vpop (xrf0)  }
0x78: {  	s7 =	sadd.s32 $0x20, s6;
	v15 =	vadd.s32 v15, v14  }
0x79: {  	v43 =	vor.u32 s7, v0;
	v15 =	vadd.s32 $0xFFFFFFFF, v15  }
0x7a: {  	v44 =	vand.u32 v4, v43;
	_ =	sdelay $0x3  }
0x7b: {  	[tilespmem:v15+s26+$0x0] =	vst.idx.msk vm1, v40  }
0x7c: {  	v15 =	vld.idx.msk [tilespmem:v44+s1+$0x0], $0xffff  }
0x7d: {  	v17 =	vld.idx.msk [tilespmem:v44+s21+$0x0], $0xffff;
	_ =	sdelay $0x1  }
0x7e: {  	v18 =	vld.idx.msk [tilespmem:v44+s22+$0x0], $0xffff;
	_ =	sdelay $0x2  }
0x7f: {  	v15 =	vsub.f32 v15, v10;
	v17 =	vsub.f32 v17, v12;
	_ =	sdelay $0x1  }
0x80: {  	v18 =	vsub.f32 v18, v13;
	v15 =	vmul.f32 v15, v15;
	v17 =	vmul.f32 v17, v17;
	_ =	sdelay $0x1  }
0x81: {  	v45 =	vmul.f32 v18, v18;
	v15 =	vadd.f32 v17, v15;
	_ =	sdelay $0x1  }
0x82: {  	v15 =	vadd.f32 v45, v15;
	_ =	sdelay $0x1  }
0x83: {  	vm10 =	vlt.f32 v15, $3.999999910e-02  }
0x84: {  	v15 =	vsel vm10, $0x1, v2  }
0x85: {  	(xrf0) =	vadd.scan.msk.s32 $0xffff, v15;
	_ =	sdelay $0x1  }
0x86: {  	v15 =	vmpcnt.ones.xlane vm1;
	_ =	sdelay $0x3  }
0x87: {  	v14 =	vadd.s32 v14, v15;
	v15, _, _ =	vpop (xrf0)  }
0x88: {  	s7 =	sadd.s32 $0x30, s6;
	v15 =	vadd.s32 v15, v14  }
0x89: {  	v46 =	vor.u32 s7, v0;
	v15 =	vadd.s32 $0xFFFFFFFF, v15  }
0x8a: {  	v47 =	vand.u32 v5, v46;
	_ =	sdelay $0x3  }
0x8b: {  	[tilespmem:v15+s26+$0x0] =	vst.idx.msk vm10, v43  }
0x8c: {  	v15 =	vld.idx.msk [tilespmem:v47+s1+$0x0], $0xffff  }
0x8d: {  	v16 =	vld.idx.msk [tilespmem:v47+s21+$0x0], $0xffff;
	_ =	sdelay $0x1  }
0x8e: {  	v18 =	vld.idx.msk [tilespmem:v47+s22+$0x0], $0xffff;
	_ =	sdelay $0x2  }
0x8f: {  	v15 =	vsub.f32 v15, v10;
	v16 =	vsub.f32 v16, v12;
	_ =	sdelay $0x1  }
0x90: {  	v18 =	vsub.f32 v18, v13;
	v15 =	vmul.f32 v15, v15;
	v16 =	vmul.f32 v16, v16;
	_ =	sdelay $0x1  }
0x91: {  	v48 =	vmul.f32 v18, v18;
	v15 =	vadd.f32 v16, v15;
	_ =	sdelay $0x1  }
0x92: {  	v15 =	vadd.f32 v48, v15;
	_ =	sdelay $0x1  }
0x93: {  	vm11 =	vlt.f32 v15, $3.999999910e-02  }
0x94: {  	v15 =	vsel vm11, $0x1, v2  }
0x95: {  	(xrf0) =	vadd.scan.msk.s32 $0xffff, v15;
	_ =	sdelay $0x1  }
0x96: {  	v15 =	vmpcnt.ones.xlane vm10;
	_ =	sdelay $0x3  }
0x97: {  	v14 =	vadd.s32 v14, v15;
	v15, _, _ =	vpop (xrf0)  }
0x98: {  	s7 =	sadd.s32 $0x40, s6;
	v15 =	vadd.s32 v15, v14  }
0x99: {  	v49 =	vor.u32 s7, v0;
	v15 =	vadd.s32 $0xFFFFFFFF, v15  }
0x9a: {  	v50 =	vand.u32 v6, v49;
	_ =	sdelay $0x3  }
0x9b: {  	[tilespmem:v15+s26+$0x0] =	vst.idx.msk vm11, v46  }
0x9c: {  	v15 =	vld.idx.msk [tilespmem:v50+s1+$0x0], $0xffff  }
0x9d: {  	v17 =	vld.idx.msk [tilespmem:v50+s21+$0x0], $0xffff;
	_ =	sdelay $0x1  }
0x9e: {  	v18 =	vld.idx.msk [tilespmem:v50+s22+$0x0], $0xffff;
	_ =	sdelay $0x2  }
0x9f: {  	v15 =	vsub.f32 v15, v10;
	v17 =	vsub.f32 v17, v12;
	_ =	sdelay $0x1  }
0xa0: {  	v18 =	vsub.f32 v18, v13;
	v15 =	vmul.f32 v15, v15;
	v17 =	vmul.f32 v17, v17;
	_ =	sdelay $0x1  }
0xa1: {  	v51 =	vmul.f32 v18, v18;
	v15 =	vadd.f32 v17, v15;
	_ =	sdelay $0x1  }
0xa2: {  	v15 =	vadd.f32 v51, v15;
	_ =	sdelay $0x1  }
0xa3: {  	vm12 =	vlt.f32 v15, $3.999999910e-02  }
0xa4: {  	v15 =	vsel vm12, $0x1, v2  }
0xa5: {  	(xrf0) =	vadd.scan.msk.s32 $0xffff, v15;
	_ =	sdelay $0x1  }
0xa6: {  	v15 =	vmpcnt.ones.xlane vm11;
	_ =	sdelay $0x3  }
0xa7: {  	v14 =	vadd.s32 v14, v15;
	v15, _, _ =	vpop (xrf0)  }
0xa8: {  	s7 =	sadd.s32 $0x50, s6;
	v15 =	vadd.s32 v15, v14  }
0xa9: {  	v52 =	vor.u32 s7, v0;
	v15 =	vadd.s32 $0xFFFFFFFF, v15  }
0xaa: {  	v53 =	vand.u32 v7, v52;
	_ =	sdelay $0x3  }
0xab: {  	[tilespmem:v15+s26+$0x0] =	vst.idx.msk vm12, v49  }
0xac: {  	v15 =	vld.idx.msk [tilespmem:v53+s1+$0x0], $0xffff  }
0xad: {  	v16 =	vld.idx.msk [tilespmem:v53+s21+$0x0], $0xffff;
	_ =	sdelay $0x1  }
0xae: {  	v18 =	vld.idx.msk [tilespmem:v53+s22+$0x0], $0xffff;
	_ =	sdelay $0x2  }
0xaf: {  	v15 =	vsub.f32 v15, v10;
	v16 =	vsub.f32 v16, v12;
	_ =	sdelay $0x1  }
0xb0: {  	v18 =	vsub.f32 v18, v13;
	v15 =	vmul.f32 v15, v15;
	v16 =	vmul.f32 v16, v16;
	_ =	sdelay $0x1  }
0xb1: {  	v54 =	vmul.f32 v18, v18;
	v15 =	vadd.f32 v16, v15;
	_ =	sdelay $0x1  }
0xb2: {  	v15 =	vadd.f32 v54, v15;
	_ =	sdelay $0x1  }
0xb3: {  	vm13 =	vlt.f32 v15, $3.999999910e-02  }
0xb4: {  	v15 =	vsel vm13, $0x1, v2  }
0xb5: {  	(xrf0) =	vadd.scan.msk.s32 $0xffff, v15;
	_ =	sdelay $0x1  }
0xb6: {  	v15 =	vmpcnt.ones.xlane vm12;
	_ =	sdelay $0x3  }
0xb7: {  	v14 =	vadd.s32 v14, v15;
	v15, _, _ =	vpop (xrf0)  }
0xb8: {  	s7 =	sadd.s32 $0x60, s6;
	v15 =	vadd.s32 v15, v14  }
0xb9: {  	v55 =	vor.u32 s7, v0;
	v15 =	vadd.s32 $0xFFFFFFFF, v15  }
0xba: {  	v56 =	vand.u32 v8, v55;
	_ =	sdelay $0x3  }
0xbb: {  	[tilespmem:v15+s26+$0x0] =	vst.idx.msk vm13, v52  }
0xbc: {  	v15 =	vld.idx.msk [tilespmem:v56+s1+$0x0], $0xffff  }
0xbd: {  	v17 =	vld.idx.msk [tilespmem:v56+s21+$0x0], $0xffff;
	_ =	sdelay $0x1  }
0xbe: {  	v18 =	vld.idx.msk [tilespmem:v56+s22+$0x0], $0xffff;
	_ =	sdelay $0x2  }
0xbf: {  	v15 =	vsub.f32 v15, v10;
	v17 =	vsub.f32 v17, v12;
	_ =	sdelay $0x1  }
0xc0: {  	v18 =	vsub.f32 v18, v13;
	v15 =	vmul.f32 v15, v15;
	v17 =	vmul.f32 v17, v17;
	_ =	sdelay $0x1  }
0xc1: {  	v57 =	vmul.f32 v18, v18;
	v15 =	vadd.f32 v17, v15;
	_ =	sdelay $0x1  }
0xc2: {  	v15 =	vadd.f32 v57, v15;
	_ =	sdelay $0x1  }
0xc3: {  	vm14 =	vlt.f32 v15, $3.999999910e-02  }
0xc4: {  	v15 =	vsel vm14, $0x1, v2  }
0xc5: {  	(xrf0) =	vadd.scan.msk.s32 $0xffff, v15;
	_ =	sdelay $0x1  }
0xc6: {  	v15 =	vmpcnt.ones.xlane vm13;
	_ =	sdelay $0x3  }
0xc7: {  	v14 =	vadd.s32 v14, v15;
	v15, _, _ =	vpop (xrf0)  }
0xc8: {  	s7 =	sadd.s32 $0x70, s6;
	v15 =	vadd.s32 v15, v14  }
0xc9: {  	v58 =	vor.u32 s7, v0;
	v15 =	vadd.s32 $0xFFFFFFFF, v15  }
0xca: {  	v59 =	vand.u32 v9, v58;
	_ =	sdelay $0x3  }
0xcb: {  	[tilespmem:v15+s26+$0x0] =	vst.idx.msk vm14, v55  }
0xcc: {  	v15 =	vld.idx.msk [tilespmem:v59+s1+$0x0], $0xffff  }
0xcd: {  	v16 =	vld.idx.msk [tilespmem:v59+s21+$0x0], $0xffff;
	_ =	sdelay $0x1  }
0xce: {  	v18 =	vld.idx.msk [tilespmem:v59+s22+$0x0], $0xffff;
	_ =	sdelay $0x2  }
0xcf: {  	v15 =	vsub.f32 v15, v10;
	v16 =	vsub.f32 v16, v12;
	_ =	sdelay $0x1  }
0xd0: {  	v18 =	vsub.f32 v18, v13;
	v15 =	vmul.f32 v15, v15;
	v16 =	vmul.f32 v16, v16;
	_ =	sdelay $0x1  }
0xd1: {  	v60 =	vmul.f32 v18, v18;
	v15 =	vadd.f32 v16, v15;
	_ =	sdelay $0x1  }
0xd2: {  	v15 =	vadd.f32 v60, v15;
	_ =	sdelay $0x1  }
0xd3: {  	v61 =	vmpcnt.ones.xlane vm14;
	vm15 =	vlt.f32 v15, $3.999999910e-02  }
0xd4: {  	v15 =	vmpcnt.ones.xlane vm15  }
0xd5: {  	v16 =	vadd.s32 v14, v61  }
0xd6: {  	v62 =	vsel vm15, $0x1, v2;
	v14 =	vadd.s32 v16, v15  }
0xd7: {  	(xrf0) =	vadd.scan.msk.s32 $0xffff, v62;
	v15 =	vxor.u32 $0x80000000, v14  }
0xd8: {  	(xrf0) =	vmax.scan.msk.u32 $0xffff, v15;
	_ =	sdelay $0x4  }
0xd9: {  	v15, _, _ =	vpop (xrf0)  }
0xda: {  	v63, _, _ =	vpop (xrf0)  }
0xdb: {  	(v2sf) =	vpush v63, $0xF;
	_ =	sdelay $0xe  }
0xdc: {  	s7 =	spop (v2sf)  }
0xdd: {  	p0 =	sgt.u32 s6, $0x1F7F;
	s7 =	sxor.u32 $0x80000000, s7  }
0xde: {  	v15 =	vadd.s32 v15, v16;
	p1 =	slt.s32 @!p0 s7, $0x20  }
0xdf: {  	v15 =	vadd.s32 $0xFFFFFFFF, v15;
	p0 =	por p0, !p1  }
.Ltmp0:
0xe0: {  	_ = 	snop;
	(pc) =	sbr.rel @!p0 .LBB2_3-.Ltmp0, $2  }
0xe1: {  	_ =	sdelay $0x2  }
0xe2: {  	s6 =	sadd.s32 $0x80, s6;
	[tilespmem:v15+s26+$0x0] =	vst.idx.msk vm15, v58  }
0xe3: {  	v12 =	vld.msk [tilespmem:s26+$0x0], $0xffff  }
0xe4: {  	v10 =	vld [tilespmem:$0x60C0];
	s6 =	sshll.u32 s5, $0x5  }
0xe5: {  	p0 =	slt.s32 s7, $0x20;
	v13 =	vor.u32 s6, v0  }
0xe6: {  	s7 =	simm.s32 @!p0 $0x20  }
0xe7: {  	v14 =	vmov s7  }
0xe8: {  	vm0 =	vgt.s32 v14, v0  }
0xe9: {  	v10 =	vsel vm0, v10, v12  }
0xea: {  	[tilespmem:v13+s28+$0x0] =	vst.idx.msk $0xffff, v10  }
0xeb: {  	s6 =	sor.u32 $0x10, s6;
	v13 =	vld [tilespmem:$0x60D0]  }
0xec: {  	s5 =	sadd.s32 $0x1, s5;
	v15 =	vor.u32 s6, v0  }
0xed: {  	p0 =	sne.s32 s5, $0x40  }
.Ltmp1:
0xee: {  	v10 =	vor.u32 $0x10, v0;
	(pc) =	sbr.rel @p0 .LBB2_2-.Ltmp1, $4  }
0xef: {  	vm15 =	vgt.s32 v14, v10  }
0xf0: {  	v12 =	vsel vm15, v13, v12  }
0xf1: {  	[tilespmem:v15+s28+$0x0] =	vst.idx.msk $0xffff, v12  }
0xf2: {  	[tilespmem:v11+s29+$0x0] =	vst.idx.msk $0x1, v14  }
0xf3: {  	s5 =	simm.s32 $0x0;
	s6 =	rddreg [dreg:$0x4]  }
0xf4: {  	[hbm4b:s6+s5] =	stream.linear.scatter [tilespmem:s29], [sflag:$0x2], $0x40, $0x38;
	[tilespmem:$0x89C0] =	vst v63  }
0xf5: {  	_ =	swait.ge [sflag:s20], $0x40  }
0xf6: {  	[sflag:s20] =	ssyncset.done $0x0  }
0xf7: {  	[sflag:s20] =	ssyncadd.s32 $0xFFFFFFC0  }
0xf8: {  	[tilespmem:s31], [sflag:$0x1] =	stream.indirect.gather [hbm4b:s9+s30], $0x20, s28, s30, $0xb8;
	[tilespmem:$0x89C0] =	vst v63  }
0xf9: {  	s7 =	simm.s32 $0x6200  }
0xfa: {  	[tilespmem:s3], [sflag:$0x1] =	stream.indirect.gather [hbm4b:s9+s30], $0x20, s7, s30, $0xb8;
	[tilespmem:$0x89C0] =	vst v63  }
0xfb: {  	_ =	swait.ge [sflag:s4], $0x1000  }
0xfc: {  	[sflag:s4] =	ssyncset.done $0x0  }
0xfd: {  	s7 =	rddreg [dreg:$0x5];
	[sflag:s4] =	ssyncadd.s32 $0xFFFFF000  }
0xfe: {  	[hbm4b:s7+s5] =	stream.linear.scatter [tilespmem:s31], [sflag:$0x2], $0x1000, $0x38;
	[tilespmem:$0x89C0] =	vst v63  }
0xff: {  	_ =	swait.ge [sflag:s20], $0x1000  }
0x100: {  	[sflag:s20] =	ssyncset.done $0x0  }
0x101: {  	s7 =	simm.s32 $0x6280;
	[sflag:s20] =	ssyncadd.s32 $0xFFFFF000  }
0x102: {  	[tilespmem:s31], [sflag:$0x1] =	stream.indirect.gather [hbm4b:s9+s30], $0x20, s7, s30, $0xb8;
	[tilespmem:$0x89C0] =	vst v63  }
0x103: {  	_ =	swait.ge [sflag:s4], $0x1000  }
0x104: {  	[sflag:s4] =	ssyncset.done $0x0  }
0x105: {  	s7 =	rddreg [dreg:$0x6];
	[sflag:s4] =	ssyncadd.s32 $0xFFFFF000  }
0x106: {  	[hbm4b:s7+s5] =	stream.linear.scatter [tilespmem:s3], [sflag:$0x2], $0x1000, $0x38;
	[tilespmem:$0x89C0] =	vst v63  }
0x107: {  	_ =	swait.ge [sflag:s20], $0x1000  }
0x108: {  	[sflag:s20] =	ssyncset.done $0x0  }
0x109: {  	s7 =	simm.s32 $0x6300;
	[sflag:s20] =	ssyncadd.s32 $0xFFFFF000  }
0x10a: {  	[tilespmem:s3], [sflag:$0x1] =	stream.indirect.gather [hbm4b:s9+s30], $0x20, s7, s30, $0xb8;
	[tilespmem:$0x89C0] =	vst v63  }
0x10b: {  	_ =	swait.ge [sflag:s4], $0x1000  }
0x10c: {  	[sflag:s4] =	ssyncset.done $0x0  }
0x10d: {  	s7 =	rddreg [dreg:$0x7];
	[sflag:s4] =	ssyncadd.s32 $0xFFFFF000  }
0x10e: {  	[hbm4b:s7+s5] =	stream.linear.scatter [tilespmem:s31], [sflag:$0x2], $0x1000, $0x38;
	[tilespmem:$0x89C0] =	vst v63  }
0x10f: {  	_ =	swait.ge [sflag:s20], $0x1000  }
0x110: {  	[sflag:s20] =	ssyncset.done $0x0  }
0x111: {  	s7 =	simm.s32 $0x6380;
	[sflag:s20] =	ssyncadd.s32 $0xFFFFF000  }
0x112: {  	[tilespmem:s31], [sflag:$0x1] =	stream.indirect.gather [hbm4b:s9+s30], $0x20, s7, s30, $0xb8;
	[tilespmem:$0x89C0] =	vst v63  }
0x113: {  	_ =	swait.ge [sflag:s4], $0x1000  }
0x114: {  	[sflag:s4] =	ssyncset.done $0x0  }
0x115: {  	s7 =	rddreg [dreg:$0x8];
	[sflag:s4] =	ssyncadd.s32 $0xFFFFF000  }
0x116: {  	[hbm4b:s7+s5] =	stream.linear.scatter [tilespmem:s3], [sflag:$0x2], $0x1000, $0x38;
	[tilespmem:$0x89C0] =	vst v63  }
0x117: {  	_ =	swait.ge [sflag:s20], $0x1000  }
0x118: {  	[sflag:s20] =	ssyncset.done $0x0  }
0x119: {  	[sflag:s20] =	ssyncadd.s32 $0xFFFFF000  }
0x11a: {  	[tilespmem:s3], [sflag:$0x1] =	stream.indirect.gather [hbm4b:s9+s30], $0x20, s8, s30, $0xb8;
	[tilespmem:$0x89C0] =	vst v63  }
0x11b: {  	_ =	swait.ge [sflag:s4], $0x1000  }
0x11c: {  	[sflag:s4] =	ssyncset.done $0x0  }
0x11d: {  	s7 =	rddreg [dreg:$0x9];
	[sflag:s4] =	ssyncadd.s32 $0xFFFFF000  }
0x11e: {  	[hbm4b:s7+s5] =	stream.linear.scatter [tilespmem:s31], [sflag:$0x2], $0x1000, $0x38;
	[tilespmem:$0x89C0] =	vst v63  }
0x11f: {  	_ =	swait.ge [sflag:s20], $0x1000  }
0x120: {  	[sflag:s20] =	ssyncset.done $0x0  }
0x121: {  	[sflag:s20] =	ssyncadd.s32 $0xFFFFF000  }
0x122: {  	[tilespmem:s31], [sflag:$0x1] =	stream.indirect.gather [hbm4b:s9+s30], $0x20, s10, s30, $0xb8;
	[tilespmem:$0x89C0] =	vst v63  }
0x123: {  	_ =	swait.ge [sflag:s4], $0x1000  }
0x124: {  	[sflag:s4] =	ssyncset.done $0x0  }
0x125: {  	s7 =	rddreg [dreg:$0xa];
	[sflag:s4] =	ssyncadd.s32 $0xFFFFF000  }
0x126: {  	[hbm4b:s7+s5] =	stream.linear.scatter [tilespmem:s3], [sflag:$0x2], $0x1000, $0x38;
	[tilespmem:$0x89C0] =	vst v63  }
0x127: {  	_ =	swait.ge [sflag:s20], $0x1000  }
0x128: {  	[sflag:s20] =	ssyncset.done $0x0  }
0x129: {  	[sflag:s20] =	ssyncadd.s32 $0xFFFFF000  }
0x12a: {  	[tilespmem:s3], [sflag:$0x1] =	stream.indirect.gather [hbm4b:s9+s30], $0x20, s11, s30, $0xb8;
	[tilespmem:$0x89C0] =	vst v63  }
0x12b: {  	_ =	swait.ge [sflag:s4], $0x1000  }
0x12c: {  	[sflag:s4] =	ssyncset.done $0x0  }
0x12d: {  	s7 =	rddreg [dreg:$0xb];
	[sflag:s4] =	ssyncadd.s32 $0xFFFFF000  }
0x12e: {  	[hbm4b:s7+s5] =	stream.linear.scatter [tilespmem:s31], [sflag:$0x2], $0x1000, $0x38;
	[tilespmem:$0x89C0] =	vst v63  }
0x12f: {  	_ =	swait.ge [sflag:s20], $0x1000  }
0x130: {  	[sflag:s20] =	ssyncset.done $0x0  }
0x131: {  	[sflag:s20] =	ssyncadd.s32 $0xFFFFF000  }
0x132: {  	[tilespmem:s31], [sflag:$0x1] =	stream.indirect.gather [hbm4b:s9+s30], $0x20, s12, s30, $0xb8;
	[tilespmem:$0x89C0] =	vst v63  }
0x133: {  	_ =	swait.ge [sflag:s4], $0x1000  }
0x134: {  	[sflag:s4] =	ssyncset.done $0x0  }
0x135: {  	s7 =	rddreg [dreg:$0xd];
	[sflag:s4] =	ssyncadd.s32 $0xFFFFF000  }
0x136: {  	[hbm4b:s7+s5] =	stream.linear.scatter [tilespmem:s3], [sflag:$0x2], $0x1000, $0x38;
	[tilespmem:$0x89C0] =	vst v63  }
0x137: {  	_ =	swait.ge [sflag:s20], $0x1000  }
0x138: {  	[sflag:s20] =	ssyncset.done $0x0  }
0x139: {  	[sflag:s20] =	ssyncadd.s32 $0xFFFFF000  }
0x13a: {  	[tilespmem:s3], [sflag:$0x1] =	stream.indirect.gather [hbm4b:s9+s30], $0x20, s13, s30, $0xb8;
	[tilespmem:$0x89C0] =	vst v63  }
0x13b: {  	_ =	swait.ge [sflag:s4], $0x1000  }
0x13c: {  	[sflag:s4] =	ssyncset.done $0x0  }
0x13d: {  	s7 =	rddreg [dreg:$0xe];
	[sflag:s4] =	ssyncadd.s32 $0xFFFFF000  }
0x13e: {  	[hbm4b:s7+s5] =	stream.linear.scatter [tilespmem:s31], [sflag:$0x2], $0x1000, $0x38;
	[tilespmem:$0x89C0] =	vst v63  }
0x13f: {  	_ =	swait.ge [sflag:s20], $0x1000  }
0x140: {  	[sflag:s20] =	ssyncset.done $0x0  }
0x141: {  	[sflag:s20] =	ssyncadd.s32 $0xFFFFF000  }
0x142: {  	[tilespmem:s31], [sflag:$0x1] =	stream.indirect.gather [hbm4b:s9+s30], $0x20, s14, s30, $0xb8;
	[tilespmem:$0x89C0] =	vst v63  }
0x143: {  	_ =	swait.ge [sflag:s4], $0x1000  }
0x144: {  	[sflag:s4] =	ssyncset.done $0x0  }
0x145: {  	s7 =	rddreg [dreg:$0xf];
	[sflag:s4] =	ssyncadd.s32 $0xFFFFF000  }
0x146: {  	[hbm4b:s7+s5] =	stream.linear.scatter [tilespmem:s3], [sflag:$0x2], $0x1000, $0x38;
	[tilespmem:$0x89C0] =	vst v63  }
0x147: {  	_ =	swait.ge [sflag:s20], $0x1000  }
0x148: {  	[sflag:s20] =	ssyncset.done $0x0  }
0x149: {  	[sflag:s20] =	ssyncadd.s32 $0xFFFFF000  }
0x14a: {  	[tilespmem:s3], [sflag:$0x1] =	stream.indirect.gather [hbm4b:s9+s30], $0x20, s15, s30, $0xb8;
	[tilespmem:$0x89C0] =	vst v63  }
0x14b: {  	_ =	swait.ge [sflag:s4], $0x1000  }
0x14c: {  	[sflag:s4] =	ssyncset.done $0x0  }
0x14d: {  	s7 =	rddreg [dreg:$0x10];
	[sflag:s4] =	ssyncadd.s32 $0xFFFFF000  }
0x14e: {  	[hbm4b:s7+s5] =	stream.linear.scatter [tilespmem:s31], [sflag:$0x2], $0x1000, $0x38;
	[tilespmem:$0x89C0] =	vst v63  }
0x14f: {  	_ =	swait.ge [sflag:s20], $0x1000  }
0x150: {  	[sflag:s20] =	ssyncset.done $0x0  }
0x151: {  	[sflag:s20] =	ssyncadd.s32 $0xFFFFF000  }
0x152: {  	[tilespmem:s31], [sflag:$0x1] =	stream.indirect.gather [hbm4b:s9+s30], $0x20, s16, s30, $0xb8;
	[tilespmem:$0x89C0] =	vst v63  }
0x153: {  	_ =	swait.ge [sflag:s4], $0x1000  }
0x154: {  	[sflag:s4] =	ssyncset.done $0x0  }
0x155: {  	s7 =	rddreg [dreg:$0x11];
	[sflag:s4] =	ssyncadd.s32 $0xFFFFF000  }
0x156: {  	[hbm4b:s7+s5] =	stream.linear.scatter [tilespmem:s3], [sflag:$0x2], $0x1000, $0x38;
	[tilespmem:$0x89C0] =	vst v63  }
0x157: {  	_ =	swait.ge [sflag:s20], $0x1000  }
0x158: {  	[sflag:s20] =	ssyncset.done $0x0  }
0x159: {  	[sflag:s20] =	ssyncadd.s32 $0xFFFFF000  }
0x15a: {  	[tilespmem:s3], [sflag:$0x1] =	stream.indirect.gather [hbm4b:s9+s30], $0x20, s17, s30, $0xb8;
	[tilespmem:$0x89C0] =	vst v63  }
0x15b: {  	_ =	swait.ge [sflag:s4], $0x1000  }
0x15c: {  	[sflag:s4] =	ssyncset.done $0x0  }
0x15d: {  	s7 =	rddreg [dreg:$0x12];
	[sflag:s4] =	ssyncadd.s32 $0xFFFFF000  }
0x15e: {  	[hbm4b:s7+s5] =	stream.linear.scatter [tilespmem:s31], [sflag:$0x2], $0x1000, $0x38;
	[tilespmem:$0x89C0] =	vst v63  }
0x15f: {  	_ =	swait.ge [sflag:s20], $0x1000  }
0x160: {  	[sflag:s20] =	ssyncset.done $0x0  }
0x161: {  	[sflag:s20] =	ssyncadd.s32 $0xFFFFF000  }
0x162: {  	[tilespmem:s31], [sflag:$0x1] =	stream.indirect.gather [hbm4b:s9+s30], $0x20, s18, s30, $0xb8;
	[tilespmem:$0x89C0] =	vst v63  }
0x163: {  	_ =	swait.ge [sflag:s4], $0x1000  }
0x164: {  	[sflag:s4] =	ssyncset.done $0x0  }
0x165: {  	s7 =	rddreg [dreg:$0x13];
	[sflag:s4] =	ssyncadd.s32 $0xFFFFF000  }
0x166: {  	[hbm4b:s7+s5] =	stream.linear.scatter [tilespmem:s3], [sflag:$0x2], $0x1000, $0x38;
	[tilespmem:$0x89C0] =	vst v63  }
0x167: {  	_ =	swait.ge [sflag:s20], $0x1000  }
0x168: {  	[sflag:s20] =	ssyncset.done $0x0  }
0x169: {  	[sflag:s20] =	ssyncadd.s32 $0xFFFFF000  }
0x16a: {  	[tilespmem:s3], [sflag:$0x1] =	stream.indirect.gather [hbm4b:s9+s30], $0x20, s0, s30, $0xb8;
	[tilespmem:$0x89C0] =	vst v63  }
0x16b: {  	_ =	swait.ge [sflag:s4], $0x1000  }
0x16c: {  	[sflag:s4] =	ssyncset.done $0x0  }
0x16d: {  	s7 =	rddreg [dreg:$0x14];
	[sflag:s4] =	ssyncadd.s32 $0xFFFFF000  }
0x16e: {  	[hbm4b:s7+s5] =	stream.linear.scatter [tilespmem:s31], [sflag:$0x2], $0x1000, $0x38;
	[tilespmem:$0x89C0] =	vst v63  }
0x16f: {  	_ =	swait.ge [sflag:s20], $0x1000  }
0x170: {  	[sflag:s20] =	ssyncset.done $0x0  }
0x171: {  	[sflag:s20] =	ssyncadd.s32 $0xFFFFF000  }
0x172: {  	_ =	swait.ge [sflag:s4], $0x1000  }
0x173: {  	[sflag:s4] =	ssyncset.done $0x0  }
0x174: {  	s7 =	rddreg [dreg:$0x15];
	[sflag:s4] =	ssyncadd.s32 $0xFFFFF000  }
0x175: {  	[hbm4b:s7+s5] =	stream.linear.scatter [tilespmem:s3], [sflag:$0x2], $0x1000, $0x38;
	[tilespmem:$0x89C0] =	vst v63  }
0x176: {  	_ =	swait.ge [sflag:s20], $0x1000  }
0x177: {  	s7 =	sld [smem:$0x7F8]  }
0x178: {  	[sflag:s20] =	ssyncset.done $0x0  }
0x179: {  	[sflag:s20] =	ssyncadd.s32 $0xFFFFF000  }
0x17a: {  	[tilespmem:s5], [sflag:$0x2] =	stream.linear.gather [hbm4b:s7+s5], $0x2000, $0x38;
	[tilespmem:$0x89C0] =	vst v63  }
0x17b: {  	_ =	swait.ge [sflag:s20], $0x2000  }
0x17c: {  	s7 =	sld [smem:$0x7F9]  }
0x17d: {  	[sflag:s20] =	ssyncset.done $0x0  }
0x17e: {  	[sflag:s20] =	ssyncadd.s32 $0xFFFFE000  }
0x17f: {  	[tilespmem:s21], [sflag:$0x2] =	stream.linear.gather [hbm4b:s7+s5], $0x2000, $0x38;
	[tilespmem:$0x89C0] =	vst v63  }
0x180: {  	_ =	swait.ge [sflag:s20], $0x2000  }
0x181: {  	s7 =	sld [smem:$0x7FA]  }
0x182: {  	[sflag:s20] =	ssyncset.done $0x0  }
0x183: {  	[sflag:s20] =	ssyncadd.s32 $0xFFFFE000  }
0x184: {  	[tilespmem:s22], [sflag:$0x2] =	stream.linear.gather [hbm4b:s7+s5], $0x2000, $0x38;
	[tilespmem:$0x89C0] =	vst v63  }
0x185: {  	_ =	swait.ge [sflag:s20], $0x2000  }
0x186: {  	s7 =	sld [smem:$0x7FB]  }
0x187: {  	[sflag:s20] =	ssyncset.done $0x0  }
0x188: {  	[sflag:s20] =	ssyncadd.s32 $0xFFFFE000  }
0x189: {  	[tilespmem:s23], [sflag:$0x2] =	stream.linear.gather [hbm4b:s7+s5], $0x40, $0x38;
	[tilespmem:$0x89C0] =	vst v63  }
0x18a: {  	_ =	swait.ge [sflag:s20], $0x40  }
0x18b: {  	s7 =	sld [smem:$0x7FC]  }
0x18c: {  	[sflag:s20] =	ssyncset.done $0x0  }
0x18d: {  	[sflag:s20] =	ssyncadd.s32 $0xFFFFFFC0  }
0x18e: {  	[tilespmem:s24], [sflag:$0x2] =	stream.linear.gather [hbm4b:s7+s5], $0x40, $0x38;
	[tilespmem:$0x89C0] =	vst v63  }
0x18f: {  	_ =	swait.ge [sflag:s20], $0x40  }
0x190: {  	s7 =	sld [smem:$0x7FD]  }
0x191: {  	[sflag:s20] =	ssyncset.done $0x0  }
0x192: {  	[sflag:s20] =	ssyncadd.s32 $0xFFFFFFC0  }
0x193: {  	[tilespmem:s25], [sflag:$0x2] =	stream.linear.gather [hbm4b:s7+s5], $0x40, $0x38;
	[tilespmem:$0x89C0] =	vst v63  }
0x194: {  	_ =	swait.ge [sflag:s20], $0x40  }
0x195: {  	[sflag:s20] =	ssyncset.done $0x0  }
0x196: {  	[sflag:s20] =	ssyncadd.s32 $0xFFFFFFC0  }
.LBB2_6:
0x197: {  	v11 =	vmov s5;
	_ =	sdelay $0x2  }
0x198: {  	v15 =	vimm.s32 $0x0  }
0x199: {  	[tilespmem:$0x60C0] =	vst v15  }
0x19a: {  	v12 =	vld.idx.msk [tilespmem:v11+s23+$0x0], $0xffff  }
0x19b: {  	v13 =	vld.idx.msk [tilespmem:v11+s24+$0x0], $0xffff  }
0x19c: {  	s6 =	simm.s32 $0x0;
	v14 =	vld.idx.msk [tilespmem:v11+s25+$0x0], $0xffff  }
.LBB2_7:
0x19d: {  	v16 =	vor.u32 s6, v0  }
0x19e: {  	v17 =	vand.u32 v1, v16;
	_ =	sdelay $0x4  }
0x19f: {  	v18 =	vld.idx.msk [tilespmem:v17+s1+$0x0], $0xffff  }
0x1a0: {  	v19 =	vld.idx.msk [tilespmem:v17+s21+$0x0], $0xffff;
	_ =	sdelay $0x1  }
0x1a1: {  	v17 =	vld.idx.msk [tilespmem:v17+s22+$0x0], $0xffff;
	_ =	sdelay $0x2  }
0x1a2: {  	v18 =	vsub.f32 v18, v12;
	v19 =	vsub.f32 v19, v13;
	_ =	sdelay $0x1  }
0x1a3: {  	v17 =	vsub.f32 v17, v14;
	v18 =	vmul.f32 v18, v18;
	v19 =	vmul.f32 v19, v19;
	_ =	sdelay $0x1  }
0x1a4: {  	v17 =	vmul.f32 v17, v17;
	v18 =	vadd.f32 v19, v18;
	_ =	sdelay $0x1  }
0x1a5: {  	v17 =	vadd.f32 v17, v18;
	_ =	sdelay $0x1  }
0x1a6: {  	vm0 =	vlt.f32 v17, $3.999999910e-02  }
0x1a7: {  	v17 =	vsel vm0, $0x1, v2  }
0x1a8: {  	(xrf0) =	vadd.scan.msk.s32 $0xffff, v17;
	_ =	sdelay $0x5  }
0x1a9: {  	v17, _, _ =	vpop (xrf0)  }
0x1aa: {  	s7 =	sadd.s32 $0x10, s6;
	v17 =	vadd.s32 v17, v15  }
0x1ab: {  	v48 =	vor.u32 s7, v0;
	v17 =	vadd.s32 $0xFFFFFFFF, v17  }
0x1ac: {  	v49 =	vand.u32 v3, v48;
	_ =	sdelay $0x3  }
0x1ad: {  	[tilespmem:v17+s26+$0x0] =	vst.idx.msk vm0, v16  }
0x1ae: {  	v16 =	vld.idx.msk [tilespmem:v49+s1+$0x0], $0xffff  }
0x1af: {  	v17 =	vld.idx.msk [tilespmem:v49+s21+$0x0], $0xffff;
	_ =	sdelay $0x1  }
0x1b0: {  	v19 =	vld.idx.msk [tilespmem:v49+s22+$0x0], $0xffff;
	_ =	sdelay $0x2  }
0x1b1: {  	v16 =	vsub.f32 v16, v12;
	v17 =	vsub.f32 v17, v13;
	_ =	sdelay $0x1  }
0x1b2: {  	v19 =	vsub.f32 v19, v14;
	v16 =	vmul.f32 v16, v16;
	v17 =	vmul.f32 v17, v17;
	_ =	sdelay $0x1  }
0x1b3: {  	v16 =	vadd.f32 v17, v16;
	v17 =	vmul.f32 v19, v19;
	_ =	sdelay $0x1  }
0x1b4: {  	v16 =	vadd.f32 v17, v16;
	_ =	sdelay $0x1  }
0x1b5: {  	vm1 =	vlt.f32 v16, $3.999999910e-02  }
0x1b6: {  	v16 =	vsel vm1, $0x1, v2  }
0x1b7: {  	(xrf0) =	vadd.scan.msk.s32 $0xffff, v16;
	_ =	sdelay $0x1  }
0x1b8: {  	v16 =	vmpcnt.ones.xlane vm0;
	_ =	sdelay $0x3  }
0x1b9: {  	v15 =	vadd.s32 v15, v16;
	v16, _, _ =	vpop (xrf0)  }
0x1ba: {  	s7 =	sadd.s32 $0x20, s6;
	v16 =	vadd.s32 v16, v15  }
0x1bb: {  	v17 =	vor.u32 s7, v0;
	v16 =	vadd.s32 $0xFFFFFFFF, v16  }
0x1bc: {  	v50 =	vand.u32 v4, v17;
	_ =	sdelay $0x3  }
0x1bd: {  	[tilespmem:v16+s26+$0x0] =	vst.idx.msk vm1, v48  }
0x1be: {  	v16 =	vld.idx.msk [tilespmem:v50+s1+$0x0], $0xffff  }
0x1bf: {  	v18 =	vld.idx.msk [tilespmem:v50+s21+$0x0], $0xffff;
	_ =	sdelay $0x1  }
0x1c0: {  	v19 =	vld.idx.msk [tilespmem:v50+s22+$0x0], $0xffff;
	_ =	sdelay $0x2  }
0x1c1: {  	v16 =	vsub.f32 v16, v12;
	v18 =	vsub.f32 v18, v13;
	_ =	sdelay $0x1  }
0x1c2: {  	v19 =	vsub.f32 v19, v14;
	v16 =	vmul.f32 v16, v16;
	v18 =	vmul.f32 v18, v18;
	_ =	sdelay $0x1  }
0x1c3: {  	v51 =	vmul.f32 v19, v19;
	v16 =	vadd.f32 v18, v16;
	_ =	sdelay $0x1  }
0x1c4: {  	v16 =	vadd.f32 v51, v16;
	_ =	sdelay $0x1  }
0x1c5: {  	vm10 =	vlt.f32 v16, $3.999999910e-02  }
0x1c6: {  	v16 =	vsel vm10, $0x1, v2  }
0x1c7: {  	(xrf0) =	vadd.scan.msk.s32 $0xffff, v16;
	_ =	sdelay $0x1  }
0x1c8: {  	v16 =	vmpcnt.ones.xlane vm1;
	_ =	sdelay $0x3  }
0x1c9: {  	v15 =	vadd.s32 v15, v16;
	v16, _, _ =	vpop (xrf0)  }
0x1ca: {  	s7 =	sadd.s32 $0x30, s6;
	v16 =	vadd.s32 v16, v15  }
0x1cb: {  	v52 =	vor.u32 s7, v0;
	v16 =	vadd.s32 $0xFFFFFFFF, v16  }
0x1cc: {  	v53 =	vand.u32 v5, v52;
	_ =	sdelay $0x3  }
0x1cd: {  	[tilespmem:v16+s26+$0x0] =	vst.idx.msk vm10, v17  }
0x1ce: {  	v16 =	vld.idx.msk [tilespmem:v53+s1+$0x0], $0xffff  }
0x1cf: {  	v17 =	vld.idx.msk [tilespmem:v53+s21+$0x0], $0xffff;
	_ =	sdelay $0x1  }
0x1d0: {  	v19 =	vld.idx.msk [tilespmem:v53+s22+$0x0], $0xffff;
	_ =	sdelay $0x2  }
0x1d1: {  	v16 =	vsub.f32 v16, v12;
	v17 =	vsub.f32 v17, v13;
	_ =	sdelay $0x1  }
0x1d2: {  	v19 =	vsub.f32 v19, v14;
	v16 =	vmul.f32 v16, v16;
	v17 =	vmul.f32 v17, v17;
	_ =	sdelay $0x1  }
0x1d3: {  	v16 =	vadd.f32 v17, v16;
	v17 =	vmul.f32 v19, v19;
	_ =	sdelay $0x1  }
0x1d4: {  	v16 =	vadd.f32 v17, v16;
	_ =	sdelay $0x1  }
0x1d5: {  	vm11 =	vlt.f32 v16, $3.999999910e-02  }
0x1d6: {  	v16 =	vsel vm11, $0x1, v2  }
0x1d7: {  	(xrf0) =	vadd.scan.msk.s32 $0xffff, v16;
	_ =	sdelay $0x1  }
0x1d8: {  	v16 =	vmpcnt.ones.xlane vm10;
	_ =	sdelay $0x3  }
0x1d9: {  	v15 =	vadd.s32 v15, v16;
	v16, _, _ =	vpop (xrf0)  }
0x1da: {  	s7 =	sadd.s32 $0x40, s6;
	v16 =	vadd.s32 v16, v15  }
0x1db: {  	v17 =	vor.u32 s7, v0;
	v16 =	vadd.s32 $0xFFFFFFFF, v16  }
0x1dc: {  	v54 =	vand.u32 v6, v17;
	_ =	sdelay $0x3  }
0x1dd: {  	[tilespmem:v16+s26+$0x0] =	vst.idx.msk vm11, v52  }
0x1de: {  	v16 =	vld.idx.msk [tilespmem:v54+s1+$0x0], $0xffff  }
0x1df: {  	v18 =	vld.idx.msk [tilespmem:v54+s21+$0x0], $0xffff;
	_ =	sdelay $0x1  }
0x1e0: {  	v19 =	vld.idx.msk [tilespmem:v54+s22+$0x0], $0xffff;
	_ =	sdelay $0x2  }
0x1e1: {  	v16 =	vsub.f32 v16, v12;
	v18 =	vsub.f32 v18, v13;
	_ =	sdelay $0x1  }
0x1e2: {  	v19 =	vsub.f32 v19, v14;
	v16 =	vmul.f32 v16, v16;
	v18 =	vmul.f32 v18, v18;
	_ =	sdelay $0x1  }
0x1e3: {  	v55 =	vmul.f32 v19, v19;
	v16 =	vadd.f32 v18, v16;
	_ =	sdelay $0x1  }
0x1e4: {  	v16 =	vadd.f32 v55, v16;
	_ =	sdelay $0x1  }
0x1e5: {  	vm12 =	vlt.f32 v16, $3.999999910e-02  }
0x1e6: {  	v16 =	vsel vm12, $0x1, v2  }
0x1e7: {  	(xrf0) =	vadd.scan.msk.s32 $0xffff, v16;
	_ =	sdelay $0x1  }
0x1e8: {  	v16 =	vmpcnt.ones.xlane vm11;
	_ =	sdelay $0x3  }
0x1e9: {  	v15 =	vadd.s32 v15, v16;
	v16, _, _ =	vpop (xrf0)  }
0x1ea: {  	s7 =	sadd.s32 $0x50, s6;
	v16 =	vadd.s32 v16, v15  }
0x1eb: {  	v56 =	vor.u32 s7, v0;
	v16 =	vadd.s32 $0xFFFFFFFF, v16  }
0x1ec: {  	v57 =	vand.u32 v7, v56;
	_ =	sdelay $0x3  }
0x1ed: {  	[tilespmem:v16+s26+$0x0] =	vst.idx.msk vm12, v17  }
0x1ee: {  	v16 =	vld.idx.msk [tilespmem:v57+s1+$0x0], $0xffff  }
0x1ef: {  	v17 =	vld.idx.msk [tilespmem:v57+s21+$0x0], $0xffff;
	_ =	sdelay $0x1  }
0x1f0: {  	v19 =	vld.idx.msk [tilespmem:v57+s22+$0x0], $0xffff;
	_ =	sdelay $0x2  }
0x1f1: {  	v16 =	vsub.f32 v16, v12;
	v17 =	vsub.f32 v17, v13;
	_ =	sdelay $0x1  }
0x1f2: {  	v19 =	vsub.f32 v19, v14;
	v16 =	vmul.f32 v16, v16;
	v17 =	vmul.f32 v17, v17;
	_ =	sdelay $0x1  }
0x1f3: {  	v16 =	vadd.f32 v17, v16;
	v17 =	vmul.f32 v19, v19;
	_ =	sdelay $0x1  }
0x1f4: {  	v16 =	vadd.f32 v17, v16;
	_ =	sdelay $0x1  }
0x1f5: {  	vm13 =	vlt.f32 v16, $3.999999910e-02  }
0x1f6: {  	v16 =	vsel vm13, $0x1, v2  }
0x1f7: {  	(xrf0) =	vadd.scan.msk.s32 $0xffff, v16;
	_ =	sdelay $0x1  }
0x1f8: {  	v16 =	vmpcnt.ones.xlane vm12;
	_ =	sdelay $0x3  }
0x1f9: {  	v15 =	vadd.s32 v15, v16;
	v16, _, _ =	vpop (xrf0)  }
0x1fa: {  	s7 =	sadd.s32 $0x60, s6;
	v16 =	vadd.s32 v16, v15  }
0x1fb: {  	v17 =	vor.u32 s7, v0;
	v16 =	vadd.s32 $0xFFFFFFFF, v16  }
0x1fc: {  	v58 =	vand.u32 v8, v17;
	_ =	sdelay $0x3  }
0x1fd: {  	[tilespmem:v16+s26+$0x0] =	vst.idx.msk vm13, v56  }
0x1fe: {  	v16 =	vld.idx.msk [tilespmem:v58+s1+$0x0], $0xffff  }
0x1ff: {  	v18 =	vld.idx.msk [tilespmem:v58+s21+$0x0], $0xffff;
	_ =	sdelay $0x1  }
0x200: {  	v19 =	vld.idx.msk [tilespmem:v58+s22+$0x0], $0xffff;
	_ =	sdelay $0x2  }
0x201: {  	v16 =	vsub.f32 v16, v12;
	v18 =	vsub.f32 v18, v13;
	_ =	sdelay $0x1  }
0x202: {  	v19 =	vsub.f32 v19, v14;
	v16 =	vmul.f32 v16, v16;
	v18 =	vmul.f32 v18, v18;
	_ =	sdelay $0x1  }
0x203: {  	v59 =	vmul.f32 v19, v19;
	v16 =	vadd.f32 v18, v16;
	_ =	sdelay $0x1  }
0x204: {  	v16 =	vadd.f32 v59, v16;
	_ =	sdelay $0x1  }
0x205: {  	vm14 =	vlt.f32 v16, $3.999999910e-02  }
0x206: {  	v16 =	vsel vm14, $0x1, v2  }
0x207: {  	(xrf0) =	vadd.scan.msk.s32 $0xffff, v16;
	_ =	sdelay $0x1  }
0x208: {  	v16 =	vmpcnt.ones.xlane vm13;
	_ =	sdelay $0x3  }
0x209: {  	v15 =	vadd.s32 v15, v16;
	v16, _, _ =	vpop (xrf0)  }
0x20a: {  	s7 =	sadd.s32 $0x70, s6;
	v16 =	vadd.s32 v16, v15  }
0x20b: {  	v60 =	vor.u32 s7, v0;
	v16 =	vadd.s32 $0xFFFFFFFF, v16  }
0x20c: {  	v61 =	vand.u32 v9, v60;
	_ =	sdelay $0x3  }
0x20d: {  	[tilespmem:v16+s26+$0x0] =	vst.idx.msk vm14, v17  }
0x20e: {  	v16 =	vld.idx.msk [tilespmem:v61+s1+$0x0], $0xffff  }
0x20f: {  	v17 =	vld.idx.msk [tilespmem:v61+s21+$0x0], $0xffff;
	_ =	sdelay $0x1  }
0x210: {  	v19 =	vld.idx.msk [tilespmem:v61+s22+$0x0], $0xffff;
	_ =	sdelay $0x2  }
0x211: {  	v16 =	vsub.f32 v16, v12;
	v17 =	vsub.f32 v17, v13;
	_ =	sdelay $0x1  }
0x212: {  	v19 =	vsub.f32 v19, v14;
	v16 =	vmul.f32 v16, v16;
	v17 =	vmul.f32 v17, v17;
	_ =	sdelay $0x1  }
0x213: {  	v16 =	vadd.f32 v17, v16;
	v17 =	vmul.f32 v19, v19;
	_ =	sdelay $0x1  }
0x214: {  	v16 =	vadd.f32 v17, v16;
	_ =	sdelay $0x1  }
0x215: {  	v17 =	vmpcnt.ones.xlane vm14;
	vm15 =	vlt.f32 v16, $3.999999910e-02  }
0x216: {  	v16 =	vmpcnt.ones.xlane vm15  }
0x217: {  	v17 =	vadd.s32 v15, v17  }
0x218: {  	v62 =	vsel vm15, $0x1, v2;
	v15 =	vadd.s32 v17, v16  }
0x219: {  	(xrf0) =	vadd.scan.msk.s32 $0xffff, v62;
	v16 =	vxor.u32 $0x80000000, v15  }
0x21a: {  	(xrf0) =	vmax.scan.msk.u32 $0xffff, v16;
	_ =	sdelay $0x4  }
0x21b: {  	v16, _, _ =	vpop (xrf0)  }
0x21c: {  	v63, _, _ =	vpop (xrf0)  }
0x21d: {  	(v2sf) =	vpush v63, $0xF;
	_ =	sdelay $0xe  }
0x21e: {  	s7 =	spop (v2sf)  }
0x21f: {  	p0 =	sgt.u32 s6, $0x1F7F;
	s7 =	sxor.u32 $0x80000000, s7  }
0x220: {  	v16 =	vadd.s32 v16, v17;
	p1 =	slt.s32 @!p0 s7, $0x20  }
0x221: {  	v16 =	vadd.s32 $0xFFFFFFFF, v16;
	p0 =	por p0, !p1  }
.Ltmp2:
0x222: {  	_ = 	snop;
	(pc) =	sbr.rel @!p0 .LBB2_7-.Ltmp2, $2  }
0x223: {  	_ =	sdelay $0x2  }
0x224: {  	s6 =	sadd.s32 $0x80, s6;
	[tilespmem:v16+s26+$0x0] =	vst.idx.msk vm15, v60  }
0x225: {  	v12 =	vld.msk [tilespmem:s26+$0x0], $0xffff  }
0x226: {  	v13 =	vld [tilespmem:$0x60C0]  }
0x227: {  	p0 =	slt.s32 s7, $0x20;
	s6 =	sshll.u32 s5, $0x5  }
0x228: {  	s7 =	simm.s32 @!p0 $0x20;
	v14 =	vor.u32 s6, v0  }
0x229: {  	v15 =	vmov s7  }
0x22a: {  	vm0 =	vgt.s32 v15, v0  }
0x22b: {  	v13 =	vsel vm0, v13, v12  }
0x22c: {  	v13 =	vadd.s32 $0x2000, v13  }
0x22d: {  	[tilespmem:v14+s28+$0x0] =	vst.idx.msk $0xffff, v13  }
0x22e: {  	v13 =	vld [tilespmem:$0x60D0]  }
0x22f: {  	s6 =	sor.u32 $0x10, s6  }
0x230: {  	s5 =	sadd.s32 $0x1, s5;
	v63 =	vor.u32 s6, v0  }
0x231: {  	p0 =	sne.s32 s5, $0x40  }
.Ltmp3:
0x232: {  	vm15 =	vgt.s32 v15, v10;
	(pc) =	sbr.rel @p0 .LBB2_6-.Ltmp3, $4  }
0x233: {  	v12 =	vsel vm15, v13, v12  }
0x234: {  	v12 =	vadd.s32 $0x2000, v12  }
0x235: {  	[tilespmem:v63+s28+$0x0] =	vst.idx.msk $0xffff, v12  }
0x236: {  	[tilespmem:v11+s29+$0x0] =	vst.idx.msk $0x1, v15  }
0x237: {  	s5 =	rddreg [dreg:$0xc]  }
0x238: {  	[hbm4b:s5+s1] =	stream.linear.scatter [tilespmem:s29], [sflag:$0x2], $0x40, $0x38;
	[tilespmem:$0x89C0] =	vst v63  }
0x239: {  	_ =	swait.ge [sflag:s20], $0x40  }
0x23a: {  	[sflag:s20] =	ssyncset.done $0x0  }
0x23b: {  	[sflag:s20] =	ssyncadd.s32 $0xFFFFFFC0  }
0x23c: {  	[tilespmem:s31], [sflag:$0x1] =	stream.indirect.gather [hbm4b:s9+s30], $0x20, s28, s30, $0xb8;
	[tilespmem:$0x89C0] =	vst v63  }
0x23d: {  	s7 =	simm.s32 $0x6200  }
0x23e: {  	[tilespmem:s3], [sflag:$0x1] =	stream.indirect.gather [hbm4b:s9+s30], $0x20, s7, s30, $0xb8;
	[tilespmem:$0x89C0] =	vst v63  }
0x23f: {  	_ =	swait.ge [sflag:s4], $0x1000  }
0x240: {  	[sflag:s4] =	ssyncset.done $0x0  }
0x241: {  	s6 =	rddreg [dreg:$0x16];
	[sflag:s4] =	ssyncadd.s32 $0xFFFFF000  }
0x242: {  	[hbm4b:s6+s1] =	stream.linear.scatter [tilespmem:s31], [sflag:$0x2], $0x1000, $0x38;
	[tilespmem:$0x89C0] =	vst v63  }
0x243: {  	_ =	swait.ge [sflag:s20], $0x1000  }
0x244: {  	[sflag:s20] =	ssyncset.done $0x0  }
0x245: {  	s7 =	simm.s32 $0x6280;
	[sflag:s20] =	ssyncadd.s32 $0xFFFFF000  }
0x246: {  	[tilespmem:s31], [sflag:$0x1] =	stream.indirect.gather [hbm4b:s9+s30], $0x20, s7, s30, $0xb8;
	[tilespmem:$0x89C0] =	vst v63  }
0x247: {  	_ =	swait.ge [sflag:s4], $0x1000  }
0x248: {  	[sflag:s4] =	ssyncset.done $0x0  }
0x249: {  	s6 =	rddreg [dreg:$0x17];
	[sflag:s4] =	ssyncadd.s32 $0xFFFFF000  }
0x24a: {  	[hbm4b:s6+s1] =	stream.linear.scatter [tilespmem:s3], [sflag:$0x2], $0x1000, $0x38;
	[tilespmem:$0x89C0] =	vst v63  }
0x24b: {  	_ =	swait.ge [sflag:s20], $0x1000  }
0x24c: {  	[sflag:s20] =	ssyncset.done $0x0  }
0x24d: {  	s7 =	simm.s32 $0x6300;
	[sflag:s20] =	ssyncadd.s32 $0xFFFFF000  }
0x24e: {  	[tilespmem:s3], [sflag:$0x1] =	stream.indirect.gather [hbm4b:s9+s30], $0x20, s7, s30, $0xb8;
	[tilespmem:$0x89C0] =	vst v63  }
0x24f: {  	_ =	swait.ge [sflag:s4], $0x1000  }
0x250: {  	[sflag:s4] =	ssyncset.done $0x0  }
0x251: {  	s6 =	rddreg [dreg:$0x18];
	[sflag:s4] =	ssyncadd.s32 $0xFFFFF000  }
0x252: {  	[hbm4b:s6+s1] =	stream.linear.scatter [tilespmem:s31], [sflag:$0x2], $0x1000, $0x38;
	[tilespmem:$0x89C0] =	vst v63  }
0x253: {  	_ =	swait.ge [sflag:s20], $0x1000  }
0x254: {  	[sflag:s20] =	ssyncset.done $0x0  }
0x255: {  	s7 =	simm.s32 $0x6380;
	[sflag:s20] =	ssyncadd.s32 $0xFFFFF000  }
0x256: {  	[tilespmem:s31], [sflag:$0x1] =	stream.indirect.gather [hbm4b:s9+s30], $0x20, s7, s30, $0xb8;
	[tilespmem:$0x89C0] =	vst v63  }
0x257: {  	_ =	swait.ge [sflag:s4], $0x1000  }
0x258: {  	[sflag:s4] =	ssyncset.done $0x0  }
0x259: {  	s6 =	rddreg [dreg:$0x19];
	[sflag:s4] =	ssyncadd.s32 $0xFFFFF000  }
0x25a: {  	[hbm4b:s6+s1] =	stream.linear.scatter [tilespmem:s3], [sflag:$0x2], $0x1000, $0x38;
	[tilespmem:$0x89C0] =	vst v63  }
0x25b: {  	_ =	swait.ge [sflag:s20], $0x1000  }
0x25c: {  	[sflag:s20] =	ssyncset.done $0x0  }
0x25d: {  	[sflag:s20] =	ssyncadd.s32 $0xFFFFF000  }
0x25e: {  	[tilespmem:s3], [sflag:$0x1] =	stream.indirect.gather [hbm4b:s9+s30], $0x20, s8, s30, $0xb8;
	[tilespmem:$0x89C0] =	vst v63  }
0x25f: {  	_ =	swait.ge [sflag:s4], $0x1000  }
0x260: {  	[sflag:s4] =	ssyncset.done $0x0  }
0x261: {  	s7 =	rddreg [dreg:$0x1a];
	[sflag:s4] =	ssyncadd.s32 $0xFFFFF000  }
0x262: {  	[hbm4b:s7+s1] =	stream.linear.scatter [tilespmem:s31], [sflag:$0x2], $0x1000, $0x38;
	[tilespmem:$0x89C0] =	vst v63  }
0x263: {  	_ =	swait.ge [sflag:s20], $0x1000  }
0x264: {  	[sflag:s20] =	ssyncset.done $0x0  }
0x265: {  	[sflag:s20] =	ssyncadd.s32 $0xFFFFF000  }
0x266: {  	[tilespmem:s31], [sflag:$0x1] =	stream.indirect.gather [hbm4b:s9+s30], $0x20, s10, s30, $0xb8;
	[tilespmem:$0x89C0] =	vst v63  }
0x267: {  	_ =	swait.ge [sflag:s4], $0x1000  }
0x268: {  	[sflag:s4] =	ssyncset.done $0x0  }
0x269: {  	s6 =	rddreg [dreg:$0x1b];
	[sflag:s4] =	ssyncadd.s32 $0xFFFFF000  }
0x26a: {  	[hbm4b:s6+s1] =	stream.linear.scatter [tilespmem:s3], [sflag:$0x2], $0x1000, $0x38;
	[tilespmem:$0x89C0] =	vst v63  }
0x26b: {  	_ =	swait.ge [sflag:s20], $0x1000  }
0x26c: {  	[sflag:s20] =	ssyncset.done $0x0  }
0x26d: {  	[sflag:s20] =	ssyncadd.s32 $0xFFFFF000  }
0x26e: {  	[tilespmem:s3], [sflag:$0x1] =	stream.indirect.gather [hbm4b:s9+s30], $0x20, s11, s30, $0xb8;
	[tilespmem:$0x89C0] =	vst v63  }
0x26f: {  	_ =	swait.ge [sflag:s4], $0x1000  }
0x270: {  	[sflag:s4] =	ssyncset.done $0x0  }
0x271: {  	s7 =	rddreg [dreg:$0x1c];
	[sflag:s4] =	ssyncadd.s32 $0xFFFFF000  }
0x272: {  	[hbm4b:s7+s1] =	stream.linear.scatter [tilespmem:s31], [sflag:$0x2], $0x1000, $0x38;
	[tilespmem:$0x89C0] =	vst v63  }
0x273: {  	_ =	swait.ge [sflag:s20], $0x1000  }
0x274: {  	[sflag:s20] =	ssyncset.done $0x0  }
0x275: {  	[sflag:s20] =	ssyncadd.s32 $0xFFFFF000  }
0x276: {  	[tilespmem:s31], [sflag:$0x1] =	stream.indirect.gather [hbm4b:s9+s30], $0x20, s12, s30, $0xb8;
	[tilespmem:$0x89C0] =	vst v63  }
0x277: {  	_ =	swait.ge [sflag:s4], $0x1000  }
0x278: {  	[sflag:s4] =	ssyncset.done $0x0  }
0x279: {  	s6 =	rddreg [dreg:$0x1d];
	[sflag:s4] =	ssyncadd.s32 $0xFFFFF000  }
0x27a: {  	[hbm4b:s6+s1] =	stream.linear.scatter [tilespmem:s3], [sflag:$0x2], $0x1000, $0x38;
	[tilespmem:$0x89C0] =	vst v63  }
0x27b: {  	_ =	swait.ge [sflag:s20], $0x1000  }
0x27c: {  	[sflag:s20] =	ssyncset.done $0x0  }
0x27d: {  	[sflag:s20] =	ssyncadd.s32 $0xFFFFF000  }
0x27e: {  	[tilespmem:s3], [sflag:$0x1] =	stream.indirect.gather [hbm4b:s9+s30], $0x20, s13, s30, $0xb8;
	[tilespmem:$0x89C0] =	vst v63  }
0x27f: {  	_ =	swait.ge [sflag:s4], $0x1000  }
0x280: {  	[sflag:s4] =	ssyncset.done $0x0  }
0x281: {  	s7 =	rddreg [dreg:$0x1e];
	[sflag:s4] =	ssyncadd.s32 $0xFFFFF000  }
0x282: {  	[hbm4b:s7+s1] =	stream.linear.scatter [tilespmem:s31], [sflag:$0x2], $0x1000, $0x38;
	[tilespmem:$0x89C0] =	vst v63  }
0x283: {  	_ =	swait.ge [sflag:s20], $0x1000  }
0x284: {  	[sflag:s20] =	ssyncset.done $0x0  }
0x285: {  	[sflag:s20] =	ssyncadd.s32 $0xFFFFF000  }
0x286: {  	[tilespmem:s31], [sflag:$0x1] =	stream.indirect.gather [hbm4b:s9+s30], $0x20, s14, s30, $0xb8;
	[tilespmem:$0x89C0] =	vst v63  }
0x287: {  	_ =	swait.ge [sflag:s4], $0x1000  }
0x288: {  	[sflag:s4] =	ssyncset.done $0x0  }
0x289: {  	s6 =	rddreg [dreg:$0x1f];
	[sflag:s4] =	ssyncadd.s32 $0xFFFFF000  }
0x28a: {  	[hbm4b:s6+s1] =	stream.linear.scatter [tilespmem:s3], [sflag:$0x2], $0x1000, $0x38;
	[tilespmem:$0x89C0] =	vst v63  }
0x28b: {  	_ =	swait.ge [sflag:s20], $0x1000  }
0x28c: {  	[sflag:s20] =	ssyncset.done $0x0  }
0x28d: {  	[sflag:s20] =	ssyncadd.s32 $0xFFFFF000  }
0x28e: {  	[tilespmem:s3], [sflag:$0x1] =	stream.indirect.gather [hbm4b:s9+s30], $0x20, s15, s30, $0xb8;
	[tilespmem:$0x89C0] =	vst v63  }
0x28f: {  	_ =	swait.ge [sflag:s4], $0x1000  }
0x290: {  	s7 =	sld [smem:$0x7EE]  }
0x291: {  	[sflag:s4] =	ssyncset.done $0x0  }
0x292: {  	[sflag:s4] =	ssyncadd.s32 $0xFFFFF000  }
0x293: {  	[hbm4b:s7+s1] =	stream.linear.scatter [tilespmem:s31], [sflag:$0x2], $0x1000, $0x38;
	[tilespmem:$0x89C0] =	vst v63  }
0x294: {  	_ =	swait.ge [sflag:s20], $0x1000  }
0x295: {  	[sflag:s20] =	ssyncset.done $0x0  }
0x296: {  	[sflag:s20] =	ssyncadd.s32 $0xFFFFF000  }
0x297: {  	[tilespmem:s31], [sflag:$0x1] =	stream.indirect.gather [hbm4b:s9+s30], $0x20, s16, s30, $0xb8;
	[tilespmem:$0x89C0] =	vst v63  }
0x298: {  	_ =	swait.ge [sflag:s4], $0x1000  }
0x299: {  	s6 =	sld [smem:$0x7EF]  }
0x29a: {  	[sflag:s4] =	ssyncset.done $0x0  }
0x29b: {  	[sflag:s4] =	ssyncadd.s32 $0xFFFFF000  }
0x29c: {  	[hbm4b:s6+s1] =	stream.linear.scatter [tilespmem:s3], [sflag:$0x2], $0x1000, $0x38;
	[tilespmem:$0x89C0] =	vst v63  }
0x29d: {  	_ =	swait.ge [sflag:s20], $0x1000  }
0x29e: {  	[sflag:s20] =	ssyncset.done $0x0  }
0x29f: {  	[sflag:s20] =	ssyncadd.s32 $0xFFFFF000  }
0x2a0: {  	[tilespmem:s3], [sflag:$0x1] =	stream.indirect.gather [hbm4b:s9+s30], $0x20, s17, s30, $0xb8;
	[tilespmem:$0x89C0] =	vst v63  }
0x2a1: {  	_ =	swait.ge [sflag:s4], $0x1000  }
0x2a2: {  	s7 =	sld [smem:$0x7F0]  }
0x2a3: {  	[sflag:s4] =	ssyncset.done $0x0  }
0x2a4: {  	[sflag:s4] =	ssyncadd.s32 $0xFFFFF000  }
0x2a5: {  	[hbm4b:s7+s1] =	stream.linear.scatter [tilespmem:s31], [sflag:$0x2], $0x1000, $0x38;
	[tilespmem:$0x89C0] =	vst v63  }
0x2a6: {  	_ =	swait.ge [sflag:s20], $0x1000  }
0x2a7: {  	[sflag:s20] =	ssyncset.done $0x0  }
0x2a8: {  	[sflag:s20] =	ssyncadd.s32 $0xFFFFF000  }
0x2a9: {  	[tilespmem:s31], [sflag:$0x1] =	stream.indirect.gather [hbm4b:s9+s30], $0x20, s18, s30, $0xb8;
	[tilespmem:$0x89C0] =	vst v63  }
0x2aa: {  	_ =	swait.ge [sflag:s4], $0x1000  }
0x2ab: {  	s6 =	sld [smem:$0x7F1]  }
0x2ac: {  	[sflag:s4] =	ssyncset.done $0x0  }
0x2ad: {  	[sflag:s4] =	ssyncadd.s32 $0xFFFFF000  }
0x2ae: {  	[hbm4b:s6+s1] =	stream.linear.scatter [tilespmem:s3], [sflag:$0x2], $0x1000, $0x38;
	[tilespmem:$0x89C0] =	vst v63  }
0x2af: {  	_ =	swait.ge [sflag:s20], $0x1000  }
0x2b0: {  	[sflag:s20] =	ssyncset.done $0x0  }
0x2b1: {  	[sflag:s20] =	ssyncadd.s32 $0xFFFFF000  }
0x2b2: {  	[tilespmem:s3], [sflag:$0x1] =	stream.indirect.gather [hbm4b:s9+s30], $0x20, s0, s30, $0xb8;
	[tilespmem:$0x89C0] =	vst v63  }
0x2b3: {  	_ =	swait.ge [sflag:s4], $0x1000  }
0x2b4: {  	s7 =	sld [smem:$0x7F2]  }
0x2b5: {  	[sflag:s4] =	ssyncset.done $0x0  }
0x2b6: {  	[sflag:s4] =	ssyncadd.s32 $0xFFFFF000  }
0x2b7: {  	[hbm4b:s7+s1] =	stream.linear.scatter [tilespmem:s31], [sflag:$0x2], $0x1000, $0x38;
	[tilespmem:$0x89C0] =	vst v63  }
0x2b8: {  	_ =	swait.ge [sflag:s20], $0x1000  }
0x2b9: {  	[sflag:s20] =	ssyncset.done $0x0  }
0x2ba: {  	[sflag:s20] =	ssyncadd.s32 $0xFFFFF000  }
0x2bb: {  	_ =	swait.ge [sflag:s4], $0x1000  }
0x2bc: {  	s6 =	sld [smem:$0x7F3]  }
0x2bd: {  	[sflag:s4] =	ssyncset.done $0x0  }
0x2be: {  	[sflag:s4] =	ssyncadd.s32 $0xFFFFF000  }
0x2bf: {  	[hbm4b:s6+s1] =	stream.linear.scatter [tilespmem:s3], [sflag:$0x2], $0x1000, $0x38;
	[tilespmem:$0x89C0] =	vst v63  }
0x2c0: {  	_ =	swait.ge [sflag:s20], $0x1000  }
0x2c1: {  	s7 =	sld [smem:$0x7F4];
	_ =	sdelay $0x1  }
0x2c2: {  	s19 =	sadd.s32 $0x1, s19  }
0x2c3: {  	p0 =	sne.s32 s19, s7  }
.Ltmp4:
0x2c4: {  	_ = 	snop;
	(pc) =	sbr.rel @p0 .LBB2_1-.Ltmp4, $3  }
0x2c5: {  	_ =	sdelay $0x1  }
0x2c6: {  	[sflag:s20] =	ssyncset.done $0x0  }
0x2c7: {  	[sflag:s20] =	ssyncadd.s32 $0xFFFFF000  }
0x2c8: {  	_ =	sfence.sel $0x180000  }
0x2c9: {  	[bflag:$0x0] =	sbarrier.arrive $0xFFFF  }
0x2ca: {  	_ =	strace $0x90000047  }
0x2cb: {  	s0 =	stileid.u32;
	[bflag:$0x2] =	sbarrier.arrive $0xFFFF  }
0x2cc: {  	p0 =	sne.s32 s0, $0x0;
	s0 =	rddreg [dreg:$0x2]  }
0x2cd: {  	s0 =	sadd.s32 @!p0 $0x100000, s0  }
0x2ce: {  	[sflag:s0] =	ssyncadd.tile.s32 @!p0 $0x1;
	_ =	shalt  }
.Lfunc_end2:
_tile_overlayer_lowered:
.L_overlay_start_2:
0x2cf: {  	(tag) =	ssettag $0x2  }
0x2d0: {  	s0 =	rddreg [dreg:$0x0];
	s2 =	stileid.u32  }
0x2d1: {  	s1 =	rddreg [dreg:$0x1];
	p0 =	sne.s32 s2, $0x0  }
0x2d2: {  	s3 =	rddreg [dreg:$0x2];
	[bflag:$0x3] =	sbarrier.arrive $0xFFFF;
	s2 =	simm.s32 @!p0 $0x1C02  }
0x2d3: {  	[timem:s3], [sflag:s2] =	dma.local @!p0 [hbm:s0], s1  }
0x2d4: {  	s0 =	simm.s32 @!p0 $0x2  }
0x2d5: {  	_ =	swait.ge @!p0 [sflag:s0], s1  }
0x2d6: {  	s1 =	ssub.s32 @!p0 $0x0, s1;
	[sflag:s0] =	ssyncset.done @!p0 $0x0  }
0x2d7: {  	[sflag:s0] =	ssyncadd.s32 @!p0 s1  }
0x2d8: {  	[bflag:$0x3] =	sbarrier.arrive $0xFFFF  }
0x2d9: {  	_ =	shalt  }

</sc_bundles>
